<compile_context>
chip_gen: v7x
topology: tpu7x:2x2x1
jax: 0.10.2.dev20260603
libtpu: 0.0.44.dev20260713+nightly
codegen_flags: <defaults>
</compile_context>

<pallas_src>
import functools

import jax
import jax.numpy as jnp
from jax import lax
from jax.experimental import pallas as pl
from jax.experimental.pallas import tpu as pltpu
from jax.experimental.pallas import tpu_sc as plsc

F = 128
NB = 8
E = 30000
T = 90000
TPAD = 90112
EBLK = 7680
TBLK = 4096
TH = TPAD // 2
NEB = (E + EBLK - 1) // EBLK
NTB = TPAD // TBLK
NC = 2
NS = 16
CHUNK = 128
NR = 4
EPAD = 30720
ERNG = EPAD // NR
TRASH = CHUNK

_f32 = jnp.float32


def _pre_body(x_ref, rbf_ref, wkj_ref, bkj_ref, wrbf_ref, xkj_ref):
    xb = x_ref[...]
    xkj = jnp.dot(xb, wkj_ref[...], preferred_element_type=_f32) + bkj_ref[...]
    g = jnp.dot(rbf_ref[...], wrbf_ref[...], preferred_element_type=_f32)
    xkj_ref[...] = jax.nn.silu(xkj) * g


def _pre_call(x, rbf, W_kj, b_kj, W_rbf):
    row = pl.BlockSpec((EBLK, F), lambda i: (i, 0))
    full = lambda shape: pl.BlockSpec(shape, lambda i, s=shape: tuple(0 for _ in s))
    return pl.pallas_call(
        _pre_body,
        grid=(NEB,),
        in_specs=[row,
                  pl.BlockSpec((EBLK, 6), lambda i: (i, 0)),
                  full((F, F)), full((1, F)),
                  full((6, F))],
        out_specs=row,
        out_shape=jax.ShapeDtypeStruct((E, F), _f32),
    )(x, rbf, W_kj, b_kj, W_rbf)


GC = 64


@functools.cache
def _get_gather_sc():
    return pl.kernel(
        _gather_body,
        out_type=jax.ShapeDtypeStruct((TH, F), _f32),
        mesh=plsc.VectorSubcoreMesh(core_axis_name="c", subcore_axis_name="s",
                                    num_cores=NC, num_subcores=NS),
        scratch_types=[pltpu.VMEM((1, GC), jnp.int32),
                       pltpu.VMEM((1, GC), jnp.int32),
                       pltpu.VMEM((GC, F), _f32),
                       pltpu.VMEM((GC, F), _f32),
                       pltpu.SemaphoreType.DMA,
                       pltpu.SemaphoreType.DMA,
                       pltpu.SemaphoreType.DMA,
                       pltpu.SemaphoreType.DMA],
    )


def _gather_body(table_hbm, idx_hbm, out_hbm,
                 idx_a, idx_b, rows_a, rows_b, sga, sgb, soa, sob):
    wid = lax.axis_index("s") * NC + lax.axis_index("c")
    per_w = TH // (NC * NS)
    base = wid * per_w

    def body(kk, carry):
        o0 = base + kk * (2 * GC)
        o1 = o0 + GC
        pltpu.sync_copy(idx_hbm.at[pl.ds(o0, GC)], idx_a.at[0])
        ha = pltpu.async_copy(table_hbm.at[idx_a.at[0]], rows_a, sga)
        pltpu.sync_copy(idx_hbm.at[pl.ds(o1, GC)], idx_b.at[0])
        hb = pltpu.async_copy(table_hbm.at[idx_b.at[0]], rows_b, sgb)
        ha.wait()
        hoa = pltpu.async_copy(rows_a, out_hbm.at[pl.ds(o0, GC)], soa)
        hb.wait()
        hob = pltpu.async_copy(rows_b, out_hbm.at[pl.ds(o1, GC)], sob)
        hoa.wait()
        hob.wait()
        return carry

    lax.fori_loop(0, per_w // (2 * GC), body, 0)


def _make_bilin_body(half):
    def body(sbf_ref, g_ref, wsbf_ref, wf_ref, m_ref):
        pid = pl.program_id(0)
        sp = jnp.dot(sbf_ref[...], wsbf_ref[...], preferred_element_type=_f32)
        rows = ((half * (TH // TBLK) + pid) * TBLK
                + lax.broadcasted_iota(jnp.int32, (TBLK, 1), 0))
        sp = jnp.where(rows < T, sp, 0.0)
        gb = g_ref[...]
        acc = jnp.zeros((TBLK, F), _f32)
        for j in range(NB):
            acc += sp[:, j:j + 1] * jnp.dot(gb, wf_ref[j],
                                            preferred_element_type=_f32)
        m_ref[...] = acc
    return body


def _bilin_call(sbf, G, W_sbf, Wf, half):
    hb = TH // TBLK
    return pl.pallas_call(
        _make_bilin_body(half),
        grid=(hb,),
        in_specs=[pl.BlockSpec((TBLK, 42), lambda i: (half * hb + i, 0)),
                  pl.BlockSpec((TBLK, F), lambda i: (i, 0)),
                  pl.BlockSpec((42, NB), lambda i: (0, 0)),
                  pl.BlockSpec((NB, F, F), lambda i: (0, 0, 0))],
        out_specs=pl.BlockSpec((TBLK, F), lambda i: (i, 0)),
        out_shape=jax.ShapeDtypeStruct((TH, F), _f32),
    )(sbf, G, W_sbf, Wf)


EPS = ERNG // NS
_WCH = ((0, 128), (128, 128), (256, 128), (384, 96))


@functools.cache
def _get_scatter_sc():
    return pl.kernel(
        _scatter_body,
        out_type=jax.ShapeDtypeStruct((EPAD, F), _f32),
        mesh=plsc.VectorSubcoreMesh(core_axis_name="c", subcore_axis_name="s",
                                    num_cores=NC, num_subcores=NS),
        scratch_types=[pltpu.VMEM((TPAD // NS // CHUNK, CHUNK), jnp.int32),
                       pltpu.VMEM((1, CHUNK), jnp.int32),
                       pltpu.VMEM((1, CHUNK), jnp.int32),
                       pltpu.VMEM((CHUNK, F), _f32),
                       pltpu.VMEM((CHUNK, F), _f32),
                       pltpu.VMEM_SHARED((ERNG + TRASH, F), _f32),
                       pltpu.SemaphoreType.DMA,
                       pltpu.SemaphoreType.DMA,
                       pltpu.SemaphoreType.DMA,
                       pltpu.SemaphoreType.DMA],
    )


def _scatter_body(m0_hbm, m1_hbm, idx3_hbm, zeros_hbm, out_hbm,
                  idxbuf, idx_ta, idx_tb, mbuf_a, mbuf_b, acc,
                  sma, smb, saa, sab):
    c = lax.axis_index("c")
    s = lax.axis_index("s")
    per_s = TPAD // NS
    base = (s % (NS // 2)) * per_s
    nchunk = per_s // CHUNK

    pltpu.sync_copy(idx3_hbm.at[s], idxbuf)

    def transform(idx_t, k, e0):
        for j in range(CHUNK // 16):
            v = idxbuf[k, pl.ds(16 * j, 16)] - e0
            trash = ERNG + (16 * j) % TRASH + lax.iota(jnp.int32, 16)
            ok = (v >= 0) & (v < ERNG)
            idx_t[0, pl.ds(16 * j, 16)] = jnp.where(ok, v, trash)

    for p in range(NR // NC):
        r = NC * c + p
        e0 = r * ERNG

        pltpu.sync_copy(zeros_hbm, mbuf_a)
        for off, sz in _WCH:
            pltpu.sync_copy(mbuf_a.at[pl.ds(0, sz)],
                            acc.at[pl.ds(s * EPS + off, sz)])
        plsc.subcore_barrier()

        def run_loop(m_hbm):
            def body(kk, carry):
                k0 = 2 * kk
                o0 = base + k0 * CHUNK
                ha = pltpu.async_copy(m_hbm.at[pl.ds(o0, CHUNK)], mbuf_a, sma)
                hb = pltpu.async_copy(m_hbm.at[pl.ds(o0 + CHUNK, CHUNK)],
                                      mbuf_b, smb)
                transform(idx_ta, k0, e0)
                transform(idx_tb, k0 + 1, e0)
                ha.wait()
                haa = pltpu.async_copy(mbuf_a, acc.at[idx_ta.at[0]], saa,
                                       add=True)
                hb.wait()
                hab = pltpu.async_copy(mbuf_b, acc.at[idx_tb.at[0]], sab,
                                       add=True)
                haa.wait()
                hab.wait()
                return carry
            lax.fori_loop(0, per_s // (2 * CHUNK), body, 0)

        @pl.when(s < NS // 2)
        def _():
            run_loop(m0_hbm)

        @pl.when(s >= NS // 2)
        def _():
            run_loop(m1_hbm)

        plsc.subcore_barrier()

        for off, sz in _WCH:
            pltpu.sync_copy(acc.at[pl.ds(s * EPS + off, sz)],
                            mbuf_a.at[pl.ds(0, sz)])
            pltpu.sync_copy(mbuf_a.at[pl.ds(0, sz)],
                            out_hbm.at[pl.ds(e0 + s * EPS + off, sz)])


def _post_body(x_ref, red_ref, wji, bji,
               w1, b1, w2, b2, w3, b3, w4, b4, w5, b5, w6, b6, w7, b7,
               out_ref):
    act = jax.nn.silu

    def lin(v, w, b):
        return jnp.dot(v, w[...], preferred_element_type=_f32) + b[...]

    x2 = act(lin(x_ref[...], wji, bji)) + red_ref[...]
    h = act(lin(x2, w1, b1))
    h = act(lin(h, w2, b2))
    x2 = x2 + h
    x2 = act(lin(x2, w3, b3))
    xo = x_ref[...] + x2
    h = act(lin(xo, w4, b4))
    h = act(lin(h, w5, b5))
    xo = xo + h
    h = act(lin(xo, w6, b6))
    h = act(lin(h, w7, b7))
    out_ref[...] = xo + h


def _post_call(x, red, *wbs):
    row = pl.BlockSpec((EBLK, F), lambda i: (i, 0))
    wspec = pl.BlockSpec((F, F), lambda i: (0, 0))
    bspec = pl.BlockSpec((1, F), lambda i: (0, 0))
    return pl.pallas_call(
        _post_body,
        grid=(NEB,),
        in_specs=[row, row] + [wspec, bspec] * 8,
        out_specs=row,
        out_shape=jax.ShapeDtypeStruct((E, F), _f32),
    )(x, red, *wbs)


def kernel(x, rbf, sbf, id_expand_kj, id_reduce_ji,
           W_rbf, W_sbf, W_ji, b_ji, W_kj, b_kj, W_bilin,
           W_bs0_0, b_bs0_0, W_bs0_1, b_bs0_1,
           W_fbs, b_fbs,
           W_as0_0, b_as0_0, W_as0_1, b_as0_1,
           W_as1_0, b_as1_0, W_as1_1, b_as1_1):
    b2 = lambda b: b.reshape(1, F)
    x_kj = _pre_call(x, rbf, W_kj, b2(b_kj), W_rbf)

    ide = jnp.pad(id_expand_kj.astype(jnp.int32), (0, TPAD - T))
    Wf = jnp.transpose(W_bilin, (1, 2, 0))

    G0 = _get_gather_sc()(x_kj, ide[:TH])
    m0 = _bilin_call(sbf, G0, W_sbf, Wf, 0)
    G1 = _get_gather_sc()(x_kj, ide[TH:])
    m1 = _bilin_call(sbf, G1, W_sbf, Wf, 1)

    idr = jnp.pad(id_reduce_ji.astype(jnp.int32), (0, TPAD - T))
    idr3 = idr.reshape(NS, TPAD // NS // CHUNK, CHUNK)
    zeros = jnp.zeros((CHUNK, F), _f32)
    red = _get_scatter_sc()(m0, m1, idr3, zeros)

    return _post_call(x, red,
                      W_ji, b2(b_ji),
                      W_bs0_0, b2(b_bs0_0), W_bs0_1, b2(b_bs0_1),
                      W_fbs, b2(b_fbs),
                      W_as0_0, b2(b_as0_0), W_as0_1, b2(b_as0_1),
                      W_as1_0, b2(b_as1_0), W_as1_1, b2(b_as1_1))

# --- scband reference (transcript-rebuilt; emitter-appended) ---
"""Pipeline reference for scband-interaction-block-51153060495873 (READ-ONLY COPY).

The authoritative reference and input builder live on the scoring server;
editing this copy changes nothing except your own understanding.
"""

import jax, jax.numpy as jnp
import numpy as np

NUM_FEATURES = 128
NUM_BILINEAR = 8
NUM_RADIAL = 6
NUM_SBF = 42
NUM_EDGES = 30000
NUM_TRIPLETS = 90000


def _glorot(key, shape):
    fan_in, fan_out = shape[0], shape[-1]
    std = (2.0 / (fan_in + fan_out)) ** 0.5
    return std * jax.random.normal(key, shape, dtype=jnp.float32)


def setup_inputs(seed: int = 0) -> dict:
    key = jax.random.key(seed)
    ks = jax.random.split(key, 32)
    F, B = NUM_FEATURES, NUM_BILINEAR
    inp = {}
    inp['x'] = jax.random.normal(ks[0], (NUM_EDGES, F), dtype=jnp.float32)
    inp['rbf'] = jax.random.normal(ks[1], (NUM_EDGES, NUM_RADIAL), dtype=jnp.float32)
    inp['sbf'] = jax.random.normal(ks[2], (NUM_TRIPLETS, NUM_SBF), dtype=jnp.float32)
    inp['id_expand_kj'] = jax.random.randint(ks[3], (NUM_TRIPLETS,), 0, NUM_EDGES, dtype=jnp.int64 if jax.config.jax_enable_x64 else jnp.int32)
    inp['id_reduce_ji'] = jax.random.randint(ks[4], (NUM_TRIPLETS,), 0, NUM_EDGES, dtype=jnp.int64 if jax.config.jax_enable_x64 else jnp.int32)
    inp['W_rbf'] = _glorot(ks[5], (NUM_RADIAL, F))
    inp['W_sbf'] = _glorot(ks[6], (NUM_SBF, B))
    inp['W_ji'] = _glorot(ks[7], (F, F)); inp['b_ji'] = jnp.zeros((F,), jnp.float32)
    inp['W_kj'] = _glorot(ks[8], (F, F)); inp['b_kj'] = jnp.zeros((F,), jnp.float32)
    inp['W_bilin'] = (2.0 / F) * jax.random.normal(ks[9], (F, B, F), dtype=jnp.float32)
    inp['W_bs0_0'] = _glorot(ks[10], (F, F)); inp['b_bs0_0'] = jnp.zeros((F,), jnp.float32)
    inp['W_bs0_1'] = _glorot(ks[11], (F, F)); inp['b_bs0_1'] = jnp.zeros((F,), jnp.float32)
    inp['W_fbs'] = _glorot(ks[12], (F, F)); inp['b_fbs'] = jnp.zeros((F,), jnp.float32)
    inp['W_as0_0'] = _glorot(ks[13], (F, F)); inp['b_as0_0'] = jnp.zeros((F,), jnp.float32)
    inp['W_as0_1'] = _glorot(ks[14], (F, F)); inp['b_as0_1'] = jnp.zeros((F,), jnp.float32)
    inp['W_as1_0'] = _glorot(ks[15], (F, F)); inp['b_as1_0'] = jnp.zeros((F,), jnp.float32)
    inp['W_as1_1'] = _glorot(ks[16], (F, F)); inp['b_as1_1'] = jnp.zeros((F,), jnp.float32)
    return inp


def reference(x, rbf, sbf, id_expand_kj, id_reduce_ji,
              W_rbf, W_sbf, W_ji, b_ji, W_kj, b_kj, W_bilin,
              W_bs0_0, b_bs0_0, W_bs0_1, b_bs0_1,
              W_fbs, b_fbs,
              W_as0_0, b_as0_0, W_as0_1, b_as0_1,
              W_as1_0, b_as1_0, W_as1_1, b_as1_1):
    act = jax.nn.silu  # swish
    num_interactions = x.shape[0]
    x_ji = act(x @ W_ji + b_ji)
    x_kj = act(x @ W_kj + b_kj)
    g = rbf @ W_rbf
    x_kj = x_kj * g
    sbf_p = sbf @ W_sbf
    x_kj = jnp.take(x_kj, id_expand_kj, axis=0)
    x_kj = jnp.einsum('wj,wl,ijl->wi', sbf_p, x_kj, W_bilin)
    x_kj = jax.ops.segment_sum(x_kj, id_reduce_ji, num_segments=num_interactions)
    x2 = x_ji + x_kj
    # residual layers before skip (1)
    h = act(x2 @ W_bs0_0 + b_bs0_0)
    h = act(h @ W_bs0_1 + b_bs0_1)
    x2 = x2 + h
    x2 = act(x2 @ W_fbs + b_fbs)
    x = x + x2
    # residual layers after skip (2)
    h = act(x @ W_as0_0 + b_as0_0)
    h = act(h @ W_as0_1 + b_as0_1)
    x = x + h
    h = act(x @ W_as1_0 + b_as1_0)
    h = act(h @ W_as1_1 + b_as1_1)
    x = x + h
    return x

if __name__ == "__main__":
    import jax
    _d = setup_inputs()
    print(jax.jit(kernel)(*tuple(_d.values())))

</pallas_src>

<mosaic_0001>
#map = affine_map<(d0, d1) -> (0, 0)>
#map1 = affine_map<(d0, d1) -> (0)>
module attributes {stable_mosaic.version = 14 : i64} {
  func.func @_gather_body(%arg0: i32, %arg1: i32, %arg2: memref<30000x128xf32, #tpu.memory_space<hbm>>, %arg3: memref<45056xi32, #tpu.memory_space<hbm>>, %arg4: memref<45056x128xf32, #tpu.memory_space<hbm>>, %arg5: memref<1x64xi32, #tpu.memory_space<vmem>>, %arg6: memref<1x64xi32, #tpu.memory_space<vmem>>, %arg7: memref<64x128xf32, #tpu.memory_space<vmem>>, %arg8: memref<64x128xf32, #tpu.memory_space<vmem>>, %arg9: memref<!tpu.dma_semaphore, #tpu.memory_space<semaphore_mem>>, %arg10: memref<!tpu.dma_semaphore, #tpu.memory_space<semaphore_mem>>, %arg11: memref<!tpu.dma_semaphore, #tpu.memory_space<semaphore_mem>>, %arg12: memref<!tpu.dma_semaphore, #tpu.memory_space<semaphore_mem>>) attributes {dimension_semantics = [#tpu.dimension_semantics<core_parallel>, #tpu.dimension_semantics<subcore_parallel>], iteration_bounds = array<i64: 2, 16>, scalar_prefetch = 0 : i64, scratch_operands = 8 : i64, tpu.core_type = #tpu.core_type<sc_vector_subcore>, window_params = [{transform_indices = #map}, {transform_indices = #map1}, {transform_indices = #map}]} {
    %mul3A = arith.constant 2 : i32
    %mul3A_0 = arith.muli %arg1, %mul3A : i32
    %add3A = arith.addi %mul3A_0, %arg0 : i32
    %mul3A_1 = arith.constant 1408 : i32
    %mul3A_2 = arith.muli %add3A, %mul3A_1 : i32
    %scan3A = arith.constant 0 : i32
    %scan3A_3 = arith.constant 0 : i32
    %scan3A_4 = arith.constant 11 : i32
    %scan3A_5 = arith.addi %scan3A_3, %scan3A_4 : i32
    %scan3A_6 = arith.constant 1 : i32
    scf.for %scan3A_8 = %scan3A_3 to %scan3A_5 step %scan3A_6  : i32 {
      %mul3A_9 = arith.constant 128 : i32
      %mul3A_10 = arith.muli %scan3A_8, %mul3A_9 : i32
      %add3A_11 = arith.addi %mul3A_2, %mul3A_10 : i32
      %add3A_12 = arith.constant 64 : i32
      %add3A_13 = arith.addi %add3A_11, %add3A_12 : i32
      %run_scoped3A = arith.constant 0 : i32
      "tpu.region"() ({
        %run_scoped3A_57 = tpu.sem_alloc : memref<!tpu.dma_semaphore, #tpu.memory_space<semaphore_mem>>
        %dma_start3A_58 = arith.constant 0 : i32
        %dma_start3A_59 = tpu.memref_slice %arg5[%run_scoped3A, %dma_start3A_58] : memref<1x64xi32, #tpu.memory_space<vmem>> -> memref<1x64xi32, #tpu.memory_space<vmem>>
        %dma_start3A_60 = tpu.memref_squeeze %dma_start3A_59 : memref<1x64xi32, #tpu.memory_space<vmem>> -> memref<64xi32, #tpu.memory_space<vmem>>
        %dma_start3A_61 = tpu.memref_slice %arg3[%add3A_11] : memref<45056xi32, #tpu.memory_space<hbm>> -> memref<64xi32, #tpu.memory_space<hbm>>
        %dma_start3A_62 = arith.constant 0 : i32
        %dma_start3A_63 = tpu.memref_slice %arg5[%run_scoped3A, %dma_start3A_62] : memref<1x64xi32, #tpu.memory_space<vmem>> -> memref<1x64xi32, #tpu.memory_space<vmem>>
        %dma_start3A_64 = tpu.memref_squeeze %dma_start3A_63 : memref<1x64xi32, #tpu.memory_space<vmem>> -> memref<64xi32, #tpu.memory_space<vmem>>
        %dma_start3A_65 = tpu.memref_slice %arg3[%add3A_11] : memref<45056xi32, #tpu.memory_space<hbm>> -> memref<64xi32, #tpu.memory_space<hbm>>
        tpu.enqueue_dma source(%dma_start3A_65 : memref<64xi32, #tpu.memory_space<hbm>>) target(%dma_start3A_64 : memref<64xi32, #tpu.memory_space<vmem>>) target_semaphore(%run_scoped3A_57 : memref<!tpu.dma_semaphore, #tpu.memory_space<semaphore_mem>>)
        %dma_wait3A_66 = arith.constant 0 : i32
        %dma_wait3A_67 = tpu.memref_slice %arg5[%run_scoped3A, %dma_wait3A_66] : memref<1x64xi32, #tpu.memory_space<vmem>> -> memref<1x64xi32, #tpu.memory_space<vmem>>
        %dma_wait3A_68 = tpu.memref_squeeze %dma_wait3A_67 : memref<1x64xi32, #tpu.memory_space<vmem>> -> memref<64xi32, #tpu.memory_space<vmem>>
        %dma_wait3A_69 = tpu.memref_slice %arg3[%add3A_11] : memref<45056xi32, #tpu.memory_space<hbm>> -> memref<64xi32, #tpu.memory_space<hbm>>
        %dma_wait3A_70 = arith.constant 0 : i32
        %dma_wait3A_71 = tpu.memref_slice %arg5[%run_scoped3A, %dma_wait3A_70] : memref<1x64xi32, #tpu.memory_space<vmem>> -> memref<1x64xi32, #tpu.memory_space<vmem>>
        %dma_wait3A_72 = tpu.memref_squeeze %dma_wait3A_71 : memref<1x64xi32, #tpu.memory_space<vmem>> -> memref<64xi32, #tpu.memory_space<vmem>>
        %dma_wait3A_73 = tpu.memref_slice %arg3[%add3A_11] : memref<45056xi32, #tpu.memory_space<hbm>> -> memref<64xi32, #tpu.memory_space<hbm>>
        tpu.wait_dma2 semaphore(%run_scoped3A_57 : memref<!tpu.dma_semaphore, #tpu.memory_space<semaphore_mem>>) src(%dma_wait3A_73 : memref<64xi32, #tpu.memory_space<hbm>>) dst(%dma_wait3A_72 : memref<64xi32, #tpu.memory_space<vmem>>)
        tpu.yield
      }) : () -> ()
      %dma_start3A = arith.constant 0 : i32
      %dma_start3A_14 = arith.constant 0 : i32
      %dma_start3A_15 = tpu.memref_slice %arg5[%dma_start3A, %dma_start3A_14] : memref<1x64xi32, #tpu.memory_space<vmem>> -> memref<1x64xi32, #tpu.memory_space<vmem>>
      %dma_start3A_16 = tpu.memref_squeeze %dma_start3A_15 : memref<1x64xi32, #tpu.memory_space<vmem>> -> memref<64xi32, #tpu.memory_space<vmem>>
      %dma_start3A_17 = arith.constant 0 : i32
      %dma_start3A_18 = arith.constant 0 : i32
      %dma_start3A_19 = tpu.memref_slice %arg2[%dma_start3A_17, %dma_start3A_18] : memref<30000x128xf32, #tpu.memory_space<hbm>> -> memref<30000x128xf32, #tpu.memory_space<hbm>>
      tpu.enqueue_indirect_dma source(%dma_start3A_19 : memref<30000x128xf32, #tpu.memory_space<hbm>>) target(%arg7 : memref<64x128xf32, #tpu.memory_space<vmem>>) offsets(%dma_start3A_16 : memref<64xi32, #tpu.memory_space<vmem>>) semaphore(%arg9 : memref<!tpu.dma_semaphore, #tpu.memory_space<semaphore_mem>>)
      %run_scoped3A_20 = arith.constant 0 : i32
      "tpu.region"() ({
        %run_scoped3A_57 = tpu.sem_alloc : memref<!tpu.dma_semaphore, #tpu.memory_space<semaphore_mem>>
        %dma_start3A_58 = arith.constant 0 : i32
        %dma_start3A_59 = tpu.memref_slice %arg6[%run_scoped3A_20, %dma_start3A_58] : memref<1x64xi32, #tpu.memory_space<vmem>> -> memref<1x64xi32, #tpu.memory_space<vmem>>
        %dma_start3A_60 = tpu.memref_squeeze %dma_start3A_59 : memref<1x64xi32, #tpu.memory_space<vmem>> -> memref<64xi32, #tpu.memory_space<vmem>>
        %dma_start3A_61 = tpu.memref_slice %arg3[%add3A_13] : memref<45056xi32, #tpu.memory_space<hbm>> -> memref<64xi32, #tpu.memory_space<hbm>>
        %dma_start3A_62 = arith.constant 0 : i32
        %dma_start3A_63 = tpu.memref_slice %arg6[%run_scoped3A_20, %dma_start3A_62] : memref<1x64xi32, #tpu.memory_space<vmem>> -> memref<1x64xi32, #tpu.memory_space<vmem>>
        %dma_start3A_64 = tpu.memref_squeeze %dma_start3A_63 : memref<1x64xi32, #tpu.memory_space<vmem>> -> memref<64xi32, #tpu.memory_space<vmem>>
        %dma_start3A_65 = tpu.memref_slice %arg3[%add3A_13] : memref<45056xi32, #tpu.memory_space<hbm>> -> memref<64xi32, #tpu.memory_space<hbm>>
        tpu.enqueue_dma source(%dma_start3A_65 : memref<64xi32, #tpu.memory_space<hbm>>) target(%dma_start3A_64 : memref<64xi32, #tpu.memory_space<vmem>>) target_semaphore(%run_scoped3A_57 : memref<!tpu.dma_semaphore, #tpu.memory_space<semaphore_mem>>)
        %dma_wait3A_66 = arith.constant 0 : i32
        %dma_wait3A_67 = tpu.memref_slice %arg6[%run_scoped3A_20, %dma_wait3A_66] : memref<1x64xi32, #tpu.memory_space<vmem>> -> memref<1x64xi32, #tpu.memory_space<vmem>>
        %dma_wait3A_68 = tpu.memref_squeeze %dma_wait3A_67 : memref<1x64xi32, #tpu.memory_space<vmem>> -> memref<64xi32, #tpu.memory_space<vmem>>
        %dma_wait3A_69 = tpu.memref_slice %arg3[%add3A_13] : memref<45056xi32, #tpu.memory_space<hbm>> -> memref<64xi32, #tpu.memory_space<hbm>>
        %dma_wait3A_70 = arith.constant 0 : i32
        %dma_wait3A_71 = tpu.memref_slice %arg6[%run_scoped3A_20, %dma_wait3A_70] : memref<1x64xi32, #tpu.memory_space<vmem>> -> memref<1x64xi32, #tpu.memory_space<vmem>>
        %dma_wait3A_72 = tpu.memref_squeeze %dma_wait3A_71 : memref<1x64xi32, #tpu.memory_space<vmem>> -> memref<64xi32, #tpu.memory_space<vmem>>
        %dma_wait3A_73 = tpu.memref_slice %arg3[%add3A_13] : memref<45056xi32, #tpu.memory_space<hbm>> -> memref<64xi32, #tpu.memory_space<hbm>>
        tpu.wait_dma2 semaphore(%run_scoped3A_57 : memref<!tpu.dma_semaphore, #tpu.memory_space<semaphore_mem>>) src(%dma_wait3A_73 : memref<64xi32, #tpu.memory_space<hbm>>) dst(%dma_wait3A_72 : memref<64xi32, #tpu.memory_space<vmem>>)
        tpu.yield
      }) : () -> ()
      %dma_start3A_21 = arith.constant 0 : i32
      %dma_start3A_22 = arith.constant 0 : i32
      %dma_start3A_23 = tpu.memref_slice %arg6[%dma_start3A_21, %dma_start3A_22] : memref<1x64xi32, #tpu.memory_space<vmem>> -> memref<1x64xi32, #tpu.memory_space<vmem>>
      %dma_start3A_24 = tpu.memref_squeeze %dma_start3A_23 : memref<1x64xi32, #tpu.memory_space<vmem>> -> memref<64xi32, #tpu.memory_space<vmem>>
      %dma_start3A_25 = arith.constant 0 : i32
      %dma_start3A_26 = arith.constant 0 : i32
      %dma_start3A_27 = tpu.memref_slice %arg2[%dma_start3A_25, %dma_start3A_26] : memref<30000x128xf32, #tpu.memory_space<hbm>> -> memref<30000x128xf32, #tpu.memory_space<hbm>>
      tpu.enqueue_indirect_dma source(%dma_start3A_27 : memref<30000x128xf32, #tpu.memory_space<hbm>>) target(%arg8 : memref<64x128xf32, #tpu.memory_space<vmem>>) offsets(%dma_start3A_24 : memref<64xi32, #tpu.memory_space<vmem>>) semaphore(%arg10 : memref<!tpu.dma_semaphore, #tpu.memory_space<semaphore_mem>>)
      %dma_wait3A = arith.constant 0 : i32
      %dma_wait3A_28 = arith.constant 0 : i32
      %dma_wait3A_29 = tpu.memref_slice %arg5[%dma_wait3A, %dma_wait3A_28] : memref<1x64xi32, #tpu.memory_space<vmem>> -> memref<1x64xi32, #tpu.memory_space<vmem>>
      %dma_wait3A_30 = tpu.memref_squeeze %dma_wait3A_29 : memref<1x64xi32, #tpu.memory_space<vmem>> -> memref<64xi32, #tpu.memory_space<vmem>>
      %dma_wait3A_31 = arith.constant 0 : i32
      %dma_wait3A_32 = arith.constant 0 : i32
      %dma_wait3A_33 = tpu.memref_slice %arg2[%dma_wait3A_31, %dma_wait3A_32] : memref<30000x128xf32, #tpu.memory_space<hbm>> -> memref<30000x128xf32, #tpu.memory_space<hbm>>
      tpu.wait_indirect_dma semaphore(%arg9 : memref<!tpu.dma_semaphore, #tpu.memory_space<semaphore_mem>>) src(%dma_wait3A_33 : memref<30000x128xf32, #tpu.memory_space<hbm>>) dst(%arg7 : memref<64x128xf32, #tpu.memory_space<vmem>>)
      %dma_start3A_34 = arith.constant 0 : i32
      %dma_start3A_35 = tpu.memref_slice %arg4[%add3A_11, %dma_start3A_34] : memref<45056x128xf32, #tpu.memory_space<hbm>> -> memref<64x128xf32, #tpu.memory_space<hbm>>
      %dma_start3A_36 = arith.constant 0 : i32
      %dma_start3A_37 = tpu.memref_slice %arg4[%add3A_11, %dma_start3A_36] : memref<45056x128xf32, #tpu.memory_space<hbm>> -> memref<64x128xf32, #tpu.memory_space<hbm>>
      tpu.enqueue_dma source(%arg7 : memref<64x128xf32, #tpu.memory_space<vmem>>) target(%dma_start3A_37 : memref<64x128xf32, #tpu.memory_space<hbm>>) target_semaphore(%arg11 : memref<!tpu.dma_semaphore, #tpu.memory_space<semaphore_mem>>)
      %dma_wait3A_38 = arith.constant 0 : i32
      %dma_wait3A_39 = arith.constant 0 : i32
      %dma_wait3A_40 = tpu.memref_slice %arg6[%dma_wait3A_38, %dma_wait3A_39] : memref<1x64xi32, #tpu.memory_space<vmem>> -> memref<1x64xi32, #tpu.memory_space<vmem>>
      %dma_wait3A_41 = tpu.memref_squeeze %dma_wait3A_40 : memref<1x64xi32, #tpu.memory_space<vmem>> -> memref<64xi32, #tpu.memory_space<vmem>>
      %dma_wait3A_42 = arith.constant 0 : i32
      %dma_wait3A_43 = arith.constant 0 : i32
      %dma_wait3A_44 = tpu.memref_slice %arg2[%dma_wait3A_42, %dma_wait3A_43] : memref<30000x128xf32, #tpu.memory_space<hbm>> -> memref<30000x128xf32, #tpu.memory_space<hbm>>
      tpu.wait_indirect_dma semaphore(%arg10 : memref<!tpu.dma_semaphore, #tpu.memory_space<semaphore_mem>>) src(%dma_wait3A_44 : memref<30000x128xf32, #tpu.memory_space<hbm>>) dst(%arg8 : memref<64x128xf32, #tpu.memory_space<vmem>>)
      %dma_start3A_45 = arith.constant 0 : i32
      %dma_start3A_46 = tpu.memref_slice %arg4[%add3A_13, %dma_start3A_45] : memref<45056x128xf32, #tpu.memory_space<hbm>> -> memref<64x128xf32, #tpu.memory_space<hbm>>
      %dma_start3A_47 = arith.constant 0 : i32
      %dma_start3A_48 = tpu.memref_slice %arg4[%add3A_13, %dma_start3A_47] : memref<45056x128xf32, #tpu.memory_space<hbm>> -> memref<64x128xf32, #tpu.memory_space<hbm>>
      tpu.enqueue_dma source(%arg8 : memref<64x128xf32, #tpu.memory_space<vmem>>) target(%dma_start3A_48 : memref<64x128xf32, #tpu.memory_space<hbm>>) target_semaphore(%arg12 : memref<!tpu.dma_semaphore, #tpu.memory_space<semaphore_mem>>)
      %dma_wait3A_49 = arith.constant 0 : i32
      %dma_wait3A_50 = tpu.memref_slice %arg4[%add3A_11, %dma_wait3A_49] : memref<45056x128xf32, #tpu.memory_space<hbm>> -> memref<64x128xf32, #tpu.memory_space<hbm>>
      %dma_wait3A_51 = arith.constant 0 : i32
      %dma_wait3A_52 = tpu.memref_slice %arg4[%add3A_11, %dma_wait3A_51] : memref<45056x128xf32, #tpu.memory_space<hbm>> -> memref<64x128xf32, #tpu.memory_space<hbm>>
      tpu.wait_dma2 semaphore(%arg11 : memref<!tpu.dma_semaphore, #tpu.memory_space<semaphore_mem>>) src(%arg7 : memref<64x128xf32, #tpu.memory_space<vmem>>) dst(%dma_wait3A_52 : memref<64x128xf32, #tpu.memory_space<hbm>>)
      %dma_wait3A_53 = arith.constant 0 : i32
      %dma_wait3A_54 = tpu.memref_slice %arg4[%add3A_13, %dma_wait3A_53] : memref<45056x128xf32, #tpu.memory_space<hbm>> -> memref<64x128xf32, #tpu.memory_space<hbm>>
      %dma_wait3A_55 = arith.constant 0 : i32
      %dma_wait3A_56 = tpu.memref_slice %arg4[%add3A_13, %dma_wait3A_55] : memref<45056x128xf32, #tpu.memory_space<hbm>> -> memref<64x128xf32, #tpu.memory_space<hbm>>
      tpu.wait_dma2 semaphore(%arg12 : memref<!tpu.dma_semaphore, #tpu.memory_space<semaphore_mem>>) src(%arg8 : memref<64x128xf32, #tpu.memory_space<vmem>>) dst(%dma_wait3A_56 : memref<64x128xf32, #tpu.memory_space<hbm>>)
    }
    %scan3A_7 = arith.constant 11 : i32
    return
  }
}

#map = affine_map<(d0, d1) -> (0, 0)>
#map1 = affine_map<(d0, d1) -> (0)>
module attributes {stable_mosaic.version = 14 : i64} {
  func.func @_gather_body(%arg0: i32, %arg1: i32, %arg2: memref<30000x128xf32, #tpu.memory_space<hbm>>, %arg3: memref<45056xi32, #tpu.memory_space<hbm>>, %arg4: memref<45056x128xf32, #tpu.memory_space<hbm>>, %arg5: memref<1x64xi32, #tpu.memory_space<vmem>>, %arg6: memref<1x64xi32, #tpu.memory_space<vmem>>, %arg7: memref<64x128xf32, #tpu.memory_space<vmem>>, %arg8: memref<64x128xf32, #tpu.memory_space<vmem>>, %arg9: memref<!tpu.dma_semaphore, #tpu.memory_space<semaphore_mem>>, %arg10: memref<!tpu.dma_semaphore, #tpu.memory_space<semaphore_mem>>, %arg11: memref<!tpu.dma_semaphore, #tpu.memory_space<semaphore_mem>>, %arg12: memref<!tpu.dma_semaphore, #tpu.memory_space<semaphore_mem>>) attributes {dimension_semantics = [#tpu.dimension_semantics<core_parallel>, #tpu.dimension_semantics<subcore_parallel>], iteration_bounds = array<i64: 2, 16>, scalar_prefetch = 0 : i64, scratch_operands = 8 : i64, tpu.core_type = #tpu.core_type<sc_vector_subcore>, window_params = [{transform_indices = #map}, {transform_indices = #map1}, {transform_indices = #map}]} {
    %mul3A = arith.constant 2 : i32
    %mul3A_0 = arith.muli %arg1, %mul3A : i32
    %add3A = arith.addi %mul3A_0, %arg0 : i32
    %mul3A_1 = arith.constant 1408 : i32
    %mul3A_2 = arith.muli %add3A, %mul3A_1 : i32
    %scan3A = arith.constant 0 : i32
    %scan3A_3 = arith.constant 0 : i32
    %scan3A_4 = arith.constant 11 : i32
    %scan3A_5 = arith.addi %scan3A_3, %scan3A_4 : i32
    %scan3A_6 = arith.constant 1 : i32
    scf.for %scan3A_8 = %scan3A_3 to %scan3A_5 step %scan3A_6  : i32 {
      %mul3A_9 = arith.constant 128 : i32
      %mul3A_10 = arith.muli %scan3A_8, %mul3A_9 : i32
      %add3A_11 = arith.addi %mul3A_2, %mul3A_10 : i32
      %add3A_12 = arith.constant 64 : i32
      %add3A_13 = arith.addi %add3A_11, %add3A_12 : i32
      %run_scoped3A = arith.constant 0 : i32
      "tpu.region"() ({
        %run_scoped3A_57 = tpu.sem_alloc : memref<!tpu.dma_semaphore, #tpu.memory_space<semaphore_mem>>
        %dma_start3A_58 = arith.constant 0 : i32
        %dma_start3A_59 = tpu.memref_slice %arg5[%run_scoped3A, %dma_start3A_58] : memref<1x64xi32, #tpu.memory_space<vmem>> -> memref<1x64xi32, #tpu.memory_space<vmem>>
        %dma_start3A_60 = tpu.memref_squeeze %dma_start3A_59 : memref<1x64xi32, #tpu.memory_space<vmem>> -> memref<64xi32, #tpu.memory_space<vmem>>
        %dma_start3A_61 = tpu.memref_slice %arg3[%add3A_11] : memref<45056xi32, #tpu.memory_space<hbm>> -> memref<64xi32, #tpu.memory_space<hbm>>
        %dma_start3A_62 = arith.constant 0 : i32
        %dma_start3A_63 = tpu.memref_slice %arg5[%run_scoped3A, %dma_start3A_62] : memref<1x64xi32, #tpu.memory_space<vmem>> -> memref<1x64xi32, #tpu.memory_space<vmem>>
        %dma_start3A_64 = tpu.memref_squeeze %dma_start3A_63 : memref<1x64xi32, #tpu.memory_space<vmem>> -> memref<64xi32, #tpu.memory_space<vmem>>
        %dma_start3A_65 = tpu.memref_slice %arg3[%add3A_11] : memref<45056xi32, #tpu.memory_space<hbm>> -> memref<64xi32, #tpu.memory_space<hbm>>
        tpu.enqueue_dma source(%dma_start3A_65 : memref<64xi32, #tpu.memory_space<hbm>>) target(%dma_start3A_64 : memref<64xi32, #tpu.memory_space<vmem>>) target_semaphore(%run_scoped3A_57 : memref<!tpu.dma_semaphore, #tpu.memory_space<semaphore_mem>>)
        %dma_wait3A_66 = arith.constant 0 : i32
        %dma_wait3A_67 = tpu.memref_slice %arg5[%run_scoped3A, %dma_wait3A_66] : memref<1x64xi32, #tpu.memory_space<vmem>> -> memref<1x64xi32, #tpu.memory_space<vmem>>
        %dma_wait3A_68 = tpu.memref_squeeze %dma_wait3A_67 : memref<1x64xi32, #tpu.memory_space<vmem>> -> memref<64xi32, #tpu.memory_space<vmem>>
        %dma_wait3A_69 = tpu.memref_slice %arg3[%add3A_11] : memref<45056xi32, #tpu.memory_space<hbm>> -> memref<64xi32, #tpu.memory_space<hbm>>
        %dma_wait3A_70 = arith.constant 0 : i32
        %dma_wait3A_71 = tpu.memref_slice %arg5[%run_scoped3A, %dma_wait3A_70] : memref<1x64xi32, #tpu.memory_space<vmem>> -> memref<1x64xi32, #tpu.memory_space<vmem>>
        %dma_wait3A_72 = tpu.memref_squeeze %dma_wait3A_71 : memref<1x64xi32, #tpu.memory_space<vmem>> -> memref<64xi32, #tpu.memory_space<vmem>>
        %dma_wait3A_73 = tpu.memref_slice %arg3[%add3A_11] : memref<45056xi32, #tpu.memory_space<hbm>> -> memref<64xi32, #tpu.memory_space<hbm>>
        tpu.wait_dma2 semaphore(%run_scoped3A_57 : memref<!tpu.dma_semaphore, #tpu.memory_space<semaphore_mem>>) src(%dma_wait3A_73 : memref<64xi32, #tpu.memory_space<hbm>>) dst(%dma_wait3A_72 : memref<64xi32, #tpu.memory_space<vmem>>)
        tpu.yield
      }) : () -> ()
      %dma_start3A = arith.constant 0 : i32
      %dma_start3A_14 = arith.constant 0 : i32
      %dma_start3A_15 = tpu.memref_slice %arg5[%dma_start3A, %dma_start3A_14] : memref<1x64xi32, #tpu.memory_space<vmem>> -> memref<1x64xi32, #tpu.memory_space<vmem>>
      %dma_start3A_16 = tpu.memref_squeeze %dma_start3A_15 : memref<1x64xi32, #tpu.memory_space<vmem>> -> memref<64xi32, #tpu.memory_space<vmem>>
      %dma_start3A_17 = arith.constant 0 : i32
      %dma_start3A_18 = arith.constant 0 : i32
      %dma_start3A_19 = tpu.memref_slice %arg2[%dma_start3A_17, %dma_start3A_18] : memref<30000x128xf32, #tpu.memory_space<hbm>> -> memref<30000x128xf32, #tpu.memory_space<hbm>>
      tpu.enqueue_indirect_dma source(%dma_start3A_19 : memref<30000x128xf32, #tpu.memory_space<hbm>>) target(%arg7 : memref<64x128xf32, #tpu.memory_space<vmem>>) offsets(%dma_start3A_16 : memref<64xi32, #tpu.memory_space<vmem>>) semaphore(%arg9 : memref<!tpu.dma_semaphore, #tpu.memory_space<semaphore_mem>>)
      %run_scoped3A_20 = arith.constant 0 : i32
      "tpu.region"() ({
        %run_scoped3A_57 = tpu.sem_alloc : memref<!tpu.dma_semaphore, #tpu.memory_space<semaphore_mem>>
        %dma_start3A_58 = arith.constant 0 : i32
        %dma_start3A_59 = tpu.memref_slice %arg6[%run_scoped3A_20, %dma_start3A_58] : memref<1x64xi32, #tpu.memory_space<vmem>> -> memref<1x64xi32, #tpu.memory_space<vmem>>
        %dma_start3A_60 = tpu.memref_squeeze %dma_start3A_59 : memref<1x64xi32, #tpu.memory_space<vmem>> -> memref<64xi32, #tpu.memory_space<vmem>>
        %dma_start3A_61 = tpu.memref_slice %arg3[%add3A_13] : memref<45056xi32, #tpu.memory_space<hbm>> -> memref<64xi32, #tpu.memory_space<hbm>>
        %dma_start3A_62 = arith.constant 0 : i32
        %dma_start3A_63 = tpu.memref_slice %arg6[%run_scoped3A_20, %dma_start3A_62] : memref<1x64xi32, #tpu.memory_space<vmem>> -> memref<1x64xi32, #tpu.memory_space<vmem>>
        %dma_start3A_64 = tpu.memref_squeeze %dma_start3A_63 : memref<1x64xi32, #tpu.memory_space<vmem>> -> memref<64xi32, #tpu.memory_space<vmem>>
        %dma_start3A_65 = tpu.memref_slice %arg3[%add3A_13] : memref<45056xi32, #tpu.memory_space<hbm>> -> memref<64xi32, #tpu.memory_space<hbm>>
        tpu.enqueue_dma source(%dma_start3A_65 : memref<64xi32, #tpu.memory_space<hbm>>) target(%dma_start3A_64 : memref<64xi32, #tpu.memory_space<vmem>>) target_semaphore(%run_scoped3A_57 : memref<!tpu.dma_semaphore, #tpu.memory_space<semaphore_mem>>)
        %dma_wait3A_66 = arith.constant 0 : i32
        %dma_wait3A_67 = tpu.memref_slice %arg6[%run_scoped3A_20, %dma_wait3A_66] : memref<1x64xi32, #tpu.memory_space<vmem>> -> memref<1x64xi32, #tpu.memory_space<vmem>>
        %dma_wait3A_68 = tpu.memref_squeeze %dma_wait3A_67 : memref<1x64xi32, #tpu.memory_space<vmem>> -> memref<64xi32, #tpu.memory_space<vmem>>
        %dma_wait3A_69 = tpu.memref_slice %arg3[%add3A_13] : memref<45056xi32, #tpu.memory_space<hbm>> -> memref<64xi32, #tpu.memory_space<hbm>>
        %dma_wait3A_70 = arith.constant 0 : i32
        %dma_wait3A_71 = tpu.memref_slice %arg6[%run_scoped3A_20, %dma_wait3A_70] : memref<1x64xi32, #tpu.memory_space<vmem>> -> memref<1x64xi32, #tpu.memory_space<vmem>>
        %dma_wait3A_72 = tpu.memref_squeeze %dma_wait3A_71 : memref<1x64xi32, #tpu.memory_space<vmem>> -> memref<64xi32, #tpu.memory_space<vmem>>
        %dma_wait3A_73 = tpu.memref_slice %arg3[%add3A_13] : memref<45056xi32, #tpu.memory_space<hbm>> -> memref<64xi32, #tpu.memory_space<hbm>>
        tpu.wait_dma2 semaphore(%run_scoped3A_57 : memref<!tpu.dma_semaphore, #tpu.memory_space<semaphore_mem>>) src(%dma_wait3A_73 : memref<64xi32, #tpu.memory_space<hbm>>) dst(%dma_wait3A_72 : memref<64xi32, #tpu.memory_space<vmem>>)
        tpu.yield
      }) : () -> ()
      %dma_start3A_21 = arith.constant 0 : i32
      %dma_start3A_22 = arith.constant 0 : i32
      %dma_start3A_23 = tpu.memref_slice %arg6[%dma_start3A_21, %dma_start3A_22] : memref<1x64xi32, #tpu.memory_space<vmem>> -> memref<1x64xi32, #tpu.memory_space<vmem>>
      %dma_start3A_24 = tpu.memref_squeeze %dma_start3A_23 : memref<1x64xi32, #tpu.memory_space<vmem>> -> memref<64xi32, #tpu.memory_space<vmem>>
      %dma_start3A_25 = arith.constant 0 : i32
      %dma_start3A_26 = arith.constant 0 : i32
      %dma_start3A_27 = tpu.memref_slice %arg2[%dma_start3A_25, %dma_start3A_26] : memref<30000x128xf32, #tpu.memory_space<hbm>> -> memref<30000x128xf32, #tpu.memory_space<hbm>>
      tpu.enqueue_indirect_dma source(%dma_start3A_27 : memref<30000x128xf32, #tpu.memory_space<hbm>>) target(%arg8 : memref<64x128xf32, #tpu.memory_space<vmem>>) offsets(%dma_start3A_24 : memref<64xi32, #tpu.memory_space<vmem>>) semaphore(%arg10 : memref<!tpu.dma_semaphore, #tpu.memory_space<semaphore_mem>>)
      %dma_wait3A = arith.constant 0 : i32
      %dma_wait3A_28 = arith.constant 0 : i32
      %dma_wait3A_29 = tpu.memref_slice %arg5[%dma_wait3A, %dma_wait3A_28] : memref<1x64xi32, #tpu.memory_space<vmem>> -> memref<1x64xi32, #tpu.memory_space<vmem>>
      %dma_wait3A_30 = tpu.memref_squeeze %dma_wait3A_29 : memref<1x64xi32, #tpu.memory_space<vmem>> -> memref<64xi32, #tpu.memory_space<vmem>>
      %dma_wait3A_31 = arith.constant 0 : i32
      %dma_wait3A_32 = arith.constant 0 : i32
      %dma_wait3A_33 = tpu.memref_slice %arg2[%dma_wait3A_31, %dma_wait3A_32] : memref<30000x128xf32, #tpu.memory_space<hbm>> -> memref<30000x128xf32, #tpu.memory_space<hbm>>
      tpu.wait_indirect_dma semaphore(%arg9 : memref<!tpu.dma_semaphore, #tpu.memory_space<semaphore_mem>>) src(%dma_wait3A_33 : memref<30000x128xf32, #tpu.memory_space<hbm>>) dst(%arg7 : memref<64x128xf32, #tpu.memory_space<vmem>>)
      %dma_start3A_34 = arith.constant 0 : i32
      %dma_start3A_35 = tpu.memref_slice %arg4[%add3A_11, %dma_start3A_34] : memref<45056x128xf32, #tpu.memory_space<hbm>> -> memref<64x128xf32, #tpu.memory_space<hbm>>
      %dma_start3A_36 = arith.constant 0 : i32
      %dma_start3A_37 = tpu.memref_slice %arg4[%add3A_11, %dma_start3A_36] : memref<45056x128xf32, #tpu.memory_space<hbm>> -> memref<64x128xf32, #tpu.memory_space<hbm>>
      tpu.enqueue_dma source(%arg7 : memref<64x128xf32, #tpu.memory_space<vmem>>) target(%dma_start3A_37 : memref<64x128xf32, #tpu.memory_space<hbm>>) target_semaphore(%arg11 : memref<!tpu.dma_semaphore, #tpu.memory_space<semaphore_mem>>)
      %dma_wait3A_38 = arith.constant 0 : i32
      %dma_wait3A_39 = arith.constant 0 : i32
      %dma_wait3A_40 = tpu.memref_slice %arg6[%dma_wait3A_38, %dma_wait3A_39] : memref<1x64xi32, #tpu.memory_space<vmem>> -> memref<1x64xi32, #tpu.memory_space<vmem>>
      %dma_wait3A_41 = tpu.memref_squeeze %dma_wait3A_40 : memref<1x64xi32, #tpu.memory_space<vmem>> -> memref<64xi32, #tpu.memory_space<vmem>>
      %dma_wait3A_42 = arith.constant 0 : i32
      %dma_wait3A_43 = arith.constant 0 : i32
      %dma_wait3A_44 = tpu.memref_slice %arg2[%dma_wait3A_42, %dma_wait3A_43] : memref<30000x128xf32, #tpu.memory_space<hbm>> -> memref<30000x128xf32, #tpu.memory_space<hbm>>
      tpu.wait_indirect_dma semaphore(%arg10 : memref<!tpu.dma_semaphore, #tpu.memory_space<semaphore_mem>>) src(%dma_wait3A_44 : memref<30000x128xf32, #tpu.memory_space<hbm>>) dst(%arg8 : memref<64x128xf32, #tpu.memory_space<vmem>>)
      %dma_start3A_45 = arith.constant 0 : i32
      %dma_start3A_46 = tpu.memref_slice %arg4[%add3A_13, %dma_start3A_45] : memref<45056x128xf32, #tpu.memory_space<hbm>> -> memref<64x128xf32, #tpu.memory_space<hbm>>
      %dma_start3A_47 = arith.constant 0 : i32
      %dma_start3A_48 = tpu.memref_slice %arg4[%add3A_13, %dma_start3A_47] : memref<45056x128xf32, #tpu.memory_space<hbm>> -> memref<64x128xf32, #tpu.memory_space<hbm>>
      tpu.enqueue_dma source(%arg8 : memref<64x128xf32, #tpu.memory_space<vmem>>) target(%dma_start3A_48 : memref<64x128xf32, #tpu.memory_space<hbm>>) target_semaphore(%arg12 : memref<!tpu.dma_semaphore, #tpu.memory_space<semaphore_mem>>)
      %dma_wait3A_49 = arith.constant 0 : i32
      %dma_wait3A_50 = tpu.memref_slice %arg4[%add3A_11, %dma_wait3A_49] : memref<45056x128xf32, #tpu.memory_space<hbm>> -> memref<64x128xf32, #tpu.memory_space<hbm>>
      %dma_wait3A_51 = arith.constant 0 : i32
      %dma_wait3A_52 = tpu.memref_slice %arg4[%add3A_11, %dma_wait3A_51] : memref<45056x128xf32, #tpu.memory_space<hbm>> -> memref<64x128xf32, #tpu.memory_space<hbm>>
      tpu.wait_dma2 semaphore(%arg11 : memref<!tpu.dma_semaphore, #tpu.memory_space<semaphore_mem>>) src(%arg7 : memref<64x128xf32, #tpu.memory_space<vmem>>) dst(%dma_wait3A_52 : memref<64x128xf32, #tpu.memory_space<hbm>>)
      %dma_wait3A_53 = arith.constant 0 : i32
      %dma_wait3A_54 = tpu.memref_slice %arg4[%add3A_13, %dma_wait3A_53] : memref<45056x128xf32, #tpu.memory_space<hbm>> -> memref<64x128xf32, #tpu.memory_space<hbm>>
      %dma_wait3A_55 = arith.constant 0 : i32
      %dma_wait3A_56 = tpu.memref_slice %arg4[%add3A_13, %dma_wait3A_55] : memref<45056x128xf32, #tpu.memory_space<hbm>> -> memref<64x128xf32, #tpu.memory_space<hbm>>
      tpu.wait_dma2 semaphore(%arg12 : memref<!tpu.dma_semaphore, #tpu.memory_space<semaphore_mem>>) src(%arg8 : memref<64x128xf32, #tpu.memory_space<vmem>>) dst(%dma_wait3A_56 : memref<64x128xf32, #tpu.memory_space<hbm>>)
    }
    %scan3A_7 = arith.constant 11 : i32
    return
  }
}

#map = affine_map<(d0, d1) -> (0, 0)>
#map1 = affine_map<(d0, d1) -> (0, 0, 0)>
module attributes {stable_mosaic.version = 14 : i64} {
  func.func @_scatter_body(%arg0: i32, %arg1: i32, %arg2: memref<45056x128xf32, #tpu.memory_space<hbm>>, %arg3: memref<45056x128xf32, #tpu.memory_space<hbm>>, %arg4: memref<16x44x128xi32, #tpu.memory_space<hbm>>, %arg5: memref<128x128xf32, #tpu.memory_space<hbm>>, %arg6: memref<30720x128xf32, #tpu.memory_space<hbm>>, %arg7: memref<44x128xi32, #tpu.memory_space<vmem>>, %arg8: memref<1x128xi32, #tpu.memory_space<vmem>>, %arg9: memref<1x128xi32, #tpu.memory_space<vmem>>, %arg10: memref<128x128xf32, #tpu.memory_space<vmem>>, %arg11: memref<128x128xf32, #tpu.memory_space<vmem>>, %arg12: memref<7808x128xf32, #tpu.memory_space<vmem_shared>>, %arg13: memref<!tpu.dma_semaphore, #tpu.memory_space<semaphore_mem>>, %arg14: memref<!tpu.dma_semaphore, #tpu.memory_space<semaphore_mem>>, %arg15: memref<!tpu.dma_semaphore, #tpu.memory_space<semaphore_mem>>, %arg16: memref<!tpu.dma_semaphore, #tpu.memory_space<semaphore_mem>>) attributes {dimension_semantics = [#tpu.dimension_semantics<core_parallel>, #tpu.dimension_semantics<subcore_parallel>], iteration_bounds = array<i64: 2, 16>, scalar_prefetch = 0 : i64, scratch_operands = 10 : i64, tpu.core_type = #tpu.core_type<sc_vector_subcore>, window_params = [{transform_indices = #map}, {transform_indices = #map}, {transform_indices = #map1}, {transform_indices = #map}, {transform_indices = #map}]} {
    %jit3A = arith.constant 8 : i32
    %eq3A = arith.constant 0 : i32
    %eq3A_0 = arith.cmpi eq, %jit3A, %eq3A : i32
    %jit3A_1 = arith.constant 1 : i32
    %select_n3A = arith.select %eq3A_0, %jit3A_1, %jit3A : i32
    %rem3A = arith.remsi %arg1, %select_n3A : i32
    %ne3A = arith.constant 0 : i32
    %ne3A_2 = arith.cmpi ne, %rem3A, %ne3A : i32
    %lt3A = arith.constant 0 : i32
    %lt3A_3 = arith.cmpi slt, %rem3A, %lt3A : i32
    %lt3A_4 = arith.constant 0 : i32
    %lt3A_5 = arith.cmpi slt, %select_n3A, %lt3A_4 : i32
    %ne3A_6 = arith.xori %lt3A_3, %lt3A_5 : i1
    %and3A = arith.andi %ne3A_6, %ne3A_2 : i1
    %add3A = arith.addi %rem3A, %select_n3A : i32
    %select_n3A_7 = arith.select %and3A, %add3A, %rem3A : i32
    %mul3A = arith.constant 5632 : i32
    %mul3A_8 = arith.muli %select_n3A_7, %mul3A : i32
    "tpu.region"() ({
      %run_scoped3A = tpu.sem_alloc : memref<!tpu.dma_semaphore, #tpu.memory_space<semaphore_mem>>
      %dma_start3A = arith.constant 0 : i32
      %dma_start3A_145 = arith.constant 0 : i32
      %dma_start3A_146 = tpu.memref_slice %arg4[%arg1, %dma_start3A, %dma_start3A_145] : memref<16x44x128xi32, #tpu.memory_space<hbm>> -> memref<1x44x128xi32, #tpu.memory_space<hbm>>
      %dma_start3A_147 = tpu.memref_squeeze %dma_start3A_146 : memref<1x44x128xi32, #tpu.memory_space<hbm>> -> memref<44x128xi32, #tpu.memory_space<hbm>>
      %dma_start3A_148 = arith.constant 0 : i32
      %dma_start3A_149 = arith.constant 0 : i32
      %dma_start3A_150 = tpu.memref_slice %arg4[%arg1, %dma_start3A_148, %dma_start3A_149] : memref<16x44x128xi32, #tpu.memory_space<hbm>> -> memref<1x44x128xi32, #tpu.memory_space<hbm>>
      %dma_start3A_151 = tpu.memref_squeeze %dma_start3A_150 : memref<1x44x128xi32, #tpu.memory_space<hbm>> -> memref<44x128xi32, #tpu.memory_space<hbm>>
      tpu.enqueue_dma source(%dma_start3A_151 : memref<44x128xi32, #tpu.memory_space<hbm>>) target(%arg7 : memref<44x128xi32, #tpu.memory_space<vmem>>) target_semaphore(%run_scoped3A : memref<!tpu.dma_semaphore, #tpu.memory_space<semaphore_mem>>)
      %dma_wait3A = arith.constant 0 : i32
      %dma_wait3A_152 = arith.constant 0 : i32
      %dma_wait3A_153 = tpu.memref_slice %arg4[%arg1, %dma_wait3A, %dma_wait3A_152] : memref<16x44x128xi32, #tpu.memory_space<hbm>> -> memref<1x44x128xi32, #tpu.memory_space<hbm>>
      %dma_wait3A_154 = tpu.memref_squeeze %dma_wait3A_153 : memref<1x44x128xi32, #tpu.memory_space<hbm>> -> memref<44x128xi32, #tpu.memory_space<hbm>>
      %dma_wait3A_155 = arith.constant 0 : i32
      %dma_wait3A_156 = arith.constant 0 : i32
      %dma_wait3A_157 = tpu.memref_slice %arg4[%arg1, %dma_wait3A_155, %dma_wait3A_156] : memref<16x44x128xi32, #tpu.memory_space<hbm>> -> memref<1x44x128xi32, #tpu.memory_space<hbm>>
      %dma_wait3A_158 = tpu.memref_squeeze %dma_wait3A_157 : memref<1x44x128xi32, #tpu.memory_space<hbm>> -> memref<44x128xi32, #tpu.memory_space<hbm>>
      tpu.wait_dma2 semaphore(%run_scoped3A : memref<!tpu.dma_semaphore, #tpu.memory_space<semaphore_mem>>) src(%dma_wait3A_158 : memref<44x128xi32, #tpu.memory_space<hbm>>) dst(%arg7 : memref<44x128xi32, #tpu.memory_space<vmem>>)
      tpu.yield
    }) : () -> ()
    %mul3A_9 = arith.constant 2 : i32
    %mul3A_10 = arith.muli %mul3A_9, %arg0 : i32
    %add3A_11 = arith.constant 0 : i32
    %add3A_12 = arith.addi %mul3A_10, %add3A_11 : i32
    %mul3A_13 = arith.constant 7680 : i32
    %mul3A_14 = arith.muli %add3A_12, %mul3A_13 : i32
    "tpu.region"() ({
      %run_scoped3A = tpu.sem_alloc : memref<!tpu.dma_semaphore, #tpu.memory_space<semaphore_mem>>
      tpu.enqueue_dma source(%arg5 : memref<128x128xf32, #tpu.memory_space<hbm>>) target(%arg10 : memref<128x128xf32, #tpu.memory_space<vmem>>) target_semaphore(%run_scoped3A : memref<!tpu.dma_semaphore, #tpu.memory_space<semaphore_mem>>)
      tpu.wait_dma2 semaphore(%run_scoped3A : memref<!tpu.dma_semaphore, #tpu.memory_space<semaphore_mem>>) src(%arg5 : memref<128x128xf32, #tpu.memory_space<hbm>>) dst(%arg10 : memref<128x128xf32, #tpu.memory_space<vmem>>)
      tpu.yield
    }) : () -> ()
    %mul3A_15 = arith.constant 480 : i32
    %mul3A_16 = arith.muli %arg1, %mul3A_15 : i32
    %add3A_17 = arith.constant 0 : i32
    %add3A_18 = arith.addi %mul3A_16, %add3A_17 : i32
    "tpu.region"() ({
      %run_scoped3A = tpu.sem_alloc : memref<!tpu.dma_semaphore, #tpu.memory_space<semaphore_mem>>
      %dma_start3A = arith.constant 0 : i32
      %dma_start3A_145 = arith.constant 0 : i32
      %dma_start3A_146 = tpu.memref_slice %arg10[%dma_start3A, %dma_start3A_145] : memref<128x128xf32, #tpu.memory_space<vmem>> -> memref<128x128xf32, #tpu.memory_space<vmem>>
      %dma_start3A_147 = arith.constant 0 : i32
      %dma_start3A_148 = tpu.memref_slice %arg12[%add3A_18, %dma_start3A_147] : memref<7808x128xf32, #tpu.memory_space<vmem_shared>> -> memref<128x128xf32, #tpu.memory_space<vmem_shared>>
      %dma_start3A_149 = arith.constant 0 : i32
      %dma_start3A_150 = tpu.memref_slice %arg12[%add3A_18, %dma_start3A_149] : memref<7808x128xf32, #tpu.memory_space<vmem_shared>> -> memref<128x128xf32, #tpu.memory_space<vmem_shared>>
      %dma_start3A_151 = arith.constant 0 : i32
      %dma_start3A_152 = arith.constant 0 : i32
      %dma_start3A_153 = tpu.memref_slice %arg10[%dma_start3A_151, %dma_start3A_152] : memref<128x128xf32, #tpu.memory_space<vmem>> -> memref<128x128xf32, #tpu.memory_space<vmem>>
      tpu.enqueue_dma source(%dma_start3A_153 : memref<128x128xf32, #tpu.memory_space<vmem>>) target(%dma_start3A_150 : memref<128x128xf32, #tpu.memory_space<vmem_shared>>) target_semaphore(%run_scoped3A : memref<!tpu.dma_semaphore, #tpu.memory_space<semaphore_mem>>)
      %dma_wait3A = arith.constant 0 : i32
      %dma_wait3A_154 = arith.constant 0 : i32
      %dma_wait3A_155 = tpu.memref_slice %arg10[%dma_wait3A, %dma_wait3A_154] : memref<128x128xf32, #tpu.memory_space<vmem>> -> memref<128x128xf32, #tpu.memory_space<vmem>>
      %dma_wait3A_156 = arith.constant 0 : i32
      %dma_wait3A_157 = tpu.memref_slice %arg12[%add3A_18, %dma_wait3A_156] : memref<7808x128xf32, #tpu.memory_space<vmem_shared>> -> memref<128x128xf32, #tpu.memory_space<vmem_shared>>
      %dma_wait3A_158 = arith.constant 0 : i32
      %dma_wait3A_159 = tpu.memref_slice %arg12[%add3A_18, %dma_wait3A_158] : memref<7808x128xf32, #tpu.memory_space<vmem_shared>> -> memref<128x128xf32, #tpu.memory_space<vmem_shared>>
      %dma_wait3A_160 = arith.constant 0 : i32
      %dma_wait3A_161 = arith.constant 0 : i32
      %dma_wait3A_162 = tpu.memref_slice %arg10[%dma_wait3A_160, %dma_wait3A_161] : memref<128x128xf32, #tpu.memory_space<vmem>> -> memref<128x128xf32, #tpu.memory_space<vmem>>
      tpu.wait_dma2 semaphore(%run_scoped3A : memref<!tpu.dma_semaphore, #tpu.memory_space<semaphore_mem>>) src(%dma_wait3A_162 : memref<128x128xf32, #tpu.memory_space<vmem>>) dst(%dma_wait3A_159 : memref<128x128xf32, #tpu.memory_space<vmem_shared>>)
      tpu.yield
    }) : () -> ()
    %mul3A_19 = arith.constant 480 : i32
    %mul3A_20 = arith.muli %arg1, %mul3A_19 : i32
    %add3A_21 = arith.constant 128 : i32
    %add3A_22 = arith.addi %mul3A_20, %add3A_21 : i32
    "tpu.region"() ({
      %run_scoped3A = tpu.sem_alloc : memref<!tpu.dma_semaphore, #tpu.memory_space<semaphore_mem>>
      %dma_start3A = arith.constant 0 : i32
      %dma_start3A_145 = arith.constant 0 : i32
      %dma_start3A_146 = tpu.memref_slice %arg10[%dma_start3A, %dma_start3A_145] : memref<128x128xf32, #tpu.memory_space<vmem>> -> memref<128x128xf32, #tpu.memory_space<vmem>>
      %dma_start3A_147 = arith.constant 0 : i32
      %dma_start3A_148 = tpu.memref_slice %arg12[%add3A_22, %dma_start3A_147] : memref<7808x128xf32, #tpu.memory_space<vmem_shared>> -> memref<128x128xf32, #tpu.memory_space<vmem_shared>>
      %dma_start3A_149 = arith.constant 0 : i32
      %dma_start3A_150 = tpu.memref_slice %arg12[%add3A_22, %dma_start3A_149] : memref<7808x128xf32, #tpu.memory_space<vmem_shared>> -> memref<128x128xf32, #tpu.memory_space<vmem_shared>>
      %dma_start3A_151 = arith.constant 0 : i32
      %dma_start3A_152 = arith.constant 0 : i32
      %dma_start3A_153 = tpu.memref_slice %arg10[%dma_start3A_151, %dma_start3A_152] : memref<128x128xf32, #tpu.memory_space<vmem>> -> memref<128x128xf32, #tpu.memory_space<vmem>>
      tpu.enqueue_dma source(%dma_start3A_153 : memref<128x128xf32, #tpu.memory_space<vmem>>) target(%dma_start3A_150 : memref<128x128xf32, #tpu.memory_space<vmem_shared>>) target_semaphore(%run_scoped3A : memref<!tpu.dma_semaphore, #tpu.memory_space<semaphore_mem>>)
      %dma_wait3A = arith.constant 0 : i32
      %dma_wait3A_154 = arith.constant 0 : i32
      %dma_wait3A_155 = tpu.memref_slice %arg10[%dma_wait3A, %dma_wait3A_154] : memref<128x128xf32, #tpu.memory_space<vmem>> -> memref<128x128xf32, #tpu.memory_space<vmem>>
      %dma_wait3A_156 = arith.constant 0 : i32
      %dma_wait3A_157 = tpu.memref_slice %arg12[%add3A_22, %dma_wait3A_156] : memref<7808x128xf32, #tpu.memory_space<vmem_shared>> -> memref<128x128xf32, #tpu.memory_space<vmem_shared>>
      %dma_wait3A_158 = arith.constant 0 : i32
      %dma_wait3A_159 = tpu.memref_slice %arg12[%add3A_22, %dma_wait3A_158] : memref<7808x128xf32, #tpu.memory_space<vmem_shared>> -> memref<128x128xf32, #tpu.memory_space<vmem_shared>>
      %dma_wait3A_160 = arith.constant 0 : i32
      %dma_wait3A_161 = arith.constant 0 : i32
      %dma_wait3A_162 = tpu.memref_slice %arg10[%dma_wait3A_160, %dma_wait3A_161] : memref<128x128xf32, #tpu.memory_space<vmem>> -> memref<128x128xf32, #tpu.memory_space<vmem>>
      tpu.wait_dma2 semaphore(%run_scoped3A : memref<!tpu.dma_semaphore, #tpu.memory_space<semaphore_mem>>) src(%dma_wait3A_162 : memref<128x128xf32, #tpu.memory_space<vmem>>) dst(%dma_wait3A_159 : memref<128x128xf32, #tpu.memory_space<vmem_shared>>)
      tpu.yield
    }) : () -> ()
    %mul3A_23 = arith.constant 480 : i32
    %mul3A_24 = arith.muli %arg1, %mul3A_23 : i32
    %add3A_25 = arith.constant 256 : i32
    %add3A_26 = arith.addi %mul3A_24, %add3A_25 : i32
    "tpu.region"() ({
      %run_scoped3A = tpu.sem_alloc : memref<!tpu.dma_semaphore, #tpu.memory_space<semaphore_mem>>
      %dma_start3A = arith.constant 0 : i32
      %dma_start3A_145 = arith.constant 0 : i32
      %dma_start3A_146 = tpu.memref_slice %arg10[%dma_start3A, %dma_start3A_145] : memref<128x128xf32, #tpu.memory_space<vmem>> -> memref<128x128xf32, #tpu.memory_space<vmem>>
      %dma_start3A_147 = arith.constant 0 : i32
      %dma_start3A_148 = tpu.memref_slice %arg12[%add3A_26, %dma_start3A_147] : memref<7808x128xf32, #tpu.memory_space<vmem_shared>> -> memref<128x128xf32, #tpu.memory_space<vmem_shared>>
      %dma_start3A_149 = arith.constant 0 : i32
      %dma_start3A_150 = tpu.memref_slice %arg12[%add3A_26, %dma_start3A_149] : memref<7808x128xf32, #tpu.memory_space<vmem_shared>> -> memref<128x128xf32, #tpu.memory_space<vmem_shared>>
      %dma_start3A_151 = arith.constant 0 : i32
      %dma_start3A_152 = arith.constant 0 : i32
      %dma_start3A_153 = tpu.memref_slice %arg10[%dma_start3A_151, %dma_start3A_152] : memref<128x128xf32, #tpu.memory_space<vmem>> -> memref<128x128xf32, #tpu.memory_space<vmem>>
      tpu.enqueue_dma source(%dma_start3A_153 : memref<128x128xf32, #tpu.memory_space<vmem>>) target(%dma_start3A_150 : memref<128x128xf32, #tpu.memory_space<vmem_shared>>) target_semaphore(%run_scoped3A : memref<!tpu.dma_semaphore, #tpu.memory_space<semaphore_mem>>)
      %dma_wait3A = arith.constant 0 : i32
      %dma_wait3A_154 = arith.constant 0 : i32
      %dma_wait3A_155 = tpu.memref_slice %arg10[%dma_wait3A, %dma_wait3A_154] : memref<128x128xf32, #tpu.memory_space<vmem>> -> memref<128x128xf32, #tpu.memory_space<vmem>>
      %dma_wait3A_156 = arith.constant 0 : i32
      %dma_wait3A_157 = tpu.memref_slice %arg12[%add3A_26, %dma_wait3A_156] : memref<7808x128xf32, #tpu.memory_space<vmem_shared>> -> memref<128x128xf32, #tpu.memory_space<vmem_shared>>
      %dma_wait3A_158 = arith.constant 0 : i32
      %dma_wait3A_159 = tpu.memref_slice %arg12[%add3A_26, %dma_wait3A_158] : memref<7808x128xf32, #tpu.memory_space<vmem_shared>> -> memref<128x128xf32, #tpu.memory_space<vmem_shared>>
      %dma_wait3A_160 = arith.constant 0 : i32
      %dma_wait3A_161 = arith.constant 0 : i32
      %dma_wait3A_162 = tpu.memref_slice %arg10[%dma_wait3A_160, %dma_wait3A_161] : memref<128x128xf32, #tpu.memory_space<vmem>> -> memref<128x128xf32, #tpu.memory_space<vmem>>
      tpu.wait_dma2 semaphore(%run_scoped3A : memref<!tpu.dma_semaphore, #tpu.memory_space<semaphore_mem>>) src(%dma_wait3A_162 : memref<128x128xf32, #tpu.memory_space<vmem>>) dst(%dma_wait3A_159 : memref<128x128xf32, #tpu.memory_space<vmem_shared>>)
      tpu.yield
    }) : () -> ()
    %mul3A_27 = arith.constant 480 : i32
    %mul3A_28 = arith.muli %arg1, %mul3A_27 : i32
    %add3A_29 = arith.constant 384 : i32
    %add3A_30 = arith.addi %mul3A_28, %add3A_29 : i32
    "tpu.region"() ({
      %run_scoped3A = tpu.sem_alloc : memref<!tpu.dma_semaphore, #tpu.memory_space<semaphore_mem>>
      %dma_start3A = arith.constant 0 : i32
      %dma_start3A_145 = arith.constant 0 : i32
      %dma_start3A_146 = tpu.memref_slice %arg10[%dma_start3A, %dma_start3A_145] : memref<128x128xf32, #tpu.memory_space<vmem>> -> memref<96x128xf32, #tpu.memory_space<vmem>>
      %dma_start3A_147 = arith.constant 0 : i32
      %dma_start3A_148 = tpu.memref_slice %arg12[%add3A_30, %dma_start3A_147] : memref<7808x128xf32, #tpu.memory_space<vmem_shared>> -> memref<96x128xf32, #tpu.memory_space<vmem_shared>>
      %dma_start3A_149 = arith.constant 0 : i32
      %dma_start3A_150 = tpu.memref_slice %arg12[%add3A_30, %dma_start3A_149] : memref<7808x128xf32, #tpu.memory_space<vmem_shared>> -> memref<96x128xf32, #tpu.memory_space<vmem_shared>>
      %dma_start3A_151 = arith.constant 0 : i32
      %dma_start3A_152 = arith.constant 0 : i32
      %dma_start3A_153 = tpu.memref_slice %arg10[%dma_start3A_151, %dma_start3A_152] : memref<128x128xf32, #tpu.memory_space<vmem>> -> memref<96x128xf32, #tpu.memory_space<vmem>>
      tpu.enqueue_dma source(%dma_start3A_153 : memref<96x128xf32, #tpu.memory_space<vmem>>) target(%dma_start3A_150 : memref<96x128xf32, #tpu.memory_space<vmem_shared>>) target_semaphore(%run_scoped3A : memref<!tpu.dma_semaphore, #tpu.memory_space<semaphore_mem>>)
      %dma_wait3A = arith.constant 0 : i32
      %dma_wait3A_154 = arith.constant 0 : i32
      %dma_wait3A_155 = tpu.memref_slice %arg10[%dma_wait3A, %dma_wait3A_154] : memref<128x128xf32, #tpu.memory_space<vmem>> -> memref<96x128xf32, #tpu.memory_space<vmem>>
      %dma_wait3A_156 = arith.constant 0 : i32
      %dma_wait3A_157 = tpu.memref_slice %arg12[%add3A_30, %dma_wait3A_156] : memref<7808x128xf32, #tpu.memory_space<vmem_shared>> -> memref<96x128xf32, #tpu.memory_space<vmem_shared>>
      %dma_wait3A_158 = arith.constant 0 : i32
      %dma_wait3A_159 = tpu.memref_slice %arg12[%add3A_30, %dma_wait3A_158] : memref<7808x128xf32, #tpu.memory_space<vmem_shared>> -> memref<96x128xf32, #tpu.memory_space<vmem_shared>>
      %dma_wait3A_160 = arith.constant 0 : i32
      %dma_wait3A_161 = arith.constant 0 : i32
      %dma_wait3A_162 = tpu.memref_slice %arg10[%dma_wait3A_160, %dma_wait3A_161] : memref<128x128xf32, #tpu.memory_space<vmem>> -> memref<96x128xf32, #tpu.memory_space<vmem>>
      tpu.wait_dma2 semaphore(%run_scoped3A : memref<!tpu.dma_semaphore, #tpu.memory_space<semaphore_mem>>) src(%dma_wait3A_162 : memref<96x128xf32, #tpu.memory_space<vmem>>) dst(%dma_wait3A_159 : memref<96x128xf32, #tpu.memory_space<vmem_shared>>)
      tpu.yield
    }) : () -> ()
    %barrier3A = arith.constant 0 : index
    tpu.barrier barrier_id(%barrier3A)
    %lt3A_31 = arith.constant 8 : i32
    %lt3A_32 = arith.cmpi slt, %arg1, %lt3A_31 : i32
    %convert_element_type3A = arith.extui %lt3A_32 : i1 to i32
    %cond3A = arith.constant 0 : i32
    %cond3A_33 = arith.cmpi ne, %convert_element_type3A, %cond3A : i32
    scf.if %cond3A_33 {
      %scan3A = arith.constant 0 : i32
      %scan3A_145 = arith.constant 0 : i32
      %scan3A_146 = arith.constant 22 : i32
      %scan3A_147 = arith.addi %scan3A_145, %scan3A_146 : i32
      %scan3A_148 = arith.constant 1 : i32
      scf.for %scan3A_150 = %scan3A_145 to %scan3A_147 step %scan3A_148  : i32 {
        %mul3A_151 = arith.constant 2 : i32
        %mul3A_152 = arith.muli %mul3A_151, %scan3A_150 : i32
        %mul3A_153 = arith.constant 128 : i32
        %mul3A_154 = arith.muli %mul3A_152, %mul3A_153 : i32
        %add3A_155 = arith.addi %mul3A_8, %mul3A_154 : i32
        %dma_start3A = arith.constant 0 : i32
        %dma_start3A_156 = tpu.memref_slice %arg2[%add3A_155, %dma_start3A] : memref<45056x128xf32, #tpu.memory_space<hbm>> -> memref<128x128xf32, #tpu.memory_space<hbm>>
        %dma_start3A_157 = arith.constant 0 : i32
        %dma_start3A_158 = tpu.memref_slice %arg2[%add3A_155, %dma_start3A_157] : memref<45056x128xf32, #tpu.memory_space<hbm>> -> memref<128x128xf32, #tpu.memory_space<hbm>>
        tpu.enqueue_dma source(%dma_start3A_158 : memref<128x128xf32, #tpu.memory_space<hbm>>) target(%arg10 : memref<128x128xf32, #tpu.memory_space<vmem>>) target_semaphore(%arg13 : memref<!tpu.dma_semaphore, #tpu.memory_space<semaphore_mem>>)
        %add3A_159 = arith.constant 128 : i32
        %add3A_160 = arith.addi %add3A_155, %add3A_159 : i32
        %dma_start3A_161 = arith.constant 0 : i32
        %dma_start3A_162 = tpu.memref_slice %arg2[%add3A_160, %dma_start3A_161] : memref<45056x128xf32, #tpu.memory_space<hbm>> -> memref<128x128xf32, #tpu.memory_space<hbm>>
        %dma_start3A_163 = arith.constant 0 : i32
        %dma_start3A_164 = tpu.memref_slice %arg2[%add3A_160, %dma_start3A_163] : memref<45056x128xf32, #tpu.memory_space<hbm>> -> memref<128x128xf32, #tpu.memory_space<hbm>>
        tpu.enqueue_dma source(%dma_start3A_164 : memref<128x128xf32, #tpu.memory_space<hbm>>) target(%arg11 : memref<128x128xf32, #tpu.memory_space<vmem>>) target_semaphore(%arg14 : memref<!tpu.dma_semaphore, #tpu.memory_space<semaphore_mem>>)
        %get3A = arith.index_cast %mul3A_152 : i32 to index
        %get3A_165 = arith.constant 0 : index
        %get3A_166 = tpu.vector_load %arg7[%get3A, %get3A_165] {strides = array<i32>} : memref<44x128xi32, #tpu.memory_space<vmem>>, vector<1x16xi32>,
        %get3A_167 = vector.shape_cast %get3A_166 : vector<1x16xi32> to vector<16xi32>
        %sub3A = vector.broadcast %mul3A_14 : i32 to vector<16xi32>
        %sub3A_168 = arith.subi %get3A_167, %sub3A : vector<16xi32>
        %iota3A = tpu.iota {dimensions = array<i32: 0>} : vector<16xi32>
        %add3A_169 = arith.constant 7680 : i32
        %add3A_170 = vector.broadcast %add3A_169 : i32 to vector<16xi32>
        %add3A_171 = arith.addi %add3A_170, %iota3A : vector<16xi32>
        %ge3A_172 = arith.constant 0 : i32
        %ge3A_173 = vector.broadcast %ge3A_172 : i32 to vector<16xi32>
        %ge3A_174 = arith.cmpi sge, %sub3A_168, %ge3A_173 : vector<16xi32>
        %lt3A_175 = arith.constant 7680 : i32
        %lt3A_176 = vector.broadcast %lt3A_175 : i32 to vector<16xi32>
        %lt3A_177 = arith.cmpi slt, %sub3A_168, %lt3A_176 : vector<16xi32>
        %and3A_178 = arith.andi %ge3A_174, %lt3A_177 : vector<16xi1>
        %select_n3A_179 = arith.select %and3A_178, %sub3A_168, %add3A_171 : vector<16xi1>, vector<16xi32>
        %swap3A = arith.constant 0 : i32
        %swap3A_180 = arith.index_cast %swap3A : i32 to index
        %swap3A_181 = arith.constant 0 : index
        %swap3A_182 = tpu.vector_load %arg8[%swap3A_180, %swap3A_181] {strides = array<i32>} : memref<1x128xi32, #tpu.memory_space<vmem>>, vector<1x16xi32>,
        %swap3A_183 = vector.shape_cast %swap3A_182 : vector<1x16xi32> to vector<16xi32>
        %swap3A_184 = vector.shape_cast %select_n3A_179 : vector<16xi32> to vector<1x16xi32>
        tpu.vector_store %arg8[%swap3A_180, %swap3A_181], %swap3A_184 {strides = array<i32>} : memref<1x128xi32, #tpu.memory_space<vmem>>, vector<1x16xi32>,
        %get3A_185 = arith.index_cast %mul3A_152 : i32 to index
        %get3A_186 = arith.constant 16 : index
        %get3A_187 = tpu.vector_load %arg7[%get3A_185, %get3A_186] {strides = array<i32>} : memref<44x128xi32, #tpu.memory_space<vmem>>, vector<1x16xi32>,
        %get3A_188 = vector.shape_cast %get3A_187 : vector<1x16xi32> to vector<16xi32>
        %sub3A_189 = vector.broadcast %mul3A_14 : i32 to vector<16xi32>
        %sub3A_190 = arith.subi %get3A_188, %sub3A_189 : vector<16xi32>
        %iota3A_191 = tpu.iota {dimensions = array<i32: 0>} : vector<16xi32>
        %add3A_192 = arith.constant 7696 : i32
        %add3A_193 = vector.broadcast %add3A_192 : i32 to vector<16xi32>
        %add3A_194 = arith.addi %add3A_193, %iota3A_191 : vector<16xi32>
        %ge3A_195 = arith.constant 0 : i32
        %ge3A_196 = vector.broadcast %ge3A_195 : i32 to vector<16xi32>
        %ge3A_197 = arith.cmpi sge, %sub3A_190, %ge3A_196 : vector<16xi32>
        %lt3A_198 = arith.constant 7680 : i32
        %lt3A_199 = vector.broadcast %lt3A_198 : i32 to vector<16xi32>
        %lt3A_200 = arith.cmpi slt, %sub3A_190, %lt3A_199 : vector<16xi32>
        %and3A_201 = arith.andi %ge3A_197, %lt3A_200 : vector<16xi1>
        %select_n3A_202 = arith.select %and3A_201, %sub3A_190, %add3A_194 : vector<16xi1>, vector<16xi32>
        %swap3A_203 = arith.constant 0 : i32
        %swap3A_204 = arith.index_cast %swap3A_203 : i32 to index
        %swap3A_205 = arith.constant 16 : index
        %swap3A_206 = tpu.vector_load %arg8[%swap3A_204, %swap3A_205] {strides = array<i32>} : memref<1x128xi32, #tpu.memory_space<vmem>>, vector<1x16xi32>,
        %swap3A_207 = vector.shape_cast %swap3A_206 : vector<1x16xi32> to vector<16xi32>
        %swap3A_208 = vector.shape_cast %select_n3A_202 : vector<16xi32> to vector<1x16xi32>
        tpu.vector_store %arg8[%swap3A_204, %swap3A_205], %swap3A_208 {strides = array<i32>} : memref<1x128xi32, #tpu.memory_space<vmem>>, vector<1x16xi32>,
        %get3A_209 = arith.index_cast %mul3A_152 : i32 to index
        %get3A_210 = arith.constant 32 : index
        %get3A_211 = tpu.vector_load %arg7[%get3A_209, %get3A_210] {strides = array<i32>} : memref<44x128xi32, #tpu.memory_space<vmem>>, vector<1x16xi32>,
        %get3A_212 = vector.shape_cast %get3A_211 : vector<1x16xi32> to vector<16xi32>
        %sub3A_213 = vector.broadcast %mul3A_14 : i32 to vector<16xi32>
        %sub3A_214 = arith.subi %get3A_212, %sub3A_213 : vector<16xi32>
        %iota3A_215 = tpu.iota {dimensions = array<i32: 0>} : vector<16xi32>
        %add3A_216 = arith.constant 7712 : i32
        %add3A_217 = vector.broadcast %add3A_216 : i32 to vector<16xi32>
        %add3A_218 = arith.addi %add3A_217, %iota3A_215 : vector<16xi32>
        %ge3A_219 = arith.constant 0 : i32
        %ge3A_220 = vector.broadcast %ge3A_219 : i32 to vector<16xi32>
        %ge3A_221 = arith.cmpi sge, %sub3A_214, %ge3A_220 : vector<16xi32>
        %lt3A_222 = arith.constant 7680 : i32
        %lt3A_223 = vector.broadcast %lt3A_222 : i32 to vector<16xi32>
        %lt3A_224 = arith.cmpi slt, %sub3A_214, %lt3A_223 : vector<16xi32>
        %and3A_225 = arith.andi %ge3A_221, %lt3A_224 : vector<16xi1>
        %select_n3A_226 = arith.select %and3A_225, %sub3A_214, %add3A_218 : vector<16xi1>, vector<16xi32>
        %swap3A_227 = arith.constant 0 : i32
        %swap3A_228 = arith.index_cast %swap3A_227 : i32 to index
        %swap3A_229 = arith.constant 32 : index
        %swap3A_230 = tpu.vector_load %arg8[%swap3A_228, %swap3A_229] {strides = array<i32>} : memref<1x128xi32, #tpu.memory_space<vmem>>, vector<1x16xi32>,
        %swap3A_231 = vector.shape_cast %swap3A_230 : vector<1x16xi32> to vector<16xi32>
        %swap3A_232 = vector.shape_cast %select_n3A_226 : vector<16xi32> to vector<1x16xi32>
        tpu.vector_store %arg8[%swap3A_228, %swap3A_229], %swap3A_232 {strides = array<i32>} : memref<1x128xi32, #tpu.memory_space<vmem>>, vector<1x16xi32>,
        %get3A_233 = arith.index_cast %mul3A_152 : i32 to index
        %get3A_234 = arith.constant 48 : index
        %get3A_235 = tpu.vector_load %arg7[%get3A_233, %get3A_234] {strides = array<i32>} : memref<44x128xi32, #tpu.memory_space<vmem>>, vector<1x16xi32>,
        %get3A_236 = vector.shape_cast %get3A_235 : vector<1x16xi32> to vector<16xi32>
        %sub3A_237 = vector.broadcast %mul3A_14 : i32 to vector<16xi32>
        %sub3A_238 = arith.subi %get3A_236, %sub3A_237 : vector<16xi32>
        %iota3A_239 = tpu.iota {dimensions = array<i32: 0>} : vector<16xi32>
        %add3A_240 = arith.constant 7728 : i32
        %add3A_241 = vector.broadcast %add3A_240 : i32 to vector<16xi32>
        %add3A_242 = arith.addi %add3A_241, %iota3A_239 : vector<16xi32>
        %ge3A_243 = arith.constant 0 : i32
        %ge3A_244 = vector.broadcast %ge3A_243 : i32 to vector<16xi32>
        %ge3A_245 = arith.cmpi sge, %sub3A_238, %ge3A_244 : vector<16xi32>
        %lt3A_246 = arith.constant 7680 : i32
        %lt3A_247 = vector.broadcast %lt3A_246 : i32 to vector<16xi32>
        %lt3A_248 = arith.cmpi slt, %sub3A_238, %lt3A_247 : vector<16xi32>
        %and3A_249 = arith.andi %ge3A_245, %lt3A_248 : vector<16xi1>
        %select_n3A_250 = arith.select %and3A_249, %sub3A_238, %add3A_242 : vector<16xi1>, vector<16xi32>
        %swap3A_251 = arith.constant 0 : i32
        %swap3A_252 = arith.index_cast %swap3A_251 : i32 to index
        %swap3A_253 = arith.constant 48 : index
        %swap3A_254 = tpu.vector_load %arg8[%swap3A_252, %swap3A_253] {strides = array<i32>} : memref<1x128xi32, #tpu.memory_space<vmem>>, vector<1x16xi32>,
        %swap3A_255 = vector.shape_cast %swap3A_254 : vector<1x16xi32> to vector<16xi32>
        %swap3A_256 = vector.shape_cast %select_n3A_250 : vector<16xi32> to vector<1x16xi32>
        tpu.vector_store %arg8[%swap3A_252, %swap3A_253], %swap3A_256 {strides = array<i32>} : memref<1x128xi32, #tpu.memory_space<vmem>>, vector<1x16xi32>,
        %get3A_257 = arith.index_cast %mul3A_152 : i32 to index
        %get3A_258 = arith.constant 64 : index
        %get3A_259 = tpu.vector_load %arg7[%get3A_257, %get3A_258] {strides = array<i32>} : memref<44x128xi32, #tpu.memory_space<vmem>>, vector<1x16xi32>,
        %get3A_260 = vector.shape_cast %get3A_259 : vector<1x16xi32> to vector<16xi32>
        %sub3A_261 = vector.broadcast %mul3A_14 : i32 to vector<16xi32>
        %sub3A_262 = arith.subi %get3A_260, %sub3A_261 : vector<16xi32>
        %iota3A_263 = tpu.iota {dimensions = array<i32: 0>} : vector<16xi32>
        %add3A_264 = arith.constant 7744 : i32
        %add3A_265 = vector.broadcast %add3A_264 : i32 to vector<16xi32>
        %add3A_266 = arith.addi %add3A_265, %iota3A_263 : vector<16xi32>
        %ge3A_267 = arith.constant 0 : i32
        %ge3A_268 = vector.broadcast %ge3A_267 : i32 to vector<16xi32>
        %ge3A_269 = arith.cmpi sge, %sub3A_262, %ge3A_268 : vector<16xi32>
        %lt3A_270 = arith.constant 7680 : i32
        %lt3A_271 = vector.broadcast %lt3A_270 : i32 to vector<16xi32>
        %lt3A_272 = arith.cmpi slt, %sub3A_262, %lt3A_271 : vector<16xi32>
        %and3A_273 = arith.andi %ge3A_269, %lt3A_272 : vector<16xi1>
        %select_n3A_274 = arith.select %and3A_273, %sub3A_262, %add3A_266 : vector<16xi1>, vector<16xi32>
        %swap3A_275 = arith.constant 0 : i32
        %swap3A_276 = arith.index_cast %swap3A_275 : i32 to index
        %swap3A_277 = arith.constant 64 : index
        %swap3A_278 = tpu.vector_load %arg8[%swap3A_276, %swap3A_277] {strides = array<i32>} : memref<1x128xi32, #tpu.memory_space<vmem>>, vector<1x16xi32>,
        %swap3A_279 = vector.shape_cast %swap3A_278 : vector<1x16xi32> to vector<16xi32>
        %swap3A_280 = vector.shape_cast %select_n3A_274 : vector<16xi32> to vector<1x16xi32>
        tpu.vector_store %arg8[%swap3A_276, %swap3A_277], %swap3A_280 {strides = array<i32>} : memref<1x128xi32, #tpu.memory_space<vmem>>, vector<1x16xi32>,
        %get3A_281 = arith.index_cast %mul3A_152 : i32 to index
        %get3A_282 = arith.constant 80 : index
        %get3A_283 = tpu.vector_load %arg7[%get3A_281, %get3A_282] {strides = array<i32>} : memref<44x128xi32, #tpu.memory_space<vmem>>, vector<1x16xi32>,
        %get3A_284 = vector.shape_cast %get3A_283 : vector<1x16xi32> to vector<16xi32>
        %sub3A_285 = vector.broadcast %mul3A_14 : i32 to vector<16xi32>
        %sub3A_286 = arith.subi %get3A_284, %sub3A_285 : vector<16xi32>
        %iota3A_287 = tpu.iota {dimensions = array<i32: 0>} : vector<16xi32>
        %add3A_288 = arith.constant 7760 : i32
        %add3A_289 = vector.broadcast %add3A_288 : i32 to vector<16xi32>
        %add3A_290 = arith.addi %add3A_289, %iota3A_287 : vector<16xi32>
        %ge3A_291 = arith.constant 0 : i32
        %ge3A_292 = vector.broadcast %ge3A_291 : i32 to vector<16xi32>
        %ge3A_293 = arith.cmpi sge, %sub3A_286, %ge3A_292 : vector<16xi32>
        %lt3A_294 = arith.constant 7680 : i32
        %lt3A_295 = vector.broadcast %lt3A_294 : i32 to vector<16xi32>
        %lt3A_296 = arith.cmpi slt, %sub3A_286, %lt3A_295 : vector<16xi32>
        %and3A_297 = arith.andi %ge3A_293, %lt3A_296 : vector<16xi1>
        %select_n3A_298 = arith.select %and3A_297, %sub3A_286, %add3A_290 : vector<16xi1>, vector<16xi32>
        %swap3A_299 = arith.constant 0 : i32
        %swap3A_300 = arith.index_cast %swap3A_299 : i32 to index
        %swap3A_301 = arith.constant 80 : index
        %swap3A_302 = tpu.vector_load %arg8[%swap3A_300, %swap3A_301] {strides = array<i32>} : memref<1x128xi32, #tpu.memory_space<vmem>>, vector<1x16xi32>,
        %swap3A_303 = vector.shape_cast %swap3A_302 : vector<1x16xi32> to vector<16xi32>
        %swap3A_304 = vector.shape_cast %select_n3A_298 : vector<16xi32> to vector<1x16xi32>
        tpu.vector_store %arg8[%swap3A_300, %swap3A_301], %swap3A_304 {strides = array<i32>} : memref<1x128xi32, #tpu.memory_space<vmem>>, vector<1x16xi32>,
        %get3A_305 = arith.index_cast %mul3A_152 : i32 to index
        %get3A_306 = arith.constant 96 : index
        %get3A_307 = tpu.vector_load %arg7[%get3A_305, %get3A_306] {strides = array<i32>} : memref<44x128xi32, #tpu.memory_space<vmem>>, vector<1x16xi32>,
        %get3A_308 = vector.shape_cast %get3A_307 : vector<1x16xi32> to vector<16xi32>
        %sub3A_309 = vector.broadcast %mul3A_14 : i32 to vector<16xi32>
        %sub3A_310 = arith.subi %get3A_308, %sub3A_309 : vector<16xi32>
        %iota3A_311 = tpu.iota {dimensions = array<i32: 0>} : vector<16xi32>
        %add3A_312 = arith.constant 7776 : i32
        %add3A_313 = vector.broadcast %add3A_312 : i32 to vector<16xi32>
        %add3A_314 = arith.addi %add3A_313, %iota3A_311 : vector<16xi32>
        %ge3A_315 = arith.constant 0 : i32
        %ge3A_316 = vector.broadcast %ge3A_315 : i32 to vector<16xi32>
        %ge3A_317 = arith.cmpi sge, %sub3A_310, %ge3A_316 : vector<16xi32>
        %lt3A_318 = arith.constant 7680 : i32
        %lt3A_319 = vector.broadcast %lt3A_318 : i32 to vector<16xi32>
        %lt3A_320 = arith.cmpi slt, %sub3A_310, %lt3A_319 : vector<16xi32>
        %and3A_321 = arith.andi %ge3A_317, %lt3A_320 : vector<16xi1>
        %select_n3A_322 = arith.select %and3A_321, %sub3A_310, %add3A_314 : vector<16xi1>, vector<16xi32>
        %swap3A_323 = arith.constant 0 : i32
        %swap3A_324 = arith.index_cast %swap3A_323 : i32 to index
        %swap3A_325 = arith.constant 96 : index
        %swap3A_326 = tpu.vector_load %arg8[%swap3A_324, %swap3A_325] {strides = array<i32>} : memref<1x128xi32, #tpu.memory_space<vmem>>, vector<1x16xi32>,
        %swap3A_327 = vector.shape_cast %swap3A_326 : vector<1x16xi32> to vector<16xi32>
        %swap3A_328 = vector.shape_cast %select_n3A_322 : vector<16xi32> to vector<1x16xi32>
        tpu.vector_store %arg8[%swap3A_324, %swap3A_325], %swap3A_328 {strides = array<i32>} : memref<1x128xi32, #tpu.memory_space<vmem>>, vector<1x16xi32>,
        %get3A_329 = arith.index_cast %mul3A_152 : i32 to index
        %get3A_330 = arith.constant 112 : index
        %get3A_331 = tpu.vector_load %arg7[%get3A_329, %get3A_330] {strides = array<i32>} : memref<44x128xi32, #tpu.memory_space<vmem>>, vector<1x16xi32>,
        %get3A_332 = vector.shape_cast %get3A_331 : vector<1x16xi32> to vector<16xi32>
        %sub3A_333 = vector.broadcast %mul3A_14 : i32 to vector<16xi32>
        %sub3A_334 = arith.subi %get3A_332, %sub3A_333 : vector<16xi32>
        %iota3A_335 = tpu.iota {dimensions = array<i32: 0>} : vector<16xi32>
        %add3A_336 = arith.constant 7792 : i32
        %add3A_337 = vector.broadcast %add3A_336 : i32 to vector<16xi32>
        %add3A_338 = arith.addi %add3A_337, %iota3A_335 : vector<16xi32>
        %ge3A_339 = arith.constant 0 : i32
        %ge3A_340 = vector.broadcast %ge3A_339 : i32 to vector<16xi32>
        %ge3A_341 = arith.cmpi sge, %sub3A_334, %ge3A_340 : vector<16xi32>
        %lt3A_342 = arith.constant 7680 : i32
        %lt3A_343 = vector.broadcast %lt3A_342 : i32 to vector<16xi32>
        %lt3A_344 = arith.cmpi slt, %sub3A_334, %lt3A_343 : vector<16xi32>
        %and3A_345 = arith.andi %ge3A_341, %lt3A_344 : vector<16xi1>
        %select_n3A_346 = arith.select %and3A_345, %sub3A_334, %add3A_338 : vector<16xi1>, vector<16xi32>
        %swap3A_347 = arith.constant 0 : i32
        %swap3A_348 = arith.index_cast %swap3A_347 : i32 to index
        %swap3A_349 = arith.constant 112 : index
        %swap3A_350 = tpu.vector_load %arg8[%swap3A_348, %swap3A_349] {strides = array<i32>} : memref<1x128xi32, #tpu.memory_space<vmem>>, vector<1x16xi32>,
        %swap3A_351 = vector.shape_cast %swap3A_350 : vector<1x16xi32> to vector<16xi32>
        %swap3A_352 = vector.shape_cast %select_n3A_346 : vector<16xi32> to vector<1x16xi32>
        tpu.vector_store %arg8[%swap3A_348, %swap3A_349], %swap3A_352 {strides = array<i32>} : memref<1x128xi32, #tpu.memory_space<vmem>>, vector<1x16xi32>,
        %add3A_353 = arith.constant 1 : i32
        %add3A_354 = arith.addi %mul3A_152, %add3A_353 : i32
        %get3A_355 = arith.index_cast %add3A_354 : i32 to index
        %get3A_356 = arith.constant 0 : index
        %get3A_357 = tpu.vector_load %arg7[%get3A_355, %get3A_356] {strides = array<i32>} : memref<44x128xi32, #tpu.memory_space<vmem>>, vector<1x16xi32>,
        %get3A_358 = vector.shape_cast %get3A_357 : vector<1x16xi32> to vector<16xi32>
        %sub3A_359 = vector.broadcast %mul3A_14 : i32 to vector<16xi32>
        %sub3A_360 = arith.subi %get3A_358, %sub3A_359 : vector<16xi32>
        %iota3A_361 = tpu.iota {dimensions = array<i32: 0>} : vector<16xi32>
        %add3A_362 = arith.constant 7680 : i32
        %add3A_363 = vector.broadcast %add3A_362 : i32 to vector<16xi32>
        %add3A_364 = arith.addi %add3A_363, %iota3A_361 : vector<16xi32>
        %ge3A_365 = arith.constant 0 : i32
        %ge3A_366 = vector.broadcast %ge3A_365 : i32 to vector<16xi32>
        %ge3A_367 = arith.cmpi sge, %sub3A_360, %ge3A_366 : vector<16xi32>
        %lt3A_368 = arith.constant 7680 : i32
        %lt3A_369 = vector.broadcast %lt3A_368 : i32 to vector<16xi32>
        %lt3A_370 = arith.cmpi slt, %sub3A_360, %lt3A_369 : vector<16xi32>
        %and3A_371 = arith.andi %ge3A_367, %lt3A_370 : vector<16xi1>
        %select_n3A_372 = arith.select %and3A_371, %sub3A_360, %add3A_364 : vector<16xi1>, vector<16xi32>
        %swap3A_373 = arith.constant 0 : i32
        %swap3A_374 = arith.index_cast %swap3A_373 : i32 to index
        %swap3A_375 = arith.constant 0 : index
        %swap3A_376 = tpu.vector_load %arg9[%swap3A_374, %swap3A_375] {strides = array<i32>} : memref<1x128xi32, #tpu.memory_space<vmem>>, vector<1x16xi32>,
        %swap3A_377 = vector.shape_cast %swap3A_376 : vector<1x16xi32> to vector<16xi32>
        %swap3A_378 = vector.shape_cast %select_n3A_372 : vector<16xi32> to vector<1x16xi32>
        tpu.vector_store %arg9[%swap3A_374, %swap3A_375], %swap3A_378 {strides = array<i32>} : memref<1x128xi32, #tpu.memory_space<vmem>>, vector<1x16xi32>,
        %get3A_379 = arith.index_cast %add3A_354 : i32 to index
        %get3A_380 = arith.constant 16 : index
        %get3A_381 = tpu.vector_load %arg7[%get3A_379, %get3A_380] {strides = array<i32>} : memref<44x128xi32, #tpu.memory_space<vmem>>, vector<1x16xi32>,
        %get3A_382 = vector.shape_cast %get3A_381 : vector<1x16xi32> to vector<16xi32>
        %sub3A_383 = vector.broadcast %mul3A_14 : i32 to vector<16xi32>
        %sub3A_384 = arith.subi %get3A_382, %sub3A_383 : vector<16xi32>
        %iota3A_385 = tpu.iota {dimensions = array<i32: 0>} : vector<16xi32>
        %add3A_386 = arith.constant 7696 : i32
        %add3A_387 = vector.broadcast %add3A_386 : i32 to vector<16xi32>
        %add3A_388 = arith.addi %add3A_387, %iota3A_385 : vector<16xi32>
        %ge3A_389 = arith.constant 0 : i32
        %ge3A_390 = vector.broadcast %ge3A_389 : i32 to vector<16xi32>
        %ge3A_391 = arith.cmpi sge, %sub3A_384, %ge3A_390 : vector<16xi32>
        %lt3A_392 = arith.constant 7680 : i32
        %lt3A_393 = vector.broadcast %lt3A_392 : i32 to vector<16xi32>
        %lt3A_394 = arith.cmpi slt, %sub3A_384, %lt3A_393 : vector<16xi32>
        %and3A_395 = arith.andi %ge3A_391, %lt3A_394 : vector<16xi1>
        %select_n3A_396 = arith.select %and3A_395, %sub3A_384, %add3A_388 : vector<16xi1>, vector<16xi32>
        %swap3A_397 = arith.constant 0 : i32
        %swap3A_398 = arith.index_cast %swap3A_397 : i32 to index
        %swap3A_399 = arith.constant 16 : index
        %swap3A_400 = tpu.vector_load %arg9[%swap3A_398, %swap3A_399] {strides = array<i32>} : memref<1x128xi32, #tpu.memory_space<vmem>>, vector<1x16xi32>,
        %swap3A_401 = vector.shape_cast %swap3A_400 : vector<1x16xi32> to vector<16xi32>
        %swap3A_402 = vector.shape_cast %select_n3A_396 : vector<16xi32> to vector<1x16xi32>
        tpu.vector_store %arg9[%swap3A_398, %swap3A_399], %swap3A_402 {strides = array<i32>} : memref<1x128xi32, #tpu.memory_space<vmem>>, vector<1x16xi32>,
        %get3A_403 = arith.index_cast %add3A_354 : i32 to index
        %get3A_404 = arith.constant 32 : index
        %get3A_405 = tpu.vector_load %arg7[%get3A_403, %get3A_404] {strides = array<i32>} : memref<44x128xi32, #tpu.memory_space<vmem>>, vector<1x16xi32>,
        %get3A_406 = vector.shape_cast %get3A_405 : vector<1x16xi32> to vector<16xi32>
        %sub3A_407 = vector.broadcast %mul3A_14 : i32 to vector<16xi32>
        %sub3A_408 = arith.subi %get3A_406, %sub3A_407 : vector<16xi32>
        %iota3A_409 = tpu.iota {dimensions = array<i32: 0>} : vector<16xi32>
        %add3A_410 = arith.constant 7712 : i32
        %add3A_411 = vector.broadcast %add3A_410 : i32 to vector<16xi32>
        %add3A_412 = arith.addi %add3A_411, %iota3A_409 : vector<16xi32>
        %ge3A_413 = arith.constant 0 : i32
        %ge3A_414 = vector.broadcast %ge3A_413 : i32 to vector<16xi32>
        %ge3A_415 = arith.cmpi sge, %sub3A_408, %ge3A_414 : vector<16xi32>
        %lt3A_416 = arith.constant 7680 : i32
        %lt3A_417 = vector.broadcast %lt3A_416 : i32 to vector<16xi32>
        %lt3A_418 = arith.cmpi slt, %sub3A_408, %lt3A_417 : vector<16xi32>
        %and3A_419 = arith.andi %ge3A_415, %lt3A_418 : vector<16xi1>
        %select_n3A_420 = arith.select %and3A_419, %sub3A_408, %add3A_412 : vector<16xi1>, vector<16xi32>
        %swap3A_421 = arith.constant 0 : i32
        %swap3A_422 = arith.index_cast %swap3A_421 : i32 to index
        %swap3A_423 = arith.constant 32 : index
        %swap3A_424 = tpu.vector_load %arg9[%swap3A_422, %swap3A_423] {strides = array<i32>} : memref<1x128xi32, #tpu.memory_space<vmem>>, vector<1x16xi32>,
        %swap3A_425 = vector.shape_cast %swap3A_424 : vector<1x16xi32> to vector<16xi32>
        %swap3A_426 = vector.shape_cast %select_n3A_420 : vector<16xi32> to vector<1x16xi32>
        tpu.vector_store %arg9[%swap3A_422, %swap3A_423], %swap3A_426 {strides = array<i32>} : memref<1x128xi32, #tpu.memory_space<vmem>>, vector<1x16xi32>,
        %get3A_427 = arith.index_cast %add3A_354 : i32 to index
        %get3A_428 = arith.constant 48 : index
        %get3A_429 = tpu.vector_load %arg7[%get3A_427, %get3A_428] {strides = array<i32>} : memref<44x128xi32, #tpu.memory_space<vmem>>, vector<1x16xi32>,
        %get3A_430 = vector.shape_cast %get3A_429 : vector<1x16xi32> to vector<16xi32>
        %sub3A_431 = vector.broadcast %mul3A_14 : i32 to vector<16xi32>
        %sub3A_432 = arith.subi %get3A_430, %sub3A_431 : vector<16xi32>
        %iota3A_433 = tpu.iota {dimensions = array<i32: 0>} : vector<16xi32>
        %add3A_434 = arith.constant 7728 : i32
        %add3A_435 = vector.broadcast %add3A_434 : i32 to vector<16xi32>
        %add3A_436 = arith.addi %add3A_435, %iota3A_433 : vector<16xi32>
        %ge3A_437 = arith.constant 0 : i32
        %ge3A_438 = vector.broadcast %ge3A_437 : i32 to vector<16xi32>
        %ge3A_439 = arith.cmpi sge, %sub3A_432, %ge3A_438 : vector<16xi32>
        %lt3A_440 = arith.constant 7680 : i32
        %lt3A_441 = vector.broadcast %lt3A_440 : i32 to vector<16xi32>
        %lt3A_442 = arith.cmpi slt, %sub3A_432, %lt3A_441 : vector<16xi32>
        %and3A_443 = arith.andi %ge3A_439, %lt3A_442 : vector<16xi1>
        %select_n3A_444 = arith.select %and3A_443, %sub3A_432, %add3A_436 : vector<16xi1>, vector<16xi32>
        %swap3A_445 = arith.constant 0 : i32
        %swap3A_446 = arith.index_cast %swap3A_445 : i32 to index
        %swap3A_447 = arith.constant 48 : index
        %swap3A_448 = tpu.vector_load %arg9[%swap3A_446, %swap3A_447] {strides = array<i32>} : memref<1x128xi32, #tpu.memory_space<vmem>>, vector<1x16xi32>,
        %swap3A_449 = vector.shape_cast %swap3A_448 : vector<1x16xi32> to vector<16xi32>
        %swap3A_450 = vector.shape_cast %select_n3A_444 : vector<16xi32> to vector<1x16xi32>
        tpu.vector_store %arg9[%swap3A_446, %swap3A_447], %swap3A_450 {strides = array<i32>} : memref<1x128xi32, #tpu.memory_space<vmem>>, vector<1x16xi32>,
        %get3A_451 = arith.index_cast %add3A_354 : i32 to index
        %get3A_452 = arith.constant 64 : index
        %get3A_453 = tpu.vector_load %arg7[%get3A_451, %get3A_452] {strides = array<i32>} : memref<44x128xi32, #tpu.memory_space<vmem>>, vector<1x16xi32>,
        %get3A_454 = vector.shape_cast %get3A_453 : vector<1x16xi32> to vector<16xi32>
        %sub3A_455 = vector.broadcast %mul3A_14 : i32 to vector<16xi32>
        %sub3A_456 = arith.subi %get3A_454, %sub3A_455 : vector<16xi32>
        %iota3A_457 = tpu.iota {dimensions = array<i32: 0>} : vector<16xi32>
        %add3A_458 = arith.constant 7744 : i32
        %add3A_459 = vector.broadcast %add3A_458 : i32 to vector<16xi32>
        %add3A_460 = arith.addi %add3A_459, %iota3A_457 : vector<16xi32>
        %ge3A_461 = arith.constant 0 : i32
        %ge3A_462 = vector.broadcast %ge3A_461 : i32 to vector<16xi32>
        %ge3A_463 = arith.cmpi sge, %sub3A_456, %ge3A_462 : vector<16xi32>
        %lt3A_464 = arith.constant 7680 : i32
        %lt3A_465 = vector.broadcast %lt3A_464 : i32 to vector<16xi32>
        %lt3A_466 = arith.cmpi slt, %sub3A_456, %lt3A_465 : vector<16xi32>
        %and3A_467 = arith.andi %ge3A_463, %lt3A_466 : vector<16xi1>
        %select_n3A_468 = arith.select %and3A_467, %sub3A_456, %add3A_460 : vector<16xi1>, vector<16xi32>
        %swap3A_469 = arith.constant 0 : i32
        %swap3A_470 = arith.index_cast %swap3A_469 : i32 to index
        %swap3A_471 = arith.constant 64 : index
        %swap3A_472 = tpu.vector_load %arg9[%swap3A_470, %swap3A_471] {strides = array<i32>} : memref<1x128xi32, #tpu.memory_space<vmem>>, vector<1x16xi32>,
        %swap3A_473 = vector.shape_cast %swap3A_472 : vector<1x16xi32> to vector<16xi32>
        %swap3A_474 = vector.shape_cast %select_n3A_468 : vector<16xi32> to vector<1x16xi32>
        tpu.vector_store %arg9[%swap3A_470, %swap3A_471], %swap3A_474 {strides = array<i32>} : memref<1x128xi32, #tpu.memory_space<vmem>>, vector<1x16xi32>,
        %get3A_475 = arith.index_cast %add3A_354 : i32 to index
        %get3A_476 = arith.constant 80 : index
        %get3A_477 = tpu.vector_load %arg7[%get3A_475, %get3A_476] {strides = array<i32>} : memref<44x128xi32, #tpu.memory_space<vmem>>, vector<1x16xi32>,
        %get3A_478 = vector.shape_cast %get3A_477 : vector<1x16xi32> to vector<16xi32>
        %sub3A_479 = vector.broadcast %mul3A_14 : i32 to vector<16xi32>
        %sub3A_480 = arith.subi %get3A_478, %sub3A_479 : vector<16xi32>
        %iota3A_481 = tpu.iota {dimensions = array<i32: 0>} : vector<16xi32>
        %add3A_482 = arith.constant 7760 : i32
        %add3A_483 = vector.broadcast %add3A_482 : i32 to vector<16xi32>
        %add3A_484 = arith.addi %add3A_483, %iota3A_481 : vector<16xi32>
        %ge3A_485 = arith.constant 0 : i32
        %ge3A_486 = vector.broadcast %ge3A_485 : i32 to vector<16xi32>
        %ge3A_487 = arith.cmpi sge, %sub3A_480, %ge3A_486 : vector<16xi32>
        %lt3A_488 = arith.constant 7680 : i32
        %lt3A_489 = vector.broadcast %lt3A_488 : i32 to vector<16xi32>
        %lt3A_490 = arith.cmpi slt, %sub3A_480, %lt3A_489 : vector<16xi32>
        %and3A_491 = arith.andi %ge3A_487, %lt3A_490 : vector<16xi1>
        %select_n3A_492 = arith.select %and3A_491, %sub3A_480, %add3A_484 : vector<16xi1>, vector<16xi32>
        %swap3A_493 = arith.constant 0 : i32
        %swap3A_494 = arith.index_cast %swap3A_493 : i32 to index
        %swap3A_495 = arith.constant 80 : index
        %swap3A_496 = tpu.vector_load %arg9[%swap3A_494, %swap3A_495] {strides = array<i32>} : memref<1x128xi32, #tpu.memory_space<vmem>>, vector<1x16xi32>,
        %swap3A_497 = vector.shape_cast %swap3A_496 : vector<1x16xi32> to vector<16xi32>
        %swap3A_498 = vector.shape_cast %select_n3A_492 : vector<16xi32> to vector<1x16xi32>
        tpu.vector_store %arg9[%swap3A_494, %swap3A_495], %swap3A_498 {strides = array<i32>} : memref<1x128xi32, #tpu.memory_space<vmem>>, vector<1x16xi32>,
        %get3A_499 = arith.index_cast %add3A_354 : i32 to index
        %get3A_500 = arith.constant 96 : index
        %get3A_501 = tpu.vector_load %arg7[%get3A_499, %get3A_500] {strides = array<i32>} : memref<44x128xi32, #tpu.memory_space<vmem>>, vector<1x16xi32>,
        %get3A_502 = vector.shape_cast %get3A_501 : vector<1x16xi32> to vector<16xi32>
        %sub3A_503 = vector.broadcast %mul3A_14 : i32 to vector<16xi32>
        %sub3A_504 = arith.subi %get3A_502, %sub3A_503 : vector<16xi32>
        %iota3A_505 = tpu.iota {dimensions = array<i32: 0>} : vector<16xi32>
        %add3A_506 = arith.constant 7776 : i32
        %add3A_507 = vector.broadcast %add3A_506 : i32 to vector<16xi32>
        %add3A_508 = arith.addi %add3A_507, %iota3A_505 : vector<16xi32>
        %ge3A_509 = arith.constant 0 : i32
        %ge3A_510 = vector.broadcast %ge3A_509 : i32 to vector<16xi32>
        %ge3A_511 = arith.cmpi sge, %sub3A_504, %ge3A_510 : vector<16xi32>
        %lt3A_512 = arith.constant 7680 : i32
        %lt3A_513 = vector.broadcast %lt3A_512 : i32 to vector<16xi32>
        %lt3A_514 = arith.cmpi slt, %sub3A_504, %lt3A_513 : vector<16xi32>
        %and3A_515 = arith.andi %ge3A_511, %lt3A_514 : vector<16xi1>
        %select_n3A_516 = arith.select %and3A_515, %sub3A_504, %add3A_508 : vector<16xi1>, vector<16xi32>
        %swap3A_517 = arith.constant 0 : i32
        %swap3A_518 = arith.index_cast %swap3A_517 : i32 to index
        %swap3A_519 = arith.constant 96 : index
        %swap3A_520 = tpu.vector_load %arg9[%swap3A_518, %swap3A_519] {strides = array<i32>} : memref<1x128xi32, #tpu.memory_space<vmem>>, vector<1x16xi32>,
        %swap3A_521 = vector.shape_cast %swap3A_520 : vector<1x16xi32> to vector<16xi32>
        %swap3A_522 = vector.shape_cast %select_n3A_516 : vector<16xi32> to vector<1x16xi32>
        tpu.vector_store %arg9[%swap3A_518, %swap3A_519], %swap3A_522 {strides = array<i32>} : memref<1x128xi32, #tpu.memory_space<vmem>>, vector<1x16xi32>,
        %get3A_523 = arith.index_cast %add3A_354 : i32 to index
        %get3A_524 = arith.constant 112 : index
        %get3A_525 = tpu.vector_load %arg7[%get3A_523, %get3A_524] {strides = array<i32>} : memref<44x128xi32, #tpu.memory_space<vmem>>, vector<1x16xi32>,
        %get3A_526 = vector.shape_cast %get3A_525 : vector<1x16xi32> to vector<16xi32>
        %sub3A_527 = vector.broadcast %mul3A_14 : i32 to vector<16xi32>
        %sub3A_528 = arith.subi %get3A_526, %sub3A_527 : vector<16xi32>
        %iota3A_529 = tpu.iota {dimensions = array<i32: 0>} : vector<16xi32>
        %add3A_530 = arith.constant 7792 : i32
        %add3A_531 = vector.broadcast %add3A_530 : i32 to vector<16xi32>
        %add3A_532 = arith.addi %add3A_531, %iota3A_529 : vector<16xi32>
        %ge3A_533 = arith.constant 0 : i32
        %ge3A_534 = vector.broadcast %ge3A_533 : i32 to vector<16xi32>
        %ge3A_535 = arith.cmpi sge, %sub3A_528, %ge3A_534 : vector<16xi32>
        %lt3A_536 = arith.constant 7680 : i32
        %lt3A_537 = vector.broadcast %lt3A_536 : i32 to vector<16xi32>
        %lt3A_538 = arith.cmpi slt, %sub3A_528, %lt3A_537 : vector<16xi32>
        %and3A_539 = arith.andi %ge3A_535, %lt3A_538 : vector<16xi1>
        %select_n3A_540 = arith.select %and3A_539, %sub3A_528, %add3A_532 : vector<16xi1>, vector<16xi32>
        %swap3A_541 = arith.constant 0 : i32
        %swap3A_542 = arith.index_cast %swap3A_541 : i32 to index
        %swap3A_543 = arith.constant 112 : index
        %swap3A_544 = tpu.vector_load %arg9[%swap3A_542, %swap3A_543] {strides = array<i32>} : memref<1x128xi32, #tpu.memory_space<vmem>>, vector<1x16xi32>,
        %swap3A_545 = vector.shape_cast %swap3A_544 : vector<1x16xi32> to vector<16xi32>
        %swap3A_546 = vector.shape_cast %select_n3A_540 : vector<16xi32> to vector<1x16xi32>
        tpu.vector_store %arg9[%swap3A_542, %swap3A_543], %swap3A_546 {strides = array<i32>} : memref<1x128xi32, #tpu.memory_space<vmem>>, vector<1x16xi32>,
        %dma_wait3A = arith.constant 0 : i32
        %dma_wait3A_547 = tpu.memref_slice %arg2[%add3A_155, %dma_wait3A] : memref<45056x128xf32, #tpu.memory_space<hbm>> -> memref<128x128xf32, #tpu.memory_space<hbm>>
        %dma_wait3A_548 = arith.constant 0 : i32
        %dma_wait3A_549 = tpu.memref_slice %arg2[%add3A_155, %dma_wait3A_548] : memref<45056x128xf32, #tpu.memory_space<hbm>> -> memref<128x128xf32, #tpu.memory_space<hbm>>
        tpu.wait_dma2 semaphore(%arg13 : memref<!tpu.dma_semaphore, #tpu.memory_space<semaphore_mem>>) src(%dma_wait3A_549 : memref<128x128xf32, #tpu.memory_space<hbm>>) dst(%arg10 : memref<128x128xf32, #tpu.memory_space<vmem>>)
        %dma_start3A_550 = arith.constant 0 : i32
        %dma_start3A_551 = arith.constant 0 : i32
        %dma_start3A_552 = tpu.memref_slice %arg8[%dma_start3A_550, %dma_start3A_551] : memref<1x128xi32, #tpu.memory_space<vmem>> -> memref<1x128xi32, #tpu.memory_space<vmem>>
        %dma_start3A_553 = tpu.memref_squeeze %dma_start3A_552 : memref<1x128xi32, #tpu.memory_space<vmem>> -> memref<128xi32, #tpu.memory_space<vmem>>
        %dma_start3A_554 = arith.constant 0 : i32
        %dma_start3A_555 = arith.constant 0 : i32
        %dma_start3A_556 = tpu.memref_slice %arg12[%dma_start3A_554, %dma_start3A_555] : memref<7808x128xf32, #tpu.memory_space<vmem_shared>> -> memref<7808x128xf32, #tpu.memory_space<vmem_shared>>
        tpu.enqueue_indirect_dma source(%arg10 : memref<128x128xf32, #tpu.memory_space<vmem>>) target(%dma_start3A_556 : memref<7808x128xf32, #tpu.memory_space<vmem_shared>>) offsets(%dma_start3A_553 : memref<128xi32, #tpu.memory_space<vmem>>) semaphore(%arg15 : memref<!tpu.dma_semaphore, #tpu.memory_space<semaphore_mem>>) {add = true}
        %dma_wait3A_557 = arith.constant 0 : i32
        %dma_wait3A_558 = tpu.memref_slice %arg2[%add3A_160, %dma_wait3A_557] : memref<45056x128xf32, #tpu.memory_space<hbm>> -> memref<128x128xf32, #tpu.memory_space<hbm>>
        %dma_wait3A_559 = arith.constant 0 : i32
        %dma_wait3A_560 = tpu.memref_slice %arg2[%add3A_160, %dma_wait3A_559] : memref<45056x128xf32, #tpu.memory_space<hbm>> -> memref<128x128xf32, #tpu.memory_space<hbm>>
        tpu.wait_dma2 semaphore(%arg14 : memref<!tpu.dma_semaphore, #tpu.memory_space<semaphore_mem>>) src(%dma_wait3A_560 : memref<128x128xf32, #tpu.memory_space<hbm>>) dst(%arg11 : memref<128x128xf32, #tpu.memory_space<vmem>>)
        %dma_start3A_561 = arith.constant 0 : i32
        %dma_start3A_562 = arith.constant 0 : i32
        %dma_start3A_563 = tpu.memref_slice %arg9[%dma_start3A_561, %dma_start3A_562] : memref<1x128xi32, #tpu.memory_space<vmem>> -> memref<1x128xi32, #tpu.memory_space<vmem>>
        %dma_start3A_564 = tpu.memref_squeeze %dma_start3A_563 : memref<1x128xi32, #tpu.memory_space<vmem>> -> memref<128xi32, #tpu.memory_space<vmem>>
        %dma_start3A_565 = arith.constant 0 : i32
        %dma_start3A_566 = arith.constant 0 : i32
        %dma_start3A_567 = tpu.memref_slice %arg12[%dma_start3A_565, %dma_start3A_566] : memref<7808x128xf32, #tpu.memory_space<vmem_shared>> -> memref<7808x128xf32, #tpu.memory_space<vmem_shared>>
        tpu.enqueue_indirect_dma source(%arg11 : memref<128x128xf32, #tpu.memory_space<vmem>>) target(%dma_start3A_567 : memref<7808x128xf32, #tpu.memory_space<vmem_shared>>) offsets(%dma_start3A_564 : memref<128xi32, #tpu.memory_space<vmem>>) semaphore(%arg16 : memref<!tpu.dma_semaphore, #tpu.memory_space<semaphore_mem>>) {add = true}
        %dma_wait3A_568 = arith.constant 0 : i32
        %dma_wait3A_569 = arith.constant 0 : i32
        %dma_wait3A_570 = tpu.memref_slice %arg8[%dma_wait3A_568, %dma_wait3A_569] : memref<1x128xi32, #tpu.memory_space<vmem>> -> memref<1x128xi32, #tpu.memory_space<vmem>>
        %dma_wait3A_571 = tpu.memref_squeeze %dma_wait3A_570 : memref<1x128xi32, #tpu.memory_space<vmem>> -> memref<128xi32, #tpu.memory_space<vmem>>
        %dma_wait3A_572 = arith.constant 0 : i32
        %dma_wait3A_573 = arith.constant 0 : i32
        %dma_wait3A_574 = tpu.memref_slice %arg12[%dma_wait3A_572, %dma_wait3A_573] : memref<7808x128xf32, #tpu.memory_space<vmem_shared>> -> memref<7808x128xf32, #tpu.memory_space<vmem_shared>>
        tpu.wait_indirect_dma semaphore(%arg15 : memref<!tpu.dma_semaphore, #tpu.memory_space<semaphore_mem>>) src(%arg10 : memref<128x128xf32, #tpu.memory_space<vmem>>) dst(%dma_wait3A_574 : memref<7808x128xf32, #tpu.memory_space<vmem_shared>>)
        %dma_wait3A_575 = arith.constant 0 : i32
        %dma_wait3A_576 = arith.constant 0 : i32
        %dma_wait3A_577 = tpu.memref_slice %arg9[%dma_wait3A_575, %dma_wait3A_576] : memref<1x128xi32, #tpu.memory_space<vmem>> -> memref<1x128xi32, #tpu.memory_space<vmem>>
        %dma_wait3A_578 = tpu.memref_squeeze %dma_wait3A_577 : memref<1x128xi32, #tpu.memory_space<vmem>> -> memref<128xi32, #tpu.memory_space<vmem>>
        %dma_wait3A_579 = arith.constant 0 : i32
        %dma_wait3A_580 = arith.constant 0 : i32
        %dma_wait3A_581 = tpu.memref_slice %arg12[%dma_wait3A_579, %dma_wait3A_580] : memref<7808x128xf32, #tpu.memory_space<vmem_shared>> -> memref<7808x128xf32, #tpu.memory_space<vmem_shared>>
        tpu.wait_indirect_dma semaphore(%arg16 : memref<!tpu.dma_semaphore, #tpu.memory_space<semaphore_mem>>) src(%arg11 : memref<128x128xf32, #tpu.memory_space<vmem>>) dst(%dma_wait3A_581 : memref<7808x128xf32, #tpu.memory_space<vmem_shared>>)
      }
      %scan3A_149 = arith.constant 22 : i32
    } else {
    }
    %ge3A = arith.constant 8 : i32
    %ge3A_34 = arith.cmpi sge, %arg1, %ge3A : i32
    %convert_element_type3A_35 = arith.extui %ge3A_34 : i1 to i32
    %cond3A_36 = arith.constant 0 : i32
    %cond3A_37 = arith.cmpi ne, %convert_element_type3A_35, %cond3A_36 : i32
    scf.if %cond3A_37 {
      %scan3A = arith.constant 0 : i32
      %scan3A_145 = arith.constant 0 : i32
      %scan3A_146 = arith.constant 22 : i32
      %scan3A_147 = arith.addi %scan3A_145, %scan3A_146 : i32
      %scan3A_148 = arith.constant 1 : i32
      scf.for %scan3A_150 = %scan3A_145 to %scan3A_147 step %scan3A_148  : i32 {
        %mul3A_151 = arith.constant 2 : i32
        %mul3A_152 = arith.muli %mul3A_151, %scan3A_150 : i32
        %mul3A_153 = arith.constant 128 : i32
        %mul3A_154 = arith.muli %mul3A_152, %mul3A_153 : i32
        %add3A_155 = arith.addi %mul3A_8, %mul3A_154 : i32
        %dma_start3A = arith.constant 0 : i32
        %dma_start3A_156 = tpu.memref_slice %arg3[%add3A_155, %dma_start3A] : memref<45056x128xf32, #tpu.memory_space<hbm>> -> memref<128x128xf32, #tpu.memory_space<hbm>>
        %dma_start3A_157 = arith.constant 0 : i32
        %dma_start3A_158 = tpu.memref_slice %arg3[%add3A_155, %dma_start3A_157] : memref<45056x128xf32, #tpu.memory_space<hbm>> -> memref<128x128xf32, #tpu.memory_space<hbm>>
        tpu.enqueue_dma source(%dma_start3A_158 : memref<128x128xf32, #tpu.memory_space<hbm>>) target(%arg10 : memref<128x128xf32, #tpu.memory_space<vmem>>) target_semaphore(%arg13 : memref<!tpu.dma_semaphore, #tpu.memory_space<semaphore_mem>>)
        %add3A_159 = arith.constant 128 : i32
        %add3A_160 = arith.addi %add3A_155, %add3A_159 : i32
        %dma_start3A_161 = arith.constant 0 : i32
        %dma_start3A_162 = tpu.memref_slice %arg3[%add3A_160, %dma_start3A_161] : memref<45056x128xf32, #tpu.memory_space<hbm>> -> memref<128x128xf32, #tpu.memory_space<hbm>>
        %dma_start3A_163 = arith.constant 0 : i32
        %dma_start3A_164 = tpu.memref_slice %arg3[%add3A_160, %dma_start3A_163] : memref<45056x128xf32, #tpu.memory_space<hbm>> -> memref<128x128xf32, #tpu.memory_space<hbm>>
        tpu.enqueue_dma source(%dma_start3A_164 : memref<128x128xf32, #tpu.memory_space<hbm>>) target(%arg11 : memref<128x128xf32, #tpu.memory_space<vmem>>) target_semaphore(%arg14 : memref<!tpu.dma_semaphore, #tpu.memory_space<semaphore_mem>>)
        %get3A = arith.index_cast %mul3A_152 : i32 to index
        %get3A_165 = arith.constant 0 : index
        %get3A_166 = tpu.vector_load %arg7[%get3A, %get3A_165] {strides = array<i32>} : memref<44x128xi32, #tpu.memory_space<vmem>>, vector<1x16xi32>,
        %get3A_167 = vector.shape_cast %get3A_166 : vector<1x16xi32> to vector<16xi32>
        %sub3A = vector.broadcast %mul3A_14 : i32 to vector<16xi32>
        %sub3A_168 = arith.subi %get3A_167, %sub3A : vector<16xi32>
        %iota3A = tpu.iota {dimensions = array<i32: 0>} : vector<16xi32>
        %add3A_169 = arith.constant 7680 : i32
        %add3A_170 = vector.broadcast %add3A_169 : i32 to vector<16xi32>
        %add3A_171 = arith.addi %add3A_170, %iota3A : vector<16xi32>
        %ge3A_172 = arith.constant 0 : i32
        %ge3A_173 = vector.broadcast %ge3A_172 : i32 to vector<16xi32>
        %ge3A_174 = arith.cmpi sge, %sub3A_168, %ge3A_173 : vector<16xi32>
        %lt3A_175 = arith.constant 7680 : i32
        %lt3A_176 = vector.broadcast %lt3A_175 : i32 to vector<16xi32>
        %lt3A_177 = arith.cmpi slt, %sub3A_168, %lt3A_176 : vector<16xi32>
        %and3A_178 = arith.andi %ge3A_174, %lt3A_177 : vector<16xi1>
        %select_n3A_179 = arith.select %and3A_178, %sub3A_168, %add3A_171 : vector<16xi1>, vector<16xi32>
        %swap3A = arith.constant 0 : i32
        %swap3A_180 = arith.index_cast %swap3A : i32 to index
        %swap3A_181 = arith.constant 0 : index
        %swap3A_182 = tpu.vector_load %arg8[%swap3A_180, %swap3A_181] {strides = array<i32>} : memref<1x128xi32, #tpu.memory_space<vmem>>, vector<1x16xi32>,
        %swap3A_183 = vector.shape_cast %swap3A_182 : vector<1x16xi32> to vector<16xi32>
        %swap3A_184 = vector.shape_cast %select_n3A_179 : vector<16xi32> to vector<1x16xi32>
        tpu.vector_store %arg8[%swap3A_180, %swap3A_181], %swap3A_184 {strides = array<i32>} : memref<1x128xi32, #tpu.memory_space<vmem>>, vector<1x16xi32>,
        %get3A_185 = arith.index_cast %mul3A_152 : i32 to index
        %get3A_186 = arith.constant 16 : index
        %get3A_187 = tpu.vector_load %arg7[%get3A_185, %get3A_186] {strides = array<i32>} : memref<44x128xi32, #tpu.memory_space<vmem>>, vector<1x16xi32>,
        %get3A_188 = vector.shape_cast %get3A_187 : vector<1x16xi32> to vector<16xi32>
        %sub3A_189 = vector.broadcast %mul3A_14 : i32 to vector<16xi32>
        %sub3A_190 = arith.subi %get3A_188, %sub3A_189 : vector<16xi32>
        %iota3A_191 = tpu.iota {dimensions = array<i32: 0>} : vector<16xi32>
        %add3A_192 = arith.constant 7696 : i32
        %add3A_193 = vector.broadcast %add3A_192 : i32 to vector<16xi32>
        %add3A_194 = arith.addi %add3A_193, %iota3A_191 : vector<16xi32>
        %ge3A_195 = arith.constant 0 : i32
        %ge3A_196 = vector.broadcast %ge3A_195 : i32 to vector<16xi32>
        %ge3A_197 = arith.cmpi sge, %sub3A_190, %ge3A_196 : vector<16xi32>
        %lt3A_198 = arith.constant 7680 : i32
        %lt3A_199 = vector.broadcast %lt3A_198 : i32 to vector<16xi32>
        %lt3A_200 = arith.cmpi slt, %sub3A_190, %lt3A_199 : vector<16xi32>
        %and3A_201 = arith.andi %ge3A_197, %lt3A_200 : vector<16xi1>
        %select_n3A_202 = arith.select %and3A_201, %sub3A_190, %add3A_194 : vector<16xi1>, vector<16xi32>
        %swap3A_203 = arith.constant 0 : i32
        %swap3A_204 = arith.index_cast %swap3A_203 : i32 to index
        %swap3A_205 = arith.constant 16 : index
        %swap3A_206 = tpu.vector_load %arg8[%swap3A_204, %swap3A_205] {strides = array<i32>} : memref<1x128xi32, #tpu.memory_space<vmem>>, vector<1x16xi32>,
        %swap3A_207 = vector.shape_cast %swap3A_206 : vector<1x16xi32> to vector<16xi32>
        %swap3A_208 = vector.shape_cast %select_n3A_202 : vector<16xi32> to vector<1x16xi32>
        tpu.vector_store %arg8[%swap3A_204, %swap3A_205], %swap3A_208 {strides = array<i32>} : memref<1x128xi32, #tpu.memory_space<vmem>>, vector<1x16xi32>,
        %get3A_209 = arith.index_cast %mul3A_152 : i32 to index
        %get3A_210 = arith.constant 32 : index
        %get3A_211 = tpu.vector_load %arg7[%get3A_209, %get3A_210] {strides = array<i32>} : memref<44x128xi32, #tpu.memory_space<vmem>>, vector<1x16xi32>,
        %get3A_212 = vector.shape_cast %get3A_211 : vector<1x16xi32> to vector<16xi32>
        %sub3A_213 = vector.broadcast %mul3A_14 : i32 to vector<16xi32>
        %sub3A_214 = arith.subi %get3A_212, %sub3A_213 : vector<16xi32>
        %iota3A_215 = tpu.iota {dimensions = array<i32: 0>} : vector<16xi32>
        %add3A_216 = arith.constant 7712 : i32
        %add3A_217 = vector.broadcast %add3A_216 : i32 to vector<16xi32>
        %add3A_218 = arith.addi %add3A_217, %iota3A_215 : vector<16xi32>
        %ge3A_219 = arith.constant 0 : i32
        %ge3A_220 = vector.broadcast %ge3A_219 : i32 to vector<16xi32>
        %ge3A_221 = arith.cmpi sge, %sub3A_214, %ge3A_220 : vector<16xi32>
        %lt3A_222 = arith.constant 7680 : i32
        %lt3A_223 = vector.broadcast %lt3A_222 : i32 to vector<16xi32>
        %lt3A_224 = arith.cmpi slt, %sub3A_214, %lt3A_223 : vector<16xi32>
        %and3A_225 = arith.andi %ge3A_221, %lt3A_224 : vector<16xi1>
        %select_n3A_226 = arith.select %and3A_225, %sub3A_214, %add3A_218 : vector<16xi1>, vector<16xi32>
        %swap3A_227 = arith.constant 0 : i32
        %swap3A_228 = arith.index_cast %swap3A_227 : i32 to index
        %swap3A_229 = arith.constant 32 : index
        %swap3A_230 = tpu.vector_load %arg8[%swap3A_228, %swap3A_229] {strides = array<i32>} : memref<1x128xi32, #tpu.memory_space<vmem>>, vector<1x16xi32>,
        %swap3A_231 = vector.shape_cast %swap3A_230 : vector<1x16xi32> to vector<16xi32>
        %swap3A_232 = vector.shape_cast %select_n3A_226 : vector<16xi32> to vector<1x16xi32>
        tpu.vector_store %arg8[%swap3A_228, %swap3A_229], %swap3A_232 {strides = array<i32>} : memref<1x128xi32, #tpu.memory_space<vmem>>, vector<1x16xi32>,
        %get3A_233 = arith.index_cast %mul3A_152 : i32 to index
        %get3A_234 = arith.constant 48 : index
        %get3A_235 = tpu.vector_load %arg7[%get3A_233, %get3A_234] {strides = array<i32>} : memref<44x128xi32, #tpu.memory_space<vmem>>, vector<1x16xi32>,
        %get3A_236 = vector.shape_cast %get3A_235 : vector<1x16xi32> to vector<16xi32>
        %sub3A_237 = vector.broadcast %mul3A_14 : i32 to vector<16xi32>
        %sub3A_238 = arith.subi %get3A_236, %sub3A_237 : vector<16xi32>
        %iota3A_239 = tpu.iota {dimensions = array<i32: 0>} : vector<16xi32>
        %add3A_240 = arith.constant 7728 : i32
        %add3A_241 = vector.broadcast %add3A_240 : i32 to vector<16xi32>
        %add3A_242 = arith.addi %add3A_241, %iota3A_239 : vector<16xi32>
        %ge3A_243 = arith.constant 0 : i32
        %ge3A_244 = vector.broadcast %ge3A_243 : i32 to vector<16xi32>
        %ge3A_245 = arith.cmpi sge, %sub3A_238, %ge3A_244 : vector<16xi32>
        %lt3A_246 = arith.constant 7680 : i32
        %lt3A_247 = vector.broadcast %lt3A_246 : i32 to vector<16xi32>
        %lt3A_248 = arith.cmpi slt, %sub3A_238, %lt3A_247 : vector<16xi32>
        %and3A_249 = arith.andi %ge3A_245, %lt3A_248 : vector<16xi1>
        %select_n3A_250 = arith.select %and3A_249, %sub3A_238, %add3A_242 : vector<16xi1>, vector<16xi32>
        %swap3A_251 = arith.constant 0 : i32
        %swap3A_252 = arith.index_cast %swap3A_251 : i32 to index
        %swap3A_253 = arith.constant 48 : index
        %swap3A_254 = tpu.vector_load %arg8[%swap3A_252, %swap3A_253] {strides = array<i32>} : memref<1x128xi32, #tpu.memory_space<vmem>>, vector<1x16xi32>,
        %swap3A_255 = vector.shape_cast %swap3A_254 : vector<1x16xi32> to vector<16xi32>
        %swap3A_256 = vector.shape_cast %select_n3A_250 : vector<16xi32> to vector<1x16xi32>
        tpu.vector_store %arg8[%swap3A_252, %swap3A_253], %swap3A_256 {strides = array<i32>} : memref<1x128xi32, #tpu.memory_space<vmem>>, vector<1x16xi32>,
        %get3A_257 = arith.index_cast %mul3A_152 : i32 to index
        %get3A_258 = arith.constant 64 : index
        %get3A_259 = tpu.vector_load %arg7[%get3A_257, %get3A_258] {strides = array<i32>} : memref<44x128xi32, #tpu.memory_space<vmem>>, vector<1x16xi32>,
        %get3A_260 = vector.shape_cast %get3A_259 : vector<1x16xi32> to vector<16xi32>
        %sub3A_261 = vector.broadcast %mul3A_14 : i32 to vector<16xi32>
        %sub3A_262 = arith.subi %get3A_260, %sub3A_261 : vector<16xi32>
        %iota3A_263 = tpu.iota {dimensions = array<i32: 0>} : vector<16xi32>
        %add3A_264 = arith.constant 7744 : i32
        %add3A_265 = vector.broadcast %add3A_264 : i32 to vector<16xi32>
        %add3A_266 = arith.addi %add3A_265, %iota3A_263 : vector<16xi32>
        %ge3A_267 = arith.constant 0 : i32
        %ge3A_268 = vector.broadcast %ge3A_267 : i32 to vector<16xi32>
        %ge3A_269 = arith.cmpi sge, %sub3A_262, %ge3A_268 : vector<16xi32>
        %lt3A_270 = arith.constant 7680 : i32
        %lt3A_271 = vector.broadcast %lt3A_270 : i32 to vector<16xi32>
        %lt3A_272 = arith.cmpi slt, %sub3A_262, %lt3A_271 : vector<16xi32>
        %and3A_273 = arith.andi %ge3A_269, %lt3A_272 : vector<16xi1>
        %select_n3A_274 = arith.select %and3A_273, %sub3A_262, %add3A_266 : vector<16xi1>, vector<16xi32>
        %swap3A_275 = arith.constant 0 : i32
        %swap3A_276 = arith.index_cast %swap3A_275 : i32 to index
        %swap3A_277 = arith.constant 64 : index
        %swap3A_278 = tpu.vector_load %arg8[%swap3A_276, %swap3A_277] {strides = array<i32>} : memref<1x128xi32, #tpu.memory_space<vmem>>, vector<1x16xi32>,
        %swap3A_279 = vector.shape_cast %swap3A_278 : vector<1x16xi32> to vector<16xi32>
        %swap3A_280 = vector.shape_cast %select_n3A_274 : vector<16xi32> to vector<1x16xi32>
        tpu.vector_store %arg8[%swap3A_276, %swap3A_277], %swap3A_280 {strides = array<i32>} : memref<1x128xi32, #tpu.memory_space<vmem>>, vector<1x16xi32>,
        %get3A_281 = arith.index_cast %mul3A_152 : i32 to index
        %get3A_282 = arith.constant 80 : index
        %get3A_283 = tpu.vector_load %arg7[%get3A_281, %get3A_282] {strides = array<i32>} : memref<44x128xi32, #tpu.memory_space<vmem>>, vector<1x16xi32>,
        %get3A_284 = vector.shape_cast %get3A_283 : vector<1x16xi32> to vector<16xi32>
        %sub3A_285 = vector.broadcast %mul3A_14 : i32 to vector<16xi32>
        %sub3A_286 = arith.subi %get3A_284, %sub3A_285 : vector<16xi32>
        %iota3A_287 = tpu.iota {dimensions = array<i32: 0>} : vector<16xi32>
        %add3A_288 = arith.constant 7760 : i32
        %add3A_289 = vector.broadcast %add3A_288 : i32 to vector<16xi32>
        %add3A_290 = arith.addi %add3A_289, %iota3A_287 : vector<16xi32>
        %ge3A_291 = arith.constant 0 : i32
        %ge3A_292 = vector.broadcast %ge3A_291 : i32 to vector<16xi32>
        %ge3A_293 = arith.cmpi sge, %sub3A_286, %ge3A_292 : vector<16xi32>
        %lt3A_294 = arith.constant 7680 : i32
        %lt3A_295 = vector.broadcast %lt3A_294 : i32 to vector<16xi32>
        %lt3A_296 = arith.cmpi slt, %sub3A_286, %lt3A_295 : vector<16xi32>
        %and3A_297 = arith.andi %ge3A_293, %lt3A_296 : vector<16xi1>
        %select_n3A_298 = arith.select %and3A_297, %sub3A_286, %add3A_290 : vector<16xi1>, vector<16xi32>
        %swap3A_299 = arith.constant 0 : i32
        %swap3A_300 = arith.index_cast %swap3A_299 : i32 to index
        %swap3A_301 = arith.constant 80 : index
        %swap3A_302 = tpu.vector_load %arg8[%swap3A_300, %swap3A_301] {strides = array<i32>} : memref<1x128xi32, #tpu.memory_space<vmem>>, vector<1x16xi32>,
        %swap3A_303 = vector.shape_cast %swap3A_302 : vector<1x16xi32> to vector<16xi32>
        %swap3A_304 = vector.shape_cast %select_n3A_298 : vector<16xi32> to vector<1x16xi32>
        tpu.vector_store %arg8[%swap3A_300, %swap3A_301], %swap3A_304 {strides = array<i32>} : memref<1x128xi32, #tpu.memory_space<vmem>>, vector<1x16xi32>,
        %get3A_305 = arith.index_cast %mul3A_152 : i32 to index
        %get3A_306 = arith.constant 96 : index
        %get3A_307 = tpu.vector_load %arg7[%get3A_305, %get3A_306] {strides = array<i32>} : memref<44x128xi32, #tpu.memory_space<vmem>>, vector<1x16xi32>,
        %get3A_308 = vector.shape_cast %get3A_307 : vector<1x16xi32> to vector<16xi32>
        %sub3A_309 = vector.broadcast %mul3A_14 : i32 to vector<16xi32>
        %sub3A_310 = arith.subi %get3A_308, %sub3A_309 : vector<16xi32>
        %iota3A_311 = tpu.iota {dimensions = array<i32: 0>} : vector<16xi32>
        %add3A_312 = arith.constant 7776 : i32
        %add3A_313 = vector.broadcast %add3A_312 : i32 to vector<16xi32>
        %add3A_314 = arith.addi %add3A_313, %iota3A_311 : vector<16xi32>
        %ge3A_315 = arith.constant 0 : i32
        %ge3A_316 = vector.broadcast %ge3A_315 : i32 to vector<16xi32>
        %ge3A_317 = arith.cmpi sge, %sub3A_310, %ge3A_316 : vector<16xi32>
        %lt3A_318 = arith.constant 7680 : i32
        %lt3A_319 = vector.broadcast %lt3A_318 : i32 to vector<16xi32>
        %lt3A_320 = arith.cmpi slt, %sub3A_310, %lt3A_319 : vector<16xi32>
        %and3A_321 = arith.andi %ge3A_317, %lt3A_320 : vector<16xi1>
        %select_n3A_322 = arith.select %and3A_321, %sub3A_310, %add3A_314 : vector<16xi1>, vector<16xi32>
        %swap3A_323 = arith.constant 0 : i32
        %swap3A_324 = arith.index_cast %swap3A_323 : i32 to index
        %swap3A_325 = arith.constant 96 : index
        %swap3A_326 = tpu.vector_load %arg8[%swap3A_324, %swap3A_325] {strides = array<i32>} : memref<1x128xi32, #tpu.memory_space<vmem>>, vector<1x16xi32>,
        %swap3A_327 = vector.shape_cast %swap3A_326 : vector<1x16xi32> to vector<16xi32>
        %swap3A_328 = vector.shape_cast %select_n3A_322 : vector<16xi32> to vector<1x16xi32>
        tpu.vector_store %arg8[%swap3A_324, %swap3A_325], %swap3A_328 {strides = array<i32>} : memref<1x128xi32, #tpu.memory_space<vmem>>, vector<1x16xi32>,
        %get3A_329 = arith.index_cast %mul3A_152 : i32 to index
        %get3A_330 = arith.constant 112 : index
        %get3A_331 = tpu.vector_load %arg7[%get3A_329, %get3A_330] {strides = array<i32>} : memref<44x128xi32, #tpu.memory_space<vmem>>, vector<1x16xi32>,
        %get3A_332 = vector.shape_cast %get3A_331 : vector<1x16xi32> to vector<16xi32>
        %sub3A_333 = vector.broadcast %mul3A_14 : i32 to vector<16xi32>
        %sub3A_334 = arith.subi %get3A_332, %sub3A_333 : vector<16xi32>
        %iota3A_335 = tpu.iota {dimensions = array<i32: 0>} : vector<16xi32>
        %add3A_336 = arith.constant 7792 : i32
        %add3A_337 = vector.broadcast %add3A_336 : i32 to vector<16xi32>
        %add3A_338 = arith.addi %add3A_337, %iota3A_335 : vector<16xi32>
        %ge3A_339 = arith.constant 0 : i32
        %ge3A_340 = vector.broadcast %ge3A_339 : i32 to vector<16xi32>
        %ge3A_341 = arith.cmpi sge, %sub3A_334, %ge3A_340 : vector<16xi32>
        %lt3A_342 = arith.constant 7680 : i32
        %lt3A_343 = vector.broadcast %lt3A_342 : i32 to vector<16xi32>
        %lt3A_344 = arith.cmpi slt, %sub3A_334, %lt3A_343 : vector<16xi32>
        %and3A_345 = arith.andi %ge3A_341, %lt3A_344 : vector<16xi1>
        %select_n3A_346 = arith.select %and3A_345, %sub3A_334, %add3A_338 : vector<16xi1>, vector<16xi32>
        %swap3A_347 = arith.constant 0 : i32
        %swap3A_348 = arith.index_cast %swap3A_347 : i32 to index
        %swap3A_349 = arith.constant 112 : index
        %swap3A_350 = tpu.vector_load %arg8[%swap3A_348, %swap3A_349] {strides = array<i32>} : memref<1x128xi32, #tpu.memory_space<vmem>>, vector<1x16xi32>,
        %swap3A_351 = vector.shape_cast %swap3A_350 : vector<1x16xi32> to vector<16xi32>
        %swap3A_352 = vector.shape_cast %select_n3A_346 : vector<16xi32> to vector<1x16xi32>
        tpu.vector_store %arg8[%swap3A_348, %swap3A_349], %swap3A_352 {strides = array<i32>} : memref<1x128xi32, #tpu.memory_space<vmem>>, vector<1x16xi32>,
        %add3A_353 = arith.constant 1 : i32
        %add3A_354 = arith.addi %mul3A_152, %add3A_353 : i32
        %get3A_355 = arith.index_cast %add3A_354 : i32 to index
        %get3A_356 = arith.constant 0 : index
        %get3A_357 = tpu.vector_load %arg7[%get3A_355, %get3A_356] {strides = array<i32>} : memref<44x128xi32, #tpu.memory_space<vmem>>, vector<1x16xi32>,
        %get3A_358 = vector.shape_cast %get3A_357 : vector<1x16xi32> to vector<16xi32>
        %sub3A_359 = vector.broadcast %mul3A_14 : i32 to vector<16xi32>
        %sub3A_360 = arith.subi %get3A_358, %sub3A_359 : vector<16xi32>
        %iota3A_361 = tpu.iota {dimensions = array<i32: 0>} : vector<16xi32>
        %add3A_362 = arith.constant 7680 : i32
        %add3A_363 = vector.broadcast %add3A_362 : i32 to vector<16xi32>
        %add3A_364 = arith.addi %add3A_363, %iota3A_361 : vector<16xi32>
        %ge3A_365 = arith.constant 0 : i32
        %ge3A_366 = vector.broadcast %ge3A_365 : i32 to vector<16xi32>
        %ge3A_367 = arith.cmpi sge, %sub3A_360, %ge3A_366 : vector<16xi32>
        %lt3A_368 = arith.constant 7680 : i32
        %lt3A_369 = vector.broadcast %lt3A_368 : i32 to vector<16xi32>
        %lt3A_370 = arith.cmpi slt, %sub3A_360, %lt3A_369 : vector<16xi32>
        %and3A_371 = arith.andi %ge3A_367, %lt3A_370 : vector<16xi1>
        %select_n3A_372 = arith.select %and3A_371, %sub3A_360, %add3A_364 : vector<16xi1>, vector<16xi32>
        %swap3A_373 = arith.constant 0 : i32
        %swap3A_374 = arith.index_cast %swap3A_373 : i32 to index
        %swap3A_375 = arith.constant 0 : index
        %swap3A_376 = tpu.vector_load %arg9[%swap3A_374, %swap3A_375] {strides = array<i32>} : memref<1x128xi32, #tpu.memory_space<vmem>>, vector<1x16xi32>,
        %swap3A_377 = vector.shape_cast %swap3A_376 : vector<1x16xi32> to vector<16xi32>
        %swap3A_378 = vector.shape_cast %select_n3A_372 : vector<16xi32> to vector<1x16xi32>
        tpu.vector_store %arg9[%swap3A_374, %swap3A_375], %swap3A_378 {strides = array<i32>} : memref<1x128xi32, #tpu.memory_space<vmem>>, vector<1x16xi32>,
        %get3A_379 = arith.index_cast %add3A_354 : i32 to index
        %get3A_380 = arith.constant 16 : index
        %get3A_381 = tpu.vector_load %arg7[%get3A_379, %get3A_380] {strides = array<i32>} : memref<44x128xi32, #tpu.memory_space<vmem>>, vector<1x16xi32>,
        %get3A_382 = vector.shape_cast %get3A_381 : vector<1x16xi32> to vector<16xi32>
        %sub3A_383 = vector.broadcast %mul3A_14 : i32 to vector<16xi32>
        %sub3A_384 = arith.subi %get3A_382, %sub3A_383 : vector<16xi32>
        %iota3A_385 = tpu.iota {dimensions = array<i32: 0>} : vector<16xi32>
        %add3A_386 = arith.constant 7696 : i32
        %add3A_387 = vector.broadcast %add3A_386 : i32 to vector<16xi32>
        %add3A_388 = arith.addi %add3A_387, %iota3A_385 : vector<16xi32>
        %ge3A_389 = arith.constant 0 : i32
        %ge3A_390 = vector.broadcast %ge3A_389 : i32 to vector<16xi32>
        %ge3A_391 = arith.cmpi sge, %sub3A_384, %ge3A_390 : vector<16xi32>
        %lt3A_392 = arith.constant 7680 : i32
        %lt3A_393 = vector.broadcast %lt3A_392 : i32 to vector<16xi32>
        %lt3A_394 = arith.cmpi slt, %sub3A_384, %lt3A_393 : vector<16xi32>
        %and3A_395 = arith.andi %ge3A_391, %lt3A_394 : vector<16xi1>
        %select_n3A_396 = arith.select %and3A_395, %sub3A_384, %add3A_388 : vector<16xi1>, vector<16xi32>
        %swap3A_397 = arith.constant 0 : i32
        %swap3A_398 = arith.index_cast %swap3A_397 : i32 to index
        %swap3A_399 = arith.constant 16 : index
        %swap3A_400 = tpu.vector_load %arg9[%swap3A_398, %swap3A_399] {strides = array<i32>} : memref<1x128xi32, #tpu.memory_space<vmem>>, vector<1x16xi32>,
        %swap3A_401 = vector.shape_cast %swap3A_400 : vector<1x16xi32> to vector<16xi32>
        %swap3A_402 = vector.shape_cast %select_n3A_396 : vector<16xi32> to vector<1x16xi32>
        tpu.vector_store %arg9[%swap3A_398, %swap3A_399], %swap3A_402 {strides = array<i32>} : memref<1x128xi32, #tpu.memory_space<vmem>>, vector<1x16xi32>,
        %get3A_403 = arith.index_cast %add3A_354 : i32 to index
        %get3A_404 = arith.constant 32 : index
        %get3A_405 = tpu.vector_load %arg7[%get3A_403, %get3A_404] {strides = array<i32>} : memref<44x128xi32, #tpu.memory_space<vmem>>, vector<1x16xi32>,
        %get3A_406 = vector.shape_cast %get3A_405 : vector<1x16xi32> to vector<16xi32>
        %sub3A_407 = vector.broadcast %mul3A_14 : i32 to vector<16xi32>
        %sub3A_408 = arith.subi %get3A_406, %sub3A_407 : vector<16xi32>
        %iota3A_409 = tpu.iota {dimensions = array<i32: 0>} : vector<16xi32>
        %add3A_410 = arith.constant 7712 : i32
        %add3A_411 = vector.broadcast %add3A_410 : i32 to vector<16xi32>
        %add3A_412 = arith.addi %add3A_411, %iota3A_409 : vector<16xi32>
        %ge3A_413 = arith.constant 0 : i32
        %ge3A_414 = vector.broadcast %ge3A_413 : i32 to vector<16xi32>
        %ge3A_415 = arith.cmpi sge, %sub3A_408, %ge3A_414 : vector<16xi32>
        %lt3A_416 = arith.constant 7680 : i32
        %lt3A_417 = vector.broadcast %lt3A_416 : i32 to vector<16xi32>
        %lt3A_418 = arith.cmpi slt, %sub3A_408, %lt3A_417 : vector<16xi32>
        %and3A_419 = arith.andi %ge3A_415, %lt3A_418 : vector<16xi1>
        %select_n3A_420 = arith.select %and3A_419, %sub3A_408, %add3A_412 : vector<16xi1>, vector<16xi32>
        %swap3A_421 = arith.constant 0 : i32
        %swap3A_422 = arith.index_cast %swap3A_421 : i32 to index
        %swap3A_423 = arith.constant 32 : index
        %swap3A_424 = tpu.vector_load %arg9[%swap3A_422, %swap3A_423] {strides = array<i32>} : memref<1x128xi32, #tpu.memory_space<vmem>>, vector<1x16xi32>,
        %swap3A_425 = vector.shape_cast %swap3A_424 : vector<1x16xi32> to vector<16xi32>
        %swap3A_426 = vector.shape_cast %select_n3A_420 : vector<16xi32> to vector<1x16xi32>
        tpu.vector_store %arg9[%swap3A_422, %swap3A_423], %swap3A_426 {strides = array<i32>} : memref<1x128xi32, #tpu.memory_space<vmem>>, vector<1x16xi32>,
        %get3A_427 = arith.index_cast %add3A_354 : i32 to index
        %get3A_428 = arith.constant 48 : index
        %get3A_429 = tpu.vector_load %arg7[%get3A_427, %get3A_428] {strides = array<i32>} : memref<44x128xi32, #tpu.memory_space<vmem>>, vector<1x16xi32>,
        %get3A_430 = vector.shape_cast %get3A_429 : vector<1x16xi32> to vector<16xi32>
        %sub3A_431 = vector.broadcast %mul3A_14 : i32 to vector<16xi32>
        %sub3A_432 = arith.subi %get3A_430, %sub3A_431 : vector<16xi32>
        %iota3A_433 = tpu.iota {dimensions = array<i32: 0>} : vector<16xi32>
        %add3A_434 = arith.constant 7728 : i32
        %add3A_435 = vector.broadcast %add3A_434 : i32 to vector<16xi32>
        %add3A_436 = arith.addi %add3A_435, %iota3A_433 : vector<16xi32>
        %ge3A_437 = arith.constant 0 : i32
        %ge3A_438 = vector.broadcast %ge3A_437 : i32 to vector<16xi32>
        %ge3A_439 = arith.cmpi sge, %sub3A_432, %ge3A_438 : vector<16xi32>
        %lt3A_440 = arith.constant 7680 : i32
        %lt3A_441 = vector.broadcast %lt3A_440 : i32 to vector<16xi32>
        %lt3A_442 = arith.cmpi slt, %sub3A_432, %lt3A_441 : vector<16xi32>
        %and3A_443 = arith.andi %ge3A_439, %lt3A_442 : vector<16xi1>
        %select_n3A_444 = arith.select %and3A_443, %sub3A_432, %add3A_436 : vector<16xi1>, vector<16xi32>
        %swap3A_445 = arith.constant 0 : i32
        %swap3A_446 = arith.index_cast %swap3A_445 : i32 to index
        %swap3A_447 = arith.constant 48 : index
        %swap3A_448 = tpu.vector_load %arg9[%swap3A_446, %swap3A_447] {strides = array<i32>} : memref<1x128xi32, #tpu.memory_space<vmem>>, vector<1x16xi32>,
        %swap3A_449 = vector.shape_cast %swap3A_448 : vector<1x16xi32> to vector<16xi32>
        %swap3A_450 = vector.shape_cast %select_n3A_444 : vector<16xi32> to vector<1x16xi32>
        tpu.vector_store %arg9[%swap3A_446, %swap3A_447], %swap3A_450 {strides = array<i32>} : memref<1x128xi32, #tpu.memory_space<vmem>>, vector<1x16xi32>,
        %get3A_451 = arith.index_cast %add3A_354 : i32 to index
        %get3A_452 = arith.constant 64 : index
        %get3A_453 = tpu.vector_load %arg7[%get3A_451, %get3A_452] {strides = array<i32>} : memref<44x128xi32, #tpu.memory_space<vmem>>, vector<1x16xi32>,
        %get3A_454 = vector.shape_cast %get3A_453 : vector<1x16xi32> to vector<16xi32>
        %sub3A_455 = vector.broadcast %mul3A_14 : i32 to vector<16xi32>
        %sub3A_456 = arith.subi %get3A_454, %sub3A_455 : vector<16xi32>
        %iota3A_457 = tpu.iota {dimensions = array<i32: 0>} : vector<16xi32>
        %add3A_458 = arith.constant 7744 : i32
        %add3A_459 = vector.broadcast %add3A_458 : i32 to vector<16xi32>
        %add3A_460 = arith.addi %add3A_459, %iota3A_457 : vector<16xi32>
        %ge3A_461 = arith.constant 0 : i32
        %ge3A_462 = vector.broadcast %ge3A_461 : i32 to vector<16xi32>
        %ge3A_463 = arith.cmpi sge, %sub3A_456, %ge3A_462 : vector<16xi32>
        %lt3A_464 = arith.constant 7680 : i32
        %lt3A_465 = vector.broadcast %lt3A_464 : i32 to vector<16xi32>
        %lt3A_466 = arith.cmpi slt, %sub3A_456, %lt3A_465 : vector<16xi32>
        %and3A_467 = arith.andi %ge3A_463, %lt3A_466 : vector<16xi1>
        %select_n3A_468 = arith.select %and3A_467, %sub3A_456, %add3A_460 : vector<16xi1>, vector<16xi32>
        %swap3A_469 = arith.constant 0 : i32
        %swap3A_470 = arith.index_cast %swap3A_469 : i32 to index
        %swap3A_471 = arith.constant 64 : index
        %swap3A_472 = tpu.vector_load %arg9[%swap3A_470, %swap3A_471] {strides = array<i32>} : memref<1x128xi32, #tpu.memory_space<vmem>>, vector<1x16xi32>,
        %swap3A_473 = vector.shape_cast %swap3A_472 : vector<1x16xi32> to vector<16xi32>
        %swap3A_474 = vector.shape_cast %select_n3A_468 : vector<16xi32> to vector<1x16xi32>
        tpu.vector_store %arg9[%swap3A_470, %swap3A_471], %swap3A_474 {strides = array<i32>} : memref<1x128xi32, #tpu.memory_space<vmem>>, vector<1x16xi32>,
        %get3A_475 = arith.index_cast %add3A_354 : i32 to index
        %get3A_476 = arith.constant 80 : index
        %get3A_477 = tpu.vector_load %arg7[%get3A_475, %get3A_476] {strides = array<i32>} : memref<44x128xi32, #tpu.memory_space<vmem>>, vector<1x16xi32>,
        %get3A_478 = vector.shape_cast %get3A_477 : vector<1x16xi32> to vector<16xi32>
        %sub3A_479 = vector.broadcast %mul3A_14 : i32 to vector<16xi32>
        %sub3A_480 = arith.subi %get3A_478, %sub3A_479 : vector<16xi32>
        %iota3A_481 = tpu.iota {dimensions = array<i32: 0>} : vector<16xi32>
        %add3A_482 = arith.constant 7760 : i32
        %add3A_483 = vector.broadcast %add3A_482 : i32 to vector<16xi32>
        %add3A_484 = arith.addi %add3A_483, %iota3A_481 : vector<16xi32>
        %ge3A_485 = arith.constant 0 : i32
        %ge3A_486 = vector.broadcast %ge3A_485 : i32 to vector<16xi32>
        %ge3A_487 = arith.cmpi sge, %sub3A_480, %ge3A_486 : vector<16xi32>
        %lt3A_488 = arith.constant 7680 : i32
        %lt3A_489 = vector.broadcast %lt3A_488 : i32 to vector<16xi32>
        %lt3A_490 = arith.cmpi slt, %sub3A_480, %lt3A_489 : vector<16xi32>
        %and3A_491 = arith.andi %ge3A_487, %lt3A_490 : vector<16xi1>
        %select_n3A_492 = arith.select %and3A_491, %sub3A_480, %add3A_484 : vector<16xi1>, vector<16xi32>
        %swap3A_493 = arith.constant 0 : i32
        %swap3A_494 = arith.index_cast %swap3A_493 : i32 to index
        %swap3A_495 = arith.constant 80 : index
        %swap3A_496 = tpu.vector_load %arg9[%swap3A_494, %swap3A_495] {strides = array<i32>} : memref<1x128xi32, #tpu.memory_space<vmem>>, vector<1x16xi32>,
        %swap3A_497 = vector.shape_cast %swap3A_496 : vector<1x16xi32> to vector<16xi32>
        %swap3A_498 = vector.shape_cast %select_n3A_492 : vector<16xi32> to vector<1x16xi32>
        tpu.vector_store %arg9[%swap3A_494, %swap3A_495], %swap3A_498 {strides = array<i32>} : memref<1x128xi32, #tpu.memory_space<vmem>>, vector<1x16xi32>,
        %get3A_499 = arith.index_cast %add3A_354 : i32 to index
        %get3A_500 = arith.constant 96 : index
        %get3A_501 = tpu.vector_load %arg7[%get3A_499, %get3A_500] {strides = array<i32>} : memref<44x128xi32, #tpu.memory_space<vmem>>, vector<1x16xi32>,
        %get3A_502 = vector.shape_cast %get3A_501 : vector<1x16xi32> to vector<16xi32>
        %sub3A_503 = vector.broadcast %mul3A_14 : i32 to vector<16xi32>
        %sub3A_504 = arith.subi %get3A_502, %sub3A_503 : vector<16xi32>
        %iota3A_505 = tpu.iota {dimensions = array<i32: 0>} : vector<16xi32>
        %add3A_506 = arith.constant 7776 : i32
        %add3A_507 = vector.broadcast %add3A_506 : i32 to vector<16xi32>
        %add3A_508 = arith.addi %add3A_507, %iota3A_505 : vector<16xi32>
        %ge3A_509 = arith.constant 0 : i32
        %ge3A_510 = vector.broadcast %ge3A_509 : i32 to vector<16xi32>
        %ge3A_511 = arith.cmpi sge, %sub3A_504, %ge3A_510 : vector<16xi32>
        %lt3A_512 = arith.constant 7680 : i32
        %lt3A_513 = vector.broadcast %lt3A_512 : i32 to vector<16xi32>
        %lt3A_514 = arith.cmpi slt, %sub3A_504, %lt3A_513 : vector<16xi32>
        %and3A_515 = arith.andi %ge3A_511, %lt3A_514 : vector<16xi1>
        %select_n3A_516 = arith.select %and3A_515, %sub3A_504, %add3A_508 : vector<16xi1>, vector<16xi32>
        %swap3A_517 = arith.constant 0 : i32
        %swap3A_518 = arith.index_cast %swap3A_517 : i32 to index
        %swap3A_519 = arith.constant 96 : index
        %swap3A_520 = tpu.vector_load %arg9[%swap3A_518, %swap3A_519] {strides = array<i32>} : memref<1x128xi32, #tpu.memory_space<vmem>>, vector<1x16xi32>,
        %swap3A_521 = vector.shape_cast %swap3A_520 : vector<1x16xi32> to vector<16xi32>
        %swap3A_522 = vector.shape_cast %select_n3A_516 : vector<16xi32> to vector<1x16xi32>
        tpu.vector_store %arg9[%swap3A_518, %swap3A_519], %swap3A_522 {strides = array<i32>} : memref<1x128xi32, #tpu.memory_space<vmem>>, vector<1x16xi32>,
        %get3A_523 = arith.index_cast %add3A_354 : i32 to index
        %get3A_524 = arith.constant 112 : index
        %get3A_525 = tpu.vector_load %arg7[%get3A_523, %get3A_524] {strides = array<i32>} : memref<44x128xi32, #tpu.memory_space<vmem>>, vector<1x16xi32>,
        %get3A_526 = vector.shape_cast %get3A_525 : vector<1x16xi32> to vector<16xi32>
        %sub3A_527 = vector.broadcast %mul3A_14 : i32 to vector<16xi32>
        %sub3A_528 = arith.subi %get3A_526, %sub3A_527 : vector<16xi32>
        %iota3A_529 = tpu.iota {dimensions = array<i32: 0>} : vector<16xi32>
        %add3A_530 = arith.constant 7792 : i32
        %add3A_531 = vector.broadcast %add3A_530 : i32 to vector<16xi32>
        %add3A_532 = arith.addi %add3A_531, %iota3A_529 : vector<16xi32>
        %ge3A_533 = arith.constant 0 : i32
        %ge3A_534 = vector.broadcast %ge3A_533 : i32 to vector<16xi32>
        %ge3A_535 = arith.cmpi sge, %sub3A_528, %ge3A_534 : vector<16xi32>
        %lt3A_536 = arith.constant 7680 : i32
        %lt3A_537 = vector.broadcast %lt3A_536 : i32 to vector<16xi32>
        %lt3A_538 = arith.cmpi slt, %sub3A_528, %lt3A_537 : vector<16xi32>
        %and3A_539 = arith.andi %ge3A_535, %lt3A_538 : vector<16xi1>
        %select_n3A_540 = arith.select %and3A_539, %sub3A_528, %add3A_532 : vector<16xi1>, vector<16xi32>
        %swap3A_541 = arith.constant 0 : i32
        %swap3A_542 = arith.index_cast %swap3A_541 : i32 to index
        %swap3A_543 = arith.constant 112 : index
        %swap3A_544 = tpu.vector_load %arg9[%swap3A_542, %swap3A_543] {strides = array<i32>} : memref<1x128xi32, #tpu.memory_space<vmem>>, vector<1x16xi32>,
        %swap3A_545 = vector.shape_cast %swap3A_544 : vector<1x16xi32> to vector<16xi32>
        %swap3A_546 = vector.shape_cast %select_n3A_540 : vector<16xi32> to vector<1x16xi32>
        tpu.vector_store %arg9[%swap3A_542, %swap3A_543], %swap3A_546 {strides = array<i32>} : memref<1x128xi32, #tpu.memory_space<vmem>>, vector<1x16xi32>,
        %dma_wait3A = arith.constant 0 : i32
        %dma_wait3A_547 = tpu.memref_slice %arg3[%add3A_155, %dma_wait3A] : memref<45056x128xf32, #tpu.memory_space<hbm>> -> memref<128x128xf32, #tpu.memory_space<hbm>>
        %dma_wait3A_548 = arith.constant 0 : i32
        %dma_wait3A_549 = tpu.memref_slice %arg3[%add3A_155, %dma_wait3A_548] : memref<45056x128xf32, #tpu.memory_space<hbm>> -> memref<128x128xf32, #tpu.memory_space<hbm>>
        tpu.wait_dma2 semaphore(%arg13 : memref<!tpu.dma_semaphore, #tpu.memory_space<semaphore_mem>>) src(%dma_wait3A_549 : memref<128x128xf32, #tpu.memory_space<hbm>>) dst(%arg10 : memref<128x128xf32, #tpu.memory_space<vmem>>)
        %dma_start3A_550 = arith.constant 0 : i32
        %dma_start3A_551 = arith.constant 0 : i32
        %dma_start3A_552 = tpu.memref_slice %arg8[%dma_start3A_550, %dma_start3A_551] : memref<1x128xi32, #tpu.memory_space<vmem>> -> memref<1x128xi32, #tpu.memory_space<vmem>>
        %dma_start3A_553 = tpu.memref_squeeze %dma_start3A_552 : memref<1x128xi32, #tpu.memory_space<vmem>> -> memref<128xi32, #tpu.memory_space<vmem>>
        %dma_start3A_554 = arith.constant 0 : i32
        %dma_start3A_555 = arith.constant 0 : i32
        %dma_start3A_556 = tpu.memref_slice %arg12[%dma_start3A_554, %dma_start3A_555] : memref<7808x128xf32, #tpu.memory_space<vmem_shared>> -> memref<7808x128xf32, #tpu.memory_space<vmem_shared>>
        tpu.enqueue_indirect_dma source(%arg10 : memref<128x128xf32, #tpu.memory_space<vmem>>) target(%dma_start3A_556 : memref<7808x128xf32, #tpu.memory_space<vmem_shared>>) offsets(%dma_start3A_553 : memref<128xi32, #tpu.memory_space<vmem>>) semaphore(%arg15 : memref<!tpu.dma_semaphore, #tpu.memory_space<semaphore_mem>>) {add = true}
        %dma_wait3A_557 = arith.constant 0 : i32
        %dma_wait3A_558 = tpu.memref_slice %arg3[%add3A_160, %dma_wait3A_557] : memref<45056x128xf32, #tpu.memory_space<hbm>> -> memref<128x128xf32, #tpu.memory_space<hbm>>
        %dma_wait3A_559 = arith.constant 0 : i32
        %dma_wait3A_560 = tpu.memref_slice %arg3[%add3A_160, %dma_wait3A_559] : memref<45056x128xf32, #tpu.memory_space<hbm>> -> memref<128x128xf32, #tpu.memory_space<hbm>>
        tpu.wait_dma2 semaphore(%arg14 : memref<!tpu.dma_semaphore, #tpu.memory_space<semaphore_mem>>) src(%dma_wait3A_560 : memref<128x128xf32, #tpu.memory_space<hbm>>) dst(%arg11 : memref<128x128xf32, #tpu.memory_space<vmem>>)
        %dma_start3A_561 = arith.constant 0 : i32
        %dma_start3A_562 = arith.constant 0 : i32
        %dma_start3A_563 = tpu.memref_slice %arg9[%dma_start3A_561, %dma_start3A_562] : memref<1x128xi32, #tpu.memory_space<vmem>> -> memref<1x128xi32, #tpu.memory_space<vmem>>
        %dma_start3A_564 = tpu.memref_squeeze %dma_start3A_563 : memref<1x128xi32, #tpu.memory_space<vmem>> -> memref<128xi32, #tpu.memory_space<vmem>>
        %dma_start3A_565 = arith.constant 0 : i32
        %dma_start3A_566 = arith.constant 0 : i32
        %dma_start3A_567 = tpu.memref_slice %arg12[%dma_start3A_565, %dma_start3A_566] : memref<7808x128xf32, #tpu.memory_space<vmem_shared>> -> memref<7808x128xf32, #tpu.memory_space<vmem_shared>>
        tpu.enqueue_indirect_dma source(%arg11 : memref<128x128xf32, #tpu.memory_space<vmem>>) target(%dma_start3A_567 : memref<7808x128xf32, #tpu.memory_space<vmem_shared>>) offsets(%dma_start3A_564 : memref<128xi32, #tpu.memory_space<vmem>>) semaphore(%arg16 : memref<!tpu.dma_semaphore, #tpu.memory_space<semaphore_mem>>) {add = true}
        %dma_wait3A_568 = arith.constant 0 : i32
        %dma_wait3A_569 = arith.constant 0 : i32
        %dma_wait3A_570 = tpu.memref_slice %arg8[%dma_wait3A_568, %dma_wait3A_569] : memref<1x128xi32, #tpu.memory_space<vmem>> -> memref<1x128xi32, #tpu.memory_space<vmem>>
        %dma_wait3A_571 = tpu.memref_squeeze %dma_wait3A_570 : memref<1x128xi32, #tpu.memory_space<vmem>> -> memref<128xi32, #tpu.memory_space<vmem>>
        %dma_wait3A_572 = arith.constant 0 : i32
        %dma_wait3A_573 = arith.constant 0 : i32
        %dma_wait3A_574 = tpu.memref_slice %arg12[%dma_wait3A_572, %dma_wait3A_573] : memref<7808x128xf32, #tpu.memory_space<vmem_shared>> -> memref<7808x128xf32, #tpu.memory_space<vmem_shared>>
        tpu.wait_indirect_dma semaphore(%arg15 : memref<!tpu.dma_semaphore, #tpu.memory_space<semaphore_mem>>) src(%arg10 : memref<128x128xf32, #tpu.memory_space<vmem>>) dst(%dma_wait3A_574 : memref<7808x128xf32, #tpu.memory_space<vmem_shared>>)
        %dma_wait3A_575 = arith.constant 0 : i32
        %dma_wait3A_576 = arith.constant 0 : i32
        %dma_wait3A_577 = tpu.memref_slice %arg9[%dma_wait3A_575, %dma_wait3A_576] : memref<1x128xi32, #tpu.memory_space<vmem>> -> memref<1x128xi32, #tpu.memory_space<vmem>>
        %dma_wait3A_578 = tpu.memref_squeeze %dma_wait3A_577 : memref<1x128xi32, #tpu.memory_space<vmem>> -> memref<128xi32, #tpu.memory_space<vmem>>
        %dma_wait3A_579 = arith.constant 0 : i32
        %dma_wait3A_580 = arith.constant 0 : i32
        %dma_wait3A_581 = tpu.memref_slice %arg12[%dma_wait3A_579, %dma_wait3A_580] : memref<7808x128xf32, #tpu.memory_space<vmem_shared>> -> memref<7808x128xf32, #tpu.memory_space<vmem_shared>>
        tpu.wait_indirect_dma semaphore(%arg16 : memref<!tpu.dma_semaphore, #tpu.memory_space<semaphore_mem>>) src(%arg11 : memref<128x128xf32, #tpu.memory_space<vmem>>) dst(%dma_wait3A_581 : memref<7808x128xf32, #tpu.memory_space<vmem_shared>>)
      }
      %scan3A_149 = arith.constant 22 : i32
    } else {
    }
    %barrier3A_38 = arith.constant 0 : index
    tpu.barrier barrier_id(%barrier3A_38)
    %mul3A_39 = arith.constant 480 : i32
    %mul3A_40 = arith.muli %arg1, %mul3A_39 : i32
    %add3A_41 = arith.constant 0 : i32
    %add3A_42 = arith.addi %mul3A_40, %add3A_41 : i32
    "tpu.region"() ({
      %run_scoped3A = tpu.sem_alloc : memref<!tpu.dma_semaphore, #tpu.memory_space<semaphore_mem>>
      %dma_start3A = arith.constant 0 : i32
      %dma_start3A_145 = arith.constant 0 : i32
      %dma_start3A_146 = tpu.memref_slice %arg10[%dma_start3A, %dma_start3A_145] : memref<128x128xf32, #tpu.memory_space<vmem>> -> memref<128x128xf32, #tpu.memory_space<vmem>>
      %dma_start3A_147 = arith.constant 0 : i32
      %dma_start3A_148 = tpu.memref_slice %arg12[%add3A_42, %dma_start3A_147] : memref<7808x128xf32, #tpu.memory_space<vmem_shared>> -> memref<128x128xf32, #tpu.memory_space<vmem_shared>>
      %dma_start3A_149 = arith.constant 0 : i32
      %dma_start3A_150 = arith.constant 0 : i32
      %dma_start3A_151 = tpu.memref_slice %arg10[%dma_start3A_149, %dma_start3A_150] : memref<128x128xf32, #tpu.memory_space<vmem>> -> memref<128x128xf32, #tpu.memory_space<vmem>>
      %dma_start3A_152 = arith.constant 0 : i32
      %dma_start3A_153 = tpu.memref_slice %arg12[%add3A_42, %dma_start3A_152] : memref<7808x128xf32, #tpu.memory_space<vmem_shared>> -> memref<128x128xf32, #tpu.memory_space<vmem_shared>>
      tpu.enqueue_dma source(%dma_start3A_153 : memref<128x128xf32, #tpu.memory_space<vmem_shared>>) target(%dma_start3A_151 : memref<128x128xf32, #tpu.memory_space<vmem>>) target_semaphore(%run_scoped3A : memref<!tpu.dma_semaphore, #tpu.memory_space<semaphore_mem>>)
      %dma_wait3A = arith.constant 0 : i32
      %dma_wait3A_154 = arith.constant 0 : i32
      %dma_wait3A_155 = tpu.memref_slice %arg10[%dma_wait3A, %dma_wait3A_154] : memref<128x128xf32, #tpu.memory_space<vmem>> -> memref<128x128xf32, #tpu.memory_space<vmem>>
      %dma_wait3A_156 = arith.constant 0 : i32
      %dma_wait3A_157 = tpu.memref_slice %arg12[%add3A_42, %dma_wait3A_156] : memref<7808x128xf32, #tpu.memory_space<vmem_shared>> -> memref<128x128xf32, #tpu.memory_space<vmem_shared>>
      %dma_wait3A_158 = arith.constant 0 : i32
      %dma_wait3A_159 = arith.constant 0 : i32
      %dma_wait3A_160 = tpu.memref_slice %arg10[%dma_wait3A_158, %dma_wait3A_159] : memref<128x128xf32, #tpu.memory_space<vmem>> -> memref<128x128xf32, #tpu.memory_space<vmem>>
      %dma_wait3A_161 = arith.constant 0 : i32
      %dma_wait3A_162 = tpu.memref_slice %arg12[%add3A_42, %dma_wait3A_161] : memref<7808x128xf32, #tpu.memory_space<vmem_shared>> -> memref<128x128xf32, #tpu.memory_space<vmem_shared>>
      tpu.wait_dma2 semaphore(%run_scoped3A : memref<!tpu.dma_semaphore, #tpu.memory_space<semaphore_mem>>) src(%dma_wait3A_162 : memref<128x128xf32, #tpu.memory_space<vmem_shared>>) dst(%dma_wait3A_160 : memref<128x128xf32, #tpu.memory_space<vmem>>)
      tpu.yield
    }) : () -> ()
    %mul3A_43 = arith.constant 480 : i32
    %mul3A_44 = arith.muli %arg1, %mul3A_43 : i32
    %add3A_45 = arith.addi %mul3A_14, %mul3A_44 : i32
    %add3A_46 = arith.constant 0 : i32
    %add3A_47 = arith.addi %add3A_45, %add3A_46 : i32
    "tpu.region"() ({
      %run_scoped3A = tpu.sem_alloc : memref<!tpu.dma_semaphore, #tpu.memory_space<semaphore_mem>>
      %dma_start3A = arith.constant 0 : i32
      %dma_start3A_145 = arith.constant 0 : i32
      %dma_start3A_146 = tpu.memref_slice %arg10[%dma_start3A, %dma_start3A_145] : memref<128x128xf32, #tpu.memory_space<vmem>> -> memref<128x128xf32, #tpu.memory_space<vmem>>
      %dma_start3A_147 = arith.constant 0 : i32
      %dma_start3A_148 = tpu.memref_slice %arg6[%add3A_47, %dma_start3A_147] : memref<30720x128xf32, #tpu.memory_space<hbm>> -> memref<128x128xf32, #tpu.memory_space<hbm>>
      %dma_start3A_149 = arith.constant 0 : i32
      %dma_start3A_150 = tpu.memref_slice %arg6[%add3A_47, %dma_start3A_149] : memref<30720x128xf32, #tpu.memory_space<hbm>> -> memref<128x128xf32, #tpu.memory_space<hbm>>
      %dma_start3A_151 = arith.constant 0 : i32
      %dma_start3A_152 = arith.constant 0 : i32
      %dma_start3A_153 = tpu.memref_slice %arg10[%dma_start3A_151, %dma_start3A_152] : memref<128x128xf32, #tpu.memory_space<vmem>> -> memref<128x128xf32, #tpu.memory_space<vmem>>
      tpu.enqueue_dma source(%dma_start3A_153 : memref<128x128xf32, #tpu.memory_space<vmem>>) target(%dma_start3A_150 : memref<128x128xf32, #tpu.memory_space<hbm>>) target_semaphore(%run_scoped3A : memref<!tpu.dma_semaphore, #tpu.memory_space<semaphore_mem>>)
      %dma_wait3A = arith.constant 0 : i32
      %dma_wait3A_154 = arith.constant 0 : i32
      %dma_wait3A_155 = tpu.memref_slice %arg10[%dma_wait3A, %dma_wait3A_154] : memref<128x128xf32, #tpu.memory_space<vmem>> -> memref<128x128xf32, #tpu.memory_space<vmem>>
      %dma_wait3A_156 = arith.constant 0 : i32
      %dma_wait3A_157 = tpu.memref_slice %arg6[%add3A_47, %dma_wait3A_156] : memref<30720x128xf32, #tpu.memory_space<hbm>> -> memref<128x128xf32, #tpu.memory_space<hbm>>
      %dma_wait3A_158 = arith.constant 0 : i32
      %dma_wait3A_159 = tpu.memref_slice %arg6[%add3A_47, %dma_wait3A_158] : memref<30720x128xf32, #tpu.memory_space<hbm>> -> memref<128x128xf32, #tpu.memory_space<hbm>>
      %dma_wait3A_160 = arith.constant 0 : i32
      %dma_wait3A_161 = arith.constant 0 : i32
      %dma_wait3A_162 = tpu.memref_slice %arg10[%dma_wait3A_160, %dma_wait3A_161] : memref<128x128xf32, #tpu.memory_space<vmem>> -> memref<128x128xf32, #tpu.memory_space<vmem>>
      tpu.wait_dma2 semaphore(%run_scoped3A : memref<!tpu.dma_semaphore, #tpu.memory_space<semaphore_mem>>) src(%dma_wait3A_162 : memref<128x128xf32, #tpu.memory_space<vmem>>) dst(%dma_wait3A_159 : memref<128x128xf32, #tpu.memory_space<hbm>>)
      tpu.yield
    }) : () -> ()
    %mul3A_48 = arith.constant 480 : i32
    %mul3A_49 = arith.muli %arg1, %mul3A_48 : i32
    %add3A_50 = arith.constant 128 : i32
    %add3A_51 = arith.addi %mul3A_49, %add3A_50 : i32
    "tpu.region"() ({
      %run_scoped3A = tpu.sem_alloc : memref<!tpu.dma_semaphore, #tpu.memory_space<semaphore_mem>>
      %dma_start3A = arith.constant 0 : i32
      %dma_start3A_145 = arith.constant 0 : i32
      %dma_start3A_146 = tpu.memref_slice %arg10[%dma_start3A, %dma_start3A_145] : memref<128x128xf32, #tpu.memory_space<vmem>> -> memref<128x128xf32, #tpu.memory_space<vmem>>
      %dma_start3A_147 = arith.constant 0 : i32
      %dma_start3A_148 = tpu.memref_slice %arg12[%add3A_51, %dma_start3A_147] : memref<7808x128xf32, #tpu.memory_space<vmem_shared>> -> memref<128x128xf32, #tpu.memory_space<vmem_shared>>
      %dma_start3A_149 = arith.constant 0 : i32
      %dma_start3A_150 = arith.constant 0 : i32
      %dma_start3A_151 = tpu.memref_slice %arg10[%dma_start3A_149, %dma_start3A_150] : memref<128x128xf32, #tpu.memory_space<vmem>> -> memref<128x128xf32, #tpu.memory_space<vmem>>
      %dma_start3A_152 = arith.constant 0 : i32
      %dma_start3A_153 = tpu.memref_slice %arg12[%add3A_51, %dma_start3A_152] : memref<7808x128xf32, #tpu.memory_space<vmem_shared>> -> memref<128x128xf32, #tpu.memory_space<vmem_shared>>
      tpu.enqueue_dma source(%dma_start3A_153 : memref<128x128xf32, #tpu.memory_space<vmem_shared>>) target(%dma_start3A_151 : memref<128x128xf32, #tpu.memory_space<vmem>>) target_semaphore(%run_scoped3A : memref<!tpu.dma_semaphore, #tpu.memory_space<semaphore_mem>>)
      %dma_wait3A = arith.constant 0 : i32
      %dma_wait3A_154 = arith.constant 0 : i32
      %dma_wait3A_155 = tpu.memref_slice %arg10[%dma_wait3A, %dma_wait3A_154] : memref<128x128xf32, #tpu.memory_space<vmem>> -> memref<128x128xf32, #tpu.memory_space<vmem>>
      %dma_wait3A_156 = arith.constant 0 : i32
      %dma_wait3A_157 = tpu.memref_slice %arg12[%add3A_51, %dma_wait3A_156] : memref<7808x128xf32, #tpu.memory_space<vmem_shared>> -> memref<128x128xf32, #tpu.memory_space<vmem_shared>>
      %dma_wait3A_158 = arith.constant 0 : i32
      %dma_wait3A_159 = arith.constant 0 : i32
      %dma_wait3A_160 = tpu.memref_slice %arg10[%dma_wait3A_158, %dma_wait3A_159] : memref<128x128xf32, #tpu.memory_space<vmem>> -> memref<128x128xf32, #tpu.memory_space<vmem>>
      %dma_wait3A_161 = arith.constant 0 : i32
      %dma_wait3A_162 = tpu.memref_slice %arg12[%add3A_51, %dma_wait3A_161] : memref<7808x128xf32, #tpu.memory_space<vmem_shared>> -> memref<128x128xf32, #tpu.memory_space<vmem_shared>>
      tpu.wait_dma2 semaphore(%run_scoped3A : memref<!tpu.dma_semaphore, #tpu.memory_space<semaphore_mem>>) src(%dma_wait3A_162 : memref<128x128xf32, #tpu.memory_space<vmem_shared>>) dst(%dma_wait3A_160 : memref<128x128xf32, #tpu.memory_space<vmem>>)
      tpu.yield
    }) : () -> ()
    %mul3A_52 = arith.constant 480 : i32
    %mul3A_53 = arith.muli %arg1, %mul3A_52 : i32
    %add3A_54 = arith.addi %mul3A_14, %mul3A_53 : i32
    %add3A_55 = arith.constant 128 : i32
    %add3A_56 = arith.addi %add3A_54, %add3A_55 : i32
    "tpu.region"() ({
      %run_scoped3A = tpu.sem_alloc : memref<!tpu.dma_semaphore, #tpu.memory_space<semaphore_mem>>
      %dma_start3A = arith.constant 0 : i32
      %dma_start3A_145 = arith.constant 0 : i32
      %dma_start3A_146 = tpu.memref_slice %arg10[%dma_start3A, %dma_start3A_145] : memref<128x128xf32, #tpu.memory_space<vmem>> -> memref<128x128xf32, #tpu.memory_space<vmem>>
      %dma_start3A_147 = arith.constant 0 : i32
      %dma_start3A_148 = tpu.memref_slice %arg6[%add3A_56, %dma_start3A_147] : memref<30720x128xf32, #tpu.memory_space<hbm>> -> memref<128x128xf32, #tpu.memory_space<hbm>>
      %dma_start3A_149 = arith.constant 0 : i32
      %dma_start3A_150 = tpu.memref_slice %arg6[%add3A_56, %dma_start3A_149] : memref<30720x128xf32, #tpu.memory_space<hbm>> -> memref<128x128xf32, #tpu.memory_space<hbm>>
      %dma_start3A_151 = arith.constant 0 : i32
      %dma_start3A_152 = arith.constant 0 : i32
      %dma_start3A_153 = tpu.memref_slice %arg10[%dma_start3A_151, %dma_start3A_152] : memref<128x128xf32, #tpu.memory_space<vmem>> -> memref<128x128xf32, #tpu.memory_space<vmem>>
      tpu.enqueue_dma source(%dma_start3A_153 : memref<128x128xf32, #tpu.memory_space<vmem>>) target(%dma_start3A_150 : memref<128x128xf32, #tpu.memory_space<hbm>>) target_semaphore(%run_scoped3A : memref<!tpu.dma_semaphore, #tpu.memory_space<semaphore_mem>>)
      %dma_wait3A = arith.constant 0 : i32
      %dma_wait3A_154 = arith.constant 0 : i32
      %dma_wait3A_155 = tpu.memref_slice %arg10[%dma_wait3A, %dma_wait3A_154] : memref<128x128xf32, #tpu.memory_space<vmem>> -> memref<128x128xf32, #tpu.memory_space<vmem>>
      %dma_wait3A_156 = arith.constant 0 : i32
      %dma_wait3A_157 = tpu.memref_slice %arg6[%add3A_56, %dma_wait3A_156] : memref<30720x128xf32, #tpu.memory_space<hbm>> -> memref<128x128xf32, #tpu.memory_space<hbm>>
      %dma_wait3A_158 = arith.constant 0 : i32
      %dma_wait3A_159 = tpu.memref_slice %arg6[%add3A_56, %dma_wait3A_158] : memref<30720x128xf32, #tpu.memory_space<hbm>> -> memref<128x128xf32, #tpu.memory_space<hbm>>
      %dma_wait3A_160 = arith.constant 0 : i32
      %dma_wait3A_161 = arith.constant 0 : i32
      %dma_wait3A_162 = tpu.memref_slice %arg10[%dma_wait3A_160, %dma_wait3A_161] : memref<128x128xf32, #tpu.memory_space<vmem>> -> memref<128x128xf32, #tpu.memory_space<vmem>>
      tpu.wait_dma2 semaphore(%run_scoped3A : memref<!tpu.dma_semaphore, #tpu.memory_space<semaphore_mem>>) src(%dma_wait3A_162 : memref<128x128xf32, #tpu.memory_space<vmem>>) dst(%dma_wait3A_159 : memref<128x128xf32, #tpu.memory_space<hbm>>)
      tpu.yield
    }) : () -> ()
    %mul3A_57 = arith.constant 480 : i32
    %mul3A_58 = arith.muli %arg1, %mul3A_57 : i32
    %add3A_59 = arith.constant 256 : i32
    %add3A_60 = arith.addi %mul3A_58, %add3A_59 : i32
    "tpu.region"() ({
      %run_scoped3A = tpu.sem_alloc : memref<!tpu.dma_semaphore, #tpu.memory_space<semaphore_mem>>
      %dma_start3A = arith.constant 0 : i32
      %dma_start3A_145 = arith.constant 0 : i32
      %dma_start3A_146 = tpu.memref_slice %arg10[%dma_start3A, %dma_start3A_145] : memref<128x128xf32, #tpu.memory_space<vmem>> -> memref<128x128xf32, #tpu.memory_space<vmem>>
      %dma_start3A_147 = arith.constant 0 : i32
      %dma_start3A_148 = tpu.memref_slice %arg12[%add3A_60, %dma_start3A_147] : memref<7808x128xf32, #tpu.memory_space<vmem_shared>> -> memref<128x128xf32, #tpu.memory_space<vmem_shared>>
      %dma_start3A_149 = arith.constant 0 : i32
      %dma_start3A_150 = arith.constant 0 : i32
      %dma_start3A_151 = tpu.memref_slice %arg10[%dma_start3A_149, %dma_start3A_150] : memref<128x128xf32, #tpu.memory_space<vmem>> -> memref<128x128xf32, #tpu.memory_space<vmem>>
      %dma_start3A_152 = arith.constant 0 : i32
      %dma_start3A_153 = tpu.memref_slice %arg12[%add3A_60, %dma_start3A_152] : memref<7808x128xf32, #tpu.memory_space<vmem_shared>> -> memref<128x128xf32, #tpu.memory_space<vmem_shared>>
      tpu.enqueue_dma source(%dma_start3A_153 : memref<128x128xf32, #tpu.memory_space<vmem_shared>>) target(%dma_start3A_151 : memref<128x128xf32, #tpu.memory_space<vmem>>) target_semaphore(%run_scoped3A : memref<!tpu.dma_semaphore, #tpu.memory_space<semaphore_mem>>)
      %dma_wait3A = arith.constant 0 : i32
      %dma_wait3A_154 = arith.constant 0 : i32
      %dma_wait3A_155 = tpu.memref_slice %arg10[%dma_wait3A, %dma_wait3A_154] : memref<128x128xf32, #tpu.memory_space<vmem>> -> memref<128x128xf32, #tpu.memory_space<vmem>>
      %dma_wait3A_156 = arith.constant 0 : i32
      %dma_wait3A_157 = tpu.memref_slice %arg12[%add3A_60, %dma_wait3A_156] : memref<7808x128xf32, #tpu.memory_space<vmem_shared>> -> memref<128x128xf32, #tpu.memory_space<vmem_shared>>
      %dma_wait3A_158 = arith.constant 0 : i32
      %dma_wait3A_159 = arith.constant 0 : i32
      %dma_wait3A_160 = tpu.memref_slice %arg10[%dma_wait3A_158, %dma_wait3A_159] : memref<128x128xf32, #tpu.memory_space<vmem>> -> memref<128x128xf32, #tpu.memory_space<vmem>>
      %dma_wait3A_161 = arith.constant 0 : i32
      %dma_wait3A_162 = tpu.memref_slice %arg12[%add3A_60, %dma_wait3A_161] : memref<7808x128xf32, #tpu.memory_space<vmem_shared>> -> memref<128x128xf32, #tpu.memory_space<vmem_shared>>
      tpu.wait_dma2 semaphore(%run_scoped3A : memref<!tpu.dma_semaphore, #tpu.memory_space<semaphore_mem>>) src(%dma_wait3A_162 : memref<128x128xf32, #tpu.memory_space<vmem_shared>>) dst(%dma_wait3A_160 : memref<128x128xf32, #tpu.memory_space<vmem>>)
      tpu.yield
    }) : () -> ()
    %mul3A_61 = arith.constant 480 : i32
    %mul3A_62 = arith.muli %arg1, %mul3A_61 : i32
    %add3A_63 = arith.addi %mul3A_14, %mul3A_62 : i32
    %add3A_64 = arith.constant 256 : i32
    %add3A_65 = arith.addi %add3A_63, %add3A_64 : i32
    "tpu.region"() ({
      %run_scoped3A = tpu.sem_alloc : memref<!tpu.dma_semaphore, #tpu.memory_space<semaphore_mem>>
      %dma_start3A = arith.constant 0 : i32
      %dma_start3A_145 = arith.constant 0 : i32
      %dma_start3A_146 = tpu.memref_slice %arg10[%dma_start3A, %dma_start3A_145] : memref<128x128xf32, #tpu.memory_space<vmem>> -> memref<128x128xf32, #tpu.memory_space<vmem>>
      %dma_start3A_147 = arith.constant 0 : i32
      %dma_start3A_148 = tpu.memref_slice %arg6[%add3A_65, %dma_start3A_147] : memref<30720x128xf32, #tpu.memory_space<hbm>> -> memref<128x128xf32, #tpu.memory_space<hbm>>
      %dma_start3A_149 = arith.constant 0 : i32
      %dma_start3A_150 = tpu.memref_slice %arg6[%add3A_65, %dma_start3A_149] : memref<30720x128xf32, #tpu.memory_space<hbm>> -> memref<128x128xf32, #tpu.memory_space<hbm>>
      %dma_start3A_151 = arith.constant 0 : i32
      %dma_start3A_152 = arith.constant 0 : i32
      %dma_start3A_153 = tpu.memref_slice %arg10[%dma_start3A_151, %dma_start3A_152] : memref<128x128xf32, #tpu.memory_space<vmem>> -> memref<128x128xf32, #tpu.memory_space<vmem>>
      tpu.enqueue_dma source(%dma_start3A_153 : memref<128x128xf32, #tpu.memory_space<vmem>>) target(%dma_start3A_150 : memref<128x128xf32, #tpu.memory_space<hbm>>) target_semaphore(%run_scoped3A : memref<!tpu.dma_semaphore, #tpu.memory_space<semaphore_mem>>)
      %dma_wait3A = arith.constant 0 : i32
      %dma_wait3A_154 = arith.constant 0 : i32
      %dma_wait3A_155 = tpu.memref_slice %arg10[%dma_wait3A, %dma_wait3A_154] : memref<128x128xf32, #tpu.memory_space<vmem>> -> memref<128x128xf32, #tpu.memory_space<vmem>>
      %dma_wait3A_156 = arith.constant 0 : i32
      %dma_wait3A_157 = tpu.memref_slice %arg6[%add3A_65, %dma_wait3A_156] : memref<30720x128xf32, #tpu.memory_space<hbm>> -> memref<128x128xf32, #tpu.memory_space<hbm>>
      %dma_wait3A_158 = arith.constant 0 : i32
      %dma_wait3A_159 = tpu.memref_slice %arg6[%add3A_65, %dma_wait3A_158] : memref<30720x128xf32, #tpu.memory_space<hbm>> -> memref<128x128xf32, #tpu.memory_space<hbm>>
      %dma_wait3A_160 = arith.constant 0 : i32
      %dma_wait3A_161 = arith.constant 0 : i32
      %dma_wait3A_162 = tpu.memref_slice %arg10[%dma_wait3A_160, %dma_wait3A_161] : memref<128x128xf32, #tpu.memory_space<vmem>> -> memref<128x128xf32, #tpu.memory_space<vmem>>
      tpu.wait_dma2 semaphore(%run_scoped3A : memref<!tpu.dma_semaphore, #tpu.memory_space<semaphore_mem>>) src(%dma_wait3A_162 : memref<128x128xf32, #tpu.memory_space<vmem>>) dst(%dma_wait3A_159 : memref<128x128xf32, #tpu.memory_space<hbm>>)
      tpu.yield
    }) : () -> ()
    %mul3A_66 = arith.constant 480 : i32
    %mul3A_67 = arith.muli %arg1, %mul3A_66 : i32
    %add3A_68 = arith.constant 384 : i32
    %add3A_69 = arith.addi %mul3A_67, %add3A_68 : i32
    "tpu.region"() ({
      %run_scoped3A = tpu.sem_alloc : memref<!tpu.dma_semaphore, #tpu.memory_space<semaphore_mem>>
      %dma_start3A = arith.constant 0 : i32
      %dma_start3A_145 = arith.constant 0 : i32
      %dma_start3A_146 = tpu.memref_slice %arg10[%dma_start3A, %dma_start3A_145] : memref<128x128xf32, #tpu.memory_space<vmem>> -> memref<96x128xf32, #tpu.memory_space<vmem>>
      %dma_start3A_147 = arith.constant 0 : i32
      %dma_start3A_148 = tpu.memref_slice %arg12[%add3A_69, %dma_start3A_147] : memref<7808x128xf32, #tpu.memory_space<vmem_shared>> -> memref<96x128xf32, #tpu.memory_space<vmem_shared>>
      %dma_start3A_149 = arith.constant 0 : i32
      %dma_start3A_150 = arith.constant 0 : i32
      %dma_start3A_151 = tpu.memref_slice %arg10[%dma_start3A_149, %dma_start3A_150] : memref<128x128xf32, #tpu.memory_space<vmem>> -> memref<96x128xf32, #tpu.memory_space<vmem>>
      %dma_start3A_152 = arith.constant 0 : i32
      %dma_start3A_153 = tpu.memref_slice %arg12[%add3A_69, %dma_start3A_152] : memref<7808x128xf32, #tpu.memory_space<vmem_shared>> -> memref<96x128xf32, #tpu.memory_space<vmem_shared>>
      tpu.enqueue_dma source(%dma_start3A_153 : memref<96x128xf32, #tpu.memory_space<vmem_shared>>) target(%dma_start3A_151 : memref<96x128xf32, #tpu.memory_space<vmem>>) target_semaphore(%run_scoped3A : memref<!tpu.dma_semaphore, #tpu.memory_space<semaphore_mem>>)
      %dma_wait3A = arith.constant 0 : i32
      %dma_wait3A_154 = arith.constant 0 : i32
      %dma_wait3A_155 = tpu.memref_slice %arg10[%dma_wait3A, %dma_wait3A_154] : memref<128x128xf32, #tpu.memory_space<vmem>> -> memref<96x128xf32, #tpu.memory_space<vmem>>
      %dma_wait3A_156 = arith.constant 0 : i32
      %dma_wait3A_157 = tpu.memref_slice %arg12[%add3A_69, %dma_wait3A_156] : memref<7808x128xf32, #tpu.memory_space<vmem_shared>> -> memref<96x128xf32, #tpu.memory_space<vmem_shared>>
      %dma_wait3A_158 = arith.constant 0 : i32
      %dma_wait3A_159 = arith.constant 0 : i32
      %dma_wait3A_160 = tpu.memref_slice %arg10[%dma_wait3A_158, %dma_wait3A_159] : memref<128x128xf32, #tpu.memory_space<vmem>> -> memref<96x128xf32, #tpu.memory_space<vmem>>
      %dma_wait3A_161 = arith.constant 0 : i32
      %dma_wait3A_162 = tpu.memref_slice %arg12[%add3A_69, %dma_wait3A_161] : memref<7808x128xf32, #tpu.memory_space<vmem_shared>> -> memref<96x128xf32, #tpu.memory_space<vmem_shared>>
      tpu.wait_dma2 semaphore(%run_scoped3A : memref<!tpu.dma_semaphore, #tpu.memory_space<semaphore_mem>>) src(%dma_wait3A_162 : memref<96x128xf32, #tpu.memory_space<vmem_shared>>) dst(%dma_wait3A_160 : memref<96x128xf32, #tpu.memory_space<vmem>>)
      tpu.yield
    }) : () -> ()
    %mul3A_70 = arith.constant 480 : i32
    %mul3A_71 = arith.muli %arg1, %mul3A_70 : i32
    %add3A_72 = arith.addi %mul3A_14, %mul3A_71 : i32
    %add3A_73 = arith.constant 384 : i32
    %add3A_74 = arith.addi %add3A_72, %add3A_73 : i32
    "tpu.region"() ({
      %run_scoped3A = tpu.sem_alloc : memref<!tpu.dma_semaphore, #tpu.memory_space<semaphore_mem>>
      %dma_start3A = arith.constant 0 : i32
      %dma_start3A_145 = arith.constant 0 : i32
      %dma_start3A_146 = tpu.memref_slice %arg10[%dma_start3A, %dma_start3A_145] : memref<128x128xf32, #tpu.memory_space<vmem>> -> memref<96x128xf32, #tpu.memory_space<vmem>>
      %dma_start3A_147 = arith.constant 0 : i32
      %dma_start3A_148 = tpu.memref_slice %arg6[%add3A_74, %dma_start3A_147] : memref<30720x128xf32, #tpu.memory_space<hbm>> -> memref<96x128xf32, #tpu.memory_space<hbm>>
      %dma_start3A_149 = arith.constant 0 : i32
      %dma_start3A_150 = tpu.memref_slice %arg6[%add3A_74, %dma_start3A_149] : memref<30720x128xf32, #tpu.memory_space<hbm>> -> memref<96x128xf32, #tpu.memory_space<hbm>>
      %dma_start3A_151 = arith.constant 0 : i32
      %dma_start3A_152 = arith.constant 0 : i32
      %dma_start3A_153 = tpu.memref_slice %arg10[%dma_start3A_151, %dma_start3A_152] : memref<128x128xf32, #tpu.memory_space<vmem>> -> memref<96x128xf32, #tpu.memory_space<vmem>>
      tpu.enqueue_dma source(%dma_start3A_153 : memref<96x128xf32, #tpu.memory_space<vmem>>) target(%dma_start3A_150 : memref<96x128xf32, #tpu.memory_space<hbm>>) target_semaphore(%run_scoped3A : memref<!tpu.dma_semaphore, #tpu.memory_space<semaphore_mem>>)
      %dma_wait3A = arith.constant 0 : i32
      %dma_wait3A_154 = arith.constant 0 : i32
      %dma_wait3A_155 = tpu.memref_slice %arg10[%dma_wait3A, %dma_wait3A_154] : memref<128x128xf32, #tpu.memory_space<vmem>> -> memref<96x128xf32, #tpu.memory_space<vmem>>
      %dma_wait3A_156 = arith.constant 0 : i32
      %dma_wait3A_157 = tpu.memref_slice %arg6[%add3A_74, %dma_wait3A_156] : memref<30720x128xf32, #tpu.memory_space<hbm>> -> memref<96x128xf32, #tpu.memory_space<hbm>>
      %dma_wait3A_158 = arith.constant 0 : i32
      %dma_wait3A_159 = tpu.memref_slice %arg6[%add3A_74, %dma_wait3A_158] : memref<30720x128xf32, #tpu.memory_space<hbm>> -> memref<96x128xf32, #tpu.memory_space<hbm>>
      %dma_wait3A_160 = arith.constant 0 : i32
      %dma_wait3A_161 = arith.constant 0 : i32
      %dma_wait3A_162 = tpu.memref_slice %arg10[%dma_wait3A_160, %dma_wait3A_161] : memref<128x128xf32, #tpu.memory_space<vmem>> -> memref<96x128xf32, #tpu.memory_space<vmem>>
      tpu.wait_dma2 semaphore(%run_scoped3A : memref<!tpu.dma_semaphore, #tpu.memory_space<semaphore_mem>>) src(%dma_wait3A_162 : memref<96x128xf32, #tpu.memory_space<vmem>>) dst(%dma_wait3A_159 : memref<96x128xf32, #tpu.memory_space<hbm>>)
      tpu.yield
    }) : () -> ()
    %mul3A_75 = arith.constant 2 : i32
    %mul3A_76 = arith.muli %mul3A_75, %arg0 : i32
    %add3A_77 = arith.constant 1 : i32
    %add3A_78 = arith.addi %mul3A_76, %add3A_77 : i32
    %mul3A_79 = arith.constant 7680 : i32
    %mul3A_80 = arith.muli %add3A_78, %mul3A_79 : i32
    "tpu.region"() ({
      %run_scoped3A = tpu.sem_alloc : memref<!tpu.dma_semaphore, #tpu.memory_space<semaphore_mem>>
      tpu.enqueue_dma source(%arg5 : memref<128x128xf32, #tpu.memory_space<hbm>>) target(%arg10 : memref<128x128xf32, #tpu.memory_space<vmem>>) target_semaphore(%run_scoped3A : memref<!tpu.dma_semaphore, #tpu.memory_space<semaphore_mem>>)
      tpu.wait_dma2 semaphore(%run_scoped3A : memref<!tpu.dma_semaphore, #tpu.memory_space<semaphore_mem>>) src(%arg5 : memref<128x128xf32, #tpu.memory_space<hbm>>) dst(%arg10 : memref<128x128xf32, #tpu.memory_space<vmem>>)
      tpu.yield
    }) : () -> ()
    %mul3A_81 = arith.constant 480 : i32
    %mul3A_82 = arith.muli %arg1, %mul3A_81 : i32
    %add3A_83 = arith.constant 0 : i32
    %add3A_84 = arith.addi %mul3A_82, %add3A_83 : i32
    "tpu.region"() ({
      %run_scoped3A = tpu.sem_alloc : memref<!tpu.dma_semaphore, #tpu.memory_space<semaphore_mem>>
      %dma_start3A = arith.constant 0 : i32
      %dma_start3A_145 = arith.constant 0 : i32
      %dma_start3A_146 = tpu.memref_slice %arg10[%dma_start3A, %dma_start3A_145] : memref<128x128xf32, #tpu.memory_space<vmem>> -> memref<128x128xf32, #tpu.memory_space<vmem>>
      %dma_start3A_147 = arith.constant 0 : i32
      %dma_start3A_148 = tpu.memref_slice %arg12[%add3A_84, %dma_start3A_147] : memref<7808x128xf32, #tpu.memory_space<vmem_shared>> -> memref<128x128xf32, #tpu.memory_space<vmem_shared>>
      %dma_start3A_149 = arith.constant 0 : i32
      %dma_start3A_150 = tpu.memref_slice %arg12[%add3A_84, %dma_start3A_149] : memref<7808x128xf32, #tpu.memory_space<vmem_shared>> -> memref<128x128xf32, #tpu.memory_space<vmem_shared>>
      %dma_start3A_151 = arith.constant 0 : i32
      %dma_start3A_152 = arith.constant 0 : i32
      %dma_start3A_153 = tpu.memref_slice %arg10[%dma_start3A_151, %dma_start3A_152] : memref<128x128xf32, #tpu.memory_space<vmem>> -> memref<128x128xf32, #tpu.memory_space<vmem>>
      tpu.enqueue_dma source(%dma_start3A_153 : memref<128x128xf32, #tpu.memory_space<vmem>>) target(%dma_start3A_150 : memref<128x128xf32, #tpu.memory_space<vmem_shared>>) target_semaphore(%run_scoped3A : memref<!tpu.dma_semaphore, #tpu.memory_space<semaphore_mem>>)
      %dma_wait3A = arith.constant 0 : i32
      %dma_wait3A_154 = arith.constant 0 : i32
      %dma_wait3A_155 = tpu.memref_slice %arg10[%dma_wait3A, %dma_wait3A_154] : memref<128x128xf32, #tpu.memory_space<vmem>> -> memref<128x128xf32, #tpu.memory_space<vmem>>
      %dma_wait3A_156 = arith.constant 0 : i32
      %dma_wait3A_157 = tpu.memref_slice %arg12[%add3A_84, %dma_wait3A_156] : memref<7808x128xf32, #tpu.memory_space<vmem_shared>> -> memref<128x128xf32, #tpu.memory_space<vmem_shared>>
      %dma_wait3A_158 = arith.constant 0 : i32
      %dma_wait3A_159 = tpu.memref_slice %arg12[%add3A_84, %dma_wait3A_158] : memref<7808x128xf32, #tpu.memory_space<vmem_shared>> -> memref<128x128xf32, #tpu.memory_space<vmem_shared>>
      %dma_wait3A_160 = arith.constant 0 : i32
      %dma_wait3A_161 = arith.constant 0 : i32
      %dma_wait3A_162 = tpu.memref_slice %arg10[%dma_wait3A_160, %dma_wait3A_161] : memref<128x128xf32, #tpu.memory_space<vmem>> -> memref<128x128xf32, #tpu.memory_space<vmem>>
      tpu.wait_dma2 semaphore(%run_scoped3A : memref<!tpu.dma_semaphore, #tpu.memory_space<semaphore_mem>>) src(%dma_wait3A_162 : memref<128x128xf32, #tpu.memory_space<vmem>>) dst(%dma_wait3A_159 : memref<128x128xf32, #tpu.memory_space<vmem_shared>>)
      tpu.yield
    }) : () -> ()
    %mul3A_85 = arith.constant 480 : i32
    %mul3A_86 = arith.muli %arg1, %mul3A_85 : i32
    %add3A_87 = arith.constant 128 : i32
    %add3A_88 = arith.addi %mul3A_86, %add3A_87 : i32
    "tpu.region"() ({
      %run_scoped3A = tpu.sem_alloc : memref<!tpu.dma_semaphore, #tpu.memory_space<semaphore_mem>>
      %dma_start3A = arith.constant 0 : i32
      %dma_start3A_145 = arith.constant 0 : i32
      %dma_start3A_146 = tpu.memref_slice %arg10[%dma_start3A, %dma_start3A_145] : memref<128x128xf32, #tpu.memory_space<vmem>> -> memref<128x128xf32, #tpu.memory_space<vmem>>
      %dma_start3A_147 = arith.constant 0 : i32
      %dma_start3A_148 = tpu.memref_slice %arg12[%add3A_88, %dma_start3A_147] : memref<7808x128xf32, #tpu.memory_space<vmem_shared>> -> memref<128x128xf32, #tpu.memory_space<vmem_shared>>
      %dma_start3A_149 = arith.constant 0 : i32
      %dma_start3A_150 = tpu.memref_slice %arg12[%add3A_88, %dma_start3A_149] : memref<7808x128xf32, #tpu.memory_space<vmem_shared>> -> memref<128x128xf32, #tpu.memory_space<vmem_shared>>
      %dma_start3A_151 = arith.constant 0 : i32
      %dma_start3A_152 = arith.constant 0 : i32
      %dma_start3A_153 = tpu.memref_slice %arg10[%dma_start3A_151, %dma_start3A_152] : memref<128x128xf32, #tpu.memory_space<vmem>> -> memref<128x128xf32, #tpu.memory_space<vmem>>
      tpu.enqueue_dma source(%dma_start3A_153 : memref<128x128xf32, #tpu.memory_space<vmem>>) target(%dma_start3A_150 : memref<128x128xf32, #tpu.memory_space<vmem_shared>>) target_semaphore(%run_scoped3A : memref<!tpu.dma_semaphore, #tpu.memory_space<semaphore_mem>>)
      %dma_wait3A = arith.constant 0 : i32
      %dma_wait3A_154 = arith.constant 0 : i32
      %dma_wait3A_155 = tpu.memref_slice %arg10[%dma_wait3A, %dma_wait3A_154] : memref<128x128xf32, #tpu.memory_space<vmem>> -> memref<128x128xf32, #tpu.memory_space<vmem>>
      %dma_wait3A_156 = arith.constant 0 : i32
      %dma_wait3A_157 = tpu.memref_slice %arg12[%add3A_88, %dma_wait3A_156] : memref<7808x128xf32, #tpu.memory_space<vmem_shared>> -> memref<128x128xf32, #tpu.memory_space<vmem_shared>>
      %dma_wait3A_158 = arith.constant 0 : i32
      %dma_wait3A_159 = tpu.memref_slice %arg12[%add3A_88, %dma_wait3A_158] : memref<7808x128xf32, #tpu.memory_space<vmem_shared>> -> memref<128x128xf32, #tpu.memory_space<vmem_shared>>
      %dma_wait3A_160 = arith.constant 0 : i32
      %dma_wait3A_161 = arith.constant 0 : i32
      %dma_wait3A_162 = tpu.memref_slice %arg10[%dma_wait3A_160, %dma_wait3A_161] : memref<128x128xf32, #tpu.memory_space<vmem>> -> memref<128x128xf32, #tpu.memory_space<vmem>>
      tpu.wait_dma2 semaphore(%run_scoped3A : memref<!tpu.dma_semaphore, #tpu.memory_space<semaphore_mem>>) src(%dma_wait3A_162 : memref<128x128xf32, #tpu.memory_space<vmem>>) dst(%dma_wait3A_159 : memref<128x128xf32, #tpu.memory_space<vmem_shared>>)
      tpu.yield
    }) : () -> ()
    %mul3A_89 = arith.constant 480 : i32
    %mul3A_90 = arith.muli %arg1, %mul3A_89 : i32
    %add3A_91 = arith.constant 256 : i32
    %add3A_92 = arith.addi %mul3A_90, %add3A_91 : i32
    "tpu.region"() ({
      %run_scoped3A = tpu.sem_alloc : memref<!tpu.dma_semaphore, #tpu.memory_space<semaphore_mem>>
      %dma_start3A = arith.constant 0 : i32
      %dma_start3A_145 = arith.constant 0 : i32
      %dma_start3A_146 = tpu.memref_slice %arg10[%dma_start3A, %dma_start3A_145] : memref<128x128xf32, #tpu.memory_space<vmem>> -> memref<128x128xf32, #tpu.memory_space<vmem>>
      %dma_start3A_147 = arith.constant 0 : i32
      %dma_start3A_148 = tpu.memref_slice %arg12[%add3A_92, %dma_start3A_147] : memref<7808x128xf32, #tpu.memory_space<vmem_shared>> -> memref<128x128xf32, #tpu.memory_space<vmem_shared>>
      %dma_start3A_149 = arith.constant 0 : i32
      %dma_start3A_150 = tpu.memref_slice %arg12[%add3A_92, %dma_start3A_149] : memref<7808x128xf32, #tpu.memory_space<vmem_shared>> -> memref<128x128xf32, #tpu.memory_space<vmem_shared>>
      %dma_start3A_151 = arith.constant 0 : i32
      %dma_start3A_152 = arith.constant 0 : i32
      %dma_start3A_153 = tpu.memref_slice %arg10[%dma_start3A_151, %dma_start3A_152] : memref<128x128xf32, #tpu.memory_space<vmem>> -> memref<128x128xf32, #tpu.memory_space<vmem>>
      tpu.enqueue_dma source(%dma_start3A_153 : memref<128x128xf32, #tpu.memory_space<vmem>>) target(%dma_start3A_150 : memref<128x128xf32, #tpu.memory_space<vmem_shared>>) target_semaphore(%run_scoped3A : memref<!tpu.dma_semaphore, #tpu.memory_space<semaphore_mem>>)
      %dma_wait3A = arith.constant 0 : i32
      %dma_wait3A_154 = arith.constant 0 : i32
      %dma_wait3A_155 = tpu.memref_slice %arg10[%dma_wait3A, %dma_wait3A_154] : memref<128x128xf32, #tpu.memory_space<vmem>> -> memref<128x128xf32, #tpu.memory_space<vmem>>
      %dma_wait3A_156 = arith.constant 0 : i32
      %dma_wait3A_157 = tpu.memref_slice %arg12[%add3A_92, %dma_wait3A_156] : memref<7808x128xf32, #tpu.memory_space<vmem_shared>> -> memref<128x128xf32, #tpu.memory_space<vmem_shared>>
      %dma_wait3A_158 = arith.constant 0 : i32
      %dma_wait3A_159 = tpu.memref_slice %arg12[%add3A_92, %dma_wait3A_158] : memref<7808x128xf32, #tpu.memory_space<vmem_shared>> -> memref<128x128xf32, #tpu.memory_space<vmem_shared>>
      %dma_wait3A_160 = arith.constant 0 : i32
      %dma_wait3A_161 = arith.constant 0 : i32
      %dma_wait3A_162 = tpu.memref_slice %arg10[%dma_wait3A_160, %dma_wait3A_161] : memref<128x128xf32, #tpu.memory_space<vmem>> -> memref<128x128xf32, #tpu.memory_space<vmem>>
      tpu.wait_dma2 semaphore(%run_scoped3A : memref<!tpu.dma_semaphore, #tpu.memory_space<semaphore_mem>>) src(%dma_wait3A_162 : memref<128x128xf32, #tpu.memory_space<vmem>>) dst(%dma_wait3A_159 : memref<128x128xf32, #tpu.memory_space<vmem_shared>>)
      tpu.yield
    }) : () -> ()
    %mul3A_93 = arith.constant 480 : i32
    %mul3A_94 = arith.muli %arg1, %mul3A_93 : i32
    %add3A_95 = arith.constant 384 : i32
    %add3A_96 = arith.addi %mul3A_94, %add3A_95 : i32
    "tpu.region"() ({
      %run_scoped3A = tpu.sem_alloc : memref<!tpu.dma_semaphore, #tpu.memory_space<semaphore_mem>>
      %dma_start3A = arith.constant 0 : i32
      %dma_start3A_145 = arith.constant 0 : i32
      %dma_start3A_146 = tpu.memref_slice %arg10[%dma_start3A, %dma_start3A_145] : memref<128x128xf32, #tpu.memory_space<vmem>> -> memref<96x128xf32, #tpu.memory_space<vmem>>
      %dma_start3A_147 = arith.constant 0 : i32
      %dma_start3A_148 = tpu.memref_slice %arg12[%add3A_96, %dma_start3A_147] : memref<7808x128xf32, #tpu.memory_space<vmem_shared>> -> memref<96x128xf32, #tpu.memory_space<vmem_shared>>
      %dma_start3A_149 = arith.constant 0 : i32
      %dma_start3A_150 = tpu.memref_slice %arg12[%add3A_96, %dma_start3A_149] : memref<7808x128xf32, #tpu.memory_space<vmem_shared>> -> memref<96x128xf32, #tpu.memory_space<vmem_shared>>
      %dma_start3A_151 = arith.constant 0 : i32
      %dma_start3A_152 = arith.constant 0 : i32
      %dma_start3A_153 = tpu.memref_slice %arg10[%dma_start3A_151, %dma_start3A_152] : memref<128x128xf32, #tpu.memory_space<vmem>> -> memref<96x128xf32, #tpu.memory_space<vmem>>
      tpu.enqueue_dma source(%dma_start3A_153 : memref<96x128xf32, #tpu.memory_space<vmem>>) target(%dma_start3A_150 : memref<96x128xf32, #tpu.memory_space<vmem_shared>>) target_semaphore(%run_scoped3A : memref<!tpu.dma_semaphore, #tpu.memory_space<semaphore_mem>>)
      %dma_wait3A = arith.constant 0 : i32
      %dma_wait3A_154 = arith.constant 0 : i32
      %dma_wait3A_155 = tpu.memref_slice %arg10[%dma_wait3A, %dma_wait3A_154] : memref<128x128xf32, #tpu.memory_space<vmem>> -> memref<96x128xf32, #tpu.memory_space<vmem>>
      %dma_wait3A_156 = arith.constant 0 : i32
      %dma_wait3A_157 = tpu.memref_slice %arg12[%add3A_96, %dma_wait3A_156] : memref<7808x128xf32, #tpu.memory_space<vmem_shared>> -> memref<96x128xf32, #tpu.memory_space<vmem_shared>>
      %dma_wait3A_158 = arith.constant 0 : i32
      %dma_wait3A_159 = tpu.memref_slice %arg12[%add3A_96, %dma_wait3A_158] : memref<7808x128xf32, #tpu.memory_space<vmem_shared>> -> memref<96x128xf32, #tpu.memory_space<vmem_shared>>
      %dma_wait3A_160 = arith.constant 0 : i32
      %dma_wait3A_161 = arith.constant 0 : i32
      %dma_wait3A_162 = tpu.memref_slice %arg10[%dma_wait3A_160, %dma_wait3A_161] : memref<128x128xf32, #tpu.memory_space<vmem>> -> memref<96x128xf32, #tpu.memory_space<vmem>>
      tpu.wait_dma2 semaphore(%run_scoped3A : memref<!tpu.dma_semaphore, #tpu.memory_space<semaphore_mem>>) src(%dma_wait3A_162 : memref<96x128xf32, #tpu.memory_space<vmem>>) dst(%dma_wait3A_159 : memref<96x128xf32, #tpu.memory_space<vmem_shared>>)
      tpu.yield
    }) : () -> ()
    %barrier3A_97 = arith.constant 0 : index
    tpu.barrier barrier_id(%barrier3A_97)
    %lt3A_98 = arith.constant 8 : i32
    %lt3A_99 = arith.cmpi slt, %arg1, %lt3A_98 : i32
    %convert_element_type3A_100 = arith.extui %lt3A_99 : i1 to i32
    %cond3A_101 = arith.constant 0 : i32
    %cond3A_102 = arith.cmpi ne, %convert_element_type3A_100, %cond3A_101 : i32
    scf.if %cond3A_102 {
      %scan3A = arith.constant 0 : i32
      %scan3A_145 = arith.constant 0 : i32
      %scan3A_146 = arith.constant 22 : i32
      %scan3A_147 = arith.addi %scan3A_145, %scan3A_146 : i32
      %scan3A_148 = arith.constant 1 : i32
      scf.for %scan3A_150 = %scan3A_145 to %scan3A_147 step %scan3A_148  : i32 {
        %mul3A_151 = arith.constant 2 : i32
        %mul3A_152 = arith.muli %mul3A_151, %scan3A_150 : i32
        %mul3A_153 = arith.constant 128 : i32
        %mul3A_154 = arith.muli %mul3A_152, %mul3A_153 : i32
        %add3A_155 = arith.addi %mul3A_8, %mul3A_154 : i32
        %dma_start3A = arith.constant 0 : i32
        %dma_start3A_156 = tpu.memref_slice %arg2[%add3A_155, %dma_start3A] : memref<45056x128xf32, #tpu.memory_space<hbm>> -> memref<128x128xf32, #tpu.memory_space<hbm>>
        %dma_start3A_157 = arith.constant 0 : i32
        %dma_start3A_158 = tpu.memref_slice %arg2[%add3A_155, %dma_start3A_157] : memref<45056x128xf32, #tpu.memory_space<hbm>> -> memref<128x128xf32, #tpu.memory_space<hbm>>
        tpu.enqueue_dma source(%dma_start3A_158 : memref<128x128xf32, #tpu.memory_space<hbm>>) target(%arg10 : memref<128x128xf32, #tpu.memory_space<vmem>>) target_semaphore(%arg13 : memref<!tpu.dma_semaphore, #tpu.memory_space<semaphore_mem>>)
        %add3A_159 = arith.constant 128 : i32
        %add3A_160 = arith.addi %add3A_155, %add3A_159 : i32
        %dma_start3A_161 = arith.constant 0 : i32
        %dma_start3A_162 = tpu.memref_slice %arg2[%add3A_160, %dma_start3A_161] : memref<45056x128xf32, #tpu.memory_space<hbm>> -> memref<128x128xf32, #tpu.memory_space<hbm>>
        %dma_start3A_163 = arith.constant 0 : i32
        %dma_start3A_164 = tpu.memref_slice %arg2[%add3A_160, %dma_start3A_163] : memref<45056x128xf32, #tpu.memory_space<hbm>> -> memref<128x128xf32, #tpu.memory_space<hbm>>
        tpu.enqueue_dma source(%dma_start3A_164 : memref<128x128xf32, #tpu.memory_space<hbm>>) target(%arg11 : memref<128x128xf32, #tpu.memory_space<vmem>>) target_semaphore(%arg14 : memref<!tpu.dma_semaphore, #tpu.memory_space<semaphore_mem>>)
        %get3A = arith.index_cast %mul3A_152 : i32 to index
        %get3A_165 = arith.constant 0 : index
        %get3A_166 = tpu.vector_load %arg7[%get3A, %get3A_165] {strides = array<i32>} : memref<44x128xi32, #tpu.memory_space<vmem>>, vector<1x16xi32>,
        %get3A_167 = vector.shape_cast %get3A_166 : vector<1x16xi32> to vector<16xi32>
        %sub3A = vector.broadcast %mul3A_80 : i32 to vector<16xi32>
        %sub3A_168 = arith.subi %get3A_167, %sub3A : vector<16xi32>
        %iota3A = tpu.iota {dimensions = array<i32: 0>} : vector<16xi32>
        %add3A_169 = arith.constant 7680 : i32
        %add3A_170 = vector.broadcast %add3A_169 : i32 to vector<16xi32>
        %add3A_171 = arith.addi %add3A_170, %iota3A : vector<16xi32>
        %ge3A_172 = arith.constant 0 : i32
        %ge3A_173 = vector.broadcast %ge3A_172 : i32 to vector<16xi32>
        %ge3A_174 = arith.cmpi sge, %sub3A_168, %ge3A_173 : vector<16xi32>
        %lt3A_175 = arith.constant 7680 : i32
        %lt3A_176 = vector.broadcast %lt3A_175 : i32 to vector<16xi32>
        %lt3A_177 = arith.cmpi slt, %sub3A_168, %lt3A_176 : vector<16xi32>
        %and3A_178 = arith.andi %ge3A_174, %lt3A_177 : vector<16xi1>
        %select_n3A_179 = arith.select %and3A_178, %sub3A_168, %add3A_171 : vector<16xi1>, vector<16xi32>
        %swap3A = arith.constant 0 : i32
        %swap3A_180 = arith.index_cast %swap3A : i32 to index
        %swap3A_181 = arith.constant 0 : index
        %swap3A_182 = tpu.vector_load %arg8[%swap3A_180, %swap3A_181] {strides = array<i32>} : memref<1x128xi32, #tpu.memory_space<vmem>>, vector<1x16xi32>,
        %swap3A_183 = vector.shape_cast %swap3A_182 : vector<1x16xi32> to vector<16xi32>
        %swap3A_184 = vector.shape_cast %select_n3A_179 : vector<16xi32> to vector<1x16xi32>
        tpu.vector_store %arg8[%swap3A_180, %swap3A_181], %swap3A_184 {strides = array<i32>} : memref<1x128xi32, #tpu.memory_space<vmem>>, vector<1x16xi32>,
        %get3A_185 = arith.index_cast %mul3A_152 : i32 to index
        %get3A_186 = arith.constant 16 : index
        %get3A_187 = tpu.vector_load %arg7[%get3A_185, %get3A_186] {strides = array<i32>} : memref<44x128xi32, #tpu.memory_space<vmem>>, vector<1x16xi32>,
        %get3A_188 = vector.shape_cast %get3A_187 : vector<1x16xi32> to vector<16xi32>
        %sub3A_189 = vector.broadcast %mul3A_80 : i32 to vector<16xi32>
        %sub3A_190 = arith.subi %get3A_188, %sub3A_189 : vector<16xi32>
        %iota3A_191 = tpu.iota {dimensions = array<i32: 0>} : vector<16xi32>
        %add3A_192 = arith.constant 7696 : i32
        %add3A_193 = vector.broadcast %add3A_192 : i32 to vector<16xi32>
        %add3A_194 = arith.addi %add3A_193, %iota3A_191 : vector<16xi32>
        %ge3A_195 = arith.constant 0 : i32
        %ge3A_196 = vector.broadcast %ge3A_195 : i32 to vector<16xi32>
        %ge3A_197 = arith.cmpi sge, %sub3A_190, %ge3A_196 : vector<16xi32>
        %lt3A_198 = arith.constant 7680 : i32
        %lt3A_199 = vector.broadcast %lt3A_198 : i32 to vector<16xi32>
        %lt3A_200 = arith.cmpi slt, %sub3A_190, %lt3A_199 : vector<16xi32>
        %and3A_201 = arith.andi %ge3A_197, %lt3A_200 : vector<16xi1>
        %select_n3A_202 = arith.select %and3A_201, %sub3A_190, %add3A_194 : vector<16xi1>, vector<16xi32>
        %swap3A_203 = arith.constant 0 : i32
        %swap3A_204 = arith.index_cast %swap3A_203 : i32 to index
        %swap3A_205 = arith.constant 16 : index
        %swap3A_206 = tpu.vector_load %arg8[%swap3A_204, %swap3A_205] {strides = array<i32>} : memref<1x128xi32, #tpu.memory_space<vmem>>, vector<1x16xi32>,
        %swap3A_207 = vector.shape_cast %swap3A_206 : vector<1x16xi32> to vector<16xi32>
        %swap3A_208 = vector.shape_cast %select_n3A_202 : vector<16xi32> to vector<1x16xi32>
        tpu.vector_store %arg8[%swap3A_204, %swap3A_205], %swap3A_208 {strides = array<i32>} : memref<1x128xi32, #tpu.memory_space<vmem>>, vector<1x16xi32>,
        %get3A_209 = arith.index_cast %mul3A_152 : i32 to index
        %get3A_210 = arith.constant 32 : index
        %get3A_211 = tpu.vector_load %arg7[%get3A_209, %get3A_210] {strides = array<i32>} : memref<44x128xi32, #tpu.memory_space<vmem>>, vector<1x16xi32>,
        %get3A_212 = vector.shape_cast %get3A_211 : vector<1x16xi32> to vector<16xi32>
        %sub3A_213 = vector.broadcast %mul3A_80 : i32 to vector<16xi32>
        %sub3A_214 = arith.subi %get3A_212, %sub3A_213 : vector<16xi32>
        %iota3A_215 = tpu.iota {dimensions = array<i32: 0>} : vector<16xi32>
        %add3A_216 = arith.constant 7712 : i32
        %add3A_217 = vector.broadcast %add3A_216 : i32 to vector<16xi32>
        %add3A_218 = arith.addi %add3A_217, %iota3A_215 : vector<16xi32>
        %ge3A_219 = arith.constant 0 : i32
        %ge3A_220 = vector.broadcast %ge3A_219 : i32 to vector<16xi32>
        %ge3A_221 = arith.cmpi sge, %sub3A_214, %ge3A_220 : vector<16xi32>
        %lt3A_222 = arith.constant 7680 : i32
        %lt3A_223 = vector.broadcast %lt3A_222 : i32 to vector<16xi32>
        %lt3A_224 = arith.cmpi slt, %sub3A_214, %lt3A_223 : vector<16xi32>
        %and3A_225 = arith.andi %ge3A_221, %lt3A_224 : vector<16xi1>
        %select_n3A_226 = arith.select %and3A_225, %sub3A_214, %add3A_218 : vector<16xi1>, vector<16xi32>
        %swap3A_227 = arith.constant 0 : i32
        %swap3A_228 = arith.index_cast %swap3A_227 : i32 to index
        %swap3A_229 = arith.constant 32 : index
        %swap3A_230 = tpu.vector_load %arg8[%swap3A_228, %swap3A_229] {strides = array<i32>} : memref<1x128xi32, #tpu.memory_space<vmem>>, vector<1x16xi32>,
        %swap3A_231 = vector.shape_cast %swap3A_230 : vector<1x16xi32> to vector<16xi32>
        %swap3A_232 = vector.shape_cast %select_n3A_226 : vector<16xi32> to vector<1x16xi32>
        tpu.vector_store %arg8[%swap3A_228, %swap3A_229], %swap3A_232 {strides = array<i32>} : memref<1x128xi32, #tpu.memory_space<vmem>>, vector<1x16xi32>,
        %get3A_233 = arith.index_cast %mul3A_152 : i32 to index
        %get3A_234 = arith.constant 48 : index
        %get3A_235 = tpu.vector_load %arg7[%get3A_233, %get3A_234] {strides = array<i32>} : memref<44x128xi32, #tpu.memory_space<vmem>>, vector<1x16xi32>,
        %get3A_236 = vector.shape_cast %get3A_235 : vector<1x16xi32> to vector<16xi32>
        %sub3A_237 = vector.broadcast %mul3A_80 : i32 to vector<16xi32>
        %sub3A_238 = arith.subi %get3A_236, %sub3A_237 : vector<16xi32>
        %iota3A_239 = tpu.iota {dimensions = array<i32: 0>} : vector<16xi32>
        %add3A_240 = arith.constant 7728 : i32
        %add3A_241 = vector.broadcast %add3A_240 : i32 to vector<16xi32>
        %add3A_242 = arith.addi %add3A_241, %iota3A_239 : vector<16xi32>
        %ge3A_243 = arith.constant 0 : i32
        %ge3A_244 = vector.broadcast %ge3A_243 : i32 to vector<16xi32>
        %ge3A_245 = arith.cmpi sge, %sub3A_238, %ge3A_244 : vector<16xi32>
        %lt3A_246 = arith.constant 7680 : i32
        %lt3A_247 = vector.broadcast %lt3A_246 : i32 to vector<16xi32>
        %lt3A_248 = arith.cmpi slt, %sub3A_238, %lt3A_247 : vector<16xi32>
        %and3A_249 = arith.andi %ge3A_245, %lt3A_248 : vector<16xi1>
        %select_n3A_250 = arith.select %and3A_249, %sub3A_238, %add3A_242 : vector<16xi1>, vector<16xi32>
        %swap3A_251 = arith.constant 0 : i32
        %swap3A_252 = arith.index_cast %swap3A_251 : i32 to index
        %swap3A_253 = arith.constant 48 : index
        %swap3A_254 = tpu.vector_load %arg8[%swap3A_252, %swap3A_253] {strides = array<i32>} : memref<1x128xi32, #tpu.memory_space<vmem>>, vector<1x16xi32>,
        %swap3A_255 = vector.shape_cast %swap3A_254 : vector<1x16xi32> to vector<16xi32>
        %swap3A_256 = vector.shape_cast %select_n3A_250 : vector<16xi32> to vector<1x16xi32>
        tpu.vector_store %arg8[%swap3A_252, %swap3A_253], %swap3A_256 {strides = array<i32>} : memref<1x128xi32, #tpu.memory_space<vmem>>, vector<1x16xi32>,
        %get3A_257 = arith.index_cast %mul3A_152 : i32 to index
        %get3A_258 = arith.constant 64 : index
        %get3A_259 = tpu.vector_load %arg7[%get3A_257, %get3A_258] {strides = array<i32>} : memref<44x128xi32, #tpu.memory_space<vmem>>, vector<1x16xi32>,
        %get3A_260 = vector.shape_cast %get3A_259 : vector<1x16xi32> to vector<16xi32>
        %sub3A_261 = vector.broadcast %mul3A_80 : i32 to vector<16xi32>
        %sub3A_262 = arith.subi %get3A_260, %sub3A_261 : vector<16xi32>
        %iota3A_263 = tpu.iota {dimensions = array<i32: 0>} : vector<16xi32>
        %add3A_264 = arith.constant 7744 : i32
        %add3A_265 = vector.broadcast %add3A_264 : i32 to vector<16xi32>
        %add3A_266 = arith.addi %add3A_265, %iota3A_263 : vector<16xi32>
        %ge3A_267 = arith.constant 0 : i32
        %ge3A_268 = vector.broadcast %ge3A_267 : i32 to vector<16xi32>
        %ge3A_269 = arith.cmpi sge, %sub3A_262, %ge3A_268 : vector<16xi32>
        %lt3A_270 = arith.constant 7680 : i32
        %lt3A_271 = vector.broadcast %lt3A_270 : i32 to vector<16xi32>
        %lt3A_272 = arith.cmpi slt, %sub3A_262, %lt3A_271 : vector<16xi32>
        %and3A_273 = arith.andi %ge3A_269, %lt3A_272 : vector<16xi1>
        %select_n3A_274 = arith.select %and3A_273, %sub3A_262, %add3A_266 : vector<16xi1>, vector<16xi32>
        %swap3A_275 = arith.constant 0 : i32
        %swap3A_276 = arith.index_cast %swap3A_275 : i32 to index
        %swap3A_277 = arith.constant 64 : index
        %swap3A_278 = tpu.vector_load %arg8[%swap3A_276, %swap3A_277] {strides = array<i32>} : memref<1x128xi32, #tpu.memory_space<vmem>>, vector<1x16xi32>,
        %swap3A_279 = vector.shape_cast %swap3A_278 : vector<1x16xi32> to vector<16xi32>
        %swap3A_280 = vector.shape_cast %select_n3A_274 : vector<16xi32> to vector<1x16xi32>
        tpu.vector_store %arg8[%swap3A_276, %swap3A_277], %swap3A_280 {strides = array<i32>} : memref<1x128xi32, #tpu.memory_space<vmem>>, vector<1x16xi32>,
        %get3A_281 = arith.index_cast %mul3A_152 : i32 to index
        %get3A_282 = arith.constant 80 : index
        %get3A_283 = tpu.vector_load %arg7[%get3A_281, %get3A_282] {strides = array<i32>} : memref<44x128xi32, #tpu.memory_space<vmem>>, vector<1x16xi32>,
        %get3A_284 = vector.shape_cast %get3A_283 : vector<1x16xi32> to vector<16xi32>
        %sub3A_285 = vector.broadcast %mul3A_80 : i32 to vector<16xi32>
        %sub3A_286 = arith.subi %get3A_284, %sub3A_285 : vector<16xi32>
        %iota3A_287 = tpu.iota {dimensions = array<i32: 0>} : vector<16xi32>
        %add3A_288 = arith.constant 7760 : i32
        %add3A_289 = vector.broadcast %add3A_288 : i32 to vector<16xi32>
        %add3A_290 = arith.addi %add3A_289, %iota3A_287 : vector<16xi32>
        %ge3A_291 = arith.constant 0 : i32
        %ge3A_292 = vector.broadcast %ge3A_291 : i32 to vector<16xi32>
        %ge3A_293 = arith.cmpi sge, %sub3A_286, %ge3A_292 : vector<16xi32>
        %lt3A_294 = arith.constant 7680 : i32
        %lt3A_295 = vector.broadcast %lt3A_294 : i32 to vector<16xi32>
        %lt3A_296 = arith.cmpi slt, %sub3A_286, %lt3A_295 : vector<16xi32>
        %and3A_297 = arith.andi %ge3A_293, %lt3A_296 : vector<16xi1>
        %select_n3A_298 = arith.select %and3A_297, %sub3A_286, %add3A_290 : vector<16xi1>, vector<16xi32>
        %swap3A_299 = arith.constant 0 : i32
        %swap3A_300 = arith.index_cast %swap3A_299 : i32 to index
        %swap3A_301 = arith.constant 80 : index
        %swap3A_302 = tpu.vector_load %arg8[%swap3A_300, %swap3A_301] {strides = array<i32>} : memref<1x128xi32, #tpu.memory_space<vmem>>, vector<1x16xi32>,
        %swap3A_303 = vector.shape_cast %swap3A_302 : vector<1x16xi32> to vector<16xi32>
        %swap3A_304 = vector.shape_cast %select_n3A_298 : vector<16xi32> to vector<1x16xi32>
        tpu.vector_store %arg8[%swap3A_300, %swap3A_301], %swap3A_304 {strides = array<i32>} : memref<1x128xi32, #tpu.memory_space<vmem>>, vector<1x16xi32>,
        %get3A_305 = arith.index_cast %mul3A_152 : i32 to index
        %get3A_306 = arith.constant 96 : index
        %get3A_307 = tpu.vector_load %arg7[%get3A_305, %get3A_306] {strides = array<i32>} : memref<44x128xi32, #tpu.memory_space<vmem>>, vector<1x16xi32>,
        %get3A_308 = vector.shape_cast %get3A_307 : vector<1x16xi32> to vector<16xi32>
        %sub3A_309 = vector.broadcast %mul3A_80 : i32 to vector<16xi32>
        %sub3A_310 = arith.subi %get3A_308, %sub3A_309 : vector<16xi32>
        %iota3A_311 = tpu.iota {dimensions = array<i32: 0>} : vector<16xi32>
        %add3A_312 = arith.constant 7776 : i32
        %add3A_313 = vector.broadcast %add3A_312 : i32 to vector<16xi32>
        %add3A_314 = arith.addi %add3A_313, %iota3A_311 : vector<16xi32>
        %ge3A_315 = arith.constant 0 : i32
        %ge3A_316 = vector.broadcast %ge3A_315 : i32 to vector<16xi32>
        %ge3A_317 = arith.cmpi sge, %sub3A_310, %ge3A_316 : vector<16xi32>
        %lt3A_318 = arith.constant 7680 : i32
        %lt3A_319 = vector.broadcast %lt3A_318 : i32 to vector<16xi32>
        %lt3A_320 = arith.cmpi slt, %sub3A_310, %lt3A_319 : vector<16xi32>
        %and3A_321 = arith.andi %ge3A_317, %lt3A_320 : vector<16xi1>
        %select_n3A_322 = arith.select %and3A_321, %sub3A_310, %add3A_314 : vector<16xi1>, vector<16xi32>
        %swap3A_323 = arith.constant 0 : i32
        %swap3A_324 = arith.index_cast %swap3A_323 : i32 to index
        %swap3A_325 = arith.constant 96 : index
        %swap3A_326 = tpu.vector_load %arg8[%swap3A_324, %swap3A_325] {strides = array<i32>} : memref<1x128xi32, #tpu.memory_space<vmem>>, vector<1x16xi32>,
        %swap3A_327 = vector.shape_cast %swap3A_326 : vector<1x16xi32> to vector<16xi32>
        %swap3A_328 = vector.shape_cast %select_n3A_322 : vector<16xi32> to vector<1x16xi32>
        tpu.vector_store %arg8[%swap3A_324, %swap3A_325], %swap3A_328 {strides = array<i32>} : memref<1x128xi32, #tpu.memory_space<vmem>>, vector<1x16xi32>,
        %get3A_329 = arith.index_cast %mul3A_152 : i32 to index
        %get3A_330 = arith.constant 112 : index
        %get3A_331 = tpu.vector_load %arg7[%get3A_329, %get3A_330] {strides = array<i32>} : memref<44x128xi32, #tpu.memory_space<vmem>>, vector<1x16xi32>,
        %get3A_332 = vector.shape_cast %get3A_331 : vector<1x16xi32> to vector<16xi32>
        %sub3A_333 = vector.broadcast %mul3A_80 : i32 to vector<16xi32>
        %sub3A_334 = arith.subi %get3A_332, %sub3A_333 : vector<16xi32>
        %iota3A_335 = tpu.iota {dimensions = array<i32: 0>} : vector<16xi32>
        %add3A_336 = arith.constant 7792 : i32
        %add3A_337 = vector.broadcast %add3A_336 : i32 to vector<16xi32>
        %add3A_338 = arith.addi %add3A_337, %iota3A_335 : vector<16xi32>
        %ge3A_339 = arith.constant 0 : i32
        %ge3A_340 = vector.broadcast %ge3A_339 : i32 to vector<16xi32>
        %ge3A_341 = arith.cmpi sge, %sub3A_334, %ge3A_340 : vector<16xi32>
        %lt3A_342 = arith.constant 7680 : i32
        %lt3A_343 = vector.broadcast %lt3A_342 : i32 to vector<16xi32>
        %lt3A_344 = arith.cmpi slt, %sub3A_334, %lt3A_343 : vector<16xi32>
        %and3A_345 = arith.andi %ge3A_341, %lt3A_344 : vector<16xi1>
        %select_n3A_346 = arith.select %and3A_345, %sub3A_334, %add3A_338 : vector<16xi1>, vector<16xi32>
        %swap3A_347 = arith.constant 0 : i32
        %swap3A_348 = arith.index_cast %swap3A_347 : i32 to index
        %swap3A_349 = arith.constant 112 : index
        %swap3A_350 = tpu.vector_load %arg8[%swap3A_348, %swap3A_349] {strides = array<i32>} : memref<1x128xi32, #tpu.memory_space<vmem>>, vector<1x16xi32>,
        %swap3A_351 = vector.shape_cast %swap3A_350 : vector<1x16xi32> to vector<16xi32>
        %swap3A_352 = vector.shape_cast %select_n3A_346 : vector<16xi32> to vector<1x16xi32>
        tpu.vector_store %arg8[%swap3A_348, %swap3A_349], %swap3A_352 {strides = array<i32>} : memref<1x128xi32, #tpu.memory_space<vmem>>, vector<1x16xi32>,
        %add3A_353 = arith.constant 1 : i32
        %add3A_354 = arith.addi %mul3A_152, %add3A_353 : i32
        %get3A_355 = arith.index_cast %add3A_354 : i32 to index
        %get3A_356 = arith.constant 0 : index
        %get3A_357 = tpu.vector_load %arg7[%get3A_355, %get3A_356] {strides = array<i32>} : memref<44x128xi32, #tpu.memory_space<vmem>>, vector<1x16xi32>,
        %get3A_358 = vector.shape_cast %get3A_357 : vector<1x16xi32> to vector<16xi32>
        %sub3A_359 = vector.broadcast %mul3A_80 : i32 to vector<16xi32>
        %sub3A_360 = arith.subi %get3A_358, %sub3A_359 : vector<16xi32>
        %iota3A_361 = tpu.iota {dimensions = array<i32: 0>} : vector<16xi32>
        %add3A_362 = arith.constant 7680 : i32
        %add3A_363 = vector.broadcast %add3A_362 : i32 to vector<16xi32>
        %add3A_364 = arith.addi %add3A_363, %iota3A_361 : vector<16xi32>
        %ge3A_365 = arith.constant 0 : i32
        %ge3A_366 = vector.broadcast %ge3A_365 : i32 to vector<16xi32>
        %ge3A_367 = arith.cmpi sge, %sub3A_360, %ge3A_366 : vector<16xi32>
        %lt3A_368 = arith.constant 7680 : i32
        %lt3A_369 = vector.broadcast %lt3A_368 : i32 to vector<16xi32>
        %lt3A_370 = arith.cmpi slt, %sub3A_360, %lt3A_369 : vector<16xi32>
        %and3A_371 = arith.andi %ge3A_367, %lt3A_370 : vector<16xi1>
        %select_n3A_372 = arith.select %and3A_371, %sub3A_360, %add3A_364 : vector<16xi1>, vector<16xi32>
        %swap3A_373 = arith.constant 0 : i32
        %swap3A_374 = arith.index_cast %swap3A_373 : i32 to index
        %swap3A_375 = arith.constant 0 : index
        %swap3A_376 = tpu.vector_load %arg9[%swap3A_374, %swap3A_375] {strides = array<i32>} : memref<1x128xi32, #tpu.memory_space<vmem>>, vector<1x16xi32>,
        %swap3A_377 = vector.shape_cast %swap3A_376 : vector<1x16xi32> to vector<16xi32>
        %swap3A_378 = vector.shape_cast %select_n3A_372 : vector<16xi32> to vector<1x16xi32>
        tpu.vector_store %arg9[%swap3A_374, %swap3A_375], %swap3A_378 {strides = array<i32>} : memref<1x128xi32, #tpu.memory_space<vmem>>, vector<1x16xi32>,
        %get3A_379 = arith.index_cast %add3A_354 : i32 to index
        %get3A_380 = arith.constant 16 : index
        %get3A_381 = tpu.vector_load %arg7[%get3A_379, %get3A_380] {strides = array<i32>} : memref<44x128xi32, #tpu.memory_space<vmem>>, vector<1x16xi32>,
        %get3A_382 = vector.shape_cast %get3A_381 : vector<1x16xi32> to vector<16xi32>
        %sub3A_383 = vector.broadcast %mul3A_80 : i32 to vector<16xi32>
        %sub3A_384 = arith.subi %get3A_382, %sub3A_383 : vector<16xi32>
        %iota3A_385 = tpu.iota {dimensions = array<i32: 0>} : vector<16xi32>
        %add3A_386 = arith.constant 7696 : i32
        %add3A_387 = vector.broadcast %add3A_386 : i32 to vector<16xi32>
        %add3A_388 = arith.addi %add3A_387, %iota3A_385 : vector<16xi32>
        %ge3A_389 = arith.constant 0 : i32
        %ge3A_390 = vector.broadcast %ge3A_389 : i32 to vector<16xi32>
        %ge3A_391 = arith.cmpi sge, %sub3A_384, %ge3A_390 : vector<16xi32>
        %lt3A_392 = arith.constant 7680 : i32
        %lt3A_393 = vector.broadcast %lt3A_392 : i32 to vector<16xi32>
        %lt3A_394 = arith.cmpi slt, %sub3A_384, %lt3A_393 : vector<16xi32>
        %and3A_395 = arith.andi %ge3A_391, %lt3A_394 : vector<16xi1>
        %select_n3A_396 = arith.select %and3A_395, %sub3A_384, %add3A_388 : vector<16xi1>, vector<16xi32>
        %swap3A_397 = arith.constant 0 : i32
        %swap3A_398 = arith.index_cast %swap3A_397 : i32 to index
        %swap3A_399 = arith.constant 16 : index
        %swap3A_400 = tpu.vector_load %arg9[%swap3A_398, %swap3A_399] {strides = array<i32>} : memref<1x128xi32, #tpu.memory_space<vmem>>, vector<1x16xi32>,
        %swap3A_401 = vector.shape_cast %swap3A_400 : vector<1x16xi32> to vector<16xi32>
        %swap3A_402 = vector.shape_cast %select_n3A_396 : vector<16xi32> to vector<1x16xi32>
        tpu.vector_store %arg9[%swap3A_398, %swap3A_399], %swap3A_402 {strides = array<i32>} : memref<1x128xi32, #tpu.memory_space<vmem>>, vector<1x16xi32>,
        %get3A_403 = arith.index_cast %add3A_354 : i32 to index
        %get3A_404 = arith.constant 32 : index
        %get3A_405 = tpu.vector_load %arg7[%get3A_403, %get3A_404] {strides = array<i32>} : memref<44x128xi32, #tpu.memory_space<vmem>>, vector<1x16xi32>,
        %get3A_406 = vector.shape_cast %get3A_405 : vector<1x16xi32> to vector<16xi32>
        %sub3A_407 = vector.broadcast %mul3A_80 : i32 to vector<16xi32>
        %sub3A_408 = arith.subi %get3A_406, %sub3A_407 : vector<16xi32>
        %iota3A_409 = tpu.iota {dimensions = array<i32: 0>} : vector<16xi32>
        %add3A_410 = arith.constant 7712 : i32
        %add3A_411 = vector.broadcast %add3A_410 : i32 to vector<16xi32>
        %add3A_412 = arith.addi %add3A_411, %iota3A_409 : vector<16xi32>
        %ge3A_413 = arith.constant 0 : i32
        %ge3A_414 = vector.broadcast %ge3A_413 : i32 to vector<16xi32>
        %ge3A_415 = arith.cmpi sge, %sub3A_408, %ge3A_414 : vector<16xi32>
        %lt3A_416 = arith.constant 7680 : i32
        %lt3A_417 = vector.broadcast %lt3A_416 : i32 to vector<16xi32>
        %lt3A_418 = arith.cmpi slt, %sub3A_408, %lt3A_417 : vector<16xi32>
        %and3A_419 = arith.andi %ge3A_415, %lt3A_418 : vector<16xi1>
        %select_n3A_420 = arith.select %and3A_419, %sub3A_408, %add3A_412 : vector<16xi1>, vector<16xi32>
        %swap3A_421 = arith.constant 0 : i32
        %swap3A_422 = arith.index_cast %swap3A_421 : i32 to index
        %swap3A_423 = arith.constant 32 : index
        %swap3A_424 = tpu.vector_load %arg9[%swap3A_422, %swap3A_423] {strides = array<i32>} : memref<1x128xi32, #tpu.memory_space<vmem>>, vector<1x16xi32>,
        %swap3A_425 = vector.shape_cast %swap3A_424 : vector<1x16xi32> to vector<16xi32>
        %swap3A_426 = vector.shape_cast %select_n3A_420 : vector<16xi32> to vector<1x16xi32>
        tpu.vector_store %arg9[%swap3A_422, %swap3A_423], %swap3A_426 {strides = array<i32>} : memref<1x128xi32, #tpu.memory_space<vmem>>, vector<1x16xi32>,
        %get3A_427 = arith.index_cast %add3A_354 : i32 to index
        %get3A_428 = arith.constant 48 : index
        %get3A_429 = tpu.vector_load %arg7[%get3A_427, %get3A_428] {strides = array<i32>} : memref<44x128xi32, #tpu.memory_space<vmem>>, vector<1x16xi32>,
        %get3A_430 = vector.shape_cast %get3A_429 : vector<1x16xi32> to vector<16xi32>
        %sub3A_431 = vector.broadcast %mul3A_80 : i32 to vector<16xi32>
        %sub3A_432 = arith.subi %get3A_430, %sub3A_431 : vector<16xi32>
        %iota3A_433 = tpu.iota {dimensions = array<i32: 0>} : vector<16xi32>
        %add3A_434 = arith.constant 7728 : i32
        %add3A_435 = vector.broadcast %add3A_434 : i32 to vector<16xi32>
        %add3A_436 = arith.addi %add3A_435, %iota3A_433 : vector<16xi32>
        %ge3A_437 = arith.constant 0 : i32
        %ge3A_438 = vector.broadcast %ge3A_437 : i32 to vector<16xi32>
        %ge3A_439 = arith.cmpi sge, %sub3A_432, %ge3A_438 : vector<16xi32>
        %lt3A_440 = arith.constant 7680 : i32
        %lt3A_441 = vector.broadcast %lt3A_440 : i32 to vector<16xi32>
        %lt3A_442 = arith.cmpi slt, %sub3A_432, %lt3A_441 : vector<16xi32>
        %and3A_443 = arith.andi %ge3A_439, %lt3A_442 : vector<16xi1>
        %select_n3A_444 = arith.select %and3A_443, %sub3A_432, %add3A_436 : vector<16xi1>, vector<16xi32>
        %swap3A_445 = arith.constant 0 : i32
        %swap3A_446 = arith.index_cast %swap3A_445 : i32 to index
        %swap3A_447 = arith.constant 48 : index
        %swap3A_448 = tpu.vector_load %arg9[%swap3A_446, %swap3A_447] {strides = array<i32>} : memref<1x128xi32, #tpu.memory_space<vmem>>, vector<1x16xi32>,
        %swap3A_449 = vector.shape_cast %swap3A_448 : vector<1x16xi32> to vector<16xi32>
        %swap3A_450 = vector.shape_cast %select_n3A_444 : vector<16xi32> to vector<1x16xi32>
        tpu.vector_store %arg9[%swap3A_446, %swap3A_447], %swap3A_450 {strides = array<i32>} : memref<1x128xi32, #tpu.memory_space<vmem>>, vector<1x16xi32>,
        %get3A_451 = arith.index_cast %add3A_354 : i32 to index
        %get3A_452 = arith.constant 64 : index
        %get3A_453 = tpu.vector_load %arg7[%get3A_451, %get3A_452] {strides = array<i32>} : memref<44x128xi32, #tpu.memory_space<vmem>>, vector<1x16xi32>,
        %get3A_454 = vector.shape_cast %get3A_453 : vector<1x16xi32> to vector<16xi32>
        %sub3A_455 = vector.broadcast %mul3A_80 : i32 to vector<16xi32>
        %sub3A_456 = arith.subi %get3A_454, %sub3A_455 : vector<16xi32>
        %iota3A_457 = tpu.iota {dimensions = array<i32: 0>} : vector<16xi32>
        %add3A_458 = arith.constant 7744 : i32
        %add3A_459 = vector.broadcast %add3A_458 : i32 to vector<16xi32>
        %add3A_460 = arith.addi %add3A_459, %iota3A_457 : vector<16xi32>
        %ge3A_461 = arith.constant 0 : i32
        %ge3A_462 = vector.broadcast %ge3A_461 : i32 to vector<16xi32>
        %ge3A_463 = arith.cmpi sge, %sub3A_456, %ge3A_462 : vector<16xi32>
        %lt3A_464 = arith.constant 7680 : i32
        %lt3A_465 = vector.broadcast %lt3A_464 : i32 to vector<16xi32>
        %lt3A_466 = arith.cmpi slt, %sub3A_456, %lt3A_465 : vector<16xi32>
        %and3A_467 = arith.andi %ge3A_463, %lt3A_466 : vector<16xi1>
        %select_n3A_468 = arith.select %and3A_467, %sub3A_456, %add3A_460 : vector<16xi1>, vector<16xi32>
        %swap3A_469 = arith.constant 0 : i32
        %swap3A_470 = arith.index_cast %swap3A_469 : i32 to index
        %swap3A_471 = arith.constant 64 : index
        %swap3A_472 = tpu.vector_load %arg9[%swap3A_470, %swap3A_471] {strides = array<i32>} : memref<1x128xi32, #tpu.memory_space<vmem>>, vector<1x16xi32>,
        %swap3A_473 = vector.shape_cast %swap3A_472 : vector<1x16xi32> to vector<16xi32>
        %swap3A_474 = vector.shape_cast %select_n3A_468 : vector<16xi32> to vector<1x16xi32>
        tpu.vector_store %arg9[%swap3A_470, %swap3A_471], %swap3A_474 {strides = array<i32>} : memref<1x128xi32, #tpu.memory_space<vmem>>, vector<1x16xi32>,
        %get3A_475 = arith.index_cast %add3A_354 : i32 to index
        %get3A_476 = arith.constant 80 : index
        %get3A_477 = tpu.vector_load %arg7[%get3A_475, %get3A_476] {strides = array<i32>} : memref<44x128xi32, #tpu.memory_space<vmem>>, vector<1x16xi32>,
        %get3A_478 = vector.shape_cast %get3A_477 : vector<1x16xi32> to vector<16xi32>
        %sub3A_479 = vector.broadcast %mul3A_80 : i32 to vector<16xi32>
        %sub3A_480 = arith.subi %get3A_478, %sub3A_479 : vector<16xi32>
        %iota3A_481 = tpu.iota {dimensions = array<i32: 0>} : vector<16xi32>
        %add3A_482 = arith.constant 7760 : i32
        %add3A_483 = vector.broadcast %add3A_482 : i32 to vector<16xi32>
        %add3A_484 = arith.addi %add3A_483, %iota3A_481 : vector<16xi32>
        %ge3A_485 = arith.constant 0 : i32
        %ge3A_486 = vector.broadcast %ge3A_485 : i32 to vector<16xi32>
        %ge3A_487 = arith.cmpi sge, %sub3A_480, %ge3A_486 : vector<16xi32>
        %lt3A_488 = arith.constant 7680 : i32
        %lt3A_489 = vector.broadcast %lt3A_488 : i32 to vector<16xi32>
        %lt3A_490 = arith.cmpi slt, %sub3A_480, %lt3A_489 : vector<16xi32>
        %and3A_491 = arith.andi %ge3A_487, %lt3A_490 : vector<16xi1>
        %select_n3A_492 = arith.select %and3A_491, %sub3A_480, %add3A_484 : vector<16xi1>, vector<16xi32>
        %swap3A_493 = arith.constant 0 : i32
        %swap3A_494 = arith.index_cast %swap3A_493 : i32 to index
        %swap3A_495 = arith.constant 80 : index
        %swap3A_496 = tpu.vector_load %arg9[%swap3A_494, %swap3A_495] {strides = array<i32>} : memref<1x128xi32, #tpu.memory_space<vmem>>, vector<1x16xi32>,
        %swap3A_497 = vector.shape_cast %swap3A_496 : vector<1x16xi32> to vector<16xi32>
        %swap3A_498 = vector.shape_cast %select_n3A_492 : vector<16xi32> to vector<1x16xi32>
        tpu.vector_store %arg9[%swap3A_494, %swap3A_495], %swap3A_498 {strides = array<i32>} : memref<1x128xi32, #tpu.memory_space<vmem>>, vector<1x16xi32>,
        %get3A_499 = arith.index_cast %add3A_354 : i32 to index
        %get3A_500 = arith.constant 96 : index
        %get3A_501 = tpu.vector_load %arg7[%get3A_499, %get3A_500] {strides = array<i32>} : memref<44x128xi32, #tpu.memory_space<vmem>>, vector<1x16xi32>,
        %get3A_502 = vector.shape_cast %get3A_501 : vector<1x16xi32> to vector<16xi32>
        %sub3A_503 = vector.broadcast %mul3A_80 : i32 to vector<16xi32>
        %sub3A_504 = arith.subi %get3A_502, %sub3A_503 : vector<16xi32>
        %iota3A_505 = tpu.iota {dimensions = array<i32: 0>} : vector<16xi32>
        %add3A_506 = arith.constant 7776 : i32
        %add3A_507 = vector.broadcast %add3A_506 : i32 to vector<16xi32>
        %add3A_508 = arith.addi %add3A_507, %iota3A_505 : vector<16xi32>
        %ge3A_509 = arith.constant 0 : i32
        %ge3A_510 = vector.broadcast %ge3A_509 : i32 to vector<16xi32>
        %ge3A_511 = arith.cmpi sge, %sub3A_504, %ge3A_510 : vector<16xi32>
        %lt3A_512 = arith.constant 7680 : i32
        %lt3A_513 = vector.broadcast %lt3A_512 : i32 to vector<16xi32>
        %lt3A_514 = arith.cmpi slt, %sub3A_504, %lt3A_513 : vector<16xi32>
        %and3A_515 = arith.andi %ge3A_511, %lt3A_514 : vector<16xi1>
        %select_n3A_516 = arith.select %and3A_515, %sub3A_504, %add3A_508 : vector<16xi1>, vector<16xi32>
        %swap3A_517 = arith.constant 0 : i32
        %swap3A_518 = arith.index_cast %swap3A_517 : i32 to index
        %swap3A_519 = arith.constant 96 : index
        %swap3A_520 = tpu.vector_load %arg9[%swap3A_518, %swap3A_519] {strides = array<i32>} : memref<1x128xi32, #tpu.memory_space<vmem>>, vector<1x16xi32>,
        %swap3A_521 = vector.shape_cast %swap3A_520 : vector<1x16xi32> to vector<16xi32>
        %swap3A_522 = vector.shape_cast %select_n3A_516 : vector<16xi32> to vector<1x16xi32>
        tpu.vector_store %arg9[%swap3A_518, %swap3A_519], %swap3A_522 {strides = array<i32>} : memref<1x128xi32, #tpu.memory_space<vmem>>, vector<1x16xi32>,
        %get3A_523 = arith.index_cast %add3A_354 : i32 to index
        %get3A_524 = arith.constant 112 : index
        %get3A_525 = tpu.vector_load %arg7[%get3A_523, %get3A_524] {strides = array<i32>} : memref<44x128xi32, #tpu.memory_space<vmem>>, vector<1x16xi32>,
        %get3A_526 = vector.shape_cast %get3A_525 : vector<1x16xi32> to vector<16xi32>
        %sub3A_527 = vector.broadcast %mul3A_80 : i32 to vector<16xi32>
        %sub3A_528 = arith.subi %get3A_526, %sub3A_527 : vector<16xi32>
        %iota3A_529 = tpu.iota {dimensions = array<i32: 0>} : vector<16xi32>
        %add3A_530 = arith.constant 7792 : i32
        %add3A_531 = vector.broadcast %add3A_530 : i32 to vector<16xi32>
        %add3A_532 = arith.addi %add3A_531, %iota3A_529 : vector<16xi32>
        %ge3A_533 = arith.constant 0 : i32
        %ge3A_534 = vector.broadcast %ge3A_533 : i32 to vector<16xi32>
        %ge3A_535 = arith.cmpi sge, %sub3A_528, %ge3A_534 : vector<16xi32>
        %lt3A_536 = arith.constant 7680 : i32
        %lt3A_537 = vector.broadcast %lt3A_536 : i32 to vector<16xi32>
        %lt3A_538 = arith.cmpi slt, %sub3A_528, %lt3A_537 : vector<16xi32>
        %and3A_539 = arith.andi %ge3A_535, %lt3A_538 : vector<16xi1>
        %select_n3A_540 = arith.select %and3A_539, %sub3A_528, %add3A_532 : vector<16xi1>, vector<16xi32>
        %swap3A_541 = arith.constant 0 : i32
        %swap3A_542 = arith.index_cast %swap3A_541 : i32 to index
        %swap3A_543 = arith.constant 112 : index
        %swap3A_544 = tpu.vector_load %arg9[%swap3A_542, %swap3A_543] {strides = array<i32>} : memref<1x128xi32, #tpu.memory_space<vmem>>, vector<1x16xi32>,
        %swap3A_545 = vector.shape_cast %swap3A_544 : vector<1x16xi32> to vector<16xi32>
        %swap3A_546 = vector.shape_cast %select_n3A_540 : vector<16xi32> to vector<1x16xi32>
        tpu.vector_store %arg9[%swap3A_542, %swap3A_543], %swap3A_546 {strides = array<i32>} : memref<1x128xi32, #tpu.memory_space<vmem>>, vector<1x16xi32>,
        %dma_wait3A = arith.constant 0 : i32
        %dma_wait3A_547 = tpu.memref_slice %arg2[%add3A_155, %dma_wait3A] : memref<45056x128xf32, #tpu.memory_space<hbm>> -> memref<128x128xf32, #tpu.memory_space<hbm>>
        %dma_wait3A_548 = arith.constant 0 : i32
        %dma_wait3A_549 = tpu.memref_slice %arg2[%add3A_155, %dma_wait3A_548] : memref<45056x128xf32, #tpu.memory_space<hbm>> -> memref<128x128xf32, #tpu.memory_space<hbm>>
        tpu.wait_dma2 semaphore(%arg13 : memref<!tpu.dma_semaphore, #tpu.memory_space<semaphore_mem>>) src(%dma_wait3A_549 : memref<128x128xf32, #tpu.memory_space<hbm>>) dst(%arg10 : memref<128x128xf32, #tpu.memory_space<vmem>>)
        %dma_start3A_550 = arith.constant 0 : i32
        %dma_start3A_551 = arith.constant 0 : i32
        %dma_start3A_552 = tpu.memref_slice %arg8[%dma_start3A_550, %dma_start3A_551] : memref<1x128xi32, #tpu.memory_space<vmem>> -> memref<1x128xi32, #tpu.memory_space<vmem>>
        %dma_start3A_553 = tpu.memref_squeeze %dma_start3A_552 : memref<1x128xi32, #tpu.memory_space<vmem>> -> memref<128xi32, #tpu.memory_space<vmem>>
        %dma_start3A_554 = arith.constant 0 : i32
        %dma_start3A_555 = arith.constant 0 : i32
        %dma_start3A_556 = tpu.memref_slice %arg12[%dma_start3A_554, %dma_start3A_555] : memref<7808x128xf32, #tpu.memory_space<vmem_shared>> -> memref<7808x128xf32, #tpu.memory_space<vmem_shared>>
        tpu.enqueue_indirect_dma source(%arg10 : memref<128x128xf32, #tpu.memory_space<vmem>>) target(%dma_start3A_556 : memref<7808x128xf32, #tpu.memory_space<vmem_shared>>) offsets(%dma_start3A_553 : memref<128xi32, #tpu.memory_space<vmem>>) semaphore(%arg15 : memref<!tpu.dma_semaphore, #tpu.memory_space<semaphore_mem>>) {add = true}
        %dma_wait3A_557 = arith.constant 0 : i32
        %dma_wait3A_558 = tpu.memref_slice %arg2[%add3A_160, %dma_wait3A_557] : memref<45056x128xf32, #tpu.memory_space<hbm>> -> memref<128x128xf32, #tpu.memory_space<hbm>>
        %dma_wait3A_559 = arith.constant 0 : i32
        %dma_wait3A_560 = tpu.memref_slice %arg2[%add3A_160, %dma_wait3A_559] : memref<45056x128xf32, #tpu.memory_space<hbm>> -> memref<128x128xf32, #tpu.memory_space<hbm>>
        tpu.wait_dma2 semaphore(%arg14 : memref<!tpu.dma_semaphore, #tpu.memory_space<semaphore_mem>>) src(%dma_wait3A_560 : memref<128x128xf32, #tpu.memory_space<hbm>>) dst(%arg11 : memref<128x128xf32, #tpu.memory_space<vmem>>)
        %dma_start3A_561 = arith.constant 0 : i32
        %dma_start3A_562 = arith.constant 0 : i32
        %dma_start3A_563 = tpu.memref_slice %arg9[%dma_start3A_561, %dma_start3A_562] : memref<1x128xi32, #tpu.memory_space<vmem>> -> memref<1x128xi32, #tpu.memory_space<vmem>>
        %dma_start3A_564 = tpu.memref_squeeze %dma_start3A_563 : memref<1x128xi32, #tpu.memory_space<vmem>> -> memref<128xi32, #tpu.memory_space<vmem>>
        %dma_start3A_565 = arith.constant 0 : i32
        %dma_start3A_566 = arith.constant 0 : i32
        %dma_start3A_567 = tpu.memref_slice %arg12[%dma_start3A_565, %dma_start3A_566] : memref<7808x128xf32, #tpu.memory_space<vmem_shared>> -> memref<7808x128xf32, #tpu.memory_space<vmem_shared>>
        tpu.enqueue_indirect_dma source(%arg11 : memref<128x128xf32, #tpu.memory_space<vmem>>) target(%dma_start3A_567 : memref<7808x128xf32, #tpu.memory_space<vmem_shared>>) offsets(%dma_start3A_564 : memref<128xi32, #tpu.memory_space<vmem>>) semaphore(%arg16 : memref<!tpu.dma_semaphore, #tpu.memory_space<semaphore_mem>>) {add = true}
        %dma_wait3A_568 = arith.constant 0 : i32
        %dma_wait3A_569 = arith.constant 0 : i32
        %dma_wait3A_570 = tpu.memref_slice %arg8[%dma_wait3A_568, %dma_wait3A_569] : memref<1x128xi32, #tpu.memory_space<vmem>> -> memref<1x128xi32, #tpu.memory_space<vmem>>
        %dma_wait3A_571 = tpu.memref_squeeze %dma_wait3A_570 : memref<1x128xi32, #tpu.memory_space<vmem>> -> memref<128xi32, #tpu.memory_space<vmem>>
        %dma_wait3A_572 = arith.constant 0 : i32
        %dma_wait3A_573 = arith.constant 0 : i32
        %dma_wait3A_574 = tpu.memref_slice %arg12[%dma_wait3A_572, %dma_wait3A_573] : memref<7808x128xf32, #tpu.memory_space<vmem_shared>> -> memref<7808x128xf32, #tpu.memory_space<vmem_shared>>
        tpu.wait_indirect_dma semaphore(%arg15 : memref<!tpu.dma_semaphore, #tpu.memory_space<semaphore_mem>>) src(%arg10 : memref<128x128xf32, #tpu.memory_space<vmem>>) dst(%dma_wait3A_574 : memref<7808x128xf32, #tpu.memory_space<vmem_shared>>)
        %dma_wait3A_575 = arith.constant 0 : i32
        %dma_wait3A_576 = arith.constant 0 : i32
        %dma_wait3A_577 = tpu.memref_slice %arg9[%dma_wait3A_575, %dma_wait3A_576] : memref<1x128xi32, #tpu.memory_space<vmem>> -> memref<1x128xi32, #tpu.memory_space<vmem>>
        %dma_wait3A_578 = tpu.memref_squeeze %dma_wait3A_577 : memref<1x128xi32, #tpu.memory_space<vmem>> -> memref<128xi32, #tpu.memory_space<vmem>>
        %dma_wait3A_579 = arith.constant 0 : i32
        %dma_wait3A_580 = arith.constant 0 : i32
        %dma_wait3A_581 = tpu.memref_slice %arg12[%dma_wait3A_579, %dma_wait3A_580] : memref<7808x128xf32, #tpu.memory_space<vmem_shared>> -> memref<7808x128xf32, #tpu.memory_space<vmem_shared>>
        tpu.wait_indirect_dma semaphore(%arg16 : memref<!tpu.dma_semaphore, #tpu.memory_space<semaphore_mem>>) src(%arg11 : memref<128x128xf32, #tpu.memory_space<vmem>>) dst(%dma_wait3A_581 : memref<7808x128xf32, #tpu.memory_space<vmem_shared>>)
      }
      %scan3A_149 = arith.constant 22 : i32
    } else {
    }
    %ge3A_103 = arith.constant 8 : i32
    %ge3A_104 = arith.cmpi sge, %arg1, %ge3A_103 : i32
    %convert_element_type3A_105 = arith.extui %ge3A_104 : i1 to i32
    %cond3A_106 = arith.constant 0 : i32
    %cond3A_107 = arith.cmpi ne, %convert_element_type3A_105, %cond3A_106 : i32
    scf.if %cond3A_107 {
      %scan3A = arith.constant 0 : i32
      %scan3A_145 = arith.constant 0 : i32
      %scan3A_146 = arith.constant 22 : i32
      %scan3A_147 = arith.addi %scan3A_145, %scan3A_146 : i32
      %scan3A_148 = arith.constant 1 : i32
      scf.for %scan3A_150 = %scan3A_145 to %scan3A_147 step %scan3A_148  : i32 {
        %mul3A_151 = arith.constant 2 : i32
        %mul3A_152 = arith.muli %mul3A_151, %scan3A_150 : i32
        %mul3A_153 = arith.constant 128 : i32
        %mul3A_154 = arith.muli %mul3A_152, %mul3A_153 : i32
        %add3A_155 = arith.addi %mul3A_8, %mul3A_154 : i32
        %dma_start3A = arith.constant 0 : i32
        %dma_start3A_156 = tpu.memref_slice %arg3[%add3A_155, %dma_start3A] : memref<45056x128xf32, #tpu.memory_space<hbm>> -> memref<128x128xf32, #tpu.memory_space<hbm>>
        %dma_start3A_157 = arith.constant 0 : i32
        %dma_start3A_158 = tpu.memref_slice %arg3[%add3A_155, %dma_start3A_157] : memref<45056x128xf32, #tpu.memory_space<hbm>> -> memref<128x128xf32, #tpu.memory_space<hbm>>
        tpu.enqueue_dma source(%dma_start3A_158 : memref<128x128xf32, #tpu.memory_space<hbm>>) target(%arg10 : memref<128x128xf32, #tpu.memory_space<vmem>>) target_semaphore(%arg13 : memref<!tpu.dma_semaphore, #tpu.memory_space<semaphore_mem>>)
        %add3A_159 = arith.constant 128 : i32
        %add3A_160 = arith.addi %add3A_155, %add3A_159 : i32
        %dma_start3A_161 = arith.constant 0 : i32
        %dma_start3A_162 = tpu.memref_slice %arg3[%add3A_160, %dma_start3A_161] : memref<45056x128xf32, #tpu.memory_space<hbm>> -> memref<128x128xf32, #tpu.memory_space<hbm>>
        %dma_start3A_163 = arith.constant 0 : i32
        %dma_start3A_164 = tpu.memref_slice %arg3[%add3A_160, %dma_start3A_163] : memref<45056x128xf32, #tpu.memory_space<hbm>> -> memref<128x128xf32, #tpu.memory_space<hbm>>
        tpu.enqueue_dma source(%dma_start3A_164 : memref<128x128xf32, #tpu.memory_space<hbm>>) target(%arg11 : memref<128x128xf32, #tpu.memory_space<vmem>>) target_semaphore(%arg14 : memref<!tpu.dma_semaphore, #tpu.memory_space<semaphore_mem>>)
        %get3A = arith.index_cast %mul3A_152 : i32 to index
        %get3A_165 = arith.constant 0 : index
        %get3A_166 = tpu.vector_load %arg7[%get3A, %get3A_165] {strides = array<i32>} : memref<44x128xi32, #tpu.memory_space<vmem>>, vector<1x16xi32>,
        %get3A_167 = vector.shape_cast %get3A_166 : vector<1x16xi32> to vector<16xi32>
        %sub3A = vector.broadcast %mul3A_80 : i32 to vector<16xi32>
        %sub3A_168 = arith.subi %get3A_167, %sub3A : vector<16xi32>
        %iota3A = tpu.iota {dimensions = array<i32: 0>} : vector<16xi32>
        %add3A_169 = arith.constant 7680 : i32
        %add3A_170 = vector.broadcast %add3A_169 : i32 to vector<16xi32>
        %add3A_171 = arith.addi %add3A_170, %iota3A : vector<16xi32>
        %ge3A_172 = arith.constant 0 : i32
        %ge3A_173 = vector.broadcast %ge3A_172 : i32 to vector<16xi32>
        %ge3A_174 = arith.cmpi sge, %sub3A_168, %ge3A_173 : vector<16xi32>
        %lt3A_175 = arith.constant 7680 : i32
        %lt3A_176 = vector.broadcast %lt3A_175 : i32 to vector<16xi32>
        %lt3A_177 = arith.cmpi slt, %sub3A_168, %lt3A_176 : vector<16xi32>
        %and3A_178 = arith.andi %ge3A_174, %lt3A_177 : vector<16xi1>
        %select_n3A_179 = arith.select %and3A_178, %sub3A_168, %add3A_171 : vector<16xi1>, vector<16xi32>
        %swap3A = arith.constant 0 : i32
        %swap3A_180 = arith.index_cast %swap3A : i32 to index
        %swap3A_181 = arith.constant 0 : index
        %swap3A_182 = tpu.vector_load %arg8[%swap3A_180, %swap3A_181] {strides = array<i32>} : memref<1x128xi32, #tpu.memory_space<vmem>>, vector<1x16xi32>,
        %swap3A_183 = vector.shape_cast %swap3A_182 : vector<1x16xi32> to vector<16xi32>
        %swap3A_184 = vector.shape_cast %select_n3A_179 : vector<16xi32> to vector<1x16xi32>
        tpu.vector_store %arg8[%swap3A_180, %swap3A_181], %swap3A_184 {strides = array<i32>} : memref<1x128xi32, #tpu.memory_space<vmem>>, vector<1x16xi32>,
        %get3A_185 = arith.index_cast %mul3A_152 : i32 to index
        %get3A_186 = arith.constant 16 : index
        %get3A_187 = tpu.vector_load %arg7[%get3A_185, %get3A_186] {strides = array<i32>} : memref<44x128xi32, #tpu.memory_space<vmem>>, vector<1x16xi32>,
        %get3A_188 = vector.shape_cast %get3A_187 : vector<1x16xi32> to vector<16xi32>
        %sub3A_189 = vector.broadcast %mul3A_80 : i32 to vector<16xi32>
        %sub3A_190 = arith.subi %get3A_188, %sub3A_189 : vector<16xi32>
        %iota3A_191 = tpu.iota {dimensions = array<i32: 0>} : vector<16xi32>
        %add3A_192 = arith.constant 7696 : i32
        %add3A_193 = vector.broadcast %add3A_192 : i32 to vector<16xi32>
        %add3A_194 = arith.addi %add3A_193, %iota3A_191 : vector<16xi32>
        %ge3A_195 = arith.constant 0 : i32
        %ge3A_196 = vector.broadcast %ge3A_195 : i32 to vector<16xi32>
        %ge3A_197 = arith.cmpi sge, %sub3A_190, %ge3A_196 : vector<16xi32>
        %lt3A_198 = arith.constant 7680 : i32
        %lt3A_199 = vector.broadcast %lt3A_198 : i32 to vector<16xi32>
        %lt3A_200 = arith.cmpi slt, %sub3A_190, %lt3A_199 : vector<16xi32>
        %and3A_201 = arith.andi %ge3A_197, %lt3A_200 : vector<16xi1>
        %select_n3A_202 = arith.select %and3A_201, %sub3A_190, %add3A_194 : vector<16xi1>, vector<16xi32>
        %swap3A_203 = arith.constant 0 : i32
        %swap3A_204 = arith.index_cast %swap3A_203 : i32 to index
        %swap3A_205 = arith.constant 16 : index
        %swap3A_206 = tpu.vector_load %arg8[%swap3A_204, %swap3A_205] {strides = array<i32>} : memref<1x128xi32, #tpu.memory_space<vmem>>, vector<1x16xi32>,
        %swap3A_207 = vector.shape_cast %swap3A_206 : vector<1x16xi32> to vector<16xi32>
        %swap3A_208 = vector.shape_cast %select_n3A_202 : vector<16xi32> to vector<1x16xi32>
        tpu.vector_store %arg8[%swap3A_204, %swap3A_205], %swap3A_208 {strides = array<i32>} : memref<1x128xi32, #tpu.memory_space<vmem>>, vector<1x16xi32>,
        %get3A_209 = arith.index_cast %mul3A_152 : i32 to index
        %get3A_210 = arith.constant 32 : index
        %get3A_211 = tpu.vector_load %arg7[%get3A_209, %get3A_210] {strides = array<i32>} : memref<44x128xi32, #tpu.memory_space<vmem>>, vector<1x16xi32>,
        %get3A_212 = vector.shape_cast %get3A_211 : vector<1x16xi32> to vector<16xi32>
        %sub3A_213 = vector.broadcast %mul3A_80 : i32 to vector<16xi32>
        %sub3A_214 = arith.subi %get3A_212, %sub3A_213 : vector<16xi32>
        %iota3A_215 = tpu.iota {dimensions = array<i32: 0>} : vector<16xi32>
        %add3A_216 = arith.constant 7712 : i32
        %add3A_217 = vector.broadcast %add3A_216 : i32 to vector<16xi32>
        %add3A_218 = arith.addi %add3A_217, %iota3A_215 : vector<16xi32>
        %ge3A_219 = arith.constant 0 : i32
        %ge3A_220 = vector.broadcast %ge3A_219 : i32 to vector<16xi32>
        %ge3A_221 = arith.cmpi sge, %sub3A_214, %ge3A_220 : vector<16xi32>
        %lt3A_222 = arith.constant 7680 : i32
        %lt3A_223 = vector.broadcast %lt3A_222 : i32 to vector<16xi32>
        %lt3A_224 = arith.cmpi slt, %sub3A_214, %lt3A_223 : vector<16xi32>
        %and3A_225 = arith.andi %ge3A_221, %lt3A_224 : vector<16xi1>
        %select_n3A_226 = arith.select %and3A_225, %sub3A_214, %add3A_218 : vector<16xi1>, vector<16xi32>
        %swap3A_227 = arith.constant 0 : i32
        %swap3A_228 = arith.index_cast %swap3A_227 : i32 to index
        %swap3A_229 = arith.constant 32 : index
        %swap3A_230 = tpu.vector_load %arg8[%swap3A_228, %swap3A_229] {strides = array<i32>} : memref<1x128xi32, #tpu.memory_space<vmem>>, vector<1x16xi32>,
        %swap3A_231 = vector.shape_cast %swap3A_230 : vector<1x16xi32> to vector<16xi32>
        %swap3A_232 = vector.shape_cast %select_n3A_226 : vector<16xi32> to vector<1x16xi32>
        tpu.vector_store %arg8[%swap3A_228, %swap3A_229], %swap3A_232 {strides = array<i32>} : memref<1x128xi32, #tpu.memory_space<vmem>>, vector<1x16xi32>,
        %get3A_233 = arith.index_cast %mul3A_152 : i32 to index
        %get3A_234 = arith.constant 48 : index
        %get3A_235 = tpu.vector_load %arg7[%get3A_233, %get3A_234] {strides = array<i32>} : memref<44x128xi32, #tpu.memory_space<vmem>>, vector<1x16xi32>,
        %get3A_236 = vector.shape_cast %get3A_235 : vector<1x16xi32> to vector<16xi32>
        %sub3A_237 = vector.broadcast %mul3A_80 : i32 to vector<16xi32>
        %sub3A_238 = arith.subi %get3A_236, %sub3A_237 : vector<16xi32>
        %iota3A_239 = tpu.iota {dimensions = array<i32: 0>} : vector<16xi32>
        %add3A_240 = arith.constant 7728 : i32
        %add3A_241 = vector.broadcast %add3A_240 : i32 to vector<16xi32>
        %add3A_242 = arith.addi %add3A_241, %iota3A_239 : vector<16xi32>
        %ge3A_243 = arith.constant 0 : i32
        %ge3A_244 = vector.broadcast %ge3A_243 : i32 to vector<16xi32>
        %ge3A_245 = arith.cmpi sge, %sub3A_238, %ge3A_244 : vector<16xi32>
        %lt3A_246 = arith.constant 7680 : i32
        %lt3A_247 = vector.broadcast %lt3A_246 : i32 to vector<16xi32>
        %lt3A_248 = arith.cmpi slt, %sub3A_238, %lt3A_247 : vector<16xi32>
        %and3A_249 = arith.andi %ge3A_245, %lt3A_248 : vector<16xi1>
        %select_n3A_250 = arith.select %and3A_249, %sub3A_238, %add3A_242 : vector<16xi1>, vector<16xi32>
        %swap3A_251 = arith.constant 0 : i32
        %swap3A_252 = arith.index_cast %swap3A_251 : i32 to index
        %swap3A_253 = arith.constant 48 : index
        %swap3A_254 = tpu.vector_load %arg8[%swap3A_252, %swap3A_253] {strides = array<i32>} : memref<1x128xi32, #tpu.memory_space<vmem>>, vector<1x16xi32>,
        %swap3A_255 = vector.shape_cast %swap3A_254 : vector<1x16xi32> to vector<16xi32>
        %swap3A_256 = vector.shape_cast %select_n3A_250 : vector<16xi32> to vector<1x16xi32>
        tpu.vector_store %arg8[%swap3A_252, %swap3A_253], %swap3A_256 {strides = array<i32>} : memref<1x128xi32, #tpu.memory_space<vmem>>, vector<1x16xi32>,
        %get3A_257 = arith.index_cast %mul3A_152 : i32 to index
        %get3A_258 = arith.constant 64 : index
        %get3A_259 = tpu.vector_load %arg7[%get3A_257, %get3A_258] {strides = array<i32>} : memref<44x128xi32, #tpu.memory_space<vmem>>, vector<1x16xi32>,
        %get3A_260 = vector.shape_cast %get3A_259 : vector<1x16xi32> to vector<16xi32>
        %sub3A_261 = vector.broadcast %mul3A_80 : i32 to vector<16xi32>
        %sub3A_262 = arith.subi %get3A_260, %sub3A_261 : vector<16xi32>
        %iota3A_263 = tpu.iota {dimensions = array<i32: 0>} : vector<16xi32>
        %add3A_264 = arith.constant 7744 : i32
        %add3A_265 = vector.broadcast %add3A_264 : i32 to vector<16xi32>
        %add3A_266 = arith.addi %add3A_265, %iota3A_263 : vector<16xi32>
        %ge3A_267 = arith.constant 0 : i32
        %ge3A_268 = vector.broadcast %ge3A_267 : i32 to vector<16xi32>
        %ge3A_269 = arith.cmpi sge, %sub3A_262, %ge3A_268 : vector<16xi32>
        %lt3A_270 = arith.constant 7680 : i32
        %lt3A_271 = vector.broadcast %lt3A_270 : i32 to vector<16xi32>
        %lt3A_272 = arith.cmpi slt, %sub3A_262, %lt3A_271 : vector<16xi32>
        %and3A_273 = arith.andi %ge3A_269, %lt3A_272 : vector<16xi1>
        %select_n3A_274 = arith.select %and3A_273, %sub3A_262, %add3A_266 : vector<16xi1>, vector<16xi32>
        %swap3A_275 = arith.constant 0 : i32
        %swap3A_276 = arith.index_cast %swap3A_275 : i32 to index
        %swap3A_277 = arith.constant 64 : index
        %swap3A_278 = tpu.vector_load %arg8[%swap3A_276, %swap3A_277] {strides = array<i32>} : memref<1x128xi32, #tpu.memory_space<vmem>>, vector<1x16xi32>,
        %swap3A_279 = vector.shape_cast %swap3A_278 : vector<1x16xi32> to vector<16xi32>
        %swap3A_280 = vector.shape_cast %select_n3A_274 : vector<16xi32> to vector<1x16xi32>
        tpu.vector_store %arg8[%swap3A_276, %swap3A_277], %swap3A_280 {strides = array<i32>} : memref<1x128xi32, #tpu.memory_space<vmem>>, vector<1x16xi32>,
        %get3A_281 = arith.index_cast %mul3A_152 : i32 to index
        %get3A_282 = arith.constant 80 : index
        %get3A_283 = tpu.vector_load %arg7[%get3A_281, %get3A_282] {strides = array<i32>} : memref<44x128xi32, #tpu.memory_space<vmem>>, vector<1x16xi32>,
        %get3A_284 = vector.shape_cast %get3A_283 : vector<1x16xi32> to vector<16xi32>
        %sub3A_285 = vector.broadcast %mul3A_80 : i32 to vector<16xi32>
        %sub3A_286 = arith.subi %get3A_284, %sub3A_285 : vector<16xi32>
        %iota3A_287 = tpu.iota {dimensions = array<i32: 0>} : vector<16xi32>
        %add3A_288 = arith.constant 7760 : i32
        %add3A_289 = vector.broadcast %add3A_288 : i32 to vector<16xi32>
        %add3A_290 = arith.addi %add3A_289, %iota3A_287 : vector<16xi32>
        %ge3A_291 = arith.constant 0 : i32
        %ge3A_292 = vector.broadcast %ge3A_291 : i32 to vector<16xi32>
        %ge3A_293 = arith.cmpi sge, %sub3A_286, %ge3A_292 : vector<16xi32>
        %lt3A_294 = arith.constant 7680 : i32
        %lt3A_295 = vector.broadcast %lt3A_294 : i32 to vector<16xi32>
        %lt3A_296 = arith.cmpi slt, %sub3A_286, %lt3A_295 : vector<16xi32>
        %and3A_297 = arith.andi %ge3A_293, %lt3A_296 : vector<16xi1>
        %select_n3A_298 = arith.select %and3A_297, %sub3A_286, %add3A_290 : vector<16xi1>, vector<16xi32>
        %swap3A_299 = arith.constant 0 : i32
        %swap3A_300 = arith.index_cast %swap3A_299 : i32 to index
        %swap3A_301 = arith.constant 80 : index
        %swap3A_302 = tpu.vector_load %arg8[%swap3A_300, %swap3A_301] {strides = array<i32>} : memref<1x128xi32, #tpu.memory_space<vmem>>, vector<1x16xi32>,
        %swap3A_303 = vector.shape_cast %swap3A_302 : vector<1x16xi32> to vector<16xi32>
        %swap3A_304 = vector.shape_cast %select_n3A_298 : vector<16xi32> to vector<1x16xi32>
        tpu.vector_store %arg8[%swap3A_300, %swap3A_301], %swap3A_304 {strides = array<i32>} : memref<1x128xi32, #tpu.memory_space<vmem>>, vector<1x16xi32>,
        %get3A_305 = arith.index_cast %mul3A_152 : i32 to index
        %get3A_306 = arith.constant 96 : index
        %get3A_307 = tpu.vector_load %arg7[%get3A_305, %get3A_306] {strides = array<i32>} : memref<44x128xi32, #tpu.memory_space<vmem>>, vector<1x16xi32>,
        %get3A_308 = vector.shape_cast %get3A_307 : vector<1x16xi32> to vector<16xi32>
        %sub3A_309 = vector.broadcast %mul3A_80 : i32 to vector<16xi32>
        %sub3A_310 = arith.subi %get3A_308, %sub3A_309 : vector<16xi32>
        %iota3A_311 = tpu.iota {dimensions = array<i32: 0>} : vector<16xi32>
        %add3A_312 = arith.constant 7776 : i32
        %add3A_313 = vector.broadcast %add3A_312 : i32 to vector<16xi32>
        %add3A_314 = arith.addi %add3A_313, %iota3A_311 : vector<16xi32>
        %ge3A_315 = arith.constant 0 : i32
        %ge3A_316 = vector.broadcast %ge3A_315 : i32 to vector<16xi32>
        %ge3A_317 = arith.cmpi sge, %sub3A_310, %ge3A_316 : vector<16xi32>
        %lt3A_318 = arith.constant 7680 : i32
        %lt3A_319 = vector.broadcast %lt3A_318 : i32 to vector<16xi32>
        %lt3A_320 = arith.cmpi slt, %sub3A_310, %lt3A_319 : vector<16xi32>
        %and3A_321 = arith.andi %ge3A_317, %lt3A_320 : vector<16xi1>
        %select_n3A_322 = arith.select %and3A_321, %sub3A_310, %add3A_314 : vector<16xi1>, vector<16xi32>
        %swap3A_323 = arith.constant 0 : i32
        %swap3A_324 = arith.index_cast %swap3A_323 : i32 to index
        %swap3A_325 = arith.constant 96 : index
        %swap3A_326 = tpu.vector_load %arg8[%swap3A_324, %swap3A_325] {strides = array<i32>} : memref<1x128xi32, #tpu.memory_space<vmem>>, vector<1x16xi32>,
        %swap3A_327 = vector.shape_cast %swap3A_326 : vector<1x16xi32> to vector<16xi32>
        %swap3A_328 = vector.shape_cast %select_n3A_322 : vector<16xi32> to vector<1x16xi32>
        tpu.vector_store %arg8[%swap3A_324, %swap3A_325], %swap3A_328 {strides = array<i32>} : memref<1x128xi32, #tpu.memory_space<vmem>>, vector<1x16xi32>,
        %get3A_329 = arith.index_cast %mul3A_152 : i32 to index
        %get3A_330 = arith.constant 112 : index
        %get3A_331 = tpu.vector_load %arg7[%get3A_329, %get3A_330] {strides = array<i32>} : memref<44x128xi32, #tpu.memory_space<vmem>>, vector<1x16xi32>,
        %get3A_332 = vector.shape_cast %get3A_331 : vector<1x16xi32> to vector<16xi32>
        %sub3A_333 = vector.broadcast %mul3A_80 : i32 to vector<16xi32>
        %sub3A_334 = arith.subi %get3A_332, %sub3A_333 : vector<16xi32>
        %iota3A_335 = tpu.iota {dimensions = array<i32: 0>} : vector<16xi32>
        %add3A_336 = arith.constant 7792 : i32
        %add3A_337 = vector.broadcast %add3A_336 : i32 to vector<16xi32>
        %add3A_338 = arith.addi %add3A_337, %iota3A_335 : vector<16xi32>
        %ge3A_339 = arith.constant 0 : i32
        %ge3A_340 = vector.broadcast %ge3A_339 : i32 to vector<16xi32>
        %ge3A_341 = arith.cmpi sge, %sub3A_334, %ge3A_340 : vector<16xi32>
        %lt3A_342 = arith.constant 7680 : i32
        %lt3A_343 = vector.broadcast %lt3A_342 : i32 to vector<16xi32>
        %lt3A_344 = arith.cmpi slt, %sub3A_334, %lt3A_343 : vector<16xi32>
        %and3A_345 = arith.andi %ge3A_341, %lt3A_344 : vector<16xi1>
        %select_n3A_346 = arith.select %and3A_345, %sub3A_334, %add3A_338 : vector<16xi1>, vector<16xi32>
        %swap3A_347 = arith.constant 0 : i32
        %swap3A_348 = arith.index_cast %swap3A_347 : i32 to index
        %swap3A_349 = arith.constant 112 : index
        %swap3A_350 = tpu.vector_load %arg8[%swap3A_348, %swap3A_349] {strides = array<i32>} : memref<1x128xi32, #tpu.memory_space<vmem>>, vector<1x16xi32>,
        %swap3A_351 = vector.shape_cast %swap3A_350 : vector<1x16xi32> to vector<16xi32>
        %swap3A_352 = vector.shape_cast %select_n3A_346 : vector<16xi32> to vector<1x16xi32>
        tpu.vector_store %arg8[%swap3A_348, %swap3A_349], %swap3A_352 {strides = array<i32>} : memref<1x128xi32, #tpu.memory_space<vmem>>, vector<1x16xi32>,
        %add3A_353 = arith.constant 1 : i32
        %add3A_354 = arith.addi %mul3A_152, %add3A_353 : i32
        %get3A_355 = arith.index_cast %add3A_354 : i32 to index
        %get3A_356 = arith.constant 0 : index
        %get3A_357 = tpu.vector_load %arg7[%get3A_355, %get3A_356] {strides = array<i32>} : memref<44x128xi32, #tpu.memory_space<vmem>>, vector<1x16xi32>,
        %get3A_358 = vector.shape_cast %get3A_357 : vector<1x16xi32> to vector<16xi32>
        %sub3A_359 = vector.broadcast %mul3A_80 : i32 to vector<16xi32>
        %sub3A_360 = arith.subi %get3A_358, %sub3A_359 : vector<16xi32>
        %iota3A_361 = tpu.iota {dimensions = array<i32: 0>} : vector<16xi32>
        %add3A_362 = arith.constant 7680 : i32
        %add3A_363 = vector.broadcast %add3A_362 : i32 to vector<16xi32>
        %add3A_364 = arith.addi %add3A_363, %iota3A_361 : vector<16xi32>
        %ge3A_365 = arith.constant 0 : i32
        %ge3A_366 = vector.broadcast %ge3A_365 : i32 to vector<16xi32>
        %ge3A_367 = arith.cmpi sge, %sub3A_360, %ge3A_366 : vector<16xi32>
        %lt3A_368 = arith.constant 7680 : i32
        %lt3A_369 = vector.broadcast %lt3A_368 : i32 to vector<16xi32>
        %lt3A_370 = arith.cmpi slt, %sub3A_360, %lt3A_369 : vector<16xi32>
        %and3A_371 = arith.andi %ge3A_367, %lt3A_370 : vector<16xi1>
        %select_n3A_372 = arith.select %and3A_371, %sub3A_360, %add3A_364 : vector<16xi1>, vector<16xi32>
        %swap3A_373 = arith.constant 0 : i32
        %swap3A_374 = arith.index_cast %swap3A_373 : i32 to index
        %swap3A_375 = arith.constant 0 : index
        %swap3A_376 = tpu.vector_load %arg9[%swap3A_374, %swap3A_375] {strides = array<i32>} : memref<1x128xi32, #tpu.memory_space<vmem>>, vector<1x16xi32>,
        %swap3A_377 = vector.shape_cast %swap3A_376 : vector<1x16xi32> to vector<16xi32>
        %swap3A_378 = vector.shape_cast %select_n3A_372 : vector<16xi32> to vector<1x16xi32>
        tpu.vector_store %arg9[%swap3A_374, %swap3A_375], %swap3A_378 {strides = array<i32>} : memref<1x128xi32, #tpu.memory_space<vmem>>, vector<1x16xi32>,
        %get3A_379 = arith.index_cast %add3A_354 : i32 to index
        %get3A_380 = arith.constant 16 : index
        %get3A_381 = tpu.vector_load %arg7[%get3A_379, %get3A_380] {strides = array<i32>} : memref<44x128xi32, #tpu.memory_space<vmem>>, vector<1x16xi32>,
        %get3A_382 = vector.shape_cast %get3A_381 : vector<1x16xi32> to vector<16xi32>
        %sub3A_383 = vector.broadcast %mul3A_80 : i32 to vector<16xi32>
        %sub3A_384 = arith.subi %get3A_382, %sub3A_383 : vector<16xi32>
        %iota3A_385 = tpu.iota {dimensions = array<i32: 0>} : vector<16xi32>
        %add3A_386 = arith.constant 7696 : i32
        %add3A_387 = vector.broadcast %add3A_386 : i32 to vector<16xi32>
        %add3A_388 = arith.addi %add3A_387, %iota3A_385 : vector<16xi32>
        %ge3A_389 = arith.constant 0 : i32
        %ge3A_390 = vector.broadcast %ge3A_389 : i32 to vector<16xi32>
        %ge3A_391 = arith.cmpi sge, %sub3A_384, %ge3A_390 : vector<16xi32>
        %lt3A_392 = arith.constant 7680 : i32
        %lt3A_393 = vector.broadcast %lt3A_392 : i32 to vector<16xi32>
        %lt3A_394 = arith.cmpi slt, %sub3A_384, %lt3A_393 : vector<16xi32>
        %and3A_395 = arith.andi %ge3A_391, %lt3A_394 : vector<16xi1>
        %select_n3A_396 = arith.select %and3A_395, %sub3A_384, %add3A_388 : vector<16xi1>, vector<16xi32>
        %swap3A_397 = arith.constant 0 : i32
        %swap3A_398 = arith.index_cast %swap3A_397 : i32 to index
        %swap3A_399 = arith.constant 16 : index
        %swap3A_400 = tpu.vector_load %arg9[%swap3A_398, %swap3A_399] {strides = array<i32>} : memref<1x128xi32, #tpu.memory_space<vmem>>, vector<1x16xi32>,
        %swap3A_401 = vector.shape_cast %swap3A_400 : vector<1x16xi32> to vector<16xi32>
        %swap3A_402 = vector.shape_cast %select_n3A_396 : vector<16xi32> to vector<1x16xi32>
        tpu.vector_store %arg9[%swap3A_398, %swap3A_399], %swap3A_402 {strides = array<i32>} : memref<1x128xi32, #tpu.memory_space<vmem>>, vector<1x16xi32>,
        %get3A_403 = arith.index_cast %add3A_354 : i32 to index
        %get3A_404 = arith.constant 32 : index
        %get3A_405 = tpu.vector_load %arg7[%get3A_403, %get3A_404] {strides = array<i32>} : memref<44x128xi32, #tpu.memory_space<vmem>>, vector<1x16xi32>,
        %get3A_406 = vector.shape_cast %get3A_405 : vector<1x16xi32> to vector<16xi32>
        %sub3A_407 = vector.broadcast %mul3A_80 : i32 to vector<16xi32>
        %sub3A_408 = arith.subi %get3A_406, %sub3A_407 : vector<16xi32>
        %iota3A_409 = tpu.iota {dimensions = array<i32: 0>} : vector<16xi32>
        %add3A_410 = arith.constant 7712 : i32
        %add3A_411 = vector.broadcast %add3A_410 : i32 to vector<16xi32>
        %add3A_412 = arith.addi %add3A_411, %iota3A_409 : vector<16xi32>
        %ge3A_413 = arith.constant 0 : i32
        %ge3A_414 = vector.broadcast %ge3A_413 : i32 to vector<16xi32>
        %ge3A_415 = arith.cmpi sge, %sub3A_408, %ge3A_414 : vector<16xi32>
        %lt3A_416 = arith.constant 7680 : i32
        %lt3A_417 = vector.broadcast %lt3A_416 : i32 to vector<16xi32>
        %lt3A_418 = arith.cmpi slt, %sub3A_408, %lt3A_417 : vector<16xi32>
        %and3A_419 = arith.andi %ge3A_415, %lt3A_418 : vector<16xi1>
        %select_n3A_420 = arith.select %and3A_419, %sub3A_408, %add3A_412 : vector<16xi1>, vector<16xi32>
        %swap3A_421 = arith.constant 0 : i32
        %swap3A_422 = arith.index_cast %swap3A_421 : i32 to index
        %swap3A_423 = arith.constant 32 : index
        %swap3A_424 = tpu.vector_load %arg9[%swap3A_422, %swap3A_423] {strides = array<i32>} : memref<1x128xi32, #tpu.memory_space<vmem>>, vector<1x16xi32>,
        %swap3A_425 = vector.shape_cast %swap3A_424 : vector<1x16xi32> to vector<16xi32>
        %swap3A_426 = vector.shape_cast %select_n3A_420 : vector<16xi32> to vector<1x16xi32>
        tpu.vector_store %arg9[%swap3A_422, %swap3A_423], %swap3A_426 {strides = array<i32>} : memref<1x128xi32, #tpu.memory_space<vmem>>, vector<1x16xi32>,
        %get3A_427 = arith.index_cast %add3A_354 : i32 to index
        %get3A_428 = arith.constant 48 : index
        %get3A_429 = tpu.vector_load %arg7[%get3A_427, %get3A_428] {strides = array<i32>} : memref<44x128xi32, #tpu.memory_space<vmem>>, vector<1x16xi32>,
        %get3A_430 = vector.shape_cast %get3A_429 : vector<1x16xi32> to vector<16xi32>
        %sub3A_431 = vector.broadcast %mul3A_80 : i32 to vector<16xi32>
        %sub3A_432 = arith.subi %get3A_430, %sub3A_431 : vector<16xi32>
        %iota3A_433 = tpu.iota {dimensions = array<i32: 0>} : vector<16xi32>
        %add3A_434 = arith.constant 7728 : i32
        %add3A_435 = vector.broadcast %add3A_434 : i32 to vector<16xi32>
        %add3A_436 = arith.addi %add3A_435, %iota3A_433 : vector<16xi32>
        %ge3A_437 = arith.constant 0 : i32
        %ge3A_438 = vector.broadcast %ge3A_437 : i32 to vector<16xi32>
        %ge3A_439 = arith.cmpi sge, %sub3A_432, %ge3A_438 : vector<16xi32>
        %lt3A_440 = arith.constant 7680 : i32
        %lt3A_441 = vector.broadcast %lt3A_440 : i32 to vector<16xi32>
        %lt3A_442 = arith.cmpi slt, %sub3A_432, %lt3A_441 : vector<16xi32>
        %and3A_443 = arith.andi %ge3A_439, %lt3A_442 : vector<16xi1>
        %select_n3A_444 = arith.select %and3A_443, %sub3A_432, %add3A_436 : vector<16xi1>, vector<16xi32>
        %swap3A_445 = arith.constant 0 : i32
        %swap3A_446 = arith.index_cast %swap3A_445 : i32 to index
        %swap3A_447 = arith.constant 48 : index
        %swap3A_448 = tpu.vector_load %arg9[%swap3A_446, %swap3A_447] {strides = array<i32>} : memref<1x128xi32, #tpu.memory_space<vmem>>, vector<1x16xi32>,
        %swap3A_449 = vector.shape_cast %swap3A_448 : vector<1x16xi32> to vector<16xi32>
        %swap3A_450 = vector.shape_cast %select_n3A_444 : vector<16xi32> to vector<1x16xi32>
        tpu.vector_store %arg9[%swap3A_446, %swap3A_447], %swap3A_450 {strides = array<i32>} : memref<1x128xi32, #tpu.memory_space<vmem>>, vector<1x16xi32>,
        %get3A_451 = arith.index_cast %add3A_354 : i32 to index
        %get3A_452 = arith.constant 64 : index
        %get3A_453 = tpu.vector_load %arg7[%get3A_451, %get3A_452] {strides = array<i32>} : memref<44x128xi32, #tpu.memory_space<vmem>>, vector<1x16xi32>,
        %get3A_454 = vector.shape_cast %get3A_453 : vector<1x16xi32> to vector<16xi32>
        %sub3A_455 = vector.broadcast %mul3A_80 : i32 to vector<16xi32>
        %sub3A_456 = arith.subi %get3A_454, %sub3A_455 : vector<16xi32>
        %iota3A_457 = tpu.iota {dimensions = array<i32: 0>} : vector<16xi32>
        %add3A_458 = arith.constant 7744 : i32
        %add3A_459 = vector.broadcast %add3A_458 : i32 to vector<16xi32>
        %add3A_460 = arith.addi %add3A_459, %iota3A_457 : vector<16xi32>
        %ge3A_461 = arith.constant 0 : i32
        %ge3A_462 = vector.broadcast %ge3A_461 : i32 to vector<16xi32>
        %ge3A_463 = arith.cmpi sge, %sub3A_456, %ge3A_462 : vector<16xi32>
        %lt3A_464 = arith.constant 7680 : i32
        %lt3A_465 = vector.broadcast %lt3A_464 : i32 to vector<16xi32>
        %lt3A_466 = arith.cmpi slt, %sub3A_456, %lt3A_465 : vector<16xi32>
        %and3A_467 = arith.andi %ge3A_463, %lt3A_466 : vector<16xi1>
        %select_n3A_468 = arith.select %and3A_467, %sub3A_456, %add3A_460 : vector<16xi1>, vector<16xi32>
        %swap3A_469 = arith.constant 0 : i32
        %swap3A_470 = arith.index_cast %swap3A_469 : i32 to index
        %swap3A_471 = arith.constant 64 : index
        %swap3A_472 = tpu.vector_load %arg9[%swap3A_470, %swap3A_471] {strides = array<i32>} : memref<1x128xi32, #tpu.memory_space<vmem>>, vector<1x16xi32>,
        %swap3A_473 = vector.shape_cast %swap3A_472 : vector<1x16xi32> to vector<16xi32>
        %swap3A_474 = vector.shape_cast %select_n3A_468 : vector<16xi32> to vector<1x16xi32>
        tpu.vector_store %arg9[%swap3A_470, %swap3A_471], %swap3A_474 {strides = array<i32>} : memref<1x128xi32, #tpu.memory_space<vmem>>, vector<1x16xi32>,
        %get3A_475 = arith.index_cast %add3A_354 : i32 to index
        %get3A_476 = arith.constant 80 : index
        %get3A_477 = tpu.vector_load %arg7[%get3A_475, %get3A_476] {strides = array<i32>} : memref<44x128xi32, #tpu.memory_space<vmem>>, vector<1x16xi32>,
        %get3A_478 = vector.shape_cast %get3A_477 : vector<1x16xi32> to vector<16xi32>
        %sub3A_479 = vector.broadcast %mul3A_80 : i32 to vector<16xi32>
        %sub3A_480 = arith.subi %get3A_478, %sub3A_479 : vector<16xi32>
        %iota3A_481 = tpu.iota {dimensions = array<i32: 0>} : vector<16xi32>
        %add3A_482 = arith.constant 7760 : i32
        %add3A_483 = vector.broadcast %add3A_482 : i32 to vector<16xi32>
        %add3A_484 = arith.addi %add3A_483, %iota3A_481 : vector<16xi32>
        %ge3A_485 = arith.constant 0 : i32
        %ge3A_486 = vector.broadcast %ge3A_485 : i32 to vector<16xi32>
        %ge3A_487 = arith.cmpi sge, %sub3A_480, %ge3A_486 : vector<16xi32>
        %lt3A_488 = arith.constant 7680 : i32
        %lt3A_489 = vector.broadcast %lt3A_488 : i32 to vector<16xi32>
        %lt3A_490 = arith.cmpi slt, %sub3A_480, %lt3A_489 : vector<16xi32>
        %and3A_491 = arith.andi %ge3A_487, %lt3A_490 : vector<16xi1>
        %select_n3A_492 = arith.select %and3A_491, %sub3A_480, %add3A_484 : vector<16xi1>, vector<16xi32>
        %swap3A_493 = arith.constant 0 : i32
        %swap3A_494 = arith.index_cast %swap3A_493 : i32 to index
        %swap3A_495 = arith.constant 80 : index
        %swap3A_496 = tpu.vector_load %arg9[%swap3A_494, %swap3A_495] {strides = array<i32>} : memref<1x128xi32, #tpu.memory_space<vmem>>, vector<1x16xi32>,
        %swap3A_497 = vector.shape_cast %swap3A_496 : vector<1x16xi32> to vector<16xi32>
        %swap3A_498 = vector.shape_cast %select_n3A_492 : vector<16xi32> to vector<1x16xi32>
        tpu.vector_store %arg9[%swap3A_494, %swap3A_495], %swap3A_498 {strides = array<i32>} : memref<1x128xi32, #tpu.memory_space<vmem>>, vector<1x16xi32>,
        %get3A_499 = arith.index_cast %add3A_354 : i32 to index
        %get3A_500 = arith.constant 96 : index
        %get3A_501 = tpu.vector_load %arg7[%get3A_499, %get3A_500] {strides = array<i32>} : memref<44x128xi32, #tpu.memory_space<vmem>>, vector<1x16xi32>,
        %get3A_502 = vector.shape_cast %get3A_501 : vector<1x16xi32> to vector<16xi32>
        %sub3A_503 = vector.broadcast %mul3A_80 : i32 to vector<16xi32>
        %sub3A_504 = arith.subi %get3A_502, %sub3A_503 : vector<16xi32>
        %iota3A_505 = tpu.iota {dimensions = array<i32: 0>} : vector<16xi32>
        %add3A_506 = arith.constant 7776 : i32
        %add3A_507 = vector.broadcast %add3A_506 : i32 to vector<16xi32>
        %add3A_508 = arith.addi %add3A_507, %iota3A_505 : vector<16xi32>
        %ge3A_509 = arith.constant 0 : i32
        %ge3A_510 = vector.broadcast %ge3A_509 : i32 to vector<16xi32>
        %ge3A_511 = arith.cmpi sge, %sub3A_504, %ge3A_510 : vector<16xi32>
        %lt3A_512 = arith.constant 7680 : i32
        %lt3A_513 = vector.broadcast %lt3A_512 : i32 to vector<16xi32>
        %lt3A_514 = arith.cmpi slt, %sub3A_504, %lt3A_513 : vector<16xi32>
        %and3A_515 = arith.andi %ge3A_511, %lt3A_514 : vector<16xi1>
        %select_n3A_516 = arith.select %and3A_515, %sub3A_504, %add3A_508 : vector<16xi1>, vector<16xi32>
        %swap3A_517 = arith.constant 0 : i32
        %swap3A_518 = arith.index_cast %swap3A_517 : i32 to index
        %swap3A_519 = arith.constant 96 : index
        %swap3A_520 = tpu.vector_load %arg9[%swap3A_518, %swap3A_519] {strides = array<i32>} : memref<1x128xi32, #tpu.memory_space<vmem>>, vector<1x16xi32>,
        %swap3A_521 = vector.shape_cast %swap3A_520 : vector<1x16xi32> to vector<16xi32>
        %swap3A_522 = vector.shape_cast %select_n3A_516 : vector<16xi32> to vector<1x16xi32>
        tpu.vector_store %arg9[%swap3A_518, %swap3A_519], %swap3A_522 {strides = array<i32>} : memref<1x128xi32, #tpu.memory_space<vmem>>, vector<1x16xi32>,
        %get3A_523 = arith.index_cast %add3A_354 : i32 to index
        %get3A_524 = arith.constant 112 : index
        %get3A_525 = tpu.vector_load %arg7[%get3A_523, %get3A_524] {strides = array<i32>} : memref<44x128xi32, #tpu.memory_space<vmem>>, vector<1x16xi32>,
        %get3A_526 = vector.shape_cast %get3A_525 : vector<1x16xi32> to vector<16xi32>
        %sub3A_527 = vector.broadcast %mul3A_80 : i32 to vector<16xi32>
        %sub3A_528 = arith.subi %get3A_526, %sub3A_527 : vector<16xi32>
        %iota3A_529 = tpu.iota {dimensions = array<i32: 0>} : vector<16xi32>
        %add3A_530 = arith.constant 7792 : i32
        %add3A_531 = vector.broadcast %add3A_530 : i32 to vector<16xi32>
        %add3A_532 = arith.addi %add3A_531, %iota3A_529 : vector<16xi32>
        %ge3A_533 = arith.constant 0 : i32
        %ge3A_534 = vector.broadcast %ge3A_533 : i32 to vector<16xi32>
        %ge3A_535 = arith.cmpi sge, %sub3A_528, %ge3A_534 : vector<16xi32>
        %lt3A_536 = arith.constant 7680 : i32
        %lt3A_537 = vector.broadcast %lt3A_536 : i32 to vector<16xi32>
        %lt3A_538 = arith.cmpi slt, %sub3A_528, %lt3A_537 : vector<16xi32>
        %and3A_539 = arith.andi %ge3A_535, %lt3A_538 : vector<16xi1>
        %select_n3A_540 = arith.select %and3A_539, %sub3A_528, %add3A_532 : vector<16xi1>, vector<16xi32>
        %swap3A_541 = arith.constant 0 : i32
        %swap3A_542 = arith.index_cast %swap3A_541 : i32 to index
        %swap3A_543 = arith.constant 112 : index
        %swap3A_544 = tpu.vector_load %arg9[%swap3A_542, %swap3A_543] {strides = array<i32>} : memref<1x128xi32, #tpu.memory_space<vmem>>, vector<1x16xi32>,
        %swap3A_545 = vector.shape_cast %swap3A_544 : vector<1x16xi32> to vector<16xi32>
        %swap3A_546 = vector.shape_cast %select_n3A_540 : vector<16xi32> to vector<1x16xi32>
        tpu.vector_store %arg9[%swap3A_542, %swap3A_543], %swap3A_546 {strides = array<i32>} : memref<1x128xi32, #tpu.memory_space<vmem>>, vector<1x16xi32>,
        %dma_wait3A = arith.constant 0 : i32
        %dma_wait3A_547 = tpu.memref_slice %arg3[%add3A_155, %dma_wait3A] : memref<45056x128xf32, #tpu.memory_space<hbm>> -> memref<128x128xf32, #tpu.memory_space<hbm>>
        %dma_wait3A_548 = arith.constant 0 : i32
        %dma_wait3A_549 = tpu.memref_slice %arg3[%add3A_155, %dma_wait3A_548] : memref<45056x128xf32, #tpu.memory_space<hbm>> -> memref<128x128xf32, #tpu.memory_space<hbm>>
        tpu.wait_dma2 semaphore(%arg13 : memref<!tpu.dma_semaphore, #tpu.memory_space<semaphore_mem>>) src(%dma_wait3A_549 : memref<128x128xf32, #tpu.memory_space<hbm>>) dst(%arg10 : memref<128x128xf32, #tpu.memory_space<vmem>>)
        %dma_start3A_550 = arith.constant 0 : i32
        %dma_start3A_551 = arith.constant 0 : i32
        %dma_start3A_552 = tpu.memref_slice %arg8[%dma_start3A_550, %dma_start3A_551] : memref<1x128xi32, #tpu.memory_space<vmem>> -> memref<1x128xi32, #tpu.memory_space<vmem>>
        %dma_start3A_553 = tpu.memref_squeeze %dma_start3A_552 : memref<1x128xi32, #tpu.memory_space<vmem>> -> memref<128xi32, #tpu.memory_space<vmem>>
        %dma_start3A_554 = arith.constant 0 : i32
        %dma_start3A_555 = arith.constant 0 : i32
        %dma_start3A_556 = tpu.memref_slice %arg12[%dma_start3A_554, %dma_start3A_555] : memref<7808x128xf32, #tpu.memory_space<vmem_shared>> -> memref<7808x128xf32, #tpu.memory_space<vmem_shared>>
        tpu.enqueue_indirect_dma source(%arg10 : memref<128x128xf32, #tpu.memory_space<vmem>>) target(%dma_start3A_556 : memref<7808x128xf32, #tpu.memory_space<vmem_shared>>) offsets(%dma_start3A_553 : memref<128xi32, #tpu.memory_space<vmem>>) semaphore(%arg15 : memref<!tpu.dma_semaphore, #tpu.memory_space<semaphore_mem>>) {add = true}
        %dma_wait3A_557 = arith.constant 0 : i32
        %dma_wait3A_558 = tpu.memref_slice %arg3[%add3A_160, %dma_wait3A_557] : memref<45056x128xf32, #tpu.memory_space<hbm>> -> memref<128x128xf32, #tpu.memory_space<hbm>>
        %dma_wait3A_559 = arith.constant 0 : i32
        %dma_wait3A_560 = tpu.memref_slice %arg3[%add3A_160, %dma_wait3A_559] : memref<45056x128xf32, #tpu.memory_space<hbm>> -> memref<128x128xf32, #tpu.memory_space<hbm>>
        tpu.wait_dma2 semaphore(%arg14 : memref<!tpu.dma_semaphore, #tpu.memory_space<semaphore_mem>>) src(%dma_wait3A_560 : memref<128x128xf32, #tpu.memory_space<hbm>>) dst(%arg11 : memref<128x128xf32, #tpu.memory_space<vmem>>)
        %dma_start3A_561 = arith.constant 0 : i32
        %dma_start3A_562 = arith.constant 0 : i32
        %dma_start3A_563 = tpu.memref_slice %arg9[%dma_start3A_561, %dma_start3A_562] : memref<1x128xi32, #tpu.memory_space<vmem>> -> memref<1x128xi32, #tpu.memory_space<vmem>>
        %dma_start3A_564 = tpu.memref_squeeze %dma_start3A_563 : memref<1x128xi32, #tpu.memory_space<vmem>> -> memref<128xi32, #tpu.memory_space<vmem>>
        %dma_start3A_565 = arith.constant 0 : i32
        %dma_start3A_566 = arith.constant 0 : i32
        %dma_start3A_567 = tpu.memref_slice %arg12[%dma_start3A_565, %dma_start3A_566] : memref<7808x128xf32, #tpu.memory_space<vmem_shared>> -> memref<7808x128xf32, #tpu.memory_space<vmem_shared>>
        tpu.enqueue_indirect_dma source(%arg11 : memref<128x128xf32, #tpu.memory_space<vmem>>) target(%dma_start3A_567 : memref<7808x128xf32, #tpu.memory_space<vmem_shared>>) offsets(%dma_start3A_564 : memref<128xi32, #tpu.memory_space<vmem>>) semaphore(%arg16 : memref<!tpu.dma_semaphore, #tpu.memory_space<semaphore_mem>>) {add = true}
        %dma_wait3A_568 = arith.constant 0 : i32
        %dma_wait3A_569 = arith.constant 0 : i32
        %dma_wait3A_570 = tpu.memref_slice %arg8[%dma_wait3A_568, %dma_wait3A_569] : memref<1x128xi32, #tpu.memory_space<vmem>> -> memref<1x128xi32, #tpu.memory_space<vmem>>
        %dma_wait3A_571 = tpu.memref_squeeze %dma_wait3A_570 : memref<1x128xi32, #tpu.memory_space<vmem>> -> memref<128xi32, #tpu.memory_space<vmem>>
        %dma_wait3A_572 = arith.constant 0 : i32
        %dma_wait3A_573 = arith.constant 0 : i32
        %dma_wait3A_574 = tpu.memref_slice %arg12[%dma_wait3A_572, %dma_wait3A_573] : memref<7808x128xf32, #tpu.memory_space<vmem_shared>> -> memref<7808x128xf32, #tpu.memory_space<vmem_shared>>
        tpu.wait_indirect_dma semaphore(%arg15 : memref<!tpu.dma_semaphore, #tpu.memory_space<semaphore_mem>>) src(%arg10 : memref<128x128xf32, #tpu.memory_space<vmem>>) dst(%dma_wait3A_574 : memref<7808x128xf32, #tpu.memory_space<vmem_shared>>)
        %dma_wait3A_575 = arith.constant 0 : i32
        %dma_wait3A_576 = arith.constant 0 : i32
        %dma_wait3A_577 = tpu.memref_slice %arg9[%dma_wait3A_575, %dma_wait3A_576] : memref<1x128xi32, #tpu.memory_space<vmem>> -> memref<1x128xi32, #tpu.memory_space<vmem>>
        %dma_wait3A_578 = tpu.memref_squeeze %dma_wait3A_577 : memref<1x128xi32, #tpu.memory_space<vmem>> -> memref<128xi32, #tpu.memory_space<vmem>>
        %dma_wait3A_579 = arith.constant 0 : i32
        %dma_wait3A_580 = arith.constant 0 : i32
        %dma_wait3A_581 = tpu.memref_slice %arg12[%dma_wait3A_579, %dma_wait3A_580] : memref<7808x128xf32, #tpu.memory_space<vmem_shared>> -> memref<7808x128xf32, #tpu.memory_space<vmem_shared>>
        tpu.wait_indirect_dma semaphore(%arg16 : memref<!tpu.dma_semaphore, #tpu.memory_space<semaphore_mem>>) src(%arg11 : memref<128x128xf32, #tpu.memory_space<vmem>>) dst(%dma_wait3A_581 : memref<7808x128xf32, #tpu.memory_space<vmem_shared>>)
      }
      %scan3A_149 = arith.constant 22 : i32
    } else {
    }
    %barrier3A_108 = arith.constant 0 : index
    tpu.barrier barrier_id(%barrier3A_108)
    %mul3A_109 = arith.constant 480 : i32
    %mul3A_110 = arith.muli %arg1, %mul3A_109 : i32
    %add3A_111 = arith.constant 0 : i32
    %add3A_112 = arith.addi %mul3A_110, %add3A_111 : i32
    "tpu.region"() ({
      %run_scoped3A = tpu.sem_alloc : memref<!tpu.dma_semaphore, #tpu.memory_space<semaphore_mem>>
      %dma_start3A = arith.constant 0 : i32
      %dma_start3A_145 = arith.constant 0 : i32
      %dma_start3A_146 = tpu.memref_slice %arg10[%dma_start3A, %dma_start3A_145] : memref<128x128xf32, #tpu.memory_space<vmem>> -> memref<128x128xf32, #tpu.memory_space<vmem>>
      %dma_start3A_147 = arith.constant 0 : i32
      %dma_start3A_148 = tpu.memref_slice %arg12[%add3A_112, %dma_start3A_147] : memref<7808x128xf32, #tpu.memory_space<vmem_shared>> -> memref<128x128xf32, #tpu.memory_space<vmem_shared>>
      %dma_start3A_149 = arith.constant 0 : i32
      %dma_start3A_150 = arith.constant 0 : i32
      %dma_start3A_151 = tpu.memref_slice %arg10[%dma_start3A_149, %dma_start3A_150] : memref<128x128xf32, #tpu.memory_space<vmem>> -> memref<128x128xf32, #tpu.memory_space<vmem>>
      %dma_start3A_152 = arith.constant 0 : i32
      %dma_start3A_153 = tpu.memref_slice %arg12[%add3A_112, %dma_start3A_152] : memref<7808x128xf32, #tpu.memory_space<vmem_shared>> -> memref<128x128xf32, #tpu.memory_space<vmem_shared>>
      tpu.enqueue_dma source(%dma_start3A_153 : memref<128x128xf32, #tpu.memory_space<vmem_shared>>) target(%dma_start3A_151 : memref<128x128xf32, #tpu.memory_space<vmem>>) target_semaphore(%run_scoped3A : memref<!tpu.dma_semaphore, #tpu.memory_space<semaphore_mem>>)
      %dma_wait3A = arith.constant 0 : i32
      %dma_wait3A_154 = arith.constant 0 : i32
      %dma_wait3A_155 = tpu.memref_slice %arg10[%dma_wait3A, %dma_wait3A_154] : memref<128x128xf32, #tpu.memory_space<vmem>> -> memref<128x128xf32, #tpu.memory_space<vmem>>
      %dma_wait3A_156 = arith.constant 0 : i32
      %dma_wait3A_157 = tpu.memref_slice %arg12[%add3A_112, %dma_wait3A_156] : memref<7808x128xf32, #tpu.memory_space<vmem_shared>> -> memref<128x128xf32, #tpu.memory_space<vmem_shared>>
      %dma_wait3A_158 = arith.constant 0 : i32
      %dma_wait3A_159 = arith.constant 0 : i32
      %dma_wait3A_160 = tpu.memref_slice %arg10[%dma_wait3A_158, %dma_wait3A_159] : memref<128x128xf32, #tpu.memory_space<vmem>> -> memref<128x128xf32, #tpu.memory_space<vmem>>
      %dma_wait3A_161 = arith.constant 0 : i32
      %dma_wait3A_162 = tpu.memref_slice %arg12[%add3A_112, %dma_wait3A_161] : memref<7808x128xf32, #tpu.memory_space<vmem_shared>> -> memref<128x128xf32, #tpu.memory_space<vmem_shared>>
      tpu.wait_dma2 semaphore(%run_scoped3A : memref<!tpu.dma_semaphore, #tpu.memory_space<semaphore_mem>>) src(%dma_wait3A_162 : memref<128x128xf32, #tpu.memory_space<vmem_shared>>) dst(%dma_wait3A_160 : memref<128x128xf32, #tpu.memory_space<vmem>>)
      tpu.yield
    }) : () -> ()
    %mul3A_113 = arith.constant 480 : i32
    %mul3A_114 = arith.muli %arg1, %mul3A_113 : i32
    %add3A_115 = arith.addi %mul3A_80, %mul3A_114 : i32
    %add3A_116 = arith.constant 0 : i32
    %add3A_117 = arith.addi %add3A_115, %add3A_116 : i32
    "tpu.region"() ({
      %run_scoped3A = tpu.sem_alloc : memref<!tpu.dma_semaphore, #tpu.memory_space<semaphore_mem>>
      %dma_start3A = arith.constant 0 : i32
      %dma_start3A_145 = arith.constant 0 : i32
      %dma_start3A_146 = tpu.memref_slice %arg10[%dma_start3A, %dma_start3A_145] : memref<128x128xf32, #tpu.memory_space<vmem>> -> memref<128x128xf32, #tpu.memory_space<vmem>>
      %dma_start3A_147 = arith.constant 0 : i32
      %dma_start3A_148 = tpu.memref_slice %arg6[%add3A_117, %dma_start3A_147] : memref<30720x128xf32, #tpu.memory_space<hbm>> -> memref<128x128xf32, #tpu.memory_space<hbm>>
      %dma_start3A_149 = arith.constant 0 : i32
      %dma_start3A_150 = tpu.memref_slice %arg6[%add3A_117, %dma_start3A_149] : memref<30720x128xf32, #tpu.memory_space<hbm>> -> memref<128x128xf32, #tpu.memory_space<hbm>>
      %dma_start3A_151 = arith.constant 0 : i32
      %dma_start3A_152 = arith.constant 0 : i32
      %dma_start3A_153 = tpu.memref_slice %arg10[%dma_start3A_151, %dma_start3A_152] : memref<128x128xf32, #tpu.memory_space<vmem>> -> memref<128x128xf32, #tpu.memory_space<vmem>>
      tpu.enqueue_dma source(%dma_start3A_153 : memref<128x128xf32, #tpu.memory_space<vmem>>) target(%dma_start3A_150 : memref<128x128xf32, #tpu.memory_space<hbm>>) target_semaphore(%run_scoped3A : memref<!tpu.dma_semaphore, #tpu.memory_space<semaphore_mem>>)
      %dma_wait3A = arith.constant 0 : i32
      %dma_wait3A_154 = arith.constant 0 : i32
      %dma_wait3A_155 = tpu.memref_slice %arg10[%dma_wait3A, %dma_wait3A_154] : memref<128x128xf32, #tpu.memory_space<vmem>> -> memref<128x128xf32, #tpu.memory_space<vmem>>
      %dma_wait3A_156 = arith.constant 0 : i32
      %dma_wait3A_157 = tpu.memref_slice %arg6[%add3A_117, %dma_wait3A_156] : memref<30720x128xf32, #tpu.memory_space<hbm>> -> memref<128x128xf32, #tpu.memory_space<hbm>>
      %dma_wait3A_158 = arith.constant 0 : i32
      %dma_wait3A_159 = tpu.memref_slice %arg6[%add3A_117, %dma_wait3A_158] : memref<30720x128xf32, #tpu.memory_space<hbm>> -> memref<128x128xf32, #tpu.memory_space<hbm>>
      %dma_wait3A_160 = arith.constant 0 : i32
      %dma_wait3A_161 = arith.constant 0 : i32
      %dma_wait3A_162 = tpu.memref_slice %arg10[%dma_wait3A_160, %dma_wait3A_161] : memref<128x128xf32, #tpu.memory_space<vmem>> -> memref<128x128xf32, #tpu.memory_space<vmem>>
      tpu.wait_dma2 semaphore(%run_scoped3A : memref<!tpu.dma_semaphore, #tpu.memory_space<semaphore_mem>>) src(%dma_wait3A_162 : memref<128x128xf32, #tpu.memory_space<vmem>>) dst(%dma_wait3A_159 : memref<128x128xf32, #tpu.memory_space<hbm>>)
      tpu.yield
    }) : () -> ()
    %mul3A_118 = arith.constant 480 : i32
    %mul3A_119 = arith.muli %arg1, %mul3A_118 : i32
    %add3A_120 = arith.constant 128 : i32
    %add3A_121 = arith.addi %mul3A_119, %add3A_120 : i32
    "tpu.region"() ({
      %run_scoped3A = tpu.sem_alloc : memref<!tpu.dma_semaphore, #tpu.memory_space<semaphore_mem>>
      %dma_start3A = arith.constant 0 : i32
      %dma_start3A_145 = arith.constant 0 : i32
      %dma_start3A_146 = tpu.memref_slice %arg10[%dma_start3A, %dma_start3A_145] : memref<128x128xf32, #tpu.memory_space<vmem>> -> memref<128x128xf32, #tpu.memory_space<vmem>>
      %dma_start3A_147 = arith.constant 0 : i32
      %dma_start3A_148 = tpu.memref_slice %arg12[%add3A_121, %dma_start3A_147] : memref<7808x128xf32, #tpu.memory_space<vmem_shared>> -> memref<128x128xf32, #tpu.memory_space<vmem_shared>>
      %dma_start3A_149 = arith.constant 0 : i32
      %dma_start3A_150 = arith.constant 0 : i32
      %dma_start3A_151 = tpu.memref_slice %arg10[%dma_start3A_149, %dma_start3A_150] : memref<128x128xf32, #tpu.memory_space<vmem>> -> memref<128x128xf32, #tpu.memory_space<vmem>>
      %dma_start3A_152 = arith.constant 0 : i32
      %dma_start3A_153 = tpu.memref_slice %arg12[%add3A_121, %dma_start3A_152] : memref<7808x128xf32, #tpu.memory_space<vmem_shared>> -> memref<128x128xf32, #tpu.memory_space<vmem_shared>>
      tpu.enqueue_dma source(%dma_start3A_153 : memref<128x128xf32, #tpu.memory_space<vmem_shared>>) target(%dma_start3A_151 : memref<128x128xf32, #tpu.memory_space<vmem>>) target_semaphore(%run_scoped3A : memref<!tpu.dma_semaphore, #tpu.memory_space<semaphore_mem>>)
      %dma_wait3A = arith.constant 0 : i32
      %dma_wait3A_154 = arith.constant 0 : i32
      %dma_wait3A_155 = tpu.memref_slice %arg10[%dma_wait3A, %dma_wait3A_154] : memref<128x128xf32, #tpu.memory_space<vmem>> -> memref<128x128xf32, #tpu.memory_space<vmem>>
      %dma_wait3A_156 = arith.constant 0 : i32
      %dma_wait3A_157 = tpu.memref_slice %arg12[%add3A_121, %dma_wait3A_156] : memref<7808x128xf32, #tpu.memory_space<vmem_shared>> -> memref<128x128xf32, #tpu.memory_space<vmem_shared>>
      %dma_wait3A_158 = arith.constant 0 : i32
      %dma_wait3A_159 = arith.constant 0 : i32
      %dma_wait3A_160 = tpu.memref_slice %arg10[%dma_wait3A_158, %dma_wait3A_159] : memref<128x128xf32, #tpu.memory_space<vmem>> -> memref<128x128xf32, #tpu.memory_space<vmem>>
      %dma_wait3A_161 = arith.constant 0 : i32
      %dma_wait3A_162 = tpu.memref_slice %arg12[%add3A_121, %dma_wait3A_161] : memref<7808x128xf32, #tpu.memory_space<vmem_shared>> -> memref<128x128xf32, #tpu.memory_space<vmem_shared>>
      tpu.wait_dma2 semaphore(%run_scoped3A : memref<!tpu.dma_semaphore, #tpu.memory_space<semaphore_mem>>) src(%dma_wait3A_162 : memref<128x128xf32, #tpu.memory_space<vmem_shared>>) dst(%dma_wait3A_160 : memref<128x128xf32, #tpu.memory_space<vmem>>)
      tpu.yield
    }) : () -> ()
    %mul3A_122 = arith.constant 480 : i32
    %mul3A_123 = arith.muli %arg1, %mul3A_122 : i32
    %add3A_124 = arith.addi %mul3A_80, %mul3A_123 : i32
    %add3A_125 = arith.constant 128 : i32
    %add3A_126 = arith.addi %add3A_124, %add3A_125 : i32
    "tpu.region"() ({
      %run_scoped3A = tpu.sem_alloc : memref<!tpu.dma_semaphore, #tpu.memory_space<semaphore_mem>>
      %dma_start3A = arith.constant 0 : i32
      %dma_start3A_145 = arith.constant 0 : i32
      %dma_start3A_146 = tpu.memref_slice %arg10[%dma_start3A, %dma_start3A_145] : memref<128x128xf32, #tpu.memory_space<vmem>> -> memref<128x128xf32, #tpu.memory_space<vmem>>
      %dma_start3A_147 = arith.constant 0 : i32
      %dma_start3A_148 = tpu.memref_slice %arg6[%add3A_126, %dma_start3A_147] : memref<30720x128xf32, #tpu.memory_space<hbm>> -> memref<128x128xf32, #tpu.memory_space<hbm>>
      %dma_start3A_149 = arith.constant 0 : i32
      %dma_start3A_150 = tpu.memref_slice %arg6[%add3A_126, %dma_start3A_149] : memref<30720x128xf32, #tpu.memory_space<hbm>> -> memref<128x128xf32, #tpu.memory_space<hbm>>
      %dma_start3A_151 = arith.constant 0 : i32
      %dma_start3A_152 = arith.constant 0 : i32
      %dma_start3A_153 = tpu.memref_slice %arg10[%dma_start3A_151, %dma_start3A_152] : memref<128x128xf32, #tpu.memory_space<vmem>> -> memref<128x128xf32, #tpu.memory_space<vmem>>
      tpu.enqueue_dma source(%dma_start3A_153 : memref<128x128xf32, #tpu.memory_space<vmem>>) target(%dma_start3A_150 : memref<128x128xf32, #tpu.memory_space<hbm>>) target_semaphore(%run_scoped3A : memref<!tpu.dma_semaphore, #tpu.memory_space<semaphore_mem>>)
      %dma_wait3A = arith.constant 0 : i32
      %dma_wait3A_154 = arith.constant 0 : i32
      %dma_wait3A_155 = tpu.memref_slice %arg10[%dma_wait3A, %dma_wait3A_154] : memref<128x128xf32, #tpu.memory_space<vmem>> -> memref<128x128xf32, #tpu.memory_space<vmem>>
      %dma_wait3A_156 = arith.constant 0 : i32
      %dma_wait3A_157 = tpu.memref_slice %arg6[%add3A_126, %dma_wait3A_156] : memref<30720x128xf32, #tpu.memory_space<hbm>> -> memref<128x128xf32, #tpu.memory_space<hbm>>
      %dma_wait3A_158 = arith.constant 0 : i32
      %dma_wait3A_159 = tpu.memref_slice %arg6[%add3A_126, %dma_wait3A_158] : memref<30720x128xf32, #tpu.memory_space<hbm>> -> memref<128x128xf32, #tpu.memory_space<hbm>>
      %dma_wait3A_160 = arith.constant 0 : i32
      %dma_wait3A_161 = arith.constant 0 : i32
      %dma_wait3A_162 = tpu.memref_slice %arg10[%dma_wait3A_160, %dma_wait3A_161] : memref<128x128xf32, #tpu.memory_space<vmem>> -> memref<128x128xf32, #tpu.memory_space<vmem>>
      tpu.wait_dma2 semaphore(%run_scoped3A : memref<!tpu.dma_semaphore, #tpu.memory_space<semaphore_mem>>) src(%dma_wait3A_162 : memref<128x128xf32, #tpu.memory_space<vmem>>) dst(%dma_wait3A_159 : memref<128x128xf32, #tpu.memory_space<hbm>>)
      tpu.yield
    }) : () -> ()
    %mul3A_127 = arith.constant 480 : i32
    %mul3A_128 = arith.muli %arg1, %mul3A_127 : i32
    %add3A_129 = arith.constant 256 : i32
    %add3A_130 = arith.addi %mul3A_128, %add3A_129 : i32
    "tpu.region"() ({
      %run_scoped3A = tpu.sem_alloc : memref<!tpu.dma_semaphore, #tpu.memory_space<semaphore_mem>>
      %dma_start3A = arith.constant 0 : i32
      %dma_start3A_145 = arith.constant 0 : i32
      %dma_start3A_146 = tpu.memref_slice %arg10[%dma_start3A, %dma_start3A_145] : memref<128x128xf32, #tpu.memory_space<vmem>> -> memref<128x128xf32, #tpu.memory_space<vmem>>
      %dma_start3A_147 = arith.constant 0 : i32
      %dma_start3A_148 = tpu.memref_slice %arg12[%add3A_130, %dma_start3A_147] : memref<7808x128xf32, #tpu.memory_space<vmem_shared>> -> memref<128x128xf32, #tpu.memory_space<vmem_shared>>
      %dma_start3A_149 = arith.constant 0 : i32
      %dma_start3A_150 = arith.constant 0 : i32
      %dma_start3A_151 = tpu.memref_slice %arg10[%dma_start3A_149, %dma_start3A_150] : memref<128x128xf32, #tpu.memory_space<vmem>> -> memref<128x128xf32, #tpu.memory_space<vmem>>
      %dma_start3A_152 = arith.constant 0 : i32
      %dma_start3A_153 = tpu.memref_slice %arg12[%add3A_130, %dma_start3A_152] : memref<7808x128xf32, #tpu.memory_space<vmem_shared>> -> memref<128x128xf32, #tpu.memory_space<vmem_shared>>
      tpu.enqueue_dma source(%dma_start3A_153 : memref<128x128xf32, #tpu.memory_space<vmem_shared>>) target(%dma_start3A_151 : memref<128x128xf32, #tpu.memory_space<vmem>>) target_semaphore(%run_scoped3A : memref<!tpu.dma_semaphore, #tpu.memory_space<semaphore_mem>>)
      %dma_wait3A = arith.constant 0 : i32
      %dma_wait3A_154 = arith.constant 0 : i32
      %dma_wait3A_155 = tpu.memref_slice %arg10[%dma_wait3A, %dma_wait3A_154] : memref<128x128xf32, #tpu.memory_space<vmem>> -> memref<128x128xf32, #tpu.memory_space<vmem>>
      %dma_wait3A_156 = arith.constant 0 : i32
      %dma_wait3A_157 = tpu.memref_slice %arg12[%add3A_130, %dma_wait3A_156] : memref<7808x128xf32, #tpu.memory_space<vmem_shared>> -> memref<128x128xf32, #tpu.memory_space<vmem_shared>>
      %dma_wait3A_158 = arith.constant 0 : i32
      %dma_wait3A_159 = arith.constant 0 : i32
      %dma_wait3A_160 = tpu.memref_slice %arg10[%dma_wait3A_158, %dma_wait3A_159] : memref<128x128xf32, #tpu.memory_space<vmem>> -> memref<128x128xf32, #tpu.memory_space<vmem>>
      %dma_wait3A_161 = arith.constant 0 : i32
      %dma_wait3A_162 = tpu.memref_slice %arg12[%add3A_130, %dma_wait3A_161] : memref<7808x128xf32, #tpu.memory_space<vmem_shared>> -> memref<128x128xf32, #tpu.memory_space<vmem_shared>>
      tpu.wait_dma2 semaphore(%run_scoped3A : memref<!tpu.dma_semaphore, #tpu.memory_space<semaphore_mem>>) src(%dma_wait3A_162 : memref<128x128xf32, #tpu.memory_space<vmem_shared>>) dst(%dma_wait3A_160 : memref<128x128xf32, #tpu.memory_space<vmem>>)
      tpu.yield
    }) : () -> ()
    %mul3A_131 = arith.constant 480 : i32
    %mul3A_132 = arith.muli %arg1, %mul3A_131 : i32
    %add3A_133 = arith.addi %mul3A_80, %mul3A_132 : i32
    %add3A_134 = arith.constant 256 : i32
    %add3A_135 = arith.addi %add3A_133, %add3A_134 : i32
    "tpu.region"() ({
      %run_scoped3A = tpu.sem_alloc : memref<!tpu.dma_semaphore, #tpu.memory_space<semaphore_mem>>
      %dma_start3A = arith.constant 0 : i32
      %dma_start3A_145 = arith.constant 0 : i32
      %dma_start3A_146 = tpu.memref_slice %arg10[%dma_start3A, %dma_start3A_145] : memref<128x128xf32, #tpu.memory_space<vmem>> -> memref<128x128xf32, #tpu.memory_space<vmem>>
      %dma_start3A_147 = arith.constant 0 : i32
      %dma_start3A_148 = tpu.memref_slice %arg6[%add3A_135, %dma_start3A_147] : memref<30720x128xf32, #tpu.memory_space<hbm>> -> memref<128x128xf32, #tpu.memory_space<hbm>>
      %dma_start3A_149 = arith.constant 0 : i32
      %dma_start3A_150 = tpu.memref_slice %arg6[%add3A_135, %dma_start3A_149] : memref<30720x128xf32, #tpu.memory_space<hbm>> -> memref<128x128xf32, #tpu.memory_space<hbm>>
      %dma_start3A_151 = arith.constant 0 : i32
      %dma_start3A_152 = arith.constant 0 : i32
      %dma_start3A_153 = tpu.memref_slice %arg10[%dma_start3A_151, %dma_start3A_152] : memref<128x128xf32, #tpu.memory_space<vmem>> -> memref<128x128xf32, #tpu.memory_space<vmem>>
      tpu.enqueue_dma source(%dma_start3A_153 : memref<128x128xf32, #tpu.memory_space<vmem>>) target(%dma_start3A_150 : memref<128x128xf32, #tpu.memory_space<hbm>>) target_semaphore(%run_scoped3A : memref<!tpu.dma_semaphore, #tpu.memory_space<semaphore_mem>>)
      %dma_wait3A = arith.constant 0 : i32
      %dma_wait3A_154 = arith.constant 0 : i32
      %dma_wait3A_155 = tpu.memref_slice %arg10[%dma_wait3A, %dma_wait3A_154] : memref<128x128xf32, #tpu.memory_space<vmem>> -> memref<128x128xf32, #tpu.memory_space<vmem>>
      %dma_wait3A_156 = arith.constant 0 : i32
      %dma_wait3A_157 = tpu.memref_slice %arg6[%add3A_135, %dma_wait3A_156] : memref<30720x128xf32, #tpu.memory_space<hbm>> -> memref<128x128xf32, #tpu.memory_space<hbm>>
      %dma_wait3A_158 = arith.constant 0 : i32
      %dma_wait3A_159 = tpu.memref_slice %arg6[%add3A_135, %dma_wait3A_158] : memref<30720x128xf32, #tpu.memory_space<hbm>> -> memref<128x128xf32, #tpu.memory_space<hbm>>
      %dma_wait3A_160 = arith.constant 0 : i32
      %dma_wait3A_161 = arith.constant 0 : i32
      %dma_wait3A_162 = tpu.memref_slice %arg10[%dma_wait3A_160, %dma_wait3A_161] : memref<128x128xf32, #tpu.memory_space<vmem>> -> memref<128x128xf32, #tpu.memory_space<vmem>>
      tpu.wait_dma2 semaphore(%run_scoped3A : memref<!tpu.dma_semaphore, #tpu.memory_space<semaphore_mem>>) src(%dma_wait3A_162 : memref<128x128xf32, #tpu.memory_space<vmem>>) dst(%dma_wait3A_159 : memref<128x128xf32, #tpu.memory_space<hbm>>)
      tpu.yield
    }) : () -> ()
    %mul3A_136 = arith.constant 480 : i32
    %mul3A_137 = arith.muli %arg1, %mul3A_136 : i32
    %add3A_138 = arith.constant 384 : i32
    %add3A_139 = arith.addi %mul3A_137, %add3A_138 : i32
    "tpu.region"() ({
      %run_scoped3A = tpu.sem_alloc : memref<!tpu.dma_semaphore, #tpu.memory_space<semaphore_mem>>
      %dma_start3A = arith.constant 0 : i32
      %dma_start3A_145 = arith.constant 0 : i32
      %dma_start3A_146 = tpu.memref_slice %arg10[%dma_start3A, %dma_start3A_145] : memref<128x128xf32, #tpu.memory_space<vmem>> -> memref<96x128xf32, #tpu.memory_space<vmem>>
      %dma_start3A_147 = arith.constant 0 : i32
      %dma_start3A_148 = tpu.memref_slice %arg12[%add3A_139, %dma_start3A_147] : memref<7808x128xf32, #tpu.memory_space<vmem_shared>> -> memref<96x128xf32, #tpu.memory_space<vmem_shared>>
      %dma_start3A_149 = arith.constant 0 : i32
      %dma_start3A_150 = arith.constant 0 : i32
      %dma_start3A_151 = tpu.memref_slice %arg10[%dma_start3A_149, %dma_start3A_150] : memref<128x128xf32, #tpu.memory_space<vmem>> -> memref<96x128xf32, #tpu.memory_space<vmem>>
      %dma_start3A_152 = arith.constant 0 : i32
      %dma_start3A_153 = tpu.memref_slice %arg12[%add3A_139, %dma_start3A_152] : memref<7808x128xf32, #tpu.memory_space<vmem_shared>> -> memref<96x128xf32, #tpu.memory_space<vmem_shared>>
      tpu.enqueue_dma source(%dma_start3A_153 : memref<96x128xf32, #tpu.memory_space<vmem_shared>>) target(%dma_start3A_151 : memref<96x128xf32, #tpu.memory_space<vmem>>) target_semaphore(%run_scoped3A : memref<!tpu.dma_semaphore, #tpu.memory_space<semaphore_mem>>)
      %dma_wait3A = arith.constant 0 : i32
      %dma_wait3A_154 = arith.constant 0 : i32
      %dma_wait3A_155 = tpu.memref_slice %arg10[%dma_wait3A, %dma_wait3A_154] : memref<128x128xf32, #tpu.memory_space<vmem>> -> memref<96x128xf32, #tpu.memory_space<vmem>>
      %dma_wait3A_156 = arith.constant 0 : i32
      %dma_wait3A_157 = tpu.memref_slice %arg12[%add3A_139, %dma_wait3A_156] : memref<7808x128xf32, #tpu.memory_space<vmem_shared>> -> memref<96x128xf32, #tpu.memory_space<vmem_shared>>
      %dma_wait3A_158 = arith.constant 0 : i32
      %dma_wait3A_159 = arith.constant 0 : i32
      %dma_wait3A_160 = tpu.memref_slice %arg10[%dma_wait3A_158, %dma_wait3A_159] : memref<128x128xf32, #tpu.memory_space<vmem>> -> memref<96x128xf32, #tpu.memory_space<vmem>>
      %dma_wait3A_161 = arith.constant 0 : i32
      %dma_wait3A_162 = tpu.memref_slice %arg12[%add3A_139, %dma_wait3A_161] : memref<7808x128xf32, #tpu.memory_space<vmem_shared>> -> memref<96x128xf32, #tpu.memory_space<vmem_shared>>
      tpu.wait_dma2 semaphore(%run_scoped3A : memref<!tpu.dma_semaphore, #tpu.memory_space<semaphore_mem>>) src(%dma_wait3A_162 : memref<96x128xf32, #tpu.memory_space<vmem_shared>>) dst(%dma_wait3A_160 : memref<96x128xf32, #tpu.memory_space<vmem>>)
      tpu.yield
    }) : () -> ()
    %mul3A_140 = arith.constant 480 : i32
    %mul3A_141 = arith.muli %arg1, %mul3A_140 : i32
    %add3A_142 = arith.addi %mul3A_80, %mul3A_141 : i32
    %add3A_143 = arith.constant 384 : i32
    %add3A_144 = arith.addi %add3A_142, %add3A_143 : i32
    "tpu.region"() ({
      %run_scoped3A = tpu.sem_alloc : memref<!tpu.dma_semaphore, #tpu.memory_space<semaphore_mem>>
      %dma_start3A = arith.constant 0 : i32
      %dma_start3A_145 = arith.constant 0 : i32
      %dma_start3A_146 = tpu.memref_slice %arg10[%dma_start3A, %dma_start3A_145] : memref<128x128xf32, #tpu.memory_space<vmem>> -> memref<96x128xf32, #tpu.memory_space<vmem>>
      %dma_start3A_147 = arith.constant 0 : i32
      %dma_start3A_148 = tpu.memref_slice %arg6[%add3A_144, %dma_start3A_147] : memref<30720x128xf32, #tpu.memory_space<hbm>> -> memref<96x128xf32, #tpu.memory_space<hbm>>
      %dma_start3A_149 = arith.constant 0 : i32
      %dma_start3A_150 = tpu.memref_slice %arg6[%add3A_144, %dma_start3A_149] : memref<30720x128xf32, #tpu.memory_space<hbm>> -> memref<96x128xf32, #tpu.memory_space<hbm>>
      %dma_start3A_151 = arith.constant 0 : i32
      %dma_start3A_152 = arith.constant 0 : i32
      %dma_start3A_153 = tpu.memref_slice %arg10[%dma_start3A_151, %dma_start3A_152] : memref<128x128xf32, #tpu.memory_space<vmem>> -> memref<96x128xf32, #tpu.memory_space<vmem>>
      tpu.enqueue_dma source(%dma_start3A_153 : memref<96x128xf32, #tpu.memory_space<vmem>>) target(%dma_start3A_150 : memref<96x128xf32, #tpu.memory_space<hbm>>) target_semaphore(%run_scoped3A : memref<!tpu.dma_semaphore, #tpu.memory_space<semaphore_mem>>)
      %dma_wait3A = arith.constant 0 : i32
      %dma_wait3A_154 = arith.constant 0 : i32
      %dma_wait3A_155 = tpu.memref_slice %arg10[%dma_wait3A, %dma_wait3A_154] : memref<128x128xf32, #tpu.memory_space<vmem>> -> memref<96x128xf32, #tpu.memory_space<vmem>>
      %dma_wait3A_156 = arith.constant 0 : i32
      %dma_wait3A_157 = tpu.memref_slice %arg6[%add3A_144, %dma_wait3A_156] : memref<30720x128xf32, #tpu.memory_space<hbm>> -> memref<96x128xf32, #tpu.memory_space<hbm>>
      %dma_wait3A_158 = arith.constant 0 : i32
      %dma_wait3A_159 = tpu.memref_slice %arg6[%add3A_144, %dma_wait3A_158] : memref<30720x128xf32, #tpu.memory_space<hbm>> -> memref<96x128xf32, #tpu.memory_space<hbm>>
      %dma_wait3A_160 = arith.constant 0 : i32
      %dma_wait3A_161 = arith.constant 0 : i32
      %dma_wait3A_162 = tpu.memref_slice %arg10[%dma_wait3A_160, %dma_wait3A_161] : memref<128x128xf32, #tpu.memory_space<vmem>> -> memref<96x128xf32, #tpu.memory_space<vmem>>
      tpu.wait_dma2 semaphore(%run_scoped3A : memref<!tpu.dma_semaphore, #tpu.memory_space<semaphore_mem>>) src(%dma_wait3A_162 : memref<96x128xf32, #tpu.memory_space<vmem>>) dst(%dma_wait3A_159 : memref<96x128xf32, #tpu.memory_space<hbm>>)
      tpu.yield
    }) : () -> ()
    return
  }
}

module attributes {stable_mosaic.version = 14 : i64} {
  func.func @_pre_body(%arg0: i32, %arg1: memref<7680x128xf32, #tpu.memory_space<vmem>>, %arg2: memref<7680x6xf32, #tpu.memory_space<vmem>>, %arg3: memref<128x128xf32, #tpu.memory_space<vmem>>, %arg4: memref<1x128xf32, #tpu.memory_space<vmem>>, %arg5: memref<6x128xf32, #tpu.memory_space<vmem>>, %arg6: memref<7680x128xf32, #tpu.memory_space<vmem>>) attributes {dimension_semantics = [#tpu.dimension_semantics<arbitrary>], iteration_bounds = array<i64: 4>, scalar_prefetch = 0 : i64, scratch_operands = 0 : i64, tpu.core_type = #tpu.core_type<tc>, window_params = [{transform_indices = @transform_0, window_bounds = array<i64: 7680, 128>}, {transform_indices = @transform_1, window_bounds = array<i64: 7680, 6>}, {pipeline_mode = #tpu.pipeline_mode<synchronous>, transform_indices = @transform_2, window_bounds = array<i64: 128, 128>}, {pipeline_mode = #tpu.pipeline_mode<synchronous>, transform_indices = @transform_3, window_bounds = array<i64: 1, 128>}, {pipeline_mode = #tpu.pipeline_mode<synchronous>, transform_indices = @transform_4, window_bounds = array<i64: 6, 128>}, {transform_indices = @transform_5, window_bounds = array<i64: 7680, 128>}]} {
    %get3A = arith.constant 0 : index
    %get3A_0 = arith.constant 0 : index
    %get3A_1 = vector.load %arg1[%get3A, %get3A_0] : memref<7680x128xf32, #tpu.memory_space<vmem>>, vector<7680x128xf32>
    %get3A_2 = arith.constant 0 : index
    %get3A_3 = arith.constant 0 : index
    %get3A_4 = vector.load %arg3[%get3A_2, %get3A_3] : memref<128x128xf32, #tpu.memory_space<vmem>>, vector<128x128xf32>
    %dot_general3A = arith.constant dense<0.000000e+00> : vector<7680x128xf32>
    %dot_general3A_5 = tpu.matmul %get3A_1, %get3A_4, %dot_general3A {dimension_numbers = #tpu.dot_dimension_numbers<[1], [0], [0], [1], [0, 0, 1, 1], [], []>, transpose_lhs_hint = false} : vector<7680x128xf32>, vector<128x128xf32>, vector<7680x128xf32> -> vector<7680x128xf32>
    %get3A_6 = arith.constant 0 : index
    %get3A_7 = arith.constant 0 : index
    %get3A_8 = vector.load %arg4[%get3A_6, %get3A_7] : memref<1x128xf32, #tpu.memory_space<vmem>>, vector<1x128xf32>
    %add3A = vector.broadcast %get3A_8 : vector<1x128xf32> to vector<7680x128xf32>
    %add3A_9 = arith.addf %dot_general3A_5, %add3A : vector<7680x128xf32>
    %get3A_10 = arith.constant 0 : index
    %get3A_11 = arith.constant 0 : index
    %get3A_12 = vector.load %arg2[%get3A_10, %get3A_11] : memref<7680x6xf32, #tpu.memory_space<vmem>>, vector<7680x6xf32>
    %get3A_13 = arith.constant 0 : index
    %get3A_14 = arith.constant 0 : index
    %get3A_15 = vector.load %arg5[%get3A_13, %get3A_14] : memref<6x128xf32, #tpu.memory_space<vmem>>, vector<6x128xf32>
    %dot_general3A_16 = arith.constant dense<0.000000e+00> : vector<7680x128xf32>
    %dot_general3A_17 = tpu.matmul %get3A_12, %get3A_15, %dot_general3A_16 {dimension_numbers = #tpu.dot_dimension_numbers<[1], [0], [0], [1], [0, 0, 1, 1], [], []>, transpose_lhs_hint = false} : vector<7680x6xf32>, vector<6x128xf32>, vector<7680x128xf32> -> vector<7680x128xf32>
    %logistic3A = arith.negf %add3A_9 : vector<7680x128xf32>
    %logistic3A_18 = math.exp %logistic3A : vector<7680x128xf32>
    %logistic3A_19 = arith.constant 1.000000e+00 : f32
    %logistic3A_20 = vector.broadcast %logistic3A_19 : f32 to vector<7680x128xf32>
    %logistic3A_21 = arith.addf %logistic3A_20, %logistic3A_18 : vector<7680x128xf32>
    %logistic3A_22 = arith.divf %logistic3A_20, %logistic3A_21 : vector<7680x128xf32>
    %mul3A = arith.mulf %add3A_9, %logistic3A_22 : vector<7680x128xf32>
    %mul3A_23 = arith.mulf %mul3A, %dot_general3A_17 : vector<7680x128xf32>
    %swap3A = arith.constant 0 : index
    %swap3A_24 = arith.constant 0 : index
    %swap3A_25 = vector.load %arg6[%swap3A, %swap3A_24] : memref<7680x128xf32, #tpu.memory_space<vmem>>, vector<7680x128xf32>
    tpu.vector_store %arg6[%swap3A, %swap3A_24], %mul3A_23 {strides = array<i32>} : memref<7680x128xf32, #tpu.memory_space<vmem>>, vector<7680x128xf32>,
    return
  }
  func.func @transform_0(%arg0: i32) -> (i32, i32) {
    %c0_i32 = arith.constant 0 : i32
    %c0_i32_0 = arith.constant 0 : i32
    return %arg0, %c0_i32 : i32, i32
  }
  func.func @transform_1(%arg0: i32) -> (i32, i32) {
    %c0_i32 = arith.constant 0 : i32
    %c0_i32_0 = arith.constant 0 : i32
    return %arg0, %c0_i32 : i32, i32
  }
  func.func @transform_2(%arg0: i32) -> (i32, i32) {
    %c0_i32 = arith.constant 0 : i32
    %c0_i32_0 = arith.constant 0 : i32
    %c0_i32_1 = arith.constant 0 : i32
    return %c0_i32, %c0_i32_0 : i32, i32
  }
  func.func @transform_3(%arg0: i32) -> (i32, i32) {
    %c0_i32 = arith.constant 0 : i32
    %c0_i32_0 = arith.constant 0 : i32
    %c0_i32_1 = arith.constant 0 : i32
    return %c0_i32, %c0_i32_0 : i32, i32
  }
  func.func @transform_4(%arg0: i32) -> (i32, i32) {
    %c0_i32 = arith.constant 0 : i32
    %c0_i32_0 = arith.constant 0 : i32
    %c0_i32_1 = arith.constant 0 : i32
    return %c0_i32, %c0_i32_0 : i32, i32
  }
  func.func @transform_5(%arg0: i32) -> (i32, i32) {
    %c0_i32 = arith.constant 0 : i32
    %c0_i32_0 = arith.constant 0 : i32
    return %arg0, %c0_i32 : i32, i32
  }
}

module attributes {stable_mosaic.version = 14 : i64} {
  func.func @body(%arg0: i32, %arg1: memref<4096x42xf32, #tpu.memory_space<vmem>>, %arg2: memref<4096x128xf32, #tpu.memory_space<vmem>>, %arg3: memref<42x8xf32, #tpu.memory_space<vmem>>, %arg4: memref<8x128x128xf32, #tpu.memory_space<vmem>>, %arg5: memref<4096x128xf32, #tpu.memory_space<vmem>>) attributes {dimension_semantics = [#tpu.dimension_semantics<arbitrary>], iteration_bounds = array<i64: 11>, scalar_prefetch = 0 : i64, scratch_operands = 0 : i64, tpu.core_type = #tpu.core_type<tc>, window_params = [{transform_indices = @transform_0, window_bounds = array<i64: 4096, 42>}, {transform_indices = @transform_1, window_bounds = array<i64: 4096, 128>}, {pipeline_mode = #tpu.pipeline_mode<synchronous>, transform_indices = @transform_2, window_bounds = array<i64: 42, 8>}, {pipeline_mode = #tpu.pipeline_mode<synchronous>, transform_indices = @transform_3, window_bounds = array<i64: 8, 128, 128>}, {transform_indices = @transform_4, window_bounds = array<i64: 4096, 128>}]} {
    %get3A = arith.constant 0 : index
    %get3A_0 = arith.constant 0 : index
    %get3A_1 = vector.load %arg1[%get3A, %get3A_0] : memref<4096x42xf32, #tpu.memory_space<vmem>>, vector<4096x42xf32>
    %get3A_2 = arith.constant 0 : index
    %get3A_3 = arith.constant 0 : index
    %get3A_4 = vector.load %arg3[%get3A_2, %get3A_3] : memref<42x8xf32, #tpu.memory_space<vmem>>, vector<42x8xf32>
    %dot_general3A = arith.constant dense<0.000000e+00> : vector<4096x8xf32>
    %dot_general3A_5 = tpu.matmul %get3A_1, %get3A_4, %dot_general3A {dimension_numbers = #tpu.dot_dimension_numbers<[1], [0], [0], [1], [0, 0, 1, 1], [], []>, transpose_lhs_hint = false} : vector<4096x42xf32>, vector<42x8xf32>, vector<4096x8xf32> -> vector<4096x8xf32>
    %add3A = arith.constant 0 : i32
    %add3A_6 = arith.addi %add3A, %arg0 : i32
    %mul3A = arith.constant 4096 : i32
    %mul3A_7 = arith.muli %add3A_6, %mul3A : i32
    %iota3A = tpu.iota {dimensions = array<i32: 0>} : vector<4096x1xi32>
    %add3A_8 = vector.broadcast %mul3A_7 : i32 to vector<4096x1xi32>
    %add3A_9 = arith.addi %add3A_8, %iota3A : vector<4096x1xi32>
    %lt3A = arith.constant 90000 : i32
    %lt3A_10 = vector.broadcast %lt3A : i32 to vector<4096x1xi32>
    %lt3A_11 = arith.cmpi slt, %add3A_9, %lt3A_10 : vector<4096x1xi32>
    %jit3A = arith.constant 0.000000e+00 : f32
    %broadcast_in_dim3A = vector.shape_cast %lt3A_11 : vector<4096x1xi1> to vector<4096x1xi1>
    %broadcast_in_dim3A_12 = vector.broadcast %broadcast_in_dim3A : vector<4096x1xi1> to vector<4096x8xi1>
    %broadcast_in_dim3A_13 = vector.broadcast %jit3A : f32 to vector<4096x8xf32>
    %select_n3A = arith.select %broadcast_in_dim3A_12, %dot_general3A_5, %broadcast_in_dim3A_13 : vector<4096x8xi1>, vector<4096x8xf32>
    %get3A_14 = arith.constant 0 : index
    %get3A_15 = arith.constant 0 : index
    %get3A_16 = vector.load %arg2[%get3A_14, %get3A_15] : memref<4096x128xf32, #tpu.memory_space<vmem>>, vector<4096x128xf32>
    %broadcast_in_dim3A_17 = arith.constant 0.000000e+00 : f32
    %broadcast_in_dim3A_18 = vector.broadcast %broadcast_in_dim3A_17 : f32 to vector<4096x128xf32>
    %slice3A = vector.extract_strided_slice %select_n3A {offsets = [0, 0], sizes = [4096, 1], strides = [1, 1]} : vector<4096x8xf32> to vector<4096x1xf32>
    %get3A_19 = arith.constant 0 : index
    %get3A_20 = arith.constant 0 : index
    %get3A_21 = arith.constant 0 : index
    %get3A_22 = vector.load %arg4[%get3A_19, %get3A_20, %get3A_21] : memref<8x128x128xf32, #tpu.memory_space<vmem>>, vector<1x128x128xf32>
    %get3A_23 = vector.shape_cast %get3A_22 : vector<1x128x128xf32> to vector<128x128xf32>
    %dot_general3A_24 = arith.constant dense<0.000000e+00> : vector<4096x128xf32>
    %dot_general3A_25 = tpu.matmul %get3A_16, %get3A_23, %dot_general3A_24 {dimension_numbers = #tpu.dot_dimension_numbers<[1], [0], [0], [1], [0, 0, 1, 1], [], []>, transpose_lhs_hint = false} : vector<4096x128xf32>, vector<128x128xf32>, vector<4096x128xf32> -> vector<4096x128xf32>
    %mul3A_26 = vector.broadcast %slice3A : vector<4096x1xf32> to vector<4096x128xf32>
    %mul3A_27 = arith.mulf %mul3A_26, %dot_general3A_25 : vector<4096x128xf32>
    %add3A_28 = arith.addf %broadcast_in_dim3A_18, %mul3A_27 : vector<4096x128xf32>
    %slice3A_29 = vector.extract_strided_slice %select_n3A {offsets = [0, 1], sizes = [4096, 1], strides = [1, 1]} : vector<4096x8xf32> to vector<4096x1xf32>
    %get3A_30 = arith.constant 1 : index
    %get3A_31 = arith.constant 0 : index
    %get3A_32 = arith.constant 0 : index
    %get3A_33 = vector.load %arg4[%get3A_30, %get3A_31, %get3A_32] : memref<8x128x128xf32, #tpu.memory_space<vmem>>, vector<1x128x128xf32>
    %get3A_34 = vector.shape_cast %get3A_33 : vector<1x128x128xf32> to vector<128x128xf32>
    %dot_general3A_35 = arith.constant dense<0.000000e+00> : vector<4096x128xf32>
    %dot_general3A_36 = tpu.matmul %get3A_16, %get3A_34, %dot_general3A_35 {dimension_numbers = #tpu.dot_dimension_numbers<[1], [0], [0], [1], [0, 0, 1, 1], [], []>, transpose_lhs_hint = false} : vector<4096x128xf32>, vector<128x128xf32>, vector<4096x128xf32> -> vector<4096x128xf32>
    %mul3A_37 = vector.broadcast %slice3A_29 : vector<4096x1xf32> to vector<4096x128xf32>
    %mul3A_38 = arith.mulf %mul3A_37, %dot_general3A_36 : vector<4096x128xf32>
    %add3A_39 = arith.addf %add3A_28, %mul3A_38 : vector<4096x128xf32>
    %slice3A_40 = vector.extract_strided_slice %select_n3A {offsets = [0, 2], sizes = [4096, 1], strides = [1, 1]} : vector<4096x8xf32> to vector<4096x1xf32>
    %get3A_41 = arith.constant 2 : index
    %get3A_42 = arith.constant 0 : index
    %get3A_43 = arith.constant 0 : index
    %get3A_44 = vector.load %arg4[%get3A_41, %get3A_42, %get3A_43] : memref<8x128x128xf32, #tpu.memory_space<vmem>>, vector<1x128x128xf32>
    %get3A_45 = vector.shape_cast %get3A_44 : vector<1x128x128xf32> to vector<128x128xf32>
    %dot_general3A_46 = arith.constant dense<0.000000e+00> : vector<4096x128xf32>
    %dot_general3A_47 = tpu.matmul %get3A_16, %get3A_45, %dot_general3A_46 {dimension_numbers = #tpu.dot_dimension_numbers<[1], [0], [0], [1], [0, 0, 1, 1], [], []>, transpose_lhs_hint = false} : vector<4096x128xf32>, vector<128x128xf32>, vector<4096x128xf32> -> vector<4096x128xf32>
    %mul3A_48 = vector.broadcast %slice3A_40 : vector<4096x1xf32> to vector<4096x128xf32>
    %mul3A_49 = arith.mulf %mul3A_48, %dot_general3A_47 : vector<4096x128xf32>
    %add3A_50 = arith.addf %add3A_39, %mul3A_49 : vector<4096x128xf32>
    %slice3A_51 = vector.extract_strided_slice %select_n3A {offsets = [0, 3], sizes = [4096, 1], strides = [1, 1]} : vector<4096x8xf32> to vector<4096x1xf32>
    %get3A_52 = arith.constant 3 : index
    %get3A_53 = arith.constant 0 : index
    %get3A_54 = arith.constant 0 : index
    %get3A_55 = vector.load %arg4[%get3A_52, %get3A_53, %get3A_54] : memref<8x128x128xf32, #tpu.memory_space<vmem>>, vector<1x128x128xf32>
    %get3A_56 = vector.shape_cast %get3A_55 : vector<1x128x128xf32> to vector<128x128xf32>
    %dot_general3A_57 = arith.constant dense<0.000000e+00> : vector<4096x128xf32>
    %dot_general3A_58 = tpu.matmul %get3A_16, %get3A_56, %dot_general3A_57 {dimension_numbers = #tpu.dot_dimension_numbers<[1], [0], [0], [1], [0, 0, 1, 1], [], []>, transpose_lhs_hint = false} : vector<4096x128xf32>, vector<128x128xf32>, vector<4096x128xf32> -> vector<4096x128xf32>
    %mul3A_59 = vector.broadcast %slice3A_51 : vector<4096x1xf32> to vector<4096x128xf32>
    %mul3A_60 = arith.mulf %mul3A_59, %dot_general3A_58 : vector<4096x128xf32>
    %add3A_61 = arith.addf %add3A_50, %mul3A_60 : vector<4096x128xf32>
    %slice3A_62 = vector.extract_strided_slice %select_n3A {offsets = [0, 4], sizes = [4096, 1], strides = [1, 1]} : vector<4096x8xf32> to vector<4096x1xf32>
    %get3A_63 = arith.constant 4 : index
    %get3A_64 = arith.constant 0 : index
    %get3A_65 = arith.constant 0 : index
    %get3A_66 = vector.load %arg4[%get3A_63, %get3A_64, %get3A_65] : memref<8x128x128xf32, #tpu.memory_space<vmem>>, vector<1x128x128xf32>
    %get3A_67 = vector.shape_cast %get3A_66 : vector<1x128x128xf32> to vector<128x128xf32>
    %dot_general3A_68 = arith.constant dense<0.000000e+00> : vector<4096x128xf32>
    %dot_general3A_69 = tpu.matmul %get3A_16, %get3A_67, %dot_general3A_68 {dimension_numbers = #tpu.dot_dimension_numbers<[1], [0], [0], [1], [0, 0, 1, 1], [], []>, transpose_lhs_hint = false} : vector<4096x128xf32>, vector<128x128xf32>, vector<4096x128xf32> -> vector<4096x128xf32>
    %mul3A_70 = vector.broadcast %slice3A_62 : vector<4096x1xf32> to vector<4096x128xf32>
    %mul3A_71 = arith.mulf %mul3A_70, %dot_general3A_69 : vector<4096x128xf32>
    %add3A_72 = arith.addf %add3A_61, %mul3A_71 : vector<4096x128xf32>
    %slice3A_73 = vector.extract_strided_slice %select_n3A {offsets = [0, 5], sizes = [4096, 1], strides = [1, 1]} : vector<4096x8xf32> to vector<4096x1xf32>
    %get3A_74 = arith.constant 5 : index
    %get3A_75 = arith.constant 0 : index
    %get3A_76 = arith.constant 0 : index
    %get3A_77 = vector.load %arg4[%get3A_74, %get3A_75, %get3A_76] : memref<8x128x128xf32, #tpu.memory_space<vmem>>, vector<1x128x128xf32>
    %get3A_78 = vector.shape_cast %get3A_77 : vector<1x128x128xf32> to vector<128x128xf32>
    %dot_general3A_79 = arith.constant dense<0.000000e+00> : vector<4096x128xf32>
    %dot_general3A_80 = tpu.matmul %get3A_16, %get3A_78, %dot_general3A_79 {dimension_numbers = #tpu.dot_dimension_numbers<[1], [0], [0], [1], [0, 0, 1, 1], [], []>, transpose_lhs_hint = false} : vector<4096x128xf32>, vector<128x128xf32>, vector<4096x128xf32> -> vector<4096x128xf32>
    %mul3A_81 = vector.broadcast %slice3A_73 : vector<4096x1xf32> to vector<4096x128xf32>
    %mul3A_82 = arith.mulf %mul3A_81, %dot_general3A_80 : vector<4096x128xf32>
    %add3A_83 = arith.addf %add3A_72, %mul3A_82 : vector<4096x128xf32>
    %slice3A_84 = vector.extract_strided_slice %select_n3A {offsets = [0, 6], sizes = [4096, 1], strides = [1, 1]} : vector<4096x8xf32> to vector<4096x1xf32>
    %get3A_85 = arith.constant 6 : index
    %get3A_86 = arith.constant 0 : index
    %get3A_87 = arith.constant 0 : index
    %get3A_88 = vector.load %arg4[%get3A_85, %get3A_86, %get3A_87] : memref<8x128x128xf32, #tpu.memory_space<vmem>>, vector<1x128x128xf32>
    %get3A_89 = vector.shape_cast %get3A_88 : vector<1x128x128xf32> to vector<128x128xf32>
    %dot_general3A_90 = arith.constant dense<0.000000e+00> : vector<4096x128xf32>
    %dot_general3A_91 = tpu.matmul %get3A_16, %get3A_89, %dot_general3A_90 {dimension_numbers = #tpu.dot_dimension_numbers<[1], [0], [0], [1], [0, 0, 1, 1], [], []>, transpose_lhs_hint = false} : vector<4096x128xf32>, vector<128x128xf32>, vector<4096x128xf32> -> vector<4096x128xf32>
    %mul3A_92 = vector.broadcast %slice3A_84 : vector<4096x1xf32> to vector<4096x128xf32>
    %mul3A_93 = arith.mulf %mul3A_92, %dot_general3A_91 : vector<4096x128xf32>
    %add3A_94 = arith.addf %add3A_83, %mul3A_93 : vector<4096x128xf32>
    %slice3A_95 = vector.extract_strided_slice %select_n3A {offsets = [0, 7], sizes = [4096, 1], strides = [1, 1]} : vector<4096x8xf32> to vector<4096x1xf32>
    %get3A_96 = arith.constant 7 : index
    %get3A_97 = arith.constant 0 : index
    %get3A_98 = arith.constant 0 : index
    %get3A_99 = vector.load %arg4[%get3A_96, %get3A_97, %get3A_98] : memref<8x128x128xf32, #tpu.memory_space<vmem>>, vector<1x128x128xf32>
    %get3A_100 = vector.shape_cast %get3A_99 : vector<1x128x128xf32> to vector<128x128xf32>
    %dot_general3A_101 = arith.constant dense<0.000000e+00> : vector<4096x128xf32>
    %dot_general3A_102 = tpu.matmul %get3A_16, %get3A_100, %dot_general3A_101 {dimension_numbers = #tpu.dot_dimension_numbers<[1], [0], [0], [1], [0, 0, 1, 1], [], []>, transpose_lhs_hint = false} : vector<4096x128xf32>, vector<128x128xf32>, vector<4096x128xf32> -> vector<4096x128xf32>
    %mul3A_103 = vector.broadcast %slice3A_95 : vector<4096x1xf32> to vector<4096x128xf32>
    %mul3A_104 = arith.mulf %mul3A_103, %dot_general3A_102 : vector<4096x128xf32>
    %add3A_105 = arith.addf %add3A_94, %mul3A_104 : vector<4096x128xf32>
    %swap3A = arith.constant 0 : index
    %swap3A_106 = arith.constant 0 : index
    %swap3A_107 = vector.load %arg5[%swap3A, %swap3A_106] : memref<4096x128xf32, #tpu.memory_space<vmem>>, vector<4096x128xf32>
    tpu.vector_store %arg5[%swap3A, %swap3A_106], %add3A_105 {strides = array<i32>} : memref<4096x128xf32, #tpu.memory_space<vmem>>, vector<4096x128xf32>,
    return
  }
  func.func @transform_0(%arg0: i32) -> (i32, i32) {
    %add3A = arith.constant 0 : i32
    %add3A_0 = arith.addi %add3A, %arg0 : i32
    %c0_i32 = arith.constant 0 : i32
    %c0_i32_1 = arith.constant 0 : i32
    return %add3A_0, %c0_i32 : i32, i32
  }
  func.func @transform_1(%arg0: i32) -> (i32, i32) {
    %c0_i32 = arith.constant 0 : i32
    %c0_i32_0 = arith.constant 0 : i32
    return %arg0, %c0_i32 : i32, i32
  }
  func.func @transform_2(%arg0: i32) -> (i32, i32) {
    %c0_i32 = arith.constant 0 : i32
    %c0_i32_0 = arith.constant 0 : i32
    %c0_i32_1 = arith.constant 0 : i32
    return %c0_i32, %c0_i32_0 : i32, i32
  }
  func.func @transform_3(%arg0: i32) -> (i32, i32, i32) {
    %c0_i32 = arith.constant 0 : i32
    %c0_i32_0 = arith.constant 0 : i32
    %c0_i32_1 = arith.constant 0 : i32
    %c0_i32_2 = arith.constant 0 : i32
    return %c0_i32, %c0_i32_0, %c0_i32_1 : i32, i32, i32
  }
  func.func @transform_4(%arg0: i32) -> (i32, i32) {
    %c0_i32 = arith.constant 0 : i32
    %c0_i32_0 = arith.constant 0 : i32
    return %arg0, %c0_i32 : i32, i32
  }
}

module attributes {stable_mosaic.version = 14 : i64} {
  func.func @body(%arg0: i32, %arg1: memref<4096x42xf32, #tpu.memory_space<vmem>>, %arg2: memref<4096x128xf32, #tpu.memory_space<vmem>>, %arg3: memref<42x8xf32, #tpu.memory_space<vmem>>, %arg4: memref<8x128x128xf32, #tpu.memory_space<vmem>>, %arg5: memref<4096x128xf32, #tpu.memory_space<vmem>>) attributes {dimension_semantics = [#tpu.dimension_semantics<arbitrary>], iteration_bounds = array<i64: 11>, scalar_prefetch = 0 : i64, scratch_operands = 0 : i64, tpu.core_type = #tpu.core_type<tc>, window_params = [{transform_indices = @transform_0, window_bounds = array<i64: 4096, 42>}, {transform_indices = @transform_1, window_bounds = array<i64: 4096, 128>}, {pipeline_mode = #tpu.pipeline_mode<synchronous>, transform_indices = @transform_2, window_bounds = array<i64: 42, 8>}, {pipeline_mode = #tpu.pipeline_mode<synchronous>, transform_indices = @transform_3, window_bounds = array<i64: 8, 128, 128>}, {transform_indices = @transform_4, window_bounds = array<i64: 4096, 128>}]} {
    %get3A = arith.constant 0 : index
    %get3A_0 = arith.constant 0 : index
    %get3A_1 = vector.load %arg1[%get3A, %get3A_0] : memref<4096x42xf32, #tpu.memory_space<vmem>>, vector<4096x42xf32>
    %get3A_2 = arith.constant 0 : index
    %get3A_3 = arith.constant 0 : index
    %get3A_4 = vector.load %arg3[%get3A_2, %get3A_3] : memref<42x8xf32, #tpu.memory_space<vmem>>, vector<42x8xf32>
    %dot_general3A = arith.constant dense<0.000000e+00> : vector<4096x8xf32>
    %dot_general3A_5 = tpu.matmul %get3A_1, %get3A_4, %dot_general3A {dimension_numbers = #tpu.dot_dimension_numbers<[1], [0], [0], [1], [0, 0, 1, 1], [], []>, transpose_lhs_hint = false} : vector<4096x42xf32>, vector<42x8xf32>, vector<4096x8xf32> -> vector<4096x8xf32>
    %add3A = arith.constant 11 : i32
    %add3A_6 = arith.addi %add3A, %arg0 : i32
    %mul3A = arith.constant 4096 : i32
    %mul3A_7 = arith.muli %add3A_6, %mul3A : i32
    %iota3A = tpu.iota {dimensions = array<i32: 0>} : vector<4096x1xi32>
    %add3A_8 = vector.broadcast %mul3A_7 : i32 to vector<4096x1xi32>
    %add3A_9 = arith.addi %add3A_8, %iota3A : vector<4096x1xi32>
    %lt3A = arith.constant 90000 : i32
    %lt3A_10 = vector.broadcast %lt3A : i32 to vector<4096x1xi32>
    %lt3A_11 = arith.cmpi slt, %add3A_9, %lt3A_10 : vector<4096x1xi32>
    %jit3A = arith.constant 0.000000e+00 : f32
    %broadcast_in_dim3A = vector.shape_cast %lt3A_11 : vector<4096x1xi1> to vector<4096x1xi1>
    %broadcast_in_dim3A_12 = vector.broadcast %broadcast_in_dim3A : vector<4096x1xi1> to vector<4096x8xi1>
    %broadcast_in_dim3A_13 = vector.broadcast %jit3A : f32 to vector<4096x8xf32>
    %select_n3A = arith.select %broadcast_in_dim3A_12, %dot_general3A_5, %broadcast_in_dim3A_13 : vector<4096x8xi1>, vector<4096x8xf32>
    %get3A_14 = arith.constant 0 : index
    %get3A_15 = arith.constant 0 : index
    %get3A_16 = vector.load %arg2[%get3A_14, %get3A_15] : memref<4096x128xf32, #tpu.memory_space<vmem>>, vector<4096x128xf32>
    %broadcast_in_dim3A_17 = arith.constant 0.000000e+00 : f32
    %broadcast_in_dim3A_18 = vector.broadcast %broadcast_in_dim3A_17 : f32 to vector<4096x128xf32>
    %slice3A = vector.extract_strided_slice %select_n3A {offsets = [0, 0], sizes = [4096, 1], strides = [1, 1]} : vector<4096x8xf32> to vector<4096x1xf32>
    %get3A_19 = arith.constant 0 : index
    %get3A_20 = arith.constant 0 : index
    %get3A_21 = arith.constant 0 : index
    %get3A_22 = vector.load %arg4[%get3A_19, %get3A_20, %get3A_21] : memref<8x128x128xf32, #tpu.memory_space<vmem>>, vector<1x128x128xf32>
    %get3A_23 = vector.shape_cast %get3A_22 : vector<1x128x128xf32> to vector<128x128xf32>
    %dot_general3A_24 = arith.constant dense<0.000000e+00> : vector<4096x128xf32>
    %dot_general3A_25 = tpu.matmul %get3A_16, %get3A_23, %dot_general3A_24 {dimension_numbers = #tpu.dot_dimension_numbers<[1], [0], [0], [1], [0, 0, 1, 1], [], []>, transpose_lhs_hint = false} : vector<4096x128xf32>, vector<128x128xf32>, vector<4096x128xf32> -> vector<4096x128xf32>
    %mul3A_26 = vector.broadcast %slice3A : vector<4096x1xf32> to vector<4096x128xf32>
    %mul3A_27 = arith.mulf %mul3A_26, %dot_general3A_25 : vector<4096x128xf32>
    %add3A_28 = arith.addf %broadcast_in_dim3A_18, %mul3A_27 : vector<4096x128xf32>
    %slice3A_29 = vector.extract_strided_slice %select_n3A {offsets = [0, 1], sizes = [4096, 1], strides = [1, 1]} : vector<4096x8xf32> to vector<4096x1xf32>
    %get3A_30 = arith.constant 1 : index
    %get3A_31 = arith.constant 0 : index
    %get3A_32 = arith.constant 0 : index
    %get3A_33 = vector.load %arg4[%get3A_30, %get3A_31, %get3A_32] : memref<8x128x128xf32, #tpu.memory_space<vmem>>, vector<1x128x128xf32>
    %get3A_34 = vector.shape_cast %get3A_33 : vector<1x128x128xf32> to vector<128x128xf32>
    %dot_general3A_35 = arith.constant dense<0.000000e+00> : vector<4096x128xf32>
    %dot_general3A_36 = tpu.matmul %get3A_16, %get3A_34, %dot_general3A_35 {dimension_numbers = #tpu.dot_dimension_numbers<[1], [0], [0], [1], [0, 0, 1, 1], [], []>, transpose_lhs_hint = false} : vector<4096x128xf32>, vector<128x128xf32>, vector<4096x128xf32> -> vector<4096x128xf32>
    %mul3A_37 = vector.broadcast %slice3A_29 : vector<4096x1xf32> to vector<4096x128xf32>
    %mul3A_38 = arith.mulf %mul3A_37, %dot_general3A_36 : vector<4096x128xf32>
    %add3A_39 = arith.addf %add3A_28, %mul3A_38 : vector<4096x128xf32>
    %slice3A_40 = vector.extract_strided_slice %select_n3A {offsets = [0, 2], sizes = [4096, 1], strides = [1, 1]} : vector<4096x8xf32> to vector<4096x1xf32>
    %get3A_41 = arith.constant 2 : index
    %get3A_42 = arith.constant 0 : index
    %get3A_43 = arith.constant 0 : index
    %get3A_44 = vector.load %arg4[%get3A_41, %get3A_42, %get3A_43] : memref<8x128x128xf32, #tpu.memory_space<vmem>>, vector<1x128x128xf32>
    %get3A_45 = vector.shape_cast %get3A_44 : vector<1x128x128xf32> to vector<128x128xf32>
    %dot_general3A_46 = arith.constant dense<0.000000e+00> : vector<4096x128xf32>
    %dot_general3A_47 = tpu.matmul %get3A_16, %get3A_45, %dot_general3A_46 {dimension_numbers = #tpu.dot_dimension_numbers<[1], [0], [0], [1], [0, 0, 1, 1], [], []>, transpose_lhs_hint = false} : vector<4096x128xf32>, vector<128x128xf32>, vector<4096x128xf32> -> vector<4096x128xf32>
    %mul3A_48 = vector.broadcast %slice3A_40 : vector<4096x1xf32> to vector<4096x128xf32>
    %mul3A_49 = arith.mulf %mul3A_48, %dot_general3A_47 : vector<4096x128xf32>
    %add3A_50 = arith.addf %add3A_39, %mul3A_49 : vector<4096x128xf32>
    %slice3A_51 = vector.extract_strided_slice %select_n3A {offsets = [0, 3], sizes = [4096, 1], strides = [1, 1]} : vector<4096x8xf32> to vector<4096x1xf32>
    %get3A_52 = arith.constant 3 : index
    %get3A_53 = arith.constant 0 : index
    %get3A_54 = arith.constant 0 : index
    %get3A_55 = vector.load %arg4[%get3A_52, %get3A_53, %get3A_54] : memref<8x128x128xf32, #tpu.memory_space<vmem>>, vector<1x128x128xf32>
    %get3A_56 = vector.shape_cast %get3A_55 : vector<1x128x128xf32> to vector<128x128xf32>
    %dot_general3A_57 = arith.constant dense<0.000000e+00> : vector<4096x128xf32>
    %dot_general3A_58 = tpu.matmul %get3A_16, %get3A_56, %dot_general3A_57 {dimension_numbers = #tpu.dot_dimension_numbers<[1], [0], [0], [1], [0, 0, 1, 1], [], []>, transpose_lhs_hint = false} : vector<4096x128xf32>, vector<128x128xf32>, vector<4096x128xf32> -> vector<4096x128xf32>
    %mul3A_59 = vector.broadcast %slice3A_51 : vector<4096x1xf32> to vector<4096x128xf32>
    %mul3A_60 = arith.mulf %mul3A_59, %dot_general3A_58 : vector<4096x128xf32>
    %add3A_61 = arith.addf %add3A_50, %mul3A_60 : vector<4096x128xf32>
    %slice3A_62 = vector.extract_strided_slice %select_n3A {offsets = [0, 4], sizes = [4096, 1], strides = [1, 1]} : vector<4096x8xf32> to vector<4096x1xf32>
    %get3A_63 = arith.constant 4 : index
    %get3A_64 = arith.constant 0 : index
    %get3A_65 = arith.constant 0 : index
    %get3A_66 = vector.load %arg4[%get3A_63, %get3A_64, %get3A_65] : memref<8x128x128xf32, #tpu.memory_space<vmem>>, vector<1x128x128xf32>
    %get3A_67 = vector.shape_cast %get3A_66 : vector<1x128x128xf32> to vector<128x128xf32>
    %dot_general3A_68 = arith.constant dense<0.000000e+00> : vector<4096x128xf32>
    %dot_general3A_69 = tpu.matmul %get3A_16, %get3A_67, %dot_general3A_68 {dimension_numbers = #tpu.dot_dimension_numbers<[1], [0], [0], [1], [0, 0, 1, 1], [], []>, transpose_lhs_hint = false} : vector<4096x128xf32>, vector<128x128xf32>, vector<4096x128xf32> -> vector<4096x128xf32>
    %mul3A_70 = vector.broadcast %slice3A_62 : vector<4096x1xf32> to vector<4096x128xf32>
    %mul3A_71 = arith.mulf %mul3A_70, %dot_general3A_69 : vector<4096x128xf32>
    %add3A_72 = arith.addf %add3A_61, %mul3A_71 : vector<4096x128xf32>
    %slice3A_73 = vector.extract_strided_slice %select_n3A {offsets = [0, 5], sizes = [4096, 1], strides = [1, 1]} : vector<4096x8xf32> to vector<4096x1xf32>
    %get3A_74 = arith.constant 5 : index
    %get3A_75 = arith.constant 0 : index
    %get3A_76 = arith.constant 0 : index
    %get3A_77 = vector.load %arg4[%get3A_74, %get3A_75, %get3A_76] : memref<8x128x128xf32, #tpu.memory_space<vmem>>, vector<1x128x128xf32>
    %get3A_78 = vector.shape_cast %get3A_77 : vector<1x128x128xf32> to vector<128x128xf32>
    %dot_general3A_79 = arith.constant dense<0.000000e+00> : vector<4096x128xf32>
    %dot_general3A_80 = tpu.matmul %get3A_16, %get3A_78, %dot_general3A_79 {dimension_numbers = #tpu.dot_dimension_numbers<[1], [0], [0], [1], [0, 0, 1, 1], [], []>, transpose_lhs_hint = false} : vector<4096x128xf32>, vector<128x128xf32>, vector<4096x128xf32> -> vector<4096x128xf32>
    %mul3A_81 = vector.broadcast %slice3A_73 : vector<4096x1xf32> to vector<4096x128xf32>
    %mul3A_82 = arith.mulf %mul3A_81, %dot_general3A_80 : vector<4096x128xf32>
    %add3A_83 = arith.addf %add3A_72, %mul3A_82 : vector<4096x128xf32>
    %slice3A_84 = vector.extract_strided_slice %select_n3A {offsets = [0, 6], sizes = [4096, 1], strides = [1, 1]} : vector<4096x8xf32> to vector<4096x1xf32>
    %get3A_85 = arith.constant 6 : index
    %get3A_86 = arith.constant 0 : index
    %get3A_87 = arith.constant 0 : index
    %get3A_88 = vector.load %arg4[%get3A_85, %get3A_86, %get3A_87] : memref<8x128x128xf32, #tpu.memory_space<vmem>>, vector<1x128x128xf32>
    %get3A_89 = vector.shape_cast %get3A_88 : vector<1x128x128xf32> to vector<128x128xf32>
    %dot_general3A_90 = arith.constant dense<0.000000e+00> : vector<4096x128xf32>
    %dot_general3A_91 = tpu.matmul %get3A_16, %get3A_89, %dot_general3A_90 {dimension_numbers = #tpu.dot_dimension_numbers<[1], [0], [0], [1], [0, 0, 1, 1], [], []>, transpose_lhs_hint = false} : vector<4096x128xf32>, vector<128x128xf32>, vector<4096x128xf32> -> vector<4096x128xf32>
    %mul3A_92 = vector.broadcast %slice3A_84 : vector<4096x1xf32> to vector<4096x128xf32>
    %mul3A_93 = arith.mulf %mul3A_92, %dot_general3A_91 : vector<4096x128xf32>
    %add3A_94 = arith.addf %add3A_83, %mul3A_93 : vector<4096x128xf32>
    %slice3A_95 = vector.extract_strided_slice %select_n3A {offsets = [0, 7], sizes = [4096, 1], strides = [1, 1]} : vector<4096x8xf32> to vector<4096x1xf32>
    %get3A_96 = arith.constant 7 : index
    %get3A_97 = arith.constant 0 : index
    %get3A_98 = arith.constant 0 : index
    %get3A_99 = vector.load %arg4[%get3A_96, %get3A_97, %get3A_98] : memref<8x128x128xf32, #tpu.memory_space<vmem>>, vector<1x128x128xf32>
    %get3A_100 = vector.shape_cast %get3A_99 : vector<1x128x128xf32> to vector<128x128xf32>
    %dot_general3A_101 = arith.constant dense<0.000000e+00> : vector<4096x128xf32>
    %dot_general3A_102 = tpu.matmul %get3A_16, %get3A_100, %dot_general3A_101 {dimension_numbers = #tpu.dot_dimension_numbers<[1], [0], [0], [1], [0, 0, 1, 1], [], []>, transpose_lhs_hint = false} : vector<4096x128xf32>, vector<128x128xf32>, vector<4096x128xf32> -> vector<4096x128xf32>
    %mul3A_103 = vector.broadcast %slice3A_95 : vector<4096x1xf32> to vector<4096x128xf32>
    %mul3A_104 = arith.mulf %mul3A_103, %dot_general3A_102 : vector<4096x128xf32>
    %add3A_105 = arith.addf %add3A_94, %mul3A_104 : vector<4096x128xf32>
    %swap3A = arith.constant 0 : index
    %swap3A_106 = arith.constant 0 : index
    %swap3A_107 = vector.load %arg5[%swap3A, %swap3A_106] : memref<4096x128xf32, #tpu.memory_space<vmem>>, vector<4096x128xf32>
    tpu.vector_store %arg5[%swap3A, %swap3A_106], %add3A_105 {strides = array<i32>} : memref<4096x128xf32, #tpu.memory_space<vmem>>, vector<4096x128xf32>,
    return
  }
  func.func @transform_0(%arg0: i32) -> (i32, i32) {
    %add3A = arith.constant 11 : i32
    %add3A_0 = arith.addi %add3A, %arg0 : i32
    %c0_i32 = arith.constant 0 : i32
    %c0_i32_1 = arith.constant 0 : i32
    return %add3A_0, %c0_i32 : i32, i32
  }
  func.func @transform_1(%arg0: i32) -> (i32, i32) {
    %c0_i32 = arith.constant 0 : i32
    %c0_i32_0 = arith.constant 0 : i32
    return %arg0, %c0_i32 : i32, i32
  }
  func.func @transform_2(%arg0: i32) -> (i32, i32) {
    %c0_i32 = arith.constant 0 : i32
    %c0_i32_0 = arith.constant 0 : i32
    %c0_i32_1 = arith.constant 0 : i32
    return %c0_i32, %c0_i32_0 : i32, i32
  }
  func.func @transform_3(%arg0: i32) -> (i32, i32, i32) {
    %c0_i32 = arith.constant 0 : i32
    %c0_i32_0 = arith.constant 0 : i32
    %c0_i32_1 = arith.constant 0 : i32
    %c0_i32_2 = arith.constant 0 : i32
    return %c0_i32, %c0_i32_0, %c0_i32_1 : i32, i32, i32
  }
  func.func @transform_4(%arg0: i32) -> (i32, i32) {
    %c0_i32 = arith.constant 0 : i32
    %c0_i32_0 = arith.constant 0 : i32
    return %arg0, %c0_i32 : i32, i32
  }
}

module attributes {stable_mosaic.version = 14 : i64} {
  func.func @_post_body(%arg0: i32, %arg1: memref<7680x128xf32, #tpu.memory_space<vmem>>, %arg2: memref<7680x128xf32, #tpu.memory_space<vmem>>, %arg3: memref<128x128xf32, #tpu.memory_space<vmem>>, %arg4: memref<1x128xf32, #tpu.memory_space<vmem>>, %arg5: memref<128x128xf32, #tpu.memory_space<vmem>>, %arg6: memref<1x128xf32, #tpu.memory_space<vmem>>, %arg7: memref<128x128xf32, #tpu.memory_space<vmem>>, %arg8: memref<1x128xf32, #tpu.memory_space<vmem>>, %arg9: memref<128x128xf32, #tpu.memory_space<vmem>>, %arg10: memref<1x128xf32, #tpu.memory_space<vmem>>, %arg11: memref<128x128xf32, #tpu.memory_space<vmem>>, %arg12: memref<1x128xf32, #tpu.memory_space<vmem>>, %arg13: memref<128x128xf32, #tpu.memory_space<vmem>>, %arg14: memref<1x128xf32, #tpu.memory_space<vmem>>, %arg15: memref<128x128xf32, #tpu.memory_space<vmem>>, %arg16: memref<1x128xf32, #tpu.memory_space<vmem>>, %arg17: memref<128x128xf32, #tpu.memory_space<vmem>>, %arg18: memref<1x128xf32, #tpu.memory_space<vmem>>, %arg19: memref<7680x128xf32, #tpu.memory_space<vmem>>) attributes {dimension_semantics = [#tpu.dimension_semantics<arbitrary>], iteration_bounds = array<i64: 4>, scalar_prefetch = 0 : i64, scratch_operands = 0 : i64, tpu.core_type = #tpu.core_type<tc>, window_params = [{transform_indices = @transform_0, window_bounds = array<i64: 7680, 128>}, {transform_indices = @transform_1, window_bounds = array<i64: 7680, 128>}, {pipeline_mode = #tpu.pipeline_mode<synchronous>, transform_indices = @transform_2, window_bounds = array<i64: 128, 128>}, {pipeline_mode = #tpu.pipeline_mode<synchronous>, transform_indices = @transform_3, window_bounds = array<i64: 1, 128>}, {pipeline_mode = #tpu.pipeline_mode<synchronous>, transform_indices = @transform_4, window_bounds = array<i64: 128, 128>}, {pipeline_mode = #tpu.pipeline_mode<synchronous>, transform_indices = @transform_5, window_bounds = array<i64: 1, 128>}, {pipeline_mode = #tpu.pipeline_mode<synchronous>, transform_indices = @transform_6, window_bounds = array<i64: 128, 128>}, {pipeline_mode = #tpu.pipeline_mode<synchronous>, transform_indices = @transform_7, window_bounds = array<i64: 1, 128>}, {pipeline_mode = #tpu.pipeline_mode<synchronous>, transform_indices = @transform_8, window_bounds = array<i64: 128, 128>}, {pipeline_mode = #tpu.pipeline_mode<synchronous>, transform_indices = @transform_9, window_bounds = array<i64: 1, 128>}, {pipeline_mode = #tpu.pipeline_mode<synchronous>, transform_indices = @transform_10, window_bounds = array<i64: 128, 128>}, {pipeline_mode = #tpu.pipeline_mode<synchronous>, transform_indices = @transform_11, window_bounds = array<i64: 1, 128>}, {pipeline_mode = #tpu.pipeline_mode<synchronous>, transform_indices = @transform_12, window_bounds = array<i64: 128, 128>}, {pipeline_mode = #tpu.pipeline_mode<synchronous>, transform_indices = @transform_13, window_bounds = array<i64: 1, 128>}, {pipeline_mode = #tpu.pipeline_mode<synchronous>, transform_indices = @transform_14, window_bounds = array<i64: 128, 128>}, {pipeline_mode = #tpu.pipeline_mode<synchronous>, transform_indices = @transform_15, window_bounds = array<i64: 1, 128>}, {pipeline_mode = #tpu.pipeline_mode<synchronous>, transform_indices = @transform_16, window_bounds = array<i64: 128, 128>}, {pipeline_mode = #tpu.pipeline_mode<synchronous>, transform_indices = @transform_17, window_bounds = array<i64: 1, 128>}, {transform_indices = @transform_18, window_bounds = array<i64: 7680, 128>}]} {
    %get3A = arith.constant 0 : index
    %get3A_0 = arith.constant 0 : index
    %get3A_1 = vector.load %arg1[%get3A, %get3A_0] : memref<7680x128xf32, #tpu.memory_space<vmem>>, vector<7680x128xf32>
    %get3A_2 = arith.constant 0 : index
    %get3A_3 = arith.constant 0 : index
    %get3A_4 = vector.load %arg3[%get3A_2, %get3A_3] : memref<128x128xf32, #tpu.memory_space<vmem>>, vector<128x128xf32>
    %dot_general3A = arith.constant dense<0.000000e+00> : vector<7680x128xf32>
    %dot_general3A_5 = tpu.matmul %get3A_1, %get3A_4, %dot_general3A {dimension_numbers = #tpu.dot_dimension_numbers<[1], [0], [0], [1], [0, 0, 1, 1], [], []>, transpose_lhs_hint = false} : vector<7680x128xf32>, vector<128x128xf32>, vector<7680x128xf32> -> vector<7680x128xf32>
    %get3A_6 = arith.constant 0 : index
    %get3A_7 = arith.constant 0 : index
    %get3A_8 = vector.load %arg4[%get3A_6, %get3A_7] : memref<1x128xf32, #tpu.memory_space<vmem>>, vector<1x128xf32>
    %add3A = vector.broadcast %get3A_8 : vector<1x128xf32> to vector<7680x128xf32>
    %add3A_9 = arith.addf %dot_general3A_5, %add3A : vector<7680x128xf32>
    %logistic3A = arith.negf %add3A_9 : vector<7680x128xf32>
    %logistic3A_10 = math.exp %logistic3A : vector<7680x128xf32>
    %logistic3A_11 = arith.constant 1.000000e+00 : f32
    %logistic3A_12 = vector.broadcast %logistic3A_11 : f32 to vector<7680x128xf32>
    %logistic3A_13 = arith.addf %logistic3A_12, %logistic3A_10 : vector<7680x128xf32>
    %logistic3A_14 = arith.divf %logistic3A_12, %logistic3A_13 : vector<7680x128xf32>
    %mul3A = arith.mulf %add3A_9, %logistic3A_14 : vector<7680x128xf32>
    %get3A_15 = arith.constant 0 : index
    %get3A_16 = arith.constant 0 : index
    %get3A_17 = vector.load %arg2[%get3A_15, %get3A_16] : memref<7680x128xf32, #tpu.memory_space<vmem>>, vector<7680x128xf32>
    %add3A_18 = arith.addf %mul3A, %get3A_17 : vector<7680x128xf32>
    %get3A_19 = arith.constant 0 : index
    %get3A_20 = arith.constant 0 : index
    %get3A_21 = vector.load %arg5[%get3A_19, %get3A_20] : memref<128x128xf32, #tpu.memory_space<vmem>>, vector<128x128xf32>
    %dot_general3A_22 = arith.constant dense<0.000000e+00> : vector<7680x128xf32>
    %dot_general3A_23 = tpu.matmul %add3A_18, %get3A_21, %dot_general3A_22 {dimension_numbers = #tpu.dot_dimension_numbers<[1], [0], [0], [1], [0, 0, 1, 1], [], []>, transpose_lhs_hint = false} : vector<7680x128xf32>, vector<128x128xf32>, vector<7680x128xf32> -> vector<7680x128xf32>
    %get3A_24 = arith.constant 0 : index
    %get3A_25 = arith.constant 0 : index
    %get3A_26 = vector.load %arg6[%get3A_24, %get3A_25] : memref<1x128xf32, #tpu.memory_space<vmem>>, vector<1x128xf32>
    %add3A_27 = vector.broadcast %get3A_26 : vector<1x128xf32> to vector<7680x128xf32>
    %add3A_28 = arith.addf %dot_general3A_23, %add3A_27 : vector<7680x128xf32>
    %logistic3A_29 = arith.negf %add3A_28 : vector<7680x128xf32>
    %logistic3A_30 = math.exp %logistic3A_29 : vector<7680x128xf32>
    %logistic3A_31 = arith.constant 1.000000e+00 : f32
    %logistic3A_32 = vector.broadcast %logistic3A_31 : f32 to vector<7680x128xf32>
    %logistic3A_33 = arith.addf %logistic3A_32, %logistic3A_30 : vector<7680x128xf32>
    %logistic3A_34 = arith.divf %logistic3A_32, %logistic3A_33 : vector<7680x128xf32>
    %mul3A_35 = arith.mulf %add3A_28, %logistic3A_34 : vector<7680x128xf32>
    %get3A_36 = arith.constant 0 : index
    %get3A_37 = arith.constant 0 : index
    %get3A_38 = vector.load %arg7[%get3A_36, %get3A_37] : memref<128x128xf32, #tpu.memory_space<vmem>>, vector<128x128xf32>
    %dot_general3A_39 = arith.constant dense<0.000000e+00> : vector<7680x128xf32>
    %dot_general3A_40 = tpu.matmul %mul3A_35, %get3A_38, %dot_general3A_39 {dimension_numbers = #tpu.dot_dimension_numbers<[1], [0], [0], [1], [0, 0, 1, 1], [], []>, transpose_lhs_hint = false} : vector<7680x128xf32>, vector<128x128xf32>, vector<7680x128xf32> -> vector<7680x128xf32>
    %get3A_41 = arith.constant 0 : index
    %get3A_42 = arith.constant 0 : index
    %get3A_43 = vector.load %arg8[%get3A_41, %get3A_42] : memref<1x128xf32, #tpu.memory_space<vmem>>, vector<1x128xf32>
    %add3A_44 = vector.broadcast %get3A_43 : vector<1x128xf32> to vector<7680x128xf32>
    %add3A_45 = arith.addf %dot_general3A_40, %add3A_44 : vector<7680x128xf32>
    %logistic3A_46 = arith.negf %add3A_45 : vector<7680x128xf32>
    %logistic3A_47 = math.exp %logistic3A_46 : vector<7680x128xf32>
    %logistic3A_48 = arith.constant 1.000000e+00 : f32
    %logistic3A_49 = vector.broadcast %logistic3A_48 : f32 to vector<7680x128xf32>
    %logistic3A_50 = arith.addf %logistic3A_49, %logistic3A_47 : vector<7680x128xf32>
    %logistic3A_51 = arith.divf %logistic3A_49, %logistic3A_50 : vector<7680x128xf32>
    %mul3A_52 = arith.mulf %add3A_45, %logistic3A_51 : vector<7680x128xf32>
    %add3A_53 = arith.addf %add3A_18, %mul3A_52 : vector<7680x128xf32>
    %get3A_54 = arith.constant 0 : index
    %get3A_55 = arith.constant 0 : index
    %get3A_56 = vector.load %arg9[%get3A_54, %get3A_55] : memref<128x128xf32, #tpu.memory_space<vmem>>, vector<128x128xf32>
    %dot_general3A_57 = arith.constant dense<0.000000e+00> : vector<7680x128xf32>
    %dot_general3A_58 = tpu.matmul %add3A_53, %get3A_56, %dot_general3A_57 {dimension_numbers = #tpu.dot_dimension_numbers<[1], [0], [0], [1], [0, 0, 1, 1], [], []>, transpose_lhs_hint = false} : vector<7680x128xf32>, vector<128x128xf32>, vector<7680x128xf32> -> vector<7680x128xf32>
    %get3A_59 = arith.constant 0 : index
    %get3A_60 = arith.constant 0 : index
    %get3A_61 = vector.load %arg10[%get3A_59, %get3A_60] : memref<1x128xf32, #tpu.memory_space<vmem>>, vector<1x128xf32>
    %add3A_62 = vector.broadcast %get3A_61 : vector<1x128xf32> to vector<7680x128xf32>
    %add3A_63 = arith.addf %dot_general3A_58, %add3A_62 : vector<7680x128xf32>
    %logistic3A_64 = arith.negf %add3A_63 : vector<7680x128xf32>
    %logistic3A_65 = math.exp %logistic3A_64 : vector<7680x128xf32>
    %logistic3A_66 = arith.constant 1.000000e+00 : f32
    %logistic3A_67 = vector.broadcast %logistic3A_66 : f32 to vector<7680x128xf32>
    %logistic3A_68 = arith.addf %logistic3A_67, %logistic3A_65 : vector<7680x128xf32>
    %logistic3A_69 = arith.divf %logistic3A_67, %logistic3A_68 : vector<7680x128xf32>
    %mul3A_70 = arith.mulf %add3A_63, %logistic3A_69 : vector<7680x128xf32>
    %get3A_71 = arith.constant 0 : index
    %get3A_72 = arith.constant 0 : index
    %get3A_73 = vector.load %arg1[%get3A_71, %get3A_72] : memref<7680x128xf32, #tpu.memory_space<vmem>>, vector<7680x128xf32>
    %add3A_74 = arith.addf %get3A_73, %mul3A_70 : vector<7680x128xf32>
    %get3A_75 = arith.constant 0 : index
    %get3A_76 = arith.constant 0 : index
    %get3A_77 = vector.load %arg11[%get3A_75, %get3A_76] : memref<128x128xf32, #tpu.memory_space<vmem>>, vector<128x128xf32>
    %dot_general3A_78 = arith.constant dense<0.000000e+00> : vector<7680x128xf32>
    %dot_general3A_79 = tpu.matmul %add3A_74, %get3A_77, %dot_general3A_78 {dimension_numbers = #tpu.dot_dimension_numbers<[1], [0], [0], [1], [0, 0, 1, 1], [], []>, transpose_lhs_hint = false} : vector<7680x128xf32>, vector<128x128xf32>, vector<7680x128xf32> -> vector<7680x128xf32>
    %get3A_80 = arith.constant 0 : index
    %get3A_81 = arith.constant 0 : index
    %get3A_82 = vector.load %arg12[%get3A_80, %get3A_81] : memref<1x128xf32, #tpu.memory_space<vmem>>, vector<1x128xf32>
    %add3A_83 = vector.broadcast %get3A_82 : vector<1x128xf32> to vector<7680x128xf32>
    %add3A_84 = arith.addf %dot_general3A_79, %add3A_83 : vector<7680x128xf32>
    %logistic3A_85 = arith.negf %add3A_84 : vector<7680x128xf32>
    %logistic3A_86 = math.exp %logistic3A_85 : vector<7680x128xf32>
    %logistic3A_87 = arith.constant 1.000000e+00 : f32
    %logistic3A_88 = vector.broadcast %logistic3A_87 : f32 to vector<7680x128xf32>
    %logistic3A_89 = arith.addf %logistic3A_88, %logistic3A_86 : vector<7680x128xf32>
    %logistic3A_90 = arith.divf %logistic3A_88, %logistic3A_89 : vector<7680x128xf32>
    %mul3A_91 = arith.mulf %add3A_84, %logistic3A_90 : vector<7680x128xf32>
    %get3A_92 = arith.constant 0 : index
    %get3A_93 = arith.constant 0 : index
    %get3A_94 = vector.load %arg13[%get3A_92, %get3A_93] : memref<128x128xf32, #tpu.memory_space<vmem>>, vector<128x128xf32>
    %dot_general3A_95 = arith.constant dense<0.000000e+00> : vector<7680x128xf32>
    %dot_general3A_96 = tpu.matmul %mul3A_91, %get3A_94, %dot_general3A_95 {dimension_numbers = #tpu.dot_dimension_numbers<[1], [0], [0], [1], [0, 0, 1, 1], [], []>, transpose_lhs_hint = false} : vector<7680x128xf32>, vector<128x128xf32>, vector<7680x128xf32> -> vector<7680x128xf32>
    %get3A_97 = arith.constant 0 : index
    %get3A_98 = arith.constant 0 : index
    %get3A_99 = vector.load %arg14[%get3A_97, %get3A_98] : memref<1x128xf32, #tpu.memory_space<vmem>>, vector<1x128xf32>
    %add3A_100 = vector.broadcast %get3A_99 : vector<1x128xf32> to vector<7680x128xf32>
    %add3A_101 = arith.addf %dot_general3A_96, %add3A_100 : vector<7680x128xf32>
    %logistic3A_102 = arith.negf %add3A_101 : vector<7680x128xf32>
    %logistic3A_103 = math.exp %logistic3A_102 : vector<7680x128xf32>
    %logistic3A_104 = arith.constant 1.000000e+00 : f32
    %logistic3A_105 = vector.broadcast %logistic3A_104 : f32 to vector<7680x128xf32>
    %logistic3A_106 = arith.addf %logistic3A_105, %logistic3A_103 : vector<7680x128xf32>
    %logistic3A_107 = arith.divf %logistic3A_105, %logistic3A_106 : vector<7680x128xf32>
    %mul3A_108 = arith.mulf %add3A_101, %logistic3A_107 : vector<7680x128xf32>
    %add3A_109 = arith.addf %add3A_74, %mul3A_108 : vector<7680x128xf32>
    %get3A_110 = arith.constant 0 : index
    %get3A_111 = arith.constant 0 : index
    %get3A_112 = vector.load %arg15[%get3A_110, %get3A_111] : memref<128x128xf32, #tpu.memory_space<vmem>>, vector<128x128xf32>
    %dot_general3A_113 = arith.constant dense<0.000000e+00> : vector<7680x128xf32>
    %dot_general3A_114 = tpu.matmul %add3A_109, %get3A_112, %dot_general3A_113 {dimension_numbers = #tpu.dot_dimension_numbers<[1], [0], [0], [1], [0, 0, 1, 1], [], []>, transpose_lhs_hint = false} : vector<7680x128xf32>, vector<128x128xf32>, vector<7680x128xf32> -> vector<7680x128xf32>
    %get3A_115 = arith.constant 0 : index
    %get3A_116 = arith.constant 0 : index
    %get3A_117 = vector.load %arg16[%get3A_115, %get3A_116] : memref<1x128xf32, #tpu.memory_space<vmem>>, vector<1x128xf32>
    %add3A_118 = vector.broadcast %get3A_117 : vector<1x128xf32> to vector<7680x128xf32>
    %add3A_119 = arith.addf %dot_general3A_114, %add3A_118 : vector<7680x128xf32>
    %logistic3A_120 = arith.negf %add3A_119 : vector<7680x128xf32>
    %logistic3A_121 = math.exp %logistic3A_120 : vector<7680x128xf32>
    %logistic3A_122 = arith.constant 1.000000e+00 : f32
    %logistic3A_123 = vector.broadcast %logistic3A_122 : f32 to vector<7680x128xf32>
    %logistic3A_124 = arith.addf %logistic3A_123, %logistic3A_121 : vector<7680x128xf32>
    %logistic3A_125 = arith.divf %logistic3A_123, %logistic3A_124 : vector<7680x128xf32>
    %mul3A_126 = arith.mulf %add3A_119, %logistic3A_125 : vector<7680x128xf32>
    %get3A_127 = arith.constant 0 : index
    %get3A_128 = arith.constant 0 : index
    %get3A_129 = vector.load %arg17[%get3A_127, %get3A_128] : memref<128x128xf32, #tpu.memory_space<vmem>>, vector<128x128xf32>
    %dot_general3A_130 = arith.constant dense<0.000000e+00> : vector<7680x128xf32>
    %dot_general3A_131 = tpu.matmul %mul3A_126, %get3A_129, %dot_general3A_130 {dimension_numbers = #tpu.dot_dimension_numbers<[1], [0], [0], [1], [0, 0, 1, 1], [], []>, transpose_lhs_hint = false} : vector<7680x128xf32>, vector<128x128xf32>, vector<7680x128xf32> -> vector<7680x128xf32>
    %get3A_132 = arith.constant 0 : index
    %get3A_133 = arith.constant 0 : index
    %get3A_134 = vector.load %arg18[%get3A_132, %get3A_133] : memref<1x128xf32, #tpu.memory_space<vmem>>, vector<1x128xf32>
    %add3A_135 = vector.broadcast %get3A_134 : vector<1x128xf32> to vector<7680x128xf32>
    %add3A_136 = arith.addf %dot_general3A_131, %add3A_135 : vector<7680x128xf32>
    %logistic3A_137 = arith.negf %add3A_136 : vector<7680x128xf32>
    %logistic3A_138 = math.exp %logistic3A_137 : vector<7680x128xf32>
    %logistic3A_139 = arith.constant 1.000000e+00 : f32
    %logistic3A_140 = vector.broadcast %logistic3A_139 : f32 to vector<7680x128xf32>
    %logistic3A_141 = arith.addf %logistic3A_140, %logistic3A_138 : vector<7680x128xf32>
    %logistic3A_142 = arith.divf %logistic3A_140, %logistic3A_141 : vector<7680x128xf32>
    %mul3A_143 = arith.mulf %add3A_136, %logistic3A_142 : vector<7680x128xf32>
    %add3A_144 = arith.addf %add3A_109, %mul3A_143 : vector<7680x128xf32>
    %swap3A = arith.constant 0 : index
    %swap3A_145 = arith.constant 0 : index
    %swap3A_146 = vector.load %arg19[%swap3A, %swap3A_145] : memref<7680x128xf32, #tpu.memory_space<vmem>>, vector<7680x128xf32>
    tpu.vector_store %arg19[%swap3A, %swap3A_145], %add3A_144 {strides = array<i32>} : memref<7680x128xf32, #tpu.memory_space<vmem>>, vector<7680x128xf32>,
    return
  }
  func.func @transform_0(%arg0: i32) -> (i32, i32) {
    %c0_i32 = arith.constant 0 : i32
    %c0_i32_0 = arith.constant 0 : i32
    return %arg0, %c0_i32 : i32, i32
  }
  func.func @transform_1(%arg0: i32) -> (i32, i32) {
    %c0_i32 = arith.constant 0 : i32
    %c0_i32_0 = arith.constant 0 : i32
    return %arg0, %c0_i32 : i32, i32
  }
  func.func @transform_2(%arg0: i32) -> (i32, i32) {
    %c0_i32 = arith.constant 0 : i32
    %c0_i32_0 = arith.constant 0 : i32
    %c0_i32_1 = arith.constant 0 : i32
    return %c0_i32, %c0_i32_0 : i32, i32
  }
  func.func @transform_3(%arg0: i32) -> (i32, i32) {
    %c0_i32 = arith.constant 0 : i32
    %c0_i32_0 = arith.constant 0 : i32
    %c0_i32_1 = arith.constant 0 : i32
    return %c0_i32, %c0_i32_0 : i32, i32
  }
  func.func @transform_4(%arg0: i32) -> (i32, i32) {
    %c0_i32 = arith.constant 0 : i32
    %c0_i32_0 = arith.constant 0 : i32
    %c0_i32_1 = arith.constant 0 : i32
    return %c0_i32, %c0_i32_0 : i32, i32
  }
  func.func @transform_5(%arg0: i32) -> (i32, i32) {
    %c0_i32 = arith.constant 0 : i32
    %c0_i32_0 = arith.constant 0 : i32
    %c0_i32_1 = arith.constant 0 : i32
    return %c0_i32, %c0_i32_0 : i32, i32
  }
  func.func @transform_6(%arg0: i32) -> (i32, i32) {
    %c0_i32 = arith.constant 0 : i32
    %c0_i32_0 = arith.constant 0 : i32
    %c0_i32_1 = arith.constant 0 : i32
    return %c0_i32, %c0_i32_0 : i32, i32
  }
  func.func @transform_7(%arg0: i32) -> (i32, i32) {
    %c0_i32 = arith.constant 0 : i32
    %c0_i32_0 = arith.constant 0 : i32
    %c0_i32_1 = arith.constant 0 : i32
    return %c0_i32, %c0_i32_0 : i32, i32
  }
  func.func @transform_8(%arg0: i32) -> (i32, i32) {
    %c0_i32 = arith.constant 0 : i32
    %c0_i32_0 = arith.constant 0 : i32
    %c0_i32_1 = arith.constant 0 : i32
    return %c0_i32, %c0_i32_0 : i32, i32
  }
  func.func @transform_9(%arg0: i32) -> (i32, i32) {
    %c0_i32 = arith.constant 0 : i32
    %c0_i32_0 = arith.constant 0 : i32
    %c0_i32_1 = arith.constant 0 : i32
    return %c0_i32, %c0_i32_0 : i32, i32
  }
  func.func @transform_10(%arg0: i32) -> (i32, i32) {
    %c0_i32 = arith.constant 0 : i32
    %c0_i32_0 = arith.constant 0 : i32
    %c0_i32_1 = arith.constant 0 : i32
    return %c0_i32, %c0_i32_0 : i32, i32
  }
  func.func @transform_11(%arg0: i32) -> (i32, i32) {
    %c0_i32 = arith.constant 0 : i32
    %c0_i32_0 = arith.constant 0 : i32
    %c0_i32_1 = arith.constant 0 : i32
    return %c0_i32, %c0_i32_0 : i32, i32
  }
  func.func @transform_12(%arg0: i32) -> (i32, i32) {
    %c0_i32 = arith.constant 0 : i32
    %c0_i32_0 = arith.constant 0 : i32
    %c0_i32_1 = arith.constant 0 : i32
    return %c0_i32, %c0_i32_0 : i32, i32
  }
  func.func @transform_13(%arg0: i32) -> (i32, i32) {
    %c0_i32 = arith.constant 0 : i32
    %c0_i32_0 = arith.constant 0 : i32
    %c0_i32_1 = arith.constant 0 : i32
    return %c0_i32, %c0_i32_0 : i32, i32
  }
  func.func @transform_14(%arg0: i32) -> (i32, i32) {
    %c0_i32 = arith.constant 0 : i32
    %c0_i32_0 = arith.constant 0 : i32
    %c0_i32_1 = arith.constant 0 : i32
    return %c0_i32, %c0_i32_0 : i32, i32
  }
  func.func @transform_15(%arg0: i32) -> (i32, i32) {
    %c0_i32 = arith.constant 0 : i32
    %c0_i32_0 = arith.constant 0 : i32
    %c0_i32_1 = arith.constant 0 : i32
    return %c0_i32, %c0_i32_0 : i32, i32
  }
  func.func @transform_16(%arg0: i32) -> (i32, i32) {
    %c0_i32 = arith.constant 0 : i32
    %c0_i32_0 = arith.constant 0 : i32
    %c0_i32_1 = arith.constant 0 : i32
    return %c0_i32, %c0_i32_0 : i32, i32
  }
  func.func @transform_17(%arg0: i32) -> (i32, i32) {
    %c0_i32 = arith.constant 0 : i32
    %c0_i32_0 = arith.constant 0 : i32
    %c0_i32_1 = arith.constant 0 : i32
    return %c0_i32, %c0_i32_0 : i32, i32
  }
  func.func @transform_18(%arg0: i32) -> (i32, i32) {
    %c0_i32 = arith.constant 0 : i32
    %c0_i32_0 = arith.constant 0 : i32
    return %arg0, %c0_i32 : i32, i32
  }
}

</mosaic_0001>

<sc_bundles>
// kernel: kernel.12.cloned.1.call-start
scs
__scs_entry_jumppad:
0x0: {  	(pc) =	sbr.rel $0x88, $3  }
0x1: {  	(tag) =	ssettag $0x0;
	lr =	simm.s32 $0x1  }
0x2: {  	[smem:$0x3F87] =	sst lr;
	_ =	strace $0xD0000000  }
0x3: {  	_ = 	snop  }
0x4: {  	_ = 	snop  }
0x5: {  	_ = 	snop  }
0x6: {  	_ = 	snop  }
0x7: {  	_ = 	snop  }
__scs_overlays_trampoline_lowered:
0x8: {  	[smem:$0x3F96] =	sst s0  }
0x9: {  	[smem:$0x3F97] =	sst s1  }
0xa: {  	[smem:$0x3F98] =	sst s2  }
0xb: {  	[smem:$0x3F99] =	sst s3  }
0xc: {  	[smem:$0x3F9A] =	sst s4  }
0xd: {  	[smem:$0x3F9B] =	sst s5  }
0xe: {  	[smem:$0x3F9C] =	sst s6  }
0xf: {  	[smem:$0x3F9D] =	sst s7  }
0x10: {  	[smem:$0x3F9E] =	sst s8  }
0x11: {  	[smem:$0x3F9F] =	sst s9;
	s0 =	simm.s32 @!p0 $0x0  }
0x12: {  	s1 =	sld [smem:$0x3F85];
	s0 =	simm.s32 @p0 $0x1  }
0x13: {  	[smem:$0x3FA0] =	sst s0;
	s0 =	simm.s32 @!p1 $0x0  }
0x14: {  	s2 =	sld [smem:$0x3F84];
	s0 =	simm.s32 @p1 $0x1  }
0x15: {  	[smem:$0x3FA1] =	sst s0;
	s0 =	simm.s32 @!p2 $0x0  }
0x16: {  	s3 =	sld [smem:$0x3FDB];
	s0 =	simm.s32 @p2 $0x1  }
0x17: {  	s4 =	simm.s32 $0x1BF5;
	[smem:$0x3FA3] =	sst s0  }
0x18: {  	s0 =	sld [smem:$0x3F86];
	_ =	swait.ge [sflag:s4], $0x0  }
0x19: {  	s7 =	sld [smem:$0x3F87]  }
0x1a: {  	s8 =	sadd.s32 $0xFFFFE003, lr  }
0x1b: {  	s9 =	sadd.s32 $0xFFFFFEF7, lr;
	s5 =	simm.s32 $0xFFFFFFFF;
	p2 =	slt.u32 s8, $0xFFFFF086  }
0x1c: {  	p1 =	slt.u32 s9, $0xF7A;
	s5 =	simm.s32 @!p2 $0x0  }
0x1d: {  	s5 =	simm.s32 @p1 $0x1;
	p0 =	seq.s32 s7, s2  }
0x1e: {  	s7 =	smul.u32 @!p0 $0xF7A, s2;
	p2 =	seq.s32 @!p0 s5, $0x0  }
0x1f: {  	s9 =	smul.u32 $0xF7A, s1;
	s8 =	simm.s32 @!p0 $0x1BF5;
	p2 =	por !p2, p0  }
0x20: {  	[sflag:s8] =	ssyncset.s32 @!p0 $0xFFFFF086;
	s6 =	sadd.s32 @!p0 s3, s7;
	s7 =	simm.s32 @!p0 $0x108  }
0x21: {  	s3 =	sadd.s32 s3, s9;
	s6 =	sadd.s32 @!p0 $0x88, s6;
	s7 =	simm.s32 @p2 $0x1082  }
0x22: {  	[simem:s7], [sflag:s8] =	dma.local @!p0 [hbm:s6], $0xF7A  }
0x23: {  	s9 =	sor.u32 $0xD0000000, s2;
	s6 =	simm.s32 $0x108;
	_ =	swait.ge @!p0 [sflag:s8], $0x0  }
0x24: {  	s3 =	sadd.s32 $0x88, s3;
	s6 =	simm.s32 @!p1 $0x1082;
	[sflag:s4] =	ssyncset.s32 $0xFFFFF086  }
0x25: {  	[simem:s6], [sflag:s4] =	dma.local [hbm:s3], $0xF7A  }
0x26: {  	[smem:$0x3F87] =	sst s1;
	(tag) =	ssettag s2;
	_ =	strace s9  }
0x27: {  	s1 =	sld [smem:$0x3F97]  }
0x28: {  	s2 =	sld [smem:$0x3F98]  }
0x29: {  	s4 =	sld [smem:$0x3F9A]  }
0x2a: {  	p0 =	seq.s32 s5, $0x0;
	s5 =	sld [smem:$0x3F9B]  }
0x2b: {  	s6 =	sld [smem:$0x3F9C]  }
0x2c: {  	s7 =	sld [smem:$0x3F9D]  }
0x2d: {  	s3 =	simm.s32 $0x108;
	s8 =	sld [smem:$0x3F9E]  }
0x2e: {  	s3 =	simm.s32 @!p0 $0x1082;
	s9 =	sld [smem:$0x3F9F]  }
0x2f: {  	lr =	sadd.s32 s0, s3;
	s0 =	sld [smem:$0x3F96]  }
0x30: {  	s3 =	sld [smem:$0x3F99]  }
0x31: {  	[smem:$0x3FA2] =	sst s10  }
0x32: {  	s10 =	sld [smem:$0x3FA0];
	_ =	sdelay $0x3  }
0x33: {  	p0 =	seq.s32 s10, $0x1;
	s10 =	sld [smem:$0x3FA2];
	_ =	sdelay $0x3  }
0x34: {  	[smem:$0x3FA2] =	sst s10  }
0x35: {  	s10 =	sld [smem:$0x3FA1];
	_ =	sdelay $0x3  }
0x36: {  	p1 =	seq.s32 s10, $0x1;
	s10 =	sld [smem:$0x3FA2];
	_ =	sdelay $0x3  }
0x37: {  	[smem:$0x3FA2] =	sst s10  }
0x38: {  	s10 =	sld [smem:$0x3FA3]  }
0x39: {  	_ = 	snop;
	(pc) =	sbr.ind lr, $3  }
0x3a: {  	_ = 	snop  }
0x3b: {  	_ = 	snop  }
0x3c: {  	p2 =	seq.s32 s10, $0x1;
	s10 =	sld [smem:$0x3FA2]  }
0x3d: {  	_ =	shalt  }
0x3e: {  	_ =	shalt  }
0x3f: {  	_ =	shalt  }
0x40: {  	_ =	shalt  }
0x41: {  	_ =	shalt  }
0x42: {  	_ =	shalt  }
0x43: {  	_ =	shalt  }
0x44: {  	_ =	shalt  }
0x45: {  	_ =	shalt  }
0x46: {  	_ =	shalt  }
0x47: {  	_ =	shalt  }
0x48: {  	_ =	shalt  }
0x49: {  	_ =	shalt  }
0x4a: {  	_ =	shalt  }
0x4b: {  	_ =	shalt  }
0x4c: {  	_ =	shalt  }
0x4d: {  	_ =	shalt  }
0x4e: {  	_ =	shalt  }
0x4f: {  	_ =	shalt  }
0x50: {  	_ =	shalt  }
0x51: {  	_ =	shalt  }
0x52: {  	_ =	shalt  }
0x53: {  	_ =	shalt  }
0x54: {  	_ =	shalt  }
0x55: {  	_ =	shalt  }
0x56: {  	_ =	shalt  }
0x57: {  	_ =	shalt  }
0x58: {  	_ =	shalt  }
0x59: {  	_ =	shalt  }
0x5a: {  	_ =	shalt  }
0x5b: {  	_ =	shalt  }
0x5c: {  	_ =	shalt  }
0x5d: {  	_ =	shalt  }
0x5e: {  	_ =	shalt  }
0x5f: {  	_ =	shalt  }
0x60: {  	_ =	shalt  }
0x61: {  	_ =	shalt  }
0x62: {  	_ =	shalt  }
0x63: {  	_ =	shalt  }
0x64: {  	_ =	shalt  }
0x65: {  	_ =	shalt  }
0x66: {  	_ =	shalt  }
0x67: {  	_ =	shalt  }
0x68: {  	_ =	shalt  }
0x69: {  	_ =	shalt  }
0x6a: {  	_ =	shalt  }
0x6b: {  	_ =	shalt  }
0x6c: {  	_ =	shalt  }
0x6d: {  	_ =	shalt  }
0x6e: {  	_ =	shalt  }
0x6f: {  	_ =	shalt  }
0x70: {  	_ =	shalt  }
0x71: {  	_ =	shalt  }
0x72: {  	_ =	shalt  }
0x73: {  	_ =	shalt  }
0x74: {  	_ =	shalt  }
0x75: {  	_ =	shalt  }
0x76: {  	_ =	shalt  }
0x77: {  	_ =	shalt  }
0x78: {  	_ =	shalt  }
0x79: {  	_ =	shalt  }
0x7a: {  	_ =	shalt  }
0x7b: {  	_ =	shalt  }
0x7c: {  	_ =	shalt  }
0x7d: {  	_ =	shalt  }
0x7e: {  	_ =	shalt  }
0x7f: {  	_ =	shalt  }
0x80: {  	_ =	shalt  }
0x81: {  	_ =	shalt  }
0x82: {  	_ =	shalt  }
0x83: {  	_ =	shalt  }
0x84: {  	_ =	shalt  }
0x85: {  	_ =	shalt  }
0x86: {  	_ =	shalt  }
0x87: {  	_ =	shalt  }
.Lfunc_end0:
.L_simem_size_0:
called_computation.1_lowered:
.L_overlay_start_0:
0x88: {  	s2 =	sld [smem:$0x3FD9]  }
0x89: {  	s3 =	sld [smem:$0x3FFE];
	_ =	sdelay $0x1  }
0x8a: {  	s1 =	srdreg.scid  }
0x8b: {  	s0 =	sand.u32 $0x1, s1  }
0x8c: {  	s17 =	sshll.u32 s0, $0xA;
	s2 =	sadd.s32 s3, s2  }
0x8d: {  	s2 =	sadd.s32 s2, s17  }
0x8e: {  	[smem:$0x3FAE] =	sst s2  }
0x8f: {  	_ = 	snop  }
0x90: {  	s18 =	sld [smem:$0x3FD0];
	(tm) =	ssettm $0x1  }
0x91: {  	s19 =	sld [smem:$0x3FFB];
	_ =	sdelay $0x3  }
0x92: {  	_ =	strace s19  }
0x93: {  	s2 =	sld [smem:$0x3FFC];
	_ =	sdelay $0x3  }
0x94: {  	_ =	strace s2  }
0x95: {  	s2 =	sld [smem:$0x3FFD];
	_ =	sdelay $0x3  }
0x96: {  	_ =	strace s2  }
0x97: {  	_ =	strace $0x8FFFFFFF  }
0x98: {  	s20 =	sld [smem:$0x3FDB];
	_ =	sdelay $0x1  }
0x99: {  	s4 =	simm.s32 $_scs_section_size  }
0x9a: {  	s5 =	simm.s32 $_size__tile_overlayer_lowered;
	s6 =	simm.s32 $_tile_overlayer_lowered  }
0x9b: {  	s7 =	simm.s32 $0x1BFF;
	s21 =	sshll.u32 s6, $0x1;
	s4 =	sadd.s32 s4, s20  }
0x9c: {  	s22 =	simm.s32 $0x0;
	s5 =	sshll.u32 s5, $0x1;
	s6 =	sadd.s32 s21, s4  }
0x9d: {  	[timem:s22], [sflag:s7] =	dma.local [hbm:s6], s5  }
0x9e: {  	_ =	swait.ge [sflag:s7], s5  }
0x9f: {  	s5 =	ssub.s32 $0x0, s5;
	[sflag:s7] =	ssyncset.done $0x0  }
0xa0: {  	[sflag:s7] =	ssyncadd.s32 s5;
	_ =	sdelay $0x1  }
0xa1: {  	s23 =	simm.s32 $0x1B8B  }
0xa2: {  	_ =	swait.ge [sflag:s23], $0x1  }
0xa3: {  	[sflag:s23] =	ssyncset.done $0x0  }
0xa4: {  	[sflag:s23] =	ssyncadd.s32 $0xFFFFFFFF  }
0xa5: {  	s5 =	sld [smem:$0x0]  }
0xa6: {  	s6 =	sand.u32 $0xFFFFFFFE, s1  }
0xa7: {  	p0 =	sne.s32 s1, s6  }
0xa8: {  	s6 =	sshll.u32 @p0 s6, $0xE  }
0xa9: {  	s6 =	sadd.s32 @p0 $0x11B8D, s6;
	s7 =	sshll.u32 @p0 s5, $0x11  }
0xaa: {  	s6 =	sor.u32 @p0 s7, s6  }
0xab: {  	[sflag:s6] =	ssyncadd.remote.s32 @p0 $0x1;
	_ =	sdelay $0x1  }
0xac: {  	s6 =	simm.s32 @p0 $0x1B8D  }
0xad: {  	_ =	swait.eq @p0 [sflag:s6], $0x1  }
0xae: {  	[sflag:s6] =	ssyncadd.s32 @p0 $0xFFFFFFFF  }
0xaf: {  	s7 =	sshll.u32 @!p0 s1, $0xE  }
0xb0: {  	s7 =	sor.u32 @!p0 $0x4000, s7;
	s6 =	simm.s32 @!p0 $0x1B8D  }
0xb1: {  	s5 =	sshll.u32 @!p0 s5, $0x11;
	s7 =	sadd.s32 @!p0 $0x11B8D, s7;
	_ =	swait.eq @!p0 [sflag:s6], $0x1  }
0xb2: {  	s5 =	sor.u32 @!p0 s5, s7;
	[sflag:s6] =	ssyncadd.s32 @!p0 $0xFFFFFFFF  }
0xb3: {  	s25 =	simm.s32 $0x1B8E;
	s24 =	sld [smem:$0x3FFE];
	[sflag:s5] =	ssyncadd.remote.s32 @!p0 $0x1  }
0xb4: {  	s26 =	simm.s32 $execute0_lowered;
	[smem:$0x3FD2] =	sst s25  }
0xb5: {  	s6 =	sshll.u32 s26, $0x1;
	_ =	strace $0x80000049;
	[dreg:$0x1] =	wrdreg $0xFFFFFFFF  }
0xb6: {  	s28 =	simm.s32 $_size_execute0_lowered;
	s4 =	sadd.s32 s4, s6;
	[dreg:$0x0] =	wrdreg $0x0  }
0xb7: {  	s6 =	sshll.u32 s28, $0x1;
	[dreg:$0x2] =	wrdreg s4  }
0xb8: {  	[dreg:$0x3] =	wrdreg s6  }
0xb9: {  	[dreg:$0x4] =	wrdreg $0xC0  }
0xba: {  	_ =	task [dreg:s22], $0x5FFFF  }
0xbb: {  	[dreg:$0x1] =	wrdreg $0xFFFFFFFF  }
0xbc: {  	[dreg:$0x0] =	wrdreg $0x60  }
0xbd: {  	[dreg:$0x2] =	wrdreg s18  }
0xbe: {  	[dreg:$0x3] =	wrdreg s24  }
0xbf: {  	[dreg:$0x4] =	wrdreg $0xA  }
0xc0: {  	_ =	task.clear_ibuf [dreg:s22], $0x5FFFF;
	_ =	strace $0x90000049  }
0xc1: {  	s29 =	simm.s32 $0xA;
	_ =	strace $0x8000004B  }
0xc2: {  	_ =	swait.ge [sflag:s29], $0x1  }
0xc3: {  	[sflag:s29] =	ssyncadd.s32 $0xFFFFFFFF  }
0xc4: {  	_ =	strace $0x9000004B  }
0xc5: {  	_ =	sfence  }
0xc6: {  	s30 =	sld [smem:$0x0];
	_ =	sdelay $0x2  }
0xc7: {  	s31 =	sshll.u32 s1, $0xD;
	s1 =	sshrl.u32 s1, $0x2  }
0xc8: {  	s4 =	sand.u32 $0x4000, s31;
	s1 =	sadd.s32 s1, s30  }
0xc9: {  	s0 =	sor.u32 s4, s0;
	s1 =	sshll.u32 s1, $0x11  }
0xca: {  	s0 =	sor.u32 s1, s0  }
0xcb: {  	s0 =	sadd.s32 $0x8F2B, s0  }
0xcc: {  	[sflag:s0] =	ssyncadd.remote.s32 $0x1  }
0xcd: {  	_ =	sfence.sel $0xFFFF  }
0xce: {  	[dreg:$0x0] =	wrdreg $0xFFFFFFFF;
	(pc) =	sbr.abs _section_cstart, $3  }
0xcf: {  	[dreg:$0x1] =	wrdreg $0xFFFFFFFF  }
0xd0: {  	_ =	task.clear_ibuf [dreg:s22], $0x2FFFF;
	_ =	strace $0x9FFFFFFF  }
0xd1: {  	(tm) =	ssettm $0x7FFFFFFF  }
tec
execute0_lowered:
.L_overlay_start_1:
0x0: {  	(tag) =	ssettag $0x1  }
0x1: {  	s2 =	rddreg [dreg:$0x0]  }
0x2: {  	s4 =	rddreg [dreg:$0x1]  }
0x3: {  	s0 =	rddreg [dreg:$0x2];
	s1 =	stileid.u32  }
0x4: {  	s3 =	simm.s32 $0x0;
	s6 =	srdreg.scid;
	s12 =	simm.s32 $0x2100  }
0x5: {  	s13 =	simm.s32 $0x1;
	s14 =	simm.s32 $0x2;
	s15 =	simm.s32 $0x3  }
0x6: {  	s16 =	simm.s32 $0x4;
	s17 =	simm.s32 $0x0;
	s5 =	smul.u32 $0xB000, s1  }
0x7: {  	[smem:$0x7FF] =	sst s3;
	s6 =	sand.u32 $0x1, s6;
	s7 =	smul.u32 $0xB00, s1  }
0x8: {  	s10 =	sadd.s32 $0x7600, s4;
	s8 =	ssub.s32 $0x2, s6;
	s9 =	smul.u32 $0x580, s6  }
0x9: {  	_ =	strace $0x8000004A;
	s6 =	smul.u32 $0x5800, s6;
	s11 =	sshrl.u32 s8, $0x1  }
0xa: {  	s5 =	sadd.s32 s5, s4;
	s30 =	ssub.s32 s8, s11;
	s7 =	sadd.s32 s9, s7  }
0xb: {  	s5 =	sadd.s32 s6, s5;
	s8 =	simm.s32 $0x5;
	s9 =	simm.s32 $0x40  }
0xc: {  	s11 =	simm.s32 $0x80;
	s4 =	smax.u32 s30, $0x1;
	s31 =	sor.u32 $0x40, s7  }
0xd: {  	s5 =	sadd.s32 $0xB8C00, s5;
	s7 =	sshrl.u32 s7, $0x3;
	s6 =	sshrl.u32 s31, $0x3  }
0xe: {  	s7 =	sadd.s32 s7, s10;
	s6 =	sadd.s32 s6, s10;
	s10 =	simm.s32 $0x100  }
.LBB2_1:
0xf: {  	s18 =	sadd.s32 $0x0, s7  }
0x10: {  	[tilespmem:s3], [sflag:$0x5] =	stream.linear.gather [hbm4b:s18+s3], $0x40, $0x38;
	[tilespmem:$0x4100] =	vst v63  }
0x11: {  	_ =	swait.ge [sflag:s8], $0x40  }
0x12: {  	[sflag:s8] =	ssyncset.done $0x0  }
0x13: {  	[sflag:s8] =	ssyncadd.s32 $0xFFFFFFC0  }
0x14: {  	[tilespmem:s10], [sflag:$0x1] =	stream.indirect.gather [hbm4b:s2+s9], $0x80, s3, s9, $0xb8;
	[tilespmem:$0x4100] =	vst v63  }
0x15: {  	s30 =	sadd.s32 $0x0, s6  }
0x16: {  	[tilespmem:s11], [sflag:$0x5] =	stream.linear.gather [hbm4b:s30+s3], $0x40, $0x38;
	[tilespmem:$0x4100] =	vst v63  }
0x17: {  	_ =	swait.ge [sflag:s8], $0x40  }
0x18: {  	[sflag:s8] =	ssyncset.done $0x0  }
0x19: {  	[sflag:s8] =	ssyncadd.s32 $0xFFFFFFC0  }
0x1a: {  	[tilespmem:s12], [sflag:$0x2] =	stream.indirect.gather [hbm4b:s2+s9], $0x80, s11, s9, $0xb8;
	[tilespmem:$0x4100] =	vst v63  }
0x1b: {  	_ =	swait.ge [sflag:s13], $0x2000  }
0x1c: {  	[sflag:s13] =	ssyncset.done $0x0  }
0x1d: {  	[sflag:s13] =	ssyncadd.s32 $0xFFFFE000  }
0x1e: {  	[hbm4b:s5+s3] =	stream.linear.scatter [tilespmem:s10], [sflag:$0x3], $0x2000, $0x38;
	[tilespmem:$0x4100] =	vst v63  }
0x1f: {  	_ =	swait.ge [sflag:s14], $0x2000  }
0x20: {  	[sflag:s14] =	ssyncset.done $0x0  }
0x21: {  	s31 =	sadd.s32 $0x400, s5;
	[sflag:s14] =	ssyncadd.s32 $0xFFFFE000  }
0x22: {  	[hbm4b:s31+s3] =	stream.linear.scatter [tilespmem:s12], [sflag:$0x4], $0x2000, $0x38;
	[tilespmem:$0x4100] =	vst v63  }
0x23: {  	_ =	swait.ge [sflag:s15], $0x2000  }
0x24: {  	[sflag:s15] =	ssyncset.done $0x0  }
0x25: {  	[sflag:s15] =	ssyncadd.s32 $0xFFFFE000  }
0x26: {  	s19 =	simm.s32 $0x10;
	_ =	swait.ge [sflag:s16], $0x2000  }
0x27: {  	s20 =	simm.s32 $0x20;
	s18 =	sadd.s32 $0x800, s5;
	[sflag:s16] =	ssyncset.done $0x0  }
.LBB2_2:
0x28: {  	s21 =	sadd.s32 s19, s7  }
0x29: {  	[sflag:s16] =	ssyncadd.s32 $0xFFFFE000;
	s22 =	smov.u32 s20;
	s23 =	sadd.s32 $0x10, s20  }
0x2a: {  	[tilespmem:s3], [sflag:$0x5] =	stream.linear.gather [hbm4b:s21+s3], $0x40, $0x38;
	[tilespmem:$0x4100] =	vst v63  }
0x2b: {  	p0 =	sne.s32 s20, $0xA0;
	_ =	swait.ge [sflag:s8], $0x40  }
0x2c: {  	[sflag:s8] =	ssyncset.done $0x0  }
0x2d: {  	[sflag:s8] =	ssyncadd.s32 $0xFFFFFFC0  }
0x2e: {  	[tilespmem:s10], [sflag:$0x1] =	stream.indirect.gather [hbm4b:s2+s9], $0x80, s3, s9, $0xb8;
	[tilespmem:$0x4100] =	vst v63  }
0x2f: {  	s20 =	sadd.s32 s19, s6;
	s19 =	smov.u32 s22  }
0x30: {  	[tilespmem:s11], [sflag:$0x5] =	stream.linear.gather [hbm4b:s20+s3], $0x40, $0x38;
	[tilespmem:$0x4100] =	vst v63  }
0x31: {  	_ =	swait.ge [sflag:s8], $0x40  }
0x32: {  	[sflag:s8] =	ssyncset.done $0x0  }
0x33: {  	[sflag:s8] =	ssyncadd.s32 $0xFFFFFFC0  }
0x34: {  	[tilespmem:s12], [sflag:$0x2] =	stream.indirect.gather [hbm4b:s2+s9], $0x80, s11, s9, $0xb8;
	[tilespmem:$0x4100] =	vst v63  }
0x35: {  	_ =	swait.ge [sflag:s13], $0x2000  }
0x36: {  	[sflag:s13] =	ssyncset.done $0x0  }
0x37: {  	[sflag:s13] =	ssyncadd.s32 $0xFFFFE000  }
0x38: {  	[hbm4b:s18+s3] =	stream.linear.scatter [tilespmem:s10], [sflag:$0x3], $0x2000, $0x38;
	[tilespmem:$0x4100] =	vst v63  }
0x39: {  	_ =	swait.ge [sflag:s14], $0x2000  }
0x3a: {  	[sflag:s14] =	ssyncset.done $0x0  }
0x3b: {  	s20 =	sadd.s32 $0x400, s18;
	[sflag:s14] =	ssyncadd.s32 $0xFFFFE000  }
0x3c: {  	[hbm4b:s20+s3] =	stream.linear.scatter [tilespmem:s12], [sflag:$0x4], $0x2000, $0x38;
	[tilespmem:$0x4100] =	vst v63  }
.Ltmp0:
0x3d: {  	_ =	swait.ge [sflag:s15], $0x2000;
	(pc) =	sbr.rel @p0 .LBB2_2-.Ltmp0, $4  }
0x3e: {  	[sflag:s15] =	ssyncset.done $0x0  }
0x3f: {  	[sflag:s15] =	ssyncadd.s32 $0xFFFFE000  }
0x40: {  	_ =	swait.ge [sflag:s16], $0x2000  }
0x41: {  	s18 =	sadd.s32 $0x800, s18;
	s20 =	smov.u32 s23;
	[sflag:s16] =	ssyncset.done $0x0  }
0x42: {  	s20 =	sadd.s32 s19, s7;
	[sflag:s16] =	ssyncadd.s32 $0xFFFFE000  }
0x43: {  	[tilespmem:s3], [sflag:$0x5] =	stream.linear.gather [hbm4b:s20+s3], $0x40, $0x38;
	[tilespmem:$0x4100] =	vst v63  }
0x44: {  	_ =	swait.ge [sflag:s8], $0x40  }
0x45: {  	[sflag:s8] =	ssyncset.done $0x0  }
0x46: {  	[sflag:s8] =	ssyncadd.s32 $0xFFFFFFC0  }
0x47: {  	[tilespmem:s10], [sflag:$0x1] =	stream.indirect.gather [hbm4b:s2+s9], $0x80, s3, s9, $0xb8;
	[tilespmem:$0x4100] =	vst v63  }
0x48: {  	s30 =	sadd.s32 s19, s6  }
0x49: {  	[tilespmem:s11], [sflag:$0x5] =	stream.linear.gather [hbm4b:s30+s3], $0x40, $0x38;
	[tilespmem:$0x4100] =	vst v63  }
0x4a: {  	_ =	swait.ge [sflag:s8], $0x40  }
0x4b: {  	[sflag:s8] =	ssyncset.done $0x0  }
0x4c: {  	[sflag:s8] =	ssyncadd.s32 $0xFFFFFFC0  }
0x4d: {  	[tilespmem:s12], [sflag:$0x2] =	stream.indirect.gather [hbm4b:s2+s9], $0x80, s11, s9, $0xb8;
	[tilespmem:$0x4100] =	vst v63  }
0x4e: {  	_ =	swait.ge [sflag:s13], $0x2000  }
0x4f: {  	[sflag:s13] =	ssyncset.done $0x0  }
0x50: {  	[sflag:s13] =	ssyncadd.s32 $0xFFFFE000  }
0x51: {  	[hbm4b:s18+s3] =	stream.linear.scatter [tilespmem:s10], [sflag:$0x3], $0x2000, $0x38;
	[tilespmem:$0x4100] =	vst v63  }
0x52: {  	_ =	swait.ge [sflag:s14], $0x2000  }
0x53: {  	[sflag:s14] =	ssyncset.done $0x0  }
0x54: {  	s31 =	sadd.s32 $0x400, s18;
	s17 =	sadd.s32 $0x1, s17;
	[sflag:s14] =	ssyncadd.s32 $0xFFFFE000  }
0x55: {  	[hbm4b:s31+s3] =	stream.linear.scatter [tilespmem:s12], [sflag:$0x4], $0x2000, $0x38;
	[tilespmem:$0x4100] =	vst v63  }
0x56: {  	p0 =	sne.s32 s17, s4;
	_ =	swait.ge [sflag:s15], $0x2000  }
.Ltmp1:
0x57: {  	[sflag:s15] =	ssyncset.done $0x0;
	(pc) =	sbr.rel @p0 .LBB2_1-.Ltmp1, $4  }
0x58: {  	[sflag:s15] =	ssyncadd.s32 $0xFFFFE000  }
0x59: {  	_ =	swait.ge [sflag:s16], $0x2000  }
0x5a: {  	[sflag:s16] =	ssyncset.done $0x0  }
0x5b: {  	[sflag:s16] =	ssyncadd.s32 $0xFFFFE000  }
0x5c: {  	_ =	sfence.sel $0x180000  }
0x5d: {  	[bflag:$0x0] =	sbarrier.arrive $0xFFFF  }
0x5e: {  	p0 =	sne.s32 s1, $0x0;
	_ =	strace $0x9000004A  }
0x5f: {  	s0 =	sadd.s32 @!p0 $0x100000, s0;
	[bflag:$0x2] =	sbarrier.arrive $0xFFFF  }
0x60: {  	[sflag:s0] =	ssyncadd.tile.s32 @!p0 $0x1;
	_ =	shalt  }
.Lfunc_end2:
_tile_overlayer_lowered:
.L_overlay_start_2:
0x61: {  	(tag) =	ssettag $0x2  }
0x62: {  	s0 =	rddreg [dreg:$0x0];
	s2 =	stileid.u32  }
0x63: {  	s1 =	rddreg [dreg:$0x1];
	p0 =	sne.s32 s2, $0x0  }
0x64: {  	s3 =	rddreg [dreg:$0x2];
	[bflag:$0x3] =	sbarrier.arrive $0xFFFF;
	s2 =	simm.s32 @!p0 $0x1C05  }
0x65: {  	[timem:s3], [sflag:s2] =	dma.local @!p0 [hbm:s0], s1  }
0x66: {  	s0 =	simm.s32 @!p0 $0x5  }
0x67: {  	_ =	swait.ge @!p0 [sflag:s0], s1  }
0x68: {  	s1 =	ssub.s32 @!p0 $0x0, s1;
	[sflag:s0] =	ssyncset.done @!p0 $0x0  }
0x69: {  	[sflag:s0] =	ssyncadd.s32 @!p0 s1  }
0x6a: {  	[bflag:$0x3] =	sbarrier.arrive $0xFFFF  }
0x6b: {  	_ =	shalt  }

// kernel: kernel.15.cloned.1.call-start
scs
__scs_entry_jumppad:
0x0: {  	(pc) =	sbr.rel $0x88, $3  }
0x1: {  	(tag) =	ssettag $0x0;
	lr =	simm.s32 $0x1  }
0x2: {  	[smem:$0x3F87] =	sst lr;
	_ =	strace $0xD0000000  }
0x3: {  	_ = 	snop  }
0x4: {  	_ = 	snop  }
0x5: {  	_ = 	snop  }
0x6: {  	_ = 	snop  }
0x7: {  	_ = 	snop  }
__scs_overlays_trampoline_lowered:
0x8: {  	[smem:$0x3F96] =	sst s0  }
0x9: {  	[smem:$0x3F97] =	sst s1  }
0xa: {  	[smem:$0x3F98] =	sst s2  }
0xb: {  	[smem:$0x3F99] =	sst s3  }
0xc: {  	[smem:$0x3F9A] =	sst s4  }
0xd: {  	[smem:$0x3F9B] =	sst s5  }
0xe: {  	[smem:$0x3F9C] =	sst s6  }
0xf: {  	[smem:$0x3F9D] =	sst s7  }
0x10: {  	[smem:$0x3F9E] =	sst s8  }
0x11: {  	[smem:$0x3F9F] =	sst s9;
	s0 =	simm.s32 @!p0 $0x0  }
0x12: {  	s1 =	sld [smem:$0x3F85];
	s0 =	simm.s32 @p0 $0x1  }
0x13: {  	[smem:$0x3FA0] =	sst s0;
	s0 =	simm.s32 @!p1 $0x0  }
0x14: {  	s2 =	sld [smem:$0x3F84];
	s0 =	simm.s32 @p1 $0x1  }
0x15: {  	[smem:$0x3FA1] =	sst s0;
	s0 =	simm.s32 @!p2 $0x0  }
0x16: {  	s3 =	sld [smem:$0x3FDB];
	s0 =	simm.s32 @p2 $0x1  }
0x17: {  	s4 =	simm.s32 $0x1BF5;
	[smem:$0x3FA3] =	sst s0  }
0x18: {  	s0 =	sld [smem:$0x3F86];
	_ =	swait.ge [sflag:s4], $0x0  }
0x19: {  	s7 =	sld [smem:$0x3F87]  }
0x1a: {  	s8 =	sadd.s32 $0xFFFFE003, lr  }
0x1b: {  	s9 =	sadd.s32 $0xFFFFFEF7, lr;
	s5 =	simm.s32 $0xFFFFFFFF;
	p2 =	slt.u32 s8, $0xFFFFF086  }
0x1c: {  	p1 =	slt.u32 s9, $0xF7A;
	s5 =	simm.s32 @!p2 $0x0  }
0x1d: {  	s5 =	simm.s32 @p1 $0x1;
	p0 =	seq.s32 s7, s2  }
0x1e: {  	s7 =	smul.u32 @!p0 $0xF7A, s2;
	p2 =	seq.s32 @!p0 s5, $0x0  }
0x1f: {  	s9 =	smul.u32 $0xF7A, s1;
	s8 =	simm.s32 @!p0 $0x1BF5;
	p2 =	por !p2, p0  }
0x20: {  	[sflag:s8] =	ssyncset.s32 @!p0 $0xFFFFF086;
	s6 =	sadd.s32 @!p0 s3, s7;
	s7 =	simm.s32 @!p0 $0x108  }
0x21: {  	s3 =	sadd.s32 s3, s9;
	s6 =	sadd.s32 @!p0 $0x88, s6;
	s7 =	simm.s32 @p2 $0x1082  }
0x22: {  	[simem:s7], [sflag:s8] =	dma.local @!p0 [hbm:s6], $0xF7A  }
0x23: {  	s9 =	sor.u32 $0xD0000000, s2;
	s6 =	simm.s32 $0x108;
	_ =	swait.ge @!p0 [sflag:s8], $0x0  }
0x24: {  	s3 =	sadd.s32 $0x88, s3;
	s6 =	simm.s32 @!p1 $0x1082;
	[sflag:s4] =	ssyncset.s32 $0xFFFFF086  }
0x25: {  	[simem:s6], [sflag:s4] =	dma.local [hbm:s3], $0xF7A  }
0x26: {  	[smem:$0x3F87] =	sst s1;
	(tag) =	ssettag s2;
	_ =	strace s9  }
0x27: {  	s1 =	sld [smem:$0x3F97]  }
0x28: {  	s2 =	sld [smem:$0x3F98]  }
0x29: {  	s4 =	sld [smem:$0x3F9A]  }
0x2a: {  	p0 =	seq.s32 s5, $0x0;
	s5 =	sld [smem:$0x3F9B]  }
0x2b: {  	s6 =	sld [smem:$0x3F9C]  }
0x2c: {  	s7 =	sld [smem:$0x3F9D]  }
0x2d: {  	s3 =	simm.s32 $0x108;
	s8 =	sld [smem:$0x3F9E]  }
0x2e: {  	s3 =	simm.s32 @!p0 $0x1082;
	s9 =	sld [smem:$0x3F9F]  }
0x2f: {  	lr =	sadd.s32 s0, s3;
	s0 =	sld [smem:$0x3F96]  }
0x30: {  	s3 =	sld [smem:$0x3F99]  }
0x31: {  	[smem:$0x3FA2] =	sst s10  }
0x32: {  	s10 =	sld [smem:$0x3FA0];
	_ =	sdelay $0x3  }
0x33: {  	p0 =	seq.s32 s10, $0x1;
	s10 =	sld [smem:$0x3FA2];
	_ =	sdelay $0x3  }
0x34: {  	[smem:$0x3FA2] =	sst s10  }
0x35: {  	s10 =	sld [smem:$0x3FA1];
	_ =	sdelay $0x3  }
0x36: {  	p1 =	seq.s32 s10, $0x1;
	s10 =	sld [smem:$0x3FA2];
	_ =	sdelay $0x3  }
0x37: {  	[smem:$0x3FA2] =	sst s10  }
0x38: {  	s10 =	sld [smem:$0x3FA3]  }
0x39: {  	_ = 	snop;
	(pc) =	sbr.ind lr, $3  }
0x3a: {  	_ = 	snop  }
0x3b: {  	_ = 	snop  }
0x3c: {  	p2 =	seq.s32 s10, $0x1;
	s10 =	sld [smem:$0x3FA2]  }
0x3d: {  	_ =	shalt  }
0x3e: {  	_ =	shalt  }
0x3f: {  	_ =	shalt  }
0x40: {  	_ =	shalt  }
0x41: {  	_ =	shalt  }
0x42: {  	_ =	shalt  }
0x43: {  	_ =	shalt  }
0x44: {  	_ =	shalt  }
0x45: {  	_ =	shalt  }
0x46: {  	_ =	shalt  }
0x47: {  	_ =	shalt  }
0x48: {  	_ =	shalt  }
0x49: {  	_ =	shalt  }
0x4a: {  	_ =	shalt  }
0x4b: {  	_ =	shalt  }
0x4c: {  	_ =	shalt  }
0x4d: {  	_ =	shalt  }
0x4e: {  	_ =	shalt  }
0x4f: {  	_ =	shalt  }
0x50: {  	_ =	shalt  }
0x51: {  	_ =	shalt  }
0x52: {  	_ =	shalt  }
0x53: {  	_ =	shalt  }
0x54: {  	_ =	shalt  }
0x55: {  	_ =	shalt  }
0x56: {  	_ =	shalt  }
0x57: {  	_ =	shalt  }
0x58: {  	_ =	shalt  }
0x59: {  	_ =	shalt  }
0x5a: {  	_ =	shalt  }
0x5b: {  	_ =	shalt  }
0x5c: {  	_ =	shalt  }
0x5d: {  	_ =	shalt  }
0x5e: {  	_ =	shalt  }
0x5f: {  	_ =	shalt  }
0x60: {  	_ =	shalt  }
0x61: {  	_ =	shalt  }
0x62: {  	_ =	shalt  }
0x63: {  	_ =	shalt  }
0x64: {  	_ =	shalt  }
0x65: {  	_ =	shalt  }
0x66: {  	_ =	shalt  }
0x67: {  	_ =	shalt  }
0x68: {  	_ =	shalt  }
0x69: {  	_ =	shalt  }
0x6a: {  	_ =	shalt  }
0x6b: {  	_ =	shalt  }
0x6c: {  	_ =	shalt  }
0x6d: {  	_ =	shalt  }
0x6e: {  	_ =	shalt  }
0x6f: {  	_ =	shalt  }
0x70: {  	_ =	shalt  }
0x71: {  	_ =	shalt  }
0x72: {  	_ =	shalt  }
0x73: {  	_ =	shalt  }
0x74: {  	_ =	shalt  }
0x75: {  	_ =	shalt  }
0x76: {  	_ =	shalt  }
0x77: {  	_ =	shalt  }
0x78: {  	_ =	shalt  }
0x79: {  	_ =	shalt  }
0x7a: {  	_ =	shalt  }
0x7b: {  	_ =	shalt  }
0x7c: {  	_ =	shalt  }
0x7d: {  	_ =	shalt  }
0x7e: {  	_ =	shalt  }
0x7f: {  	_ =	shalt  }
0x80: {  	_ =	shalt  }
0x81: {  	_ =	shalt  }
0x82: {  	_ =	shalt  }
0x83: {  	_ =	shalt  }
0x84: {  	_ =	shalt  }
0x85: {  	_ =	shalt  }
0x86: {  	_ =	shalt  }
0x87: {  	_ =	shalt  }
.Lfunc_end0:
.L_simem_size_0:
called_computation.2_lowered:
.L_overlay_start_0:
0x88: {  	s2 =	sld [smem:$0x3FD9]  }
0x89: {  	s3 =	sld [smem:$0x3FFE];
	_ =	sdelay $0x1  }
0x8a: {  	s1 =	srdreg.scid  }
0x8b: {  	s0 =	sand.u32 $0x1, s1  }
0x8c: {  	s17 =	sshll.u32 s0, $0xA;
	s2 =	sadd.s32 s3, s2  }
0x8d: {  	s2 =	sadd.s32 s2, s17  }
0x8e: {  	[smem:$0x3FAE] =	sst s2  }
0x8f: {  	_ = 	snop  }
0x90: {  	s2 =	sld [smem:$0x3FD0];
	(tm) =	ssettm $0x1  }
0x91: {  	s18 =	sld [smem:$0x3FFB];
	_ =	sdelay $0x3  }
0x92: {  	_ =	strace s18  }
0x93: {  	s3 =	sld [smem:$0x3FFC];
	_ =	sdelay $0x3  }
0x94: {  	_ =	strace s3  }
0x95: {  	s3 =	sld [smem:$0x3FFD];
	_ =	sdelay $0x3  }
0x96: {  	_ =	strace s3  }
0x97: {  	_ =	strace $0x8FFFFFFF  }
0x98: {  	s19 =	sld [smem:$0x3FDB];
	_ =	sdelay $0x1  }
0x99: {  	s4 =	simm.s32 $_scs_section_size  }
0x9a: {  	s5 =	simm.s32 $_size__tile_overlayer_lowered;
	s6 =	simm.s32 $_tile_overlayer_lowered  }
0x9b: {  	s22 =	simm.s32 $0x1BFF;
	s21 =	sshll.u32 s6, $0x1;
	s3 =	sadd.s32 s4, s19  }
0x9c: {  	s7 =	simm.s32 $0x0;
	s20 =	sshll.u32 s5, $0x1;
	s5 =	sadd.s32 s21, s3  }
0x9d: {  	[timem:s7], [sflag:s22] =	dma.local [hbm:s5], s20  }
0x9e: {  	_ =	swait.ge [sflag:s22], s20  }
0x9f: {  	s4 =	ssub.s32 $0x0, s20;
	[sflag:s22] =	ssyncset.done $0x0  }
0xa0: {  	[sflag:s22] =	ssyncadd.s32 s4;
	_ =	sdelay $0x1  }
0xa1: {  	s23 =	simm.s32 $0x1B8B  }
0xa2: {  	_ =	swait.ge [sflag:s23], $0x1  }
0xa3: {  	[sflag:s23] =	ssyncset.done $0x0  }
0xa4: {  	s25 =	simm.s32 $0x1B8E;
	s24 =	sld [smem:$0x3FFE];
	[sflag:s23] =	ssyncadd.s32 $0xFFFFFFFF  }
0xa5: {  	s26 =	simm.s32 $execute0_lowered;
	[smem:$0x3FD2] =	sst s25  }
0xa6: {  	s5 =	sshll.u32 s26, $0x1;
	_ =	strace $0x8000004C;
	[dreg:$0x1] =	wrdreg $0xFFFFFFFF  }
0xa7: {  	s28 =	simm.s32 $_size_execute0_lowered;
	s3 =	sadd.s32 s3, s5;
	[dreg:$0x0] =	wrdreg $0x0  }
0xa8: {  	s5 =	sshll.u32 s28, $0x1;
	[dreg:$0x2] =	wrdreg s3  }
0xa9: {  	[dreg:$0x3] =	wrdreg s5  }
0xaa: {  	[dreg:$0x4] =	wrdreg $0xC0  }
0xab: {  	_ =	task [dreg:s7], $0x5FFFF  }
0xac: {  	[dreg:$0x1] =	wrdreg $0xFFFFFFFF  }
0xad: {  	[dreg:$0x0] =	wrdreg $0x60  }
0xae: {  	[dreg:$0x2] =	wrdreg s24  }
0xaf: {  	[dreg:$0x3] =	wrdreg s2  }
0xb0: {  	[dreg:$0x4] =	wrdreg $0x99000  }
0xb1: {  	[dreg:$0x5] =	wrdreg $0x9  }
0xb2: {  	_ =	task.clear_ibuf [dreg:s7], $0x6FFFF;
	_ =	strace $0x9000004C  }
0xb3: {  	s29 =	simm.s32 $0x9;
	_ =	strace $0x8000004E  }
0xb4: {  	_ =	swait.ge [sflag:s29], $0x1  }
0xb5: {  	[sflag:s29] =	ssyncadd.s32 $0xFFFFFFFF  }
0xb6: {  	_ =	strace $0x9000004E  }
0xb7: {  	_ =	sfence  }
0xb8: {  	s30 =	sld [smem:$0x0];
	_ =	sdelay $0x2  }
0xb9: {  	s31 =	sshll.u32 s1, $0xD;
	s1 =	sshrl.u32 s1, $0x2  }
0xba: {  	s3 =	sand.u32 $0x4000, s31;
	s1 =	sadd.s32 s1, s30  }
0xbb: {  	s0 =	sor.u32 s3, s0;
	s1 =	sshll.u32 s1, $0x11  }
0xbc: {  	s0 =	sor.u32 s1, s0  }
0xbd: {  	s0 =	sadd.s32 $0x8F2B, s0  }
0xbe: {  	[sflag:s0] =	ssyncadd.remote.s32 $0x1  }
0xbf: {  	_ =	sfence.sel $0xFFFF  }
0xc0: {  	[dreg:$0x0] =	wrdreg $0xFFFFFFFF;
	(pc) =	sbr.abs _section_cstart, $3  }
0xc1: {  	[dreg:$0x1] =	wrdreg $0xFFFFFFFF  }
0xc2: {  	_ =	task.clear_ibuf [dreg:s7], $0x2FFFF;
	_ =	strace $0x9FFFFFFF  }
0xc3: {  	(tm) =	ssettm $0x7FFFFFFF  }
tec
execute0_lowered:
.L_overlay_start_1:
0x0: {  	(tag) =	ssettag $0x1  }
0x1: {  	s0 =	rddreg [dreg:$0x0]  }
0x2: {  	s3 =	rddreg [dreg:$0x2];
	s12 =	stileid.u32;
	s4 =	simm.s32 $0x0  }
0x3: {  	s2 =	srdreg.scid;
	s21 =	simm.s32 $0x5;
	s22 =	simm.s32 $0x1900  }
0x4: {  	s28 =	simm.s32 $0x2;
	s29 =	simm.s32 $0x1880;
	s5 =	smul.u32 $0x300, s12  }
0x5: {  	s30 =	simm.s32 $0x3;
	s31 =	simm.s32 $0x4;
	s6 =	smul.u32 $0x3C000, s12  }
0x6: {  	s1 =	sand.u32 $0x7, s12;
	[smem:$0x7FF] =	sst s4;
	s10 =	smul.u32 $0x1E0, s12  }
0x7: {  	s2 =	sand.u32 $0x1, s2;
	p0 =	sgt.u32 s12, $0x7;
	s1 =	smul.u32 $0x16000, s1  }
0x8: {  	_ =	strace $0x8000004D;
	s11 =	smul.u32 $0x3C00, s2;
	s2 =	ssub.s32 $0x2, s2  }
0x9: {  	s5 =	sadd.s32 s5, s0;
	s7 =	sshrl.u32 s2, $0x1;
	s6 =	sshrl.u32 s6, $0x2  }
0xa: {  	s1 =	sadd.s32 s1, s0;
	s0 =	sadd.s32 $0xB6000, s0;
	s2 =	ssub.s32 s2, s7  }
0xb: {  	s5 =	sadd.s32 $0x2C8600, s5;
	s6 =	sadd.s32 s6, s3;
	s24 =	sadd.s32 s10, s11  }
0xc: {  	s23 =	sadd.s32 $0x1E00, s11;
	[dreg:$0x4] =	wrdreg s5;
	s7 =	sadd.s32 $0x4000, s6  }
0xd: {  	s5 =	sshll.u32 s24, $0x4;
	s8 =	sadd.s32 $0x8000, s6;
	s25 =	sadd.s32 s10, s23  }
0xe: {  	s10 =	sadd.s32 $0xC000, s6;
	s18 =	smax.u32 s2, $0x1;
	s19 =	sadd.s32 $0x6000, s1  }
0xf: {  	s20 =	sadd.s32 $0x2CB600, s1;
	v1 =	vmov s23;
	s23 =	simm.s32 $0x5900;
	s24 =	simm.s32 $0x1  }
.Ltmp0:
0x10: {  	s9 =	sadd.s32 s0, s5;
	s5 =	sshll.u32 s25, $0x4;
	(pc) =	sbr.rel .LBB2_1-.Ltmp0, $4  }
0x11: {  	v9 =	vlaneseq.u32;
	s25 =	simm.s32 $0x80;
	s13 =	sadd.s32 $0x800, s9;
	s26 =	sadd.s32 $0x1000, s9  }
0x12: {  	v2 =	vor.u32 $0x1E00, v9;
	v3 =	vor.u32 $0x1E10, v9;
	v4 =	vor.u32 $0x1E20, v9;
	s14 =	sadd.s32 s0, s5;
	s0 =	simm.s32 $0x0;
	[dreg:$0x5] =	wrdreg s13  }
0x13: {  	v5 =	vor.u32 $0x1E30, v9;
	v6 =	vor.u32 $0x1E40, v9;
	v7 =	vor.u32 $0x1E50, v9;
	[dreg:$0x6] =	wrdreg s26;
	s13 =	sadd.s32 $0x1800, s9;
	s15 =	sadd.s32 $0x800, s14  }
0x14: {  	v8 =	vor.u32 $0x1E60, v9;
	v9 =	vor.u32 $0x1E70, v9;
	v0 =	vmov s11;
	s16 =	sadd.s32 $0x1000, s14;
	s17 =	sadd.s32 $0x1800, s14;
	s26 =	simm.s32 $0x1800  }
.LBB2_14:
0x15: {  	s2 =	sadd.s32 s2, s19;
	[sflag:s31] =	ssyncadd.s32 $0xFFFFC000  }
0x16: {  	[tilespmem:s22], [sflag:$0x1] =	stream.linear.gather [hbm4b:s2+s4], $0x4000, $0x38;
	[tilespmem:$0x18D00] =	vst v63  }
0x17: {  	s2 =	sadd.s32 $0x800, s2  }
0x18: {  	[tilespmem:s23], [sflag:$0x2] =	stream.linear.gather [hbm4b:s2+s4], $0x4000, $0x38;
	[tilespmem:$0x18D00] =	vst v63  }
0x19: {  	v10 =	vld [tilespmem:s1+$0xFFFFFF80];
	_ =	sdelay $0x4  }
0x1a: {  	v10 =	vsub.s32 v10, v1  }
0x1b: {  	vm0 =	vlt.u32 v10, $0x1E00  }
0x1c: {  	v10 =	vsel vm0, v10, v2  }
0x1d: {  	[tilespmem:$0x1800] =	vst v10  }
0x1e: {  	v10 =	vld [tilespmem:s1+$0xFFFFFF90];
	_ =	sdelay $0x4  }
0x1f: {  	v10 =	vsub.s32 v10, v1  }
0x20: {  	vm13 =	vlt.u32 v10, $0x1E00  }
0x21: {  	v10 =	vsel vm13, v10, v3  }
0x22: {  	[tilespmem:$0x1810] =	vst v10  }
0x23: {  	v10 =	vld [tilespmem:s1+$0xFFFFFFA0];
	_ =	sdelay $0x4  }
0x24: {  	v10 =	vsub.s32 v10, v1  }
0x25: {  	vm14 =	vlt.u32 v10, $0x1E00  }
0x26: {  	v10 =	vsel vm14, v10, v4  }
0x27: {  	[tilespmem:$0x1820] =	vst v10  }
0x28: {  	v10 =	vld [tilespmem:s1+$0xFFFFFFB0];
	_ =	sdelay $0x4  }
0x29: {  	v10 =	vsub.s32 v10, v1  }
0x2a: {  	vm15 =	vlt.u32 v10, $0x1E00  }
0x2b: {  	v10 =	vsel vm15, v10, v5  }
0x2c: {  	[tilespmem:$0x1830] =	vst v10  }
0x2d: {  	v10 =	vld [tilespmem:s1+$0xFFFFFFC0];
	_ =	sdelay $0x4  }
0x2e: {  	v10 =	vsub.s32 v10, v1  }
0x2f: {  	vm4 =	vlt.u32 v10, $0x1E00  }
0x30: {  	v10 =	vsel vm4, v10, v6  }
0x31: {  	[tilespmem:$0x1840] =	vst v10  }
0x32: {  	v10 =	vld [tilespmem:s1+$0xFFFFFFD0];
	_ =	sdelay $0x4  }
0x33: {  	v10 =	vsub.s32 v10, v1  }
0x34: {  	vm5 =	vlt.u32 v10, $0x1E00  }
0x35: {  	v10 =	vsel vm5, v10, v7  }
0x36: {  	[tilespmem:$0x1850] =	vst v10  }
0x37: {  	v10 =	vld [tilespmem:s1+$0xFFFFFFE0];
	_ =	sdelay $0x4  }
0x38: {  	v10 =	vsub.s32 v10, v1  }
0x39: {  	vm6 =	vlt.u32 v10, $0x1E00  }
0x3a: {  	v10 =	vsel vm6, v10, v8  }
0x3b: {  	[tilespmem:$0x1860] =	vst v10  }
0x3c: {  	v10 =	vld [tilespmem:s1+$0xFFFFFFF0];
	_ =	sdelay $0x4  }
0x3d: {  	v10 =	vsub.s32 v10, v1  }
0x3e: {  	vm7 =	vlt.u32 v10, $0x1E00  }
0x3f: {  	v10 =	vsel vm7, v10, v9  }
0x40: {  	[tilespmem:$0x1870] =	vst v10  }
0x41: {  	v10 =	vld [tilespmem:s1+$0x0];
	_ =	sdelay $0x4  }
0x42: {  	v10 =	vsub.s32 v10, v1  }
0x43: {  	vm8 =	vlt.u32 v10, $0x1E00  }
0x44: {  	v10 =	vsel vm8, v10, v2  }
0x45: {  	[tilespmem:$0x1880] =	vst v10  }
0x46: {  	v10 =	vld [tilespmem:s1+$0x10];
	_ =	sdelay $0x4  }
0x47: {  	v10 =	vsub.s32 v10, v1  }
0x48: {  	vm9 =	vlt.u32 v10, $0x1E00  }
0x49: {  	v10 =	vsel vm9, v10, v3  }
0x4a: {  	[tilespmem:$0x1890] =	vst v10  }
0x4b: {  	v10 =	vld [tilespmem:s1+$0x20];
	_ =	sdelay $0x4  }
0x4c: {  	v10 =	vsub.s32 v10, v1  }
0x4d: {  	vm10 =	vlt.u32 v10, $0x1E00  }
0x4e: {  	v10 =	vsel vm10, v10, v4  }
0x4f: {  	[tilespmem:$0x18A0] =	vst v10  }
0x50: {  	v10 =	vld [tilespmem:s1+$0x30];
	_ =	sdelay $0x4  }
0x51: {  	v10 =	vsub.s32 v10, v1  }
0x52: {  	vm11 =	vlt.u32 v10, $0x1E00  }
0x53: {  	v10 =	vsel vm11, v10, v5  }
0x54: {  	[tilespmem:$0x18B0] =	vst v10  }
0x55: {  	v10 =	vld [tilespmem:s1+$0x40];
	_ =	sdelay $0x4  }
0x56: {  	v10 =	vsub.s32 v10, v1  }
0x57: {  	vm12 =	vlt.u32 v10, $0x1E00  }
0x58: {  	v10 =	vsel vm12, v10, v6  }
0x59: {  	[tilespmem:$0x18C0] =	vst v10  }
0x5a: {  	v10 =	vld [tilespmem:s1+$0x50];
	_ =	sdelay $0x4  }
0x5b: {  	v10 =	vsub.s32 v10, v1  }
0x5c: {  	vm13 =	vlt.u32 v10, $0x1E00  }
0x5d: {  	v10 =	vsel vm13, v10, v7  }
0x5e: {  	[tilespmem:$0x18D0] =	vst v10  }
0x5f: {  	v10 =	vld [tilespmem:s1+$0x60];
	_ =	sdelay $0x4  }
0x60: {  	v10 =	vsub.s32 v10, v1  }
0x61: {  	vm14 =	vlt.u32 v10, $0x1E00  }
0x62: {  	v10 =	vsel vm14, v10, v8  }
0x63: {  	[tilespmem:$0x18E0] =	vst v10  }
0x64: {  	v10 =	vld [tilespmem:s1+$0x70];
	_ =	sdelay $0x4  }
0x65: {  	v10 =	vsub.s32 v10, v1  }
0x66: {  	vm15 =	vlt.u32 v10, $0x1E00  }
0x67: {  	v10 =	vsel vm15, v10, v9  }
0x68: {  	[tilespmem:$0x18F0] =	vst v10  }
0x69: {  	_ =	swait.ge [sflag:s24], $0x4000  }
0x6a: {  	[sflag:s24] =	ssyncset.done $0x0  }
0x6b: {  	[sflag:s24] =	ssyncadd.s32 $0xFFFFC000  }
0x6c: {  	[spmem:s3] =	stream.indirect.scatter.add.f32 [tilespmem:s22], [sflag:$0x3], $0x80, s26, s25, $0xb8;
	[tilespmem:$0x18D00] =	vst v63  }
0x6d: {  	_ =	swait.ge [sflag:s28], $0x4000  }
0x6e: {  	[sflag:s28] =	ssyncset.done $0x0  }
0x6f: {  	[sflag:s28] =	ssyncadd.s32 $0xFFFFC000  }
0x70: {  	[spmem:s3] =	stream.indirect.scatter.add.f32 [tilespmem:s23], [sflag:$0x4], $0x80, s29, s25, $0xb8;
	[tilespmem:$0x18D00] =	vst v63  }
0x71: {  	_ =	swait.ge [sflag:s30], $0x4000  }
0x72: {  	[sflag:s30] =	ssyncset.done $0x0  }
0x73: {  	[sflag:s30] =	ssyncadd.s32 $0xFFFFC000  }
0x74: {  	_ =	swait.ge [sflag:s31], $0x4000  }
0x75: {  	[sflag:s31] =	ssyncset.done $0x0  }
0x76: {  	[sflag:s31] =	ssyncadd.s32 $0xFFFFC000  }
.LBB2_15:
0x77: {  	[bflag:$0x0] =	sbarrier.arrive $0xFFFF  }
0x78: {  	[tilespmem:s22], [sflag:$0x5] =	stream.linear.gather [spmem:s6], $0x4000, $0x38;
	[tilespmem:$0x18D00] =	vst v63  }
0x79: {  	_ =	swait.ge [sflag:s21], $0x4000  }
0x7a: {  	[sflag:s21] =	ssyncset.done $0x0  }
0x7b: {  	[sflag:s21] =	ssyncadd.s32 $0xFFFFC000  }
0x7c: {  	[hbm4b:s14+s4] =	stream.linear.scatter [tilespmem:s22], [sflag:$0x5], $0x4000, $0x38;
	[tilespmem:$0x18D00] =	vst v63  }
0x7d: {  	_ =	swait.ge [sflag:s21], $0x4000  }
0x7e: {  	[sflag:s21] =	ssyncset.done $0x0  }
0x7f: {  	[sflag:s21] =	ssyncadd.s32 $0xFFFFC000  }
0x80: {  	[tilespmem:s22], [sflag:$0x5] =	stream.linear.gather [spmem:s7], $0x4000, $0x38;
	[tilespmem:$0x18D00] =	vst v63  }
0x81: {  	_ =	swait.ge [sflag:s21], $0x4000  }
0x82: {  	[sflag:s21] =	ssyncset.done $0x0  }
0x83: {  	[sflag:s21] =	ssyncadd.s32 $0xFFFFC000  }
0x84: {  	[hbm4b:s15+s4] =	stream.linear.scatter [tilespmem:s22], [sflag:$0x5], $0x4000, $0x38;
	[tilespmem:$0x18D00] =	vst v63  }
0x85: {  	_ =	swait.ge [sflag:s21], $0x4000  }
0x86: {  	[sflag:s21] =	ssyncset.done $0x0  }
0x87: {  	[sflag:s21] =	ssyncadd.s32 $0xFFFFC000  }
0x88: {  	[tilespmem:s22], [sflag:$0x5] =	stream.linear.gather [spmem:s8], $0x4000, $0x38;
	[tilespmem:$0x18D00] =	vst v63  }
0x89: {  	_ =	swait.ge [sflag:s21], $0x4000  }
0x8a: {  	[sflag:s21] =	ssyncset.done $0x0  }
0x8b: {  	[sflag:s21] =	ssyncadd.s32 $0xFFFFC000  }
0x8c: {  	[hbm4b:s16+s4] =	stream.linear.scatter [tilespmem:s22], [sflag:$0x5], $0x4000, $0x38;
	[tilespmem:$0x18D00] =	vst v63  }
0x8d: {  	_ =	swait.ge [sflag:s21], $0x4000  }
0x8e: {  	[sflag:s21] =	ssyncset.done $0x0  }
0x8f: {  	[sflag:s21] =	ssyncadd.s32 $0xFFFFC000  }
0x90: {  	[tilespmem:s22], [sflag:$0x5] =	stream.linear.gather [spmem:s10], $0x3000, $0x38;
	[tilespmem:$0x18D00] =	vst v63  }
0x91: {  	s0 =	sadd.s32 $0x1, s0;
	_ =	swait.ge [sflag:s21], $0x3000  }
0x92: {  	p1 =	sne.s32 s0, s18;
	[sflag:s21] =	ssyncset.done $0x0  }
.Ltmp1:
0x93: {  	[sflag:s21] =	ssyncadd.s32 $0xFFFFD000;
	(pc) =	sbr.rel @!p1 .LBB2_16-.Ltmp1, $4  }
0x94: {  	[hbm4b:s17+s4] =	stream.linear.scatter [tilespmem:s22], [sflag:$0x5], $0x3000, $0x38;
	[tilespmem:$0x18D00] =	vst v63  }
0x95: {  	_ =	swait.ge [sflag:s21], $0x3000  }
0x96: {  	[sflag:s21] =	ssyncset.done $0x0  }
0x97: {  	[sflag:s21] =	ssyncadd.s32 $0xFFFFD000  }
.LBB2_1:
0x98: {  	s1 =	rddreg [dreg:$0x4]  }
0x99: {  	[tilespmem:s4], [sflag:$0x5] =	stream.linear.gather [hbm4b:s1+s4], $0x1600, $0x38;
	[tilespmem:$0x18D00] =	vst v63  }
0x9a: {  	_ =	swait.ge [sflag:s21], $0x1600  }
0x9b: {  	[sflag:s21] =	ssyncset.done $0x0  }
0x9c: {  	[sflag:s21] =	ssyncadd.s32 $0xFFFFEA00  }
0x9d: {  	s12 =	rddreg [dreg:$0x1]  }
0x9e: {  	[tilespmem:s22], [sflag:$0x5] =	stream.linear.gather [hbm4b:s12+s4], $0x4000, $0x38;
	[tilespmem:$0x18D00] =	vst v63  }
0x9f: {  	_ =	swait.ge [sflag:s21], $0x4000  }
0xa0: {  	[sflag:s21] =	ssyncset.done $0x0  }
0xa1: {  	[sflag:s21] =	ssyncadd.s32 $0xFFFFC000  }
0xa2: {  	[spmem:s6] =	stream.linear.scatter [tilespmem:s22], [sflag:$0x5], $0x4000, $0x38;
	[tilespmem:$0x18D00] =	vst v63  }
0xa3: {  	_ =	swait.ge [sflag:s21], $0x4000  }
0xa4: {  	[sflag:s21] =	ssyncset.done $0x0  }
0xa5: {  	[sflag:s21] =	ssyncadd.s32 $0xFFFFC000  }
0xa6: {  	[spmem:s7] =	stream.linear.scatter [tilespmem:s22], [sflag:$0x5], $0x4000, $0x38;
	[tilespmem:$0x18D00] =	vst v63  }
0xa7: {  	_ =	swait.ge [sflag:s21], $0x4000  }
0xa8: {  	[sflag:s21] =	ssyncset.done $0x0  }
0xa9: {  	[sflag:s21] =	ssyncadd.s32 $0xFFFFC000  }
0xaa: {  	[spmem:s8] =	stream.linear.scatter [tilespmem:s22], [sflag:$0x5], $0x4000, $0x38;
	[tilespmem:$0x18D00] =	vst v63  }
0xab: {  	_ =	swait.ge [sflag:s21], $0x4000  }
0xac: {  	[sflag:s21] =	ssyncset.done $0x0  }
0xad: {  	[sflag:s21] =	ssyncadd.s32 $0xFFFFC000  }
0xae: {  	[spmem:s10] =	stream.linear.scatter [tilespmem:s22], [sflag:$0x5], $0x3000, $0x38;
	[tilespmem:$0x18D00] =	vst v63  }
.Ltmp2:
0xaf: {  	_ =	swait.ge [sflag:s21], $0x3000;
	(pc) =	sbr.rel @p0 .LBB2_5-.Ltmp2, $3  }
0xb0: {  	[sflag:s21] =	ssyncset.done $0x0  }
0xb1: {  	[sflag:s21] =	ssyncadd.s32 $0xFFFFD000  }
0xb2: {  	[bflag:$0x0] =	sbarrier.arrive $0xFFFF;
	_ =	sdelay $0x1  }
0xb3: {  	s1 =	sadd.s32 $0x0, s20  }
0xb4: {  	[tilespmem:s22], [sflag:$0x1] =	stream.linear.gather [hbm4b:s1+s4], $0x4000, $0x38;
	[tilespmem:$0x18D00] =	vst v63  }
0xb5: {  	s1 =	sadd.s32 $0x800, s1  }
0xb6: {  	[tilespmem:s23], [sflag:$0x2] =	stream.linear.gather [hbm4b:s1+s4], $0x4000, $0x38;
	[tilespmem:$0x18D00] =	vst v63  }
0xb7: {  	v10 =	vld [tilespmem:s25+$0xFFFFFF80];
	_ =	sdelay $0x4  }
0xb8: {  	v10 =	vsub.s32 v10, v0  }
0xb9: {  	vm0 =	vlt.u32 v10, $0x1E00  }
0xba: {  	v10 =	vsel vm0, v10, v2  }
0xbb: {  	[tilespmem:$0x1800] =	vst v10  }
0xbc: {  	v10 =	vld [tilespmem:s25+$0xFFFFFF90];
	_ =	sdelay $0x4  }
0xbd: {  	v10 =	vsub.s32 v10, v0  }
0xbe: {  	vm13 =	vlt.u32 v10, $0x1E00  }
0xbf: {  	v10 =	vsel vm13, v10, v3  }
0xc0: {  	[tilespmem:$0x1810] =	vst v10  }
0xc1: {  	v10 =	vld [tilespmem:s25+$0xFFFFFFA0];
	_ =	sdelay $0x4  }
0xc2: {  	v10 =	vsub.s32 v10, v0  }
0xc3: {  	vm14 =	vlt.u32 v10, $0x1E00  }
0xc4: {  	v10 =	vsel vm14, v10, v4  }
0xc5: {  	[tilespmem:$0x1820] =	vst v10  }
0xc6: {  	v10 =	vld [tilespmem:s25+$0xFFFFFFB0];
	_ =	sdelay $0x4  }
0xc7: {  	v10 =	vsub.s32 v10, v0  }
0xc8: {  	vm15 =	vlt.u32 v10, $0x1E00  }
0xc9: {  	v10 =	vsel vm15, v10, v5  }
0xca: {  	[tilespmem:$0x1830] =	vst v10  }
0xcb: {  	v10 =	vld [tilespmem:s25+$0xFFFFFFC0];
	_ =	sdelay $0x4  }
0xcc: {  	v10 =	vsub.s32 v10, v0  }
0xcd: {  	vm4 =	vlt.u32 v10, $0x1E00  }
0xce: {  	v10 =	vsel vm4, v10, v6  }
0xcf: {  	[tilespmem:$0x1840] =	vst v10  }
0xd0: {  	v10 =	vld [tilespmem:s25+$0xFFFFFFD0];
	_ =	sdelay $0x4  }
0xd1: {  	v10 =	vsub.s32 v10, v0  }
0xd2: {  	vm5 =	vlt.u32 v10, $0x1E00  }
0xd3: {  	v10 =	vsel vm5, v10, v7  }
0xd4: {  	[tilespmem:$0x1850] =	vst v10  }
0xd5: {  	v10 =	vld [tilespmem:s25+$0xFFFFFFE0];
	_ =	sdelay $0x4  }
0xd6: {  	v10 =	vsub.s32 v10, v0  }
0xd7: {  	vm6 =	vlt.u32 v10, $0x1E00  }
0xd8: {  	v10 =	vsel vm6, v10, v8  }
0xd9: {  	[tilespmem:$0x1860] =	vst v10  }
0xda: {  	v10 =	vld [tilespmem:s25+$0xFFFFFFF0];
	_ =	sdelay $0x4  }
0xdb: {  	v10 =	vsub.s32 v10, v0  }
0xdc: {  	vm7 =	vlt.u32 v10, $0x1E00  }
0xdd: {  	v10 =	vsel vm7, v10, v9  }
0xde: {  	[tilespmem:$0x1870] =	vst v10  }
0xdf: {  	v10 =	vld [tilespmem:s25+$0x0];
	_ =	sdelay $0x4  }
0xe0: {  	v10 =	vsub.s32 v10, v0  }
0xe1: {  	vm8 =	vlt.u32 v10, $0x1E00  }
0xe2: {  	v10 =	vsel vm8, v10, v2  }
0xe3: {  	[tilespmem:$0x1880] =	vst v10  }
0xe4: {  	v10 =	vld [tilespmem:s25+$0x10];
	_ =	sdelay $0x4  }
0xe5: {  	v10 =	vsub.s32 v10, v0  }
0xe6: {  	vm9 =	vlt.u32 v10, $0x1E00  }
0xe7: {  	v10 =	vsel vm9, v10, v3  }
0xe8: {  	[tilespmem:$0x1890] =	vst v10  }
0xe9: {  	v10 =	vld [tilespmem:s25+$0x20];
	_ =	sdelay $0x4  }
0xea: {  	v10 =	vsub.s32 v10, v0  }
0xeb: {  	vm10 =	vlt.u32 v10, $0x1E00  }
0xec: {  	v10 =	vsel vm10, v10, v4  }
0xed: {  	[tilespmem:$0x18A0] =	vst v10  }
0xee: {  	v10 =	vld [tilespmem:s25+$0x30];
	_ =	sdelay $0x4  }
0xef: {  	v10 =	vsub.s32 v10, v0  }
0xf0: {  	vm11 =	vlt.u32 v10, $0x1E00  }
0xf1: {  	v10 =	vsel vm11, v10, v5  }
0xf2: {  	[tilespmem:$0x18B0] =	vst v10  }
0xf3: {  	v10 =	vld [tilespmem:s25+$0x40];
	_ =	sdelay $0x4  }
0xf4: {  	v10 =	vsub.s32 v10, v0  }
0xf5: {  	vm12 =	vlt.u32 v10, $0x1E00  }
0xf6: {  	v10 =	vsel vm12, v10, v6  }
0xf7: {  	[tilespmem:$0x18C0] =	vst v10  }
0xf8: {  	v10 =	vld [tilespmem:s25+$0x50];
	_ =	sdelay $0x4  }
0xf9: {  	v10 =	vsub.s32 v10, v0  }
0xfa: {  	vm13 =	vlt.u32 v10, $0x1E00  }
0xfb: {  	v10 =	vsel vm13, v10, v7  }
0xfc: {  	[tilespmem:$0x18D0] =	vst v10  }
0xfd: {  	v10 =	vld [tilespmem:s25+$0x60];
	_ =	sdelay $0x4  }
0xfe: {  	v10 =	vsub.s32 v10, v0  }
0xff: {  	vm14 =	vlt.u32 v10, $0x1E00  }
0x100: {  	v10 =	vsel vm14, v10, v8  }
0x101: {  	[tilespmem:$0x18E0] =	vst v10  }
0x102: {  	v10 =	vld [tilespmem:s25+$0x70];
	_ =	sdelay $0x4  }
0x103: {  	v10 =	vsub.s32 v10, v0  }
0x104: {  	vm15 =	vlt.u32 v10, $0x1E00  }
0x105: {  	v10 =	vsel vm15, v10, v9  }
0x106: {  	[tilespmem:$0x18F0] =	vst v10  }
0x107: {  	_ =	swait.ge [sflag:s24], $0x4000  }
0x108: {  	[sflag:s24] =	ssyncset.done $0x0  }
0x109: {  	[sflag:s24] =	ssyncadd.s32 $0xFFFFC000  }
0x10a: {  	[spmem:s3] =	stream.indirect.scatter.add.f32 [tilespmem:s22], [sflag:$0x3], $0x80, s26, s25, $0xb8;
	[tilespmem:$0x18D00] =	vst v63  }
0x10b: {  	_ =	swait.ge [sflag:s28], $0x4000  }
0x10c: {  	[sflag:s28] =	ssyncset.done $0x0  }
0x10d: {  	[sflag:s28] =	ssyncadd.s32 $0xFFFFC000  }
0x10e: {  	[spmem:s3] =	stream.indirect.scatter.add.f32 [tilespmem:s23], [sflag:$0x4], $0x80, s29, s25, $0xb8;
	[tilespmem:$0x18D00] =	vst v63  }
0x10f: {  	_ =	swait.ge [sflag:s30], $0x4000  }
0x110: {  	[sflag:s30] =	ssyncset.done $0x0  }
0x111: {  	[sflag:s30] =	ssyncadd.s32 $0xFFFFC000  }
0x112: {  	s2 =	simm.s32 $0x1000;
	_ =	swait.ge [sflag:s31], $0x4000  }
0x113: {  	s5 =	simm.s32 $0x2000;
	s1 =	simm.s32 $0x180;
	[sflag:s31] =	ssyncset.done $0x0  }
.LBB2_3:
0x114: {  	s12 =	sadd.s32 s2, s20  }
0x115: {  	[sflag:s31] =	ssyncadd.s32 $0xFFFFC000;
	s2 =	smov.u32 s5;
	s11 =	sadd.s32 $0x1000, s5  }
0x116: {  	[tilespmem:s22], [sflag:$0x1] =	stream.linear.gather [hbm4b:s12+s4], $0x4000, $0x38;
	[tilespmem:$0x18D00] =	vst v63  }
0x117: {  	p1 =	seq.s32 s5, $0x15000;
	s5 =	sadd.s32 $0x800, s12  }
0x118: {  	[tilespmem:s23], [sflag:$0x2] =	stream.linear.gather [hbm4b:s5+s4], $0x4000, $0x38;
	[tilespmem:$0x18D00] =	vst v63  }
0x119: {  	v10 =	vld [tilespmem:s1+$0xFFFFFF80];
	_ =	sdelay $0x4  }
0x11a: {  	v10 =	vsub.s32 v10, v0  }
0x11b: {  	vm0 =	vlt.u32 v10, $0x1E00  }
0x11c: {  	v10 =	vsel vm0, v10, v2  }
0x11d: {  	[tilespmem:$0x1800] =	vst v10  }
0x11e: {  	v10 =	vld [tilespmem:s1+$0xFFFFFF90];
	_ =	sdelay $0x4  }
0x11f: {  	v10 =	vsub.s32 v10, v0  }
0x120: {  	vm0 =	vlt.u32 v10, $0x1E00  }
0x121: {  	v10 =	vsel vm0, v10, v3  }
0x122: {  	[tilespmem:$0x1810] =	vst v10  }
0x123: {  	v10 =	vld [tilespmem:s1+$0xFFFFFFA0];
	_ =	sdelay $0x4  }
0x124: {  	v10 =	vsub.s32 v10, v0  }
0x125: {  	vm0 =	vlt.u32 v10, $0x1E00  }
0x126: {  	v10 =	vsel vm0, v10, v4  }
0x127: {  	[tilespmem:$0x1820] =	vst v10  }
0x128: {  	v10 =	vld [tilespmem:s1+$0xFFFFFFB0];
	_ =	sdelay $0x4  }
0x129: {  	v10 =	vsub.s32 v10, v0  }
0x12a: {  	vm0 =	vlt.u32 v10, $0x1E00  }
0x12b: {  	v10 =	vsel vm0, v10, v5  }
0x12c: {  	[tilespmem:$0x1830] =	vst v10  }
0x12d: {  	v10 =	vld [tilespmem:s1+$0xFFFFFFC0];
	_ =	sdelay $0x4  }
0x12e: {  	v10 =	vsub.s32 v10, v0  }
0x12f: {  	vm0 =	vlt.u32 v10, $0x1E00  }
0x130: {  	v10 =	vsel vm0, v10, v6  }
0x131: {  	[tilespmem:$0x1840] =	vst v10  }
0x132: {  	v10 =	vld [tilespmem:s1+$0xFFFFFFD0];
	_ =	sdelay $0x4  }
0x133: {  	v10 =	vsub.s32 v10, v0  }
0x134: {  	vm0 =	vlt.u32 v10, $0x1E00  }
0x135: {  	v10 =	vsel vm0, v10, v7  }
0x136: {  	[tilespmem:$0x1850] =	vst v10  }
0x137: {  	v10 =	vld [tilespmem:s1+$0xFFFFFFE0];
	_ =	sdelay $0x4  }
0x138: {  	v10 =	vsub.s32 v10, v0  }
0x139: {  	vm0 =	vlt.u32 v10, $0x1E00  }
0x13a: {  	v10 =	vsel vm0, v10, v8  }
0x13b: {  	[tilespmem:$0x1860] =	vst v10  }
0x13c: {  	v10 =	vld [tilespmem:s1+$0xFFFFFFF0];
	_ =	sdelay $0x4  }
0x13d: {  	v10 =	vsub.s32 v10, v0  }
0x13e: {  	vm0 =	vlt.u32 v10, $0x1E00  }
0x13f: {  	v10 =	vsel vm0, v10, v9  }
0x140: {  	[tilespmem:$0x1870] =	vst v10  }
0x141: {  	v10 =	vld [tilespmem:s1+$0x0];
	_ =	sdelay $0x4  }
0x142: {  	v10 =	vsub.s32 v10, v0  }
0x143: {  	vm0 =	vlt.u32 v10, $0x1E00  }
0x144: {  	v10 =	vsel vm0, v10, v2  }
0x145: {  	[tilespmem:$0x1880] =	vst v10  }
0x146: {  	v10 =	vld [tilespmem:s1+$0x10];
	_ =	sdelay $0x4  }
0x147: {  	v10 =	vsub.s32 v10, v0  }
0x148: {  	vm0 =	vlt.u32 v10, $0x1E00  }
0x149: {  	v10 =	vsel vm0, v10, v3  }
0x14a: {  	[tilespmem:$0x1890] =	vst v10  }
0x14b: {  	v10 =	vld [tilespmem:s1+$0x20];
	_ =	sdelay $0x4  }
0x14c: {  	v10 =	vsub.s32 v10, v0  }
0x14d: {  	vm0 =	vlt.u32 v10, $0x1E00  }
0x14e: {  	v10 =	vsel vm0, v10, v4  }
0x14f: {  	[tilespmem:$0x18A0] =	vst v10  }
0x150: {  	v10 =	vld [tilespmem:s1+$0x30];
	_ =	sdelay $0x4  }
0x151: {  	v10 =	vsub.s32 v10, v0  }
0x152: {  	vm0 =	vlt.u32 v10, $0x1E00  }
0x153: {  	v10 =	vsel vm0, v10, v5  }
0x154: {  	[tilespmem:$0x18B0] =	vst v10  }
0x155: {  	v10 =	vld [tilespmem:s1+$0x40];
	_ =	sdelay $0x4  }
0x156: {  	v10 =	vsub.s32 v10, v0  }
0x157: {  	vm0 =	vlt.u32 v10, $0x1E00  }
0x158: {  	v10 =	vsel vm0, v10, v6  }
0x159: {  	[tilespmem:$0x18C0] =	vst v10  }
0x15a: {  	v10 =	vld [tilespmem:s1+$0x50];
	_ =	sdelay $0x4  }
0x15b: {  	v10 =	vsub.s32 v10, v0  }
0x15c: {  	vm0 =	vlt.u32 v10, $0x1E00  }
0x15d: {  	v10 =	vsel vm0, v10, v7  }
0x15e: {  	[tilespmem:$0x18D0] =	vst v10  }
0x15f: {  	v10 =	vld [tilespmem:s1+$0x60];
	_ =	sdelay $0x4  }
0x160: {  	v10 =	vsub.s32 v10, v0  }
0x161: {  	vm0 =	vlt.u32 v10, $0x1E00  }
0x162: {  	v10 =	vsel vm0, v10, v8  }
0x163: {  	[tilespmem:$0x18E0] =	vst v10  }
0x164: {  	v10 =	vld [tilespmem:s1+$0x70];
	_ =	sdelay $0x4  }
0x165: {  	v10 =	vsub.s32 v10, v0  }
0x166: {  	vm0 =	vlt.u32 v10, $0x1E00  }
0x167: {  	v10 =	vsel vm0, v10, v9  }
0x168: {  	[tilespmem:$0x18F0] =	vst v10  }
0x169: {  	_ =	swait.ge [sflag:s24], $0x4000  }
0x16a: {  	[sflag:s24] =	ssyncset.done $0x0  }
0x16b: {  	[sflag:s24] =	ssyncadd.s32 $0xFFFFC000  }
0x16c: {  	[spmem:s3] =	stream.indirect.scatter.add.f32 [tilespmem:s22], [sflag:$0x3], $0x80, s26, s25, $0xb8;
	[tilespmem:$0x18D00] =	vst v63  }
0x16d: {  	_ =	swait.ge [sflag:s28], $0x4000  }
0x16e: {  	[sflag:s28] =	ssyncset.done $0x0  }
0x16f: {  	[sflag:s28] =	ssyncadd.s32 $0xFFFFC000  }
0x170: {  	[spmem:s3] =	stream.indirect.scatter.add.f32 [tilespmem:s23], [sflag:$0x4], $0x80, s29, s25, $0xb8;
	[tilespmem:$0x18D00] =	vst v63  }
.Ltmp3:
0x171: {  	_ =	swait.ge [sflag:s30], $0x4000;
	(pc) =	sbr.rel @!p1 .LBB2_3-.Ltmp3, $4  }
0x172: {  	[sflag:s30] =	ssyncset.done $0x0  }
0x173: {  	[sflag:s30] =	ssyncadd.s32 $0xFFFFC000  }
0x174: {  	_ =	swait.ge [sflag:s31], $0x4000  }
0x175: {  	s5 =	smov.u32 s11;
	s1 =	sadd.s32 $0x100, s1;
	[sflag:s31] =	ssyncset.done $0x0  }
0x176: {  	s2 =	sadd.s32 s2, s20;
	[sflag:s31] =	ssyncadd.s32 $0xFFFFC000  }
0x177: {  	[tilespmem:s22], [sflag:$0x1] =	stream.linear.gather [hbm4b:s2+s4], $0x4000, $0x38;
	[tilespmem:$0x18D00] =	vst v63  }
0x178: {  	s2 =	sadd.s32 $0x800, s2  }
0x179: {  	[tilespmem:s23], [sflag:$0x2] =	stream.linear.gather [hbm4b:s2+s4], $0x4000, $0x38;
	[tilespmem:$0x18D00] =	vst v63  }
0x17a: {  	v10 =	vld [tilespmem:s1+$0xFFFFFF80];
	_ =	sdelay $0x4  }
0x17b: {  	v10 =	vsub.s32 v10, v0  }
0x17c: {  	vm0 =	vlt.u32 v10, $0x1E00  }
0x17d: {  	v10 =	vsel vm0, v10, v2  }
0x17e: {  	[tilespmem:$0x1800] =	vst v10  }
0x17f: {  	v10 =	vld [tilespmem:s1+$0xFFFFFF90];
	_ =	sdelay $0x4  }
0x180: {  	v10 =	vsub.s32 v10, v0  }
0x181: {  	vm13 =	vlt.u32 v10, $0x1E00  }
0x182: {  	v10 =	vsel vm13, v10, v3  }
0x183: {  	[tilespmem:$0x1810] =	vst v10  }
0x184: {  	v10 =	vld [tilespmem:s1+$0xFFFFFFA0];
	_ =	sdelay $0x4  }
0x185: {  	v10 =	vsub.s32 v10, v0  }
0x186: {  	vm14 =	vlt.u32 v10, $0x1E00  }
0x187: {  	v10 =	vsel vm14, v10, v4  }
0x188: {  	[tilespmem:$0x1820] =	vst v10  }
0x189: {  	v10 =	vld [tilespmem:s1+$0xFFFFFFB0];
	_ =	sdelay $0x4  }
0x18a: {  	v10 =	vsub.s32 v10, v0  }
0x18b: {  	vm15 =	vlt.u32 v10, $0x1E00  }
0x18c: {  	v10 =	vsel vm15, v10, v5  }
0x18d: {  	[tilespmem:$0x1830] =	vst v10  }
0x18e: {  	v10 =	vld [tilespmem:s1+$0xFFFFFFC0];
	_ =	sdelay $0x4  }
0x18f: {  	v10 =	vsub.s32 v10, v0  }
0x190: {  	vm4 =	vlt.u32 v10, $0x1E00  }
0x191: {  	v10 =	vsel vm4, v10, v6  }
0x192: {  	[tilespmem:$0x1840] =	vst v10  }
0x193: {  	v10 =	vld [tilespmem:s1+$0xFFFFFFD0];
	_ =	sdelay $0x4  }
0x194: {  	v10 =	vsub.s32 v10, v0  }
0x195: {  	vm5 =	vlt.u32 v10, $0x1E00  }
0x196: {  	v10 =	vsel vm5, v10, v7  }
0x197: {  	[tilespmem:$0x1850] =	vst v10  }
0x198: {  	v10 =	vld [tilespmem:s1+$0xFFFFFFE0];
	_ =	sdelay $0x4  }
0x199: {  	v10 =	vsub.s32 v10, v0  }
0x19a: {  	vm6 =	vlt.u32 v10, $0x1E00  }
0x19b: {  	v10 =	vsel vm6, v10, v8  }
0x19c: {  	[tilespmem:$0x1860] =	vst v10  }
0x19d: {  	v10 =	vld [tilespmem:s1+$0xFFFFFFF0];
	_ =	sdelay $0x4  }
0x19e: {  	v10 =	vsub.s32 v10, v0  }
0x19f: {  	vm7 =	vlt.u32 v10, $0x1E00  }
0x1a0: {  	v10 =	vsel vm7, v10, v9  }
0x1a1: {  	[tilespmem:$0x1870] =	vst v10  }
0x1a2: {  	v10 =	vld [tilespmem:s1+$0x0];
	_ =	sdelay $0x4  }
0x1a3: {  	v10 =	vsub.s32 v10, v0  }
0x1a4: {  	vm8 =	vlt.u32 v10, $0x1E00  }
0x1a5: {  	v10 =	vsel vm8, v10, v2  }
0x1a6: {  	[tilespmem:$0x1880] =	vst v10  }
0x1a7: {  	v10 =	vld [tilespmem:s1+$0x10];
	_ =	sdelay $0x4  }
0x1a8: {  	v10 =	vsub.s32 v10, v0  }
0x1a9: {  	vm9 =	vlt.u32 v10, $0x1E00  }
0x1aa: {  	v10 =	vsel vm9, v10, v3  }
0x1ab: {  	[tilespmem:$0x1890] =	vst v10  }
0x1ac: {  	v10 =	vld [tilespmem:s1+$0x20];
	_ =	sdelay $0x4  }
0x1ad: {  	v10 =	vsub.s32 v10, v0  }
0x1ae: {  	vm10 =	vlt.u32 v10, $0x1E00  }
0x1af: {  	v10 =	vsel vm10, v10, v4  }
0x1b0: {  	[tilespmem:$0x18A0] =	vst v10  }
0x1b1: {  	v10 =	vld [tilespmem:s1+$0x30];
	_ =	sdelay $0x4  }
0x1b2: {  	v10 =	vsub.s32 v10, v0  }
0x1b3: {  	vm11 =	vlt.u32 v10, $0x1E00  }
0x1b4: {  	v10 =	vsel vm11, v10, v5  }
0x1b5: {  	[tilespmem:$0x18B0] =	vst v10  }
0x1b6: {  	v10 =	vld [tilespmem:s1+$0x40];
	_ =	sdelay $0x4  }
0x1b7: {  	v10 =	vsub.s32 v10, v0  }
0x1b8: {  	vm12 =	vlt.u32 v10, $0x1E00  }
0x1b9: {  	v10 =	vsel vm12, v10, v6  }
0x1ba: {  	[tilespmem:$0x18C0] =	vst v10  }
0x1bb: {  	v10 =	vld [tilespmem:s1+$0x50];
	_ =	sdelay $0x4  }
0x1bc: {  	v10 =	vsub.s32 v10, v0  }
0x1bd: {  	vm13 =	vlt.u32 v10, $0x1E00  }
0x1be: {  	v10 =	vsel vm13, v10, v7  }
0x1bf: {  	[tilespmem:$0x18D0] =	vst v10  }
0x1c0: {  	v10 =	vld [tilespmem:s1+$0x60];
	_ =	sdelay $0x4  }
0x1c1: {  	v10 =	vsub.s32 v10, v0  }
0x1c2: {  	vm14 =	vlt.u32 v10, $0x1E00  }
0x1c3: {  	v10 =	vsel vm14, v10, v8  }
0x1c4: {  	[tilespmem:$0x18E0] =	vst v10  }
0x1c5: {  	v10 =	vld [tilespmem:s1+$0x70];
	_ =	sdelay $0x4  }
0x1c6: {  	v10 =	vsub.s32 v10, v0  }
0x1c7: {  	vm15 =	vlt.u32 v10, $0x1E00  }
0x1c8: {  	v10 =	vsel vm15, v10, v9  }
0x1c9: {  	[tilespmem:$0x18F0] =	vst v10  }
0x1ca: {  	_ =	swait.ge [sflag:s24], $0x4000  }
0x1cb: {  	[sflag:s24] =	ssyncset.done $0x0  }
0x1cc: {  	[sflag:s24] =	ssyncadd.s32 $0xFFFFC000  }
0x1cd: {  	[spmem:s3] =	stream.indirect.scatter.add.f32 [tilespmem:s22], [sflag:$0x3], $0x80, s26, s25, $0xb8;
	[tilespmem:$0x18D00] =	vst v63  }
0x1ce: {  	_ =	swait.ge [sflag:s28], $0x4000  }
0x1cf: {  	[sflag:s28] =	ssyncset.done $0x0  }
0x1d0: {  	[sflag:s28] =	ssyncadd.s32 $0xFFFFC000  }
0x1d1: {  	[spmem:s3] =	stream.indirect.scatter.add.f32 [tilespmem:s23], [sflag:$0x4], $0x80, s29, s25, $0xb8;
	[tilespmem:$0x18D00] =	vst v63  }
0x1d2: {  	_ =	swait.ge [sflag:s30], $0x4000  }
.Ltmp4:
0x1d3: {  	[sflag:s30] =	ssyncset.done $0x0;
	(pc) =	sbr.rel .LBB2_8-.Ltmp4, $4  }
0x1d4: {  	[sflag:s30] =	ssyncadd.s32 $0xFFFFC000  }
0x1d5: {  	_ =	swait.ge [sflag:s31], $0x4000  }
0x1d6: {  	[sflag:s31] =	ssyncset.done $0x0  }
0x1d7: {  	[sflag:s31] =	ssyncadd.s32 $0xFFFFC000  }
.LBB2_5:
0x1d8: {  	s1 =	sadd.s32 $0x0, s19  }
0x1d9: {  	[tilespmem:s22], [sflag:$0x1] =	stream.linear.gather [hbm4b:s1+s4], $0x4000, $0x38;
	[tilespmem:$0x18D00] =	vst v63  }
0x1da: {  	s1 =	sadd.s32 $0x800, s1  }
0x1db: {  	[tilespmem:s23], [sflag:$0x2] =	stream.linear.gather [hbm4b:s1+s4], $0x4000, $0x38;
	[tilespmem:$0x18D00] =	vst v63  }
0x1dc: {  	v10 =	vld [tilespmem:s25+$0xFFFFFF80];
	_ =	sdelay $0x4  }
0x1dd: {  	v10 =	vsub.s32 v10, v0  }
0x1de: {  	vm0 =	vlt.u32 v10, $0x1E00  }
0x1df: {  	v10 =	vsel vm0, v10, v2  }
0x1e0: {  	[tilespmem:$0x1800] =	vst v10  }
0x1e1: {  	v10 =	vld [tilespmem:s25+$0xFFFFFF90];
	_ =	sdelay $0x4  }
0x1e2: {  	v10 =	vsub.s32 v10, v0  }
0x1e3: {  	vm13 =	vlt.u32 v10, $0x1E00  }
0x1e4: {  	v10 =	vsel vm13, v10, v3  }
0x1e5: {  	[tilespmem:$0x1810] =	vst v10  }
0x1e6: {  	v10 =	vld [tilespmem:s25+$0xFFFFFFA0];
	_ =	sdelay $0x4  }
0x1e7: {  	v10 =	vsub.s32 v10, v0  }
0x1e8: {  	vm14 =	vlt.u32 v10, $0x1E00  }
0x1e9: {  	v10 =	vsel vm14, v10, v4  }
0x1ea: {  	[tilespmem:$0x1820] =	vst v10  }
0x1eb: {  	v10 =	vld [tilespmem:s25+$0xFFFFFFB0];
	_ =	sdelay $0x4  }
0x1ec: {  	v10 =	vsub.s32 v10, v0  }
0x1ed: {  	vm15 =	vlt.u32 v10, $0x1E00  }
0x1ee: {  	v10 =	vsel vm15, v10, v5  }
0x1ef: {  	[tilespmem:$0x1830] =	vst v10  }
0x1f0: {  	v10 =	vld [tilespmem:s25+$0xFFFFFFC0];
	_ =	sdelay $0x4  }
0x1f1: {  	v10 =	vsub.s32 v10, v0  }
0x1f2: {  	vm4 =	vlt.u32 v10, $0x1E00  }
0x1f3: {  	v10 =	vsel vm4, v10, v6  }
0x1f4: {  	[tilespmem:$0x1840] =	vst v10  }
0x1f5: {  	v10 =	vld [tilespmem:s25+$0xFFFFFFD0];
	_ =	sdelay $0x4  }
0x1f6: {  	v10 =	vsub.s32 v10, v0  }
0x1f7: {  	vm5 =	vlt.u32 v10, $0x1E00  }
0x1f8: {  	v10 =	vsel vm5, v10, v7  }
0x1f9: {  	[tilespmem:$0x1850] =	vst v10  }
0x1fa: {  	v10 =	vld [tilespmem:s25+$0xFFFFFFE0];
	_ =	sdelay $0x4  }
0x1fb: {  	v10 =	vsub.s32 v10, v0  }
0x1fc: {  	vm6 =	vlt.u32 v10, $0x1E00  }
0x1fd: {  	v10 =	vsel vm6, v10, v8  }
0x1fe: {  	[tilespmem:$0x1860] =	vst v10  }
0x1ff: {  	v10 =	vld [tilespmem:s25+$0xFFFFFFF0];
	_ =	sdelay $0x4  }
0x200: {  	v10 =	vsub.s32 v10, v0  }
0x201: {  	vm7 =	vlt.u32 v10, $0x1E00  }
0x202: {  	v10 =	vsel vm7, v10, v9  }
0x203: {  	[tilespmem:$0x1870] =	vst v10  }
0x204: {  	v10 =	vld [tilespmem:s25+$0x0];
	_ =	sdelay $0x4  }
0x205: {  	v10 =	vsub.s32 v10, v0  }
0x206: {  	vm8 =	vlt.u32 v10, $0x1E00  }
0x207: {  	v10 =	vsel vm8, v10, v2  }
0x208: {  	[tilespmem:$0x1880] =	vst v10  }
0x209: {  	v10 =	vld [tilespmem:s25+$0x10];
	_ =	sdelay $0x4  }
0x20a: {  	v10 =	vsub.s32 v10, v0  }
0x20b: {  	vm9 =	vlt.u32 v10, $0x1E00  }
0x20c: {  	v10 =	vsel vm9, v10, v3  }
0x20d: {  	[tilespmem:$0x1890] =	vst v10  }
0x20e: {  	v10 =	vld [tilespmem:s25+$0x20];
	_ =	sdelay $0x4  }
0x20f: {  	v10 =	vsub.s32 v10, v0  }
0x210: {  	vm10 =	vlt.u32 v10, $0x1E00  }
0x211: {  	v10 =	vsel vm10, v10, v4  }
0x212: {  	[tilespmem:$0x18A0] =	vst v10  }
0x213: {  	v10 =	vld [tilespmem:s25+$0x30];
	_ =	sdelay $0x4  }
0x214: {  	v10 =	vsub.s32 v10, v0  }
0x215: {  	vm11 =	vlt.u32 v10, $0x1E00  }
0x216: {  	v10 =	vsel vm11, v10, v5  }
0x217: {  	[tilespmem:$0x18B0] =	vst v10  }
0x218: {  	v10 =	vld [tilespmem:s25+$0x40];
	_ =	sdelay $0x4  }
0x219: {  	v10 =	vsub.s32 v10, v0  }
0x21a: {  	vm12 =	vlt.u32 v10, $0x1E00  }
0x21b: {  	v10 =	vsel vm12, v10, v6  }
0x21c: {  	[tilespmem:$0x18C0] =	vst v10  }
0x21d: {  	v10 =	vld [tilespmem:s25+$0x50];
	_ =	sdelay $0x4  }
0x21e: {  	v10 =	vsub.s32 v10, v0  }
0x21f: {  	vm13 =	vlt.u32 v10, $0x1E00  }
0x220: {  	v10 =	vsel vm13, v10, v7  }
0x221: {  	[tilespmem:$0x18D0] =	vst v10  }
0x222: {  	v10 =	vld [tilespmem:s25+$0x60];
	_ =	sdelay $0x4  }
0x223: {  	v10 =	vsub.s32 v10, v0  }
0x224: {  	vm14 =	vlt.u32 v10, $0x1E00  }
0x225: {  	v10 =	vsel vm14, v10, v8  }
0x226: {  	[tilespmem:$0x18E0] =	vst v10  }
0x227: {  	v10 =	vld [tilespmem:s25+$0x70];
	_ =	sdelay $0x4  }
0x228: {  	v10 =	vsub.s32 v10, v0  }
0x229: {  	vm15 =	vlt.u32 v10, $0x1E00  }
0x22a: {  	v10 =	vsel vm15, v10, v9  }
0x22b: {  	[tilespmem:$0x18F0] =	vst v10  }
0x22c: {  	_ =	swait.ge [sflag:s24], $0x4000  }
0x22d: {  	[sflag:s24] =	ssyncset.done $0x0  }
0x22e: {  	[sflag:s24] =	ssyncadd.s32 $0xFFFFC000  }
0x22f: {  	[spmem:s3] =	stream.indirect.scatter.add.f32 [tilespmem:s22], [sflag:$0x3], $0x80, s26, s25, $0xb8;
	[tilespmem:$0x18D00] =	vst v63  }
0x230: {  	_ =	swait.ge [sflag:s28], $0x4000  }
0x231: {  	[sflag:s28] =	ssyncset.done $0x0  }
0x232: {  	[sflag:s28] =	ssyncadd.s32 $0xFFFFC000  }
0x233: {  	[spmem:s3] =	stream.indirect.scatter.add.f32 [tilespmem:s23], [sflag:$0x4], $0x80, s29, s25, $0xb8;
	[tilespmem:$0x18D00] =	vst v63  }
0x234: {  	_ =	swait.ge [sflag:s30], $0x4000  }
0x235: {  	[sflag:s30] =	ssyncset.done $0x0  }
0x236: {  	[sflag:s30] =	ssyncadd.s32 $0xFFFFC000  }
0x237: {  	s2 =	simm.s32 $0x1000;
	_ =	swait.ge [sflag:s31], $0x4000  }
0x238: {  	s11 =	simm.s32 $0x2000;
	s1 =	simm.s32 $0x180;
	[sflag:s31] =	ssyncset.done $0x0  }
.LBB2_6:
0x239: {  	s12 =	sadd.s32 s2, s19  }
0x23a: {  	[sflag:s31] =	ssyncadd.s32 $0xFFFFC000;
	s2 =	smov.u32 s11;
	s5 =	sadd.s32 $0x1000, s11  }
0x23b: {  	[tilespmem:s22], [sflag:$0x1] =	stream.linear.gather [hbm4b:s12+s4], $0x4000, $0x38;
	[tilespmem:$0x18D00] =	vst v63  }
0x23c: {  	p1 =	sne.s32 s11, $0x15000;
	s11 =	sadd.s32 $0x800, s12  }
0x23d: {  	[tilespmem:s23], [sflag:$0x2] =	stream.linear.gather [hbm4b:s11+s4], $0x4000, $0x38;
	[tilespmem:$0x18D00] =	vst v63  }
0x23e: {  	v10 =	vld [tilespmem:s1+$0xFFFFFF80];
	_ =	sdelay $0x4  }
0x23f: {  	v10 =	vsub.s32 v10, v0  }
0x240: {  	vm0 =	vlt.u32 v10, $0x1E00  }
0x241: {  	v10 =	vsel vm0, v10, v2  }
0x242: {  	[tilespmem:$0x1800] =	vst v10  }
0x243: {  	v10 =	vld [tilespmem:s1+$0xFFFFFF90];
	_ =	sdelay $0x4  }
0x244: {  	v10 =	vsub.s32 v10, v0  }
0x245: {  	vm0 =	vlt.u32 v10, $0x1E00  }
0x246: {  	v10 =	vsel vm0, v10, v3  }
0x247: {  	[tilespmem:$0x1810] =	vst v10  }
0x248: {  	v10 =	vld [tilespmem:s1+$0xFFFFFFA0];
	_ =	sdelay $0x4  }
0x249: {  	v10 =	vsub.s32 v10, v0  }
0x24a: {  	vm0 =	vlt.u32 v10, $0x1E00  }
0x24b: {  	v10 =	vsel vm0, v10, v4  }
0x24c: {  	[tilespmem:$0x1820] =	vst v10  }
0x24d: {  	v10 =	vld [tilespmem:s1+$0xFFFFFFB0];
	_ =	sdelay $0x4  }
0x24e: {  	v10 =	vsub.s32 v10, v0  }
0x24f: {  	vm0 =	vlt.u32 v10, $0x1E00  }
0x250: {  	v10 =	vsel vm0, v10, v5  }
0x251: {  	[tilespmem:$0x1830] =	vst v10  }
0x252: {  	v10 =	vld [tilespmem:s1+$0xFFFFFFC0];
	_ =	sdelay $0x4  }
0x253: {  	v10 =	vsub.s32 v10, v0  }
0x254: {  	vm0 =	vlt.u32 v10, $0x1E00  }
0x255: {  	v10 =	vsel vm0, v10, v6  }
0x256: {  	[tilespmem:$0x1840] =	vst v10  }
0x257: {  	v10 =	vld [tilespmem:s1+$0xFFFFFFD0];
	_ =	sdelay $0x4  }
0x258: {  	v10 =	vsub.s32 v10, v0  }
0x259: {  	vm0 =	vlt.u32 v10, $0x1E00  }
0x25a: {  	v10 =	vsel vm0, v10, v7  }
0x25b: {  	[tilespmem:$0x1850] =	vst v10  }
0x25c: {  	v10 =	vld [tilespmem:s1+$0xFFFFFFE0];
	_ =	sdelay $0x4  }
0x25d: {  	v10 =	vsub.s32 v10, v0  }
0x25e: {  	vm0 =	vlt.u32 v10, $0x1E00  }
0x25f: {  	v10 =	vsel vm0, v10, v8  }
0x260: {  	[tilespmem:$0x1860] =	vst v10  }
0x261: {  	v10 =	vld [tilespmem:s1+$0xFFFFFFF0];
	_ =	sdelay $0x4  }
0x262: {  	v10 =	vsub.s32 v10, v0  }
0x263: {  	vm0 =	vlt.u32 v10, $0x1E00  }
0x264: {  	v10 =	vsel vm0, v10, v9  }
0x265: {  	[tilespmem:$0x1870] =	vst v10  }
0x266: {  	v10 =	vld [tilespmem:s1+$0x0];
	_ =	sdelay $0x4  }
0x267: {  	v10 =	vsub.s32 v10, v0  }
0x268: {  	vm0 =	vlt.u32 v10, $0x1E00  }
0x269: {  	v10 =	vsel vm0, v10, v2  }
0x26a: {  	[tilespmem:$0x1880] =	vst v10  }
0x26b: {  	v10 =	vld [tilespmem:s1+$0x10];
	_ =	sdelay $0x4  }
0x26c: {  	v10 =	vsub.s32 v10, v0  }
0x26d: {  	vm0 =	vlt.u32 v10, $0x1E00  }
0x26e: {  	v10 =	vsel vm0, v10, v3  }
0x26f: {  	[tilespmem:$0x1890] =	vst v10  }
0x270: {  	v10 =	vld [tilespmem:s1+$0x20];
	_ =	sdelay $0x4  }
0x271: {  	v10 =	vsub.s32 v10, v0  }
0x272: {  	vm0 =	vlt.u32 v10, $0x1E00  }
0x273: {  	v10 =	vsel vm0, v10, v4  }
0x274: {  	[tilespmem:$0x18A0] =	vst v10  }
0x275: {  	v10 =	vld [tilespmem:s1+$0x30];
	_ =	sdelay $0x4  }
0x276: {  	v10 =	vsub.s32 v10, v0  }
0x277: {  	vm0 =	vlt.u32 v10, $0x1E00  }
0x278: {  	v10 =	vsel vm0, v10, v5  }
0x279: {  	[tilespmem:$0x18B0] =	vst v10  }
0x27a: {  	v10 =	vld [tilespmem:s1+$0x40];
	_ =	sdelay $0x4  }
0x27b: {  	v10 =	vsub.s32 v10, v0  }
0x27c: {  	vm0 =	vlt.u32 v10, $0x1E00  }
0x27d: {  	v10 =	vsel vm0, v10, v6  }
0x27e: {  	[tilespmem:$0x18C0] =	vst v10  }
0x27f: {  	v10 =	vld [tilespmem:s1+$0x50];
	_ =	sdelay $0x4  }
0x280: {  	v10 =	vsub.s32 v10, v0  }
0x281: {  	vm0 =	vlt.u32 v10, $0x1E00  }
0x282: {  	v10 =	vsel vm0, v10, v7  }
0x283: {  	[tilespmem:$0x18D0] =	vst v10  }
0x284: {  	v10 =	vld [tilespmem:s1+$0x60];
	_ =	sdelay $0x4  }
0x285: {  	v10 =	vsub.s32 v10, v0  }
0x286: {  	vm0 =	vlt.u32 v10, $0x1E00  }
0x287: {  	v10 =	vsel vm0, v10, v8  }
0x288: {  	[tilespmem:$0x18E0] =	vst v10  }
0x289: {  	v10 =	vld [tilespmem:s1+$0x70];
	_ =	sdelay $0x4  }
0x28a: {  	v10 =	vsub.s32 v10, v0  }
0x28b: {  	vm0 =	vlt.u32 v10, $0x1E00  }
0x28c: {  	v10 =	vsel vm0, v10, v9  }
0x28d: {  	[tilespmem:$0x18F0] =	vst v10  }
0x28e: {  	_ =	swait.ge [sflag:s24], $0x4000  }
0x28f: {  	[sflag:s24] =	ssyncset.done $0x0  }
0x290: {  	[sflag:s24] =	ssyncadd.s32 $0xFFFFC000  }
0x291: {  	[spmem:s3] =	stream.indirect.scatter.add.f32 [tilespmem:s22], [sflag:$0x3], $0x80, s26, s25, $0xb8;
	[tilespmem:$0x18D00] =	vst v63  }
0x292: {  	_ =	swait.ge [sflag:s28], $0x4000  }
0x293: {  	[sflag:s28] =	ssyncset.done $0x0  }
0x294: {  	[sflag:s28] =	ssyncadd.s32 $0xFFFFC000  }
0x295: {  	[spmem:s3] =	stream.indirect.scatter.add.f32 [tilespmem:s23], [sflag:$0x4], $0x80, s29, s25, $0xb8;
	[tilespmem:$0x18D00] =	vst v63  }
.Ltmp5:
0x296: {  	_ =	swait.ge [sflag:s30], $0x4000;
	(pc) =	sbr.rel @p1 .LBB2_6-.Ltmp5, $4  }
0x297: {  	[sflag:s30] =	ssyncset.done $0x0  }
0x298: {  	[sflag:s30] =	ssyncadd.s32 $0xFFFFC000  }
0x299: {  	_ =	swait.ge [sflag:s31], $0x4000  }
0x29a: {  	s11 =	smov.u32 s5;
	s1 =	sadd.s32 $0x100, s1;
	[sflag:s31] =	ssyncset.done $0x0  }
0x29b: {  	s2 =	sadd.s32 s2, s19;
	[sflag:s31] =	ssyncadd.s32 $0xFFFFC000  }
0x29c: {  	[tilespmem:s22], [sflag:$0x1] =	stream.linear.gather [hbm4b:s2+s4], $0x4000, $0x38;
	[tilespmem:$0x18D00] =	vst v63  }
0x29d: {  	s2 =	sadd.s32 $0x800, s2  }
0x29e: {  	[tilespmem:s23], [sflag:$0x2] =	stream.linear.gather [hbm4b:s2+s4], $0x4000, $0x38;
	[tilespmem:$0x18D00] =	vst v63  }
0x29f: {  	v10 =	vld [tilespmem:s1+$0xFFFFFF80];
	_ =	sdelay $0x4  }
0x2a0: {  	v10 =	vsub.s32 v10, v0  }
0x2a1: {  	vm0 =	vlt.u32 v10, $0x1E00  }
0x2a2: {  	v10 =	vsel vm0, v10, v2  }
0x2a3: {  	[tilespmem:$0x1800] =	vst v10  }
0x2a4: {  	v10 =	vld [tilespmem:s1+$0xFFFFFF90];
	_ =	sdelay $0x4  }
0x2a5: {  	v10 =	vsub.s32 v10, v0  }
0x2a6: {  	vm13 =	vlt.u32 v10, $0x1E00  }
0x2a7: {  	v10 =	vsel vm13, v10, v3  }
0x2a8: {  	[tilespmem:$0x1810] =	vst v10  }
0x2a9: {  	v10 =	vld [tilespmem:s1+$0xFFFFFFA0];
	_ =	sdelay $0x4  }
0x2aa: {  	v10 =	vsub.s32 v10, v0  }
0x2ab: {  	vm14 =	vlt.u32 v10, $0x1E00  }
0x2ac: {  	v10 =	vsel vm14, v10, v4  }
0x2ad: {  	[tilespmem:$0x1820] =	vst v10  }
0x2ae: {  	v10 =	vld [tilespmem:s1+$0xFFFFFFB0];
	_ =	sdelay $0x4  }
0x2af: {  	v10 =	vsub.s32 v10, v0  }
0x2b0: {  	vm15 =	vlt.u32 v10, $0x1E00  }
0x2b1: {  	v10 =	vsel vm15, v10, v5  }
0x2b2: {  	[tilespmem:$0x1830] =	vst v10  }
0x2b3: {  	v10 =	vld [tilespmem:s1+$0xFFFFFFC0];
	_ =	sdelay $0x4  }
0x2b4: {  	v10 =	vsub.s32 v10, v0  }
0x2b5: {  	vm4 =	vlt.u32 v10, $0x1E00  }
0x2b6: {  	v10 =	vsel vm4, v10, v6  }
0x2b7: {  	[tilespmem:$0x1840] =	vst v10  }
0x2b8: {  	v10 =	vld [tilespmem:s1+$0xFFFFFFD0];
	_ =	sdelay $0x4  }
0x2b9: {  	v10 =	vsub.s32 v10, v0  }
0x2ba: {  	vm5 =	vlt.u32 v10, $0x1E00  }
0x2bb: {  	v10 =	vsel vm5, v10, v7  }
0x2bc: {  	[tilespmem:$0x1850] =	vst v10  }
0x2bd: {  	v10 =	vld [tilespmem:s1+$0xFFFFFFE0];
	_ =	sdelay $0x4  }
0x2be: {  	v10 =	vsub.s32 v10, v0  }
0x2bf: {  	vm6 =	vlt.u32 v10, $0x1E00  }
0x2c0: {  	v10 =	vsel vm6, v10, v8  }
0x2c1: {  	[tilespmem:$0x1860] =	vst v10  }
0x2c2: {  	v10 =	vld [tilespmem:s1+$0xFFFFFFF0];
	_ =	sdelay $0x4  }
0x2c3: {  	v10 =	vsub.s32 v10, v0  }
0x2c4: {  	vm7 =	vlt.u32 v10, $0x1E00  }
0x2c5: {  	v10 =	vsel vm7, v10, v9  }
0x2c6: {  	[tilespmem:$0x1870] =	vst v10  }
0x2c7: {  	v10 =	vld [tilespmem:s1+$0x0];
	_ =	sdelay $0x4  }
0x2c8: {  	v10 =	vsub.s32 v10, v0  }
0x2c9: {  	vm8 =	vlt.u32 v10, $0x1E00  }
0x2ca: {  	v10 =	vsel vm8, v10, v2  }
0x2cb: {  	[tilespmem:$0x1880] =	vst v10  }
0x2cc: {  	v10 =	vld [tilespmem:s1+$0x10];
	_ =	sdelay $0x4  }
0x2cd: {  	v10 =	vsub.s32 v10, v0  }
0x2ce: {  	vm9 =	vlt.u32 v10, $0x1E00  }
0x2cf: {  	v10 =	vsel vm9, v10, v3  }
0x2d0: {  	[tilespmem:$0x1890] =	vst v10  }
0x2d1: {  	v10 =	vld [tilespmem:s1+$0x20];
	_ =	sdelay $0x4  }
0x2d2: {  	v10 =	vsub.s32 v10, v0  }
0x2d3: {  	vm10 =	vlt.u32 v10, $0x1E00  }
0x2d4: {  	v10 =	vsel vm10, v10, v4  }
0x2d5: {  	[tilespmem:$0x18A0] =	vst v10  }
0x2d6: {  	v10 =	vld [tilespmem:s1+$0x30];
	_ =	sdelay $0x4  }
0x2d7: {  	v10 =	vsub.s32 v10, v0  }
0x2d8: {  	vm11 =	vlt.u32 v10, $0x1E00  }
0x2d9: {  	v10 =	vsel vm11, v10, v5  }
0x2da: {  	[tilespmem:$0x18B0] =	vst v10  }
0x2db: {  	v10 =	vld [tilespmem:s1+$0x40];
	_ =	sdelay $0x4  }
0x2dc: {  	v10 =	vsub.s32 v10, v0  }
0x2dd: {  	vm12 =	vlt.u32 v10, $0x1E00  }
0x2de: {  	v10 =	vsel vm12, v10, v6  }
0x2df: {  	[tilespmem:$0x18C0] =	vst v10  }
0x2e0: {  	v10 =	vld [tilespmem:s1+$0x50];
	_ =	sdelay $0x4  }
0x2e1: {  	v10 =	vsub.s32 v10, v0  }
0x2e2: {  	vm13 =	vlt.u32 v10, $0x1E00  }
0x2e3: {  	v10 =	vsel vm13, v10, v7  }
0x2e4: {  	[tilespmem:$0x18D0] =	vst v10  }
0x2e5: {  	v10 =	vld [tilespmem:s1+$0x60];
	_ =	sdelay $0x4  }
0x2e6: {  	v10 =	vsub.s32 v10, v0  }
0x2e7: {  	vm14 =	vlt.u32 v10, $0x1E00  }
0x2e8: {  	v10 =	vsel vm14, v10, v8  }
0x2e9: {  	[tilespmem:$0x18E0] =	vst v10  }
0x2ea: {  	v10 =	vld [tilespmem:s1+$0x70];
	_ =	sdelay $0x4  }
0x2eb: {  	v10 =	vsub.s32 v10, v0  }
0x2ec: {  	vm15 =	vlt.u32 v10, $0x1E00  }
0x2ed: {  	v10 =	vsel vm15, v10, v9  }
0x2ee: {  	[tilespmem:$0x18F0] =	vst v10  }
0x2ef: {  	_ =	swait.ge [sflag:s24], $0x4000  }
0x2f0: {  	[sflag:s24] =	ssyncset.done $0x0  }
0x2f1: {  	[sflag:s24] =	ssyncadd.s32 $0xFFFFC000  }
0x2f2: {  	[spmem:s3] =	stream.indirect.scatter.add.f32 [tilespmem:s22], [sflag:$0x3], $0x80, s26, s25, $0xb8;
	[tilespmem:$0x18D00] =	vst v63  }
0x2f3: {  	_ =	swait.ge [sflag:s28], $0x4000  }
0x2f4: {  	[sflag:s28] =	ssyncset.done $0x0  }
0x2f5: {  	[sflag:s28] =	ssyncadd.s32 $0xFFFFC000  }
0x2f6: {  	[spmem:s3] =	stream.indirect.scatter.add.f32 [tilespmem:s23], [sflag:$0x4], $0x80, s29, s25, $0xb8;
	[tilespmem:$0x18D00] =	vst v63  }
0x2f7: {  	_ =	swait.ge [sflag:s30], $0x4000  }
0x2f8: {  	[sflag:s30] =	ssyncset.done $0x0  }
0x2f9: {  	[sflag:s30] =	ssyncadd.s32 $0xFFFFC000  }
0x2fa: {  	_ =	swait.ge [sflag:s31], $0x4000  }
0x2fb: {  	[sflag:s31] =	ssyncset.done $0x0  }
0x2fc: {  	[sflag:s31] =	ssyncadd.s32 $0xFFFFC000  }
.LBB2_8:
0x2fd: {  	[bflag:$0x0] =	sbarrier.arrive $0xFFFF  }
0x2fe: {  	[tilespmem:s22], [sflag:$0x5] =	stream.linear.gather [spmem:s6], $0x4000, $0x38;
	[tilespmem:$0x18D00] =	vst v63  }
0x2ff: {  	_ =	swait.ge [sflag:s21], $0x4000  }
0x300: {  	[sflag:s21] =	ssyncset.done $0x0  }
0x301: {  	s1 =	simm.s32 $0x0;
	[sflag:s21] =	ssyncadd.s32 $0xFFFFC000  }
0x302: {  	[hbm4b:s9+s1] =	stream.linear.scatter [tilespmem:s22], [sflag:$0x5], $0x4000, $0x38;
	[tilespmem:$0x18D00] =	vst v63  }
0x303: {  	_ =	swait.ge [sflag:s21], $0x4000  }
0x304: {  	[sflag:s21] =	ssyncset.done $0x0  }
0x305: {  	[sflag:s21] =	ssyncadd.s32 $0xFFFFC000  }
0x306: {  	[tilespmem:s22], [sflag:$0x5] =	stream.linear.gather [spmem:s7], $0x4000, $0x38;
	[tilespmem:$0x18D00] =	vst v63  }
0x307: {  	_ =	swait.ge [sflag:s21], $0x4000  }
0x308: {  	[sflag:s21] =	ssyncset.done $0x0  }
0x309: {  	s2 =	rddreg [dreg:$0x5];
	[sflag:s21] =	ssyncadd.s32 $0xFFFFC000  }
0x30a: {  	[hbm4b:s2+s1] =	stream.linear.scatter [tilespmem:s22], [sflag:$0x5], $0x4000, $0x38;
	[tilespmem:$0x18D00] =	vst v63  }
0x30b: {  	_ =	swait.ge [sflag:s21], $0x4000  }
0x30c: {  	[sflag:s21] =	ssyncset.done $0x0  }
0x30d: {  	[sflag:s21] =	ssyncadd.s32 $0xFFFFC000  }
0x30e: {  	[tilespmem:s22], [sflag:$0x5] =	stream.linear.gather [spmem:s8], $0x4000, $0x38;
	[tilespmem:$0x18D00] =	vst v63  }
0x30f: {  	_ =	swait.ge [sflag:s21], $0x4000  }
0x310: {  	[sflag:s21] =	ssyncset.done $0x0  }
0x311: {  	s11 =	rddreg [dreg:$0x6];
	[sflag:s21] =	ssyncadd.s32 $0xFFFFC000  }
0x312: {  	[hbm4b:s11+s1] =	stream.linear.scatter [tilespmem:s22], [sflag:$0x5], $0x4000, $0x38;
	[tilespmem:$0x18D00] =	vst v63  }
0x313: {  	_ =	swait.ge [sflag:s21], $0x4000  }
0x314: {  	[sflag:s21] =	ssyncset.done $0x0  }
0x315: {  	[sflag:s21] =	ssyncadd.s32 $0xFFFFC000  }
0x316: {  	[tilespmem:s22], [sflag:$0x5] =	stream.linear.gather [spmem:s10], $0x3000, $0x38;
	[tilespmem:$0x18D00] =	vst v63  }
0x317: {  	_ =	swait.ge [sflag:s21], $0x3000  }
0x318: {  	[sflag:s21] =	ssyncset.done $0x0  }
0x319: {  	[sflag:s21] =	ssyncadd.s32 $0xFFFFD000  }
0x31a: {  	[hbm4b:s13+s1] =	stream.linear.scatter [tilespmem:s22], [sflag:$0x5], $0x3000, $0x38;
	[tilespmem:$0x18D00] =	vst v63  }
0x31b: {  	_ =	swait.ge [sflag:s21], $0x3000  }
0x31c: {  	[sflag:s21] =	ssyncset.done $0x0  }
0x31d: {  	[sflag:s21] =	ssyncadd.s32 $0xFFFFD000  }
0x31e: {  	s12 =	rddreg [dreg:$0x1]  }
0x31f: {  	[tilespmem:s22], [sflag:$0x5] =	stream.linear.gather [hbm4b:s12+s1], $0x4000, $0x38;
	[tilespmem:$0x18D00] =	vst v63  }
0x320: {  	_ =	swait.ge [sflag:s21], $0x4000  }
0x321: {  	[sflag:s21] =	ssyncset.done $0x0  }
0x322: {  	[sflag:s21] =	ssyncadd.s32 $0xFFFFC000  }
0x323: {  	[spmem:s6] =	stream.linear.scatter [tilespmem:s22], [sflag:$0x5], $0x4000, $0x38;
	[tilespmem:$0x18D00] =	vst v63  }
0x324: {  	_ =	swait.ge [sflag:s21], $0x4000  }
0x325: {  	[sflag:s21] =	ssyncset.done $0x0  }
0x326: {  	[sflag:s21] =	ssyncadd.s32 $0xFFFFC000  }
0x327: {  	[spmem:s7] =	stream.linear.scatter [tilespmem:s22], [sflag:$0x5], $0x4000, $0x38;
	[tilespmem:$0x18D00] =	vst v63  }
0x328: {  	_ =	swait.ge [sflag:s21], $0x4000  }
0x329: {  	[sflag:s21] =	ssyncset.done $0x0  }
0x32a: {  	[sflag:s21] =	ssyncadd.s32 $0xFFFFC000  }
0x32b: {  	[spmem:s8] =	stream.linear.scatter [tilespmem:s22], [sflag:$0x5], $0x4000, $0x38;
	[tilespmem:$0x18D00] =	vst v63  }
0x32c: {  	_ =	swait.ge [sflag:s21], $0x4000  }
0x32d: {  	[sflag:s21] =	ssyncset.done $0x0  }
0x32e: {  	[sflag:s21] =	ssyncadd.s32 $0xFFFFC000  }
0x32f: {  	[spmem:s10] =	stream.linear.scatter [tilespmem:s22], [sflag:$0x5], $0x3000, $0x38;
	[tilespmem:$0x18D00] =	vst v63  }
.Ltmp6:
0x330: {  	_ =	swait.ge [sflag:s21], $0x3000;
	(pc) =	sbr.rel @p0 .LBB2_12-.Ltmp6, $4  }
0x331: {  	[sflag:s21] =	ssyncset.done $0x0  }
0x332: {  	[sflag:s21] =	ssyncadd.s32 $0xFFFFD000  }
0x333: {  	[bflag:$0x0] =	sbarrier.arrive $0xFFFF  }
0x334: {  	s1 =	simm.s32 $0x80  }
0x335: {  	s2 =	sadd.s32 $0x0, s20  }
0x336: {  	[tilespmem:s22], [sflag:$0x1] =	stream.linear.gather [hbm4b:s2+s4], $0x4000, $0x38;
	[tilespmem:$0x18D00] =	vst v63  }
0x337: {  	s2 =	sadd.s32 $0x800, s2  }
0x338: {  	[tilespmem:s23], [sflag:$0x2] =	stream.linear.gather [hbm4b:s2+s4], $0x4000, $0x38;
	[tilespmem:$0x18D00] =	vst v63  }
0x339: {  	v10 =	vld [tilespmem:s1+$0xFFFFFF80];
	_ =	sdelay $0x4  }
0x33a: {  	v10 =	vsub.s32 v10, v1  }
0x33b: {  	vm0 =	vlt.u32 v10, $0x1E00  }
0x33c: {  	v10 =	vsel vm0, v10, v2  }
0x33d: {  	[tilespmem:$0x1800] =	vst v10  }
0x33e: {  	v10 =	vld [tilespmem:s1+$0xFFFFFF90];
	_ =	sdelay $0x4  }
0x33f: {  	v10 =	vsub.s32 v10, v1  }
0x340: {  	vm13 =	vlt.u32 v10, $0x1E00  }
0x341: {  	v10 =	vsel vm13, v10, v3  }
0x342: {  	[tilespmem:$0x1810] =	vst v10  }
0x343: {  	v10 =	vld [tilespmem:s1+$0xFFFFFFA0];
	_ =	sdelay $0x4  }
0x344: {  	v10 =	vsub.s32 v10, v1  }
0x345: {  	vm14 =	vlt.u32 v10, $0x1E00  }
0x346: {  	v10 =	vsel vm14, v10, v4  }
0x347: {  	[tilespmem:$0x1820] =	vst v10  }
0x348: {  	v10 =	vld [tilespmem:s1+$0xFFFFFFB0];
	_ =	sdelay $0x4  }
0x349: {  	v10 =	vsub.s32 v10, v1  }
0x34a: {  	vm15 =	vlt.u32 v10, $0x1E00  }
0x34b: {  	v10 =	vsel vm15, v10, v5  }
0x34c: {  	[tilespmem:$0x1830] =	vst v10  }
0x34d: {  	v10 =	vld [tilespmem:s1+$0xFFFFFFC0];
	_ =	sdelay $0x4  }
0x34e: {  	v10 =	vsub.s32 v10, v1  }
0x34f: {  	vm4 =	vlt.u32 v10, $0x1E00  }
0x350: {  	v10 =	vsel vm4, v10, v6  }
0x351: {  	[tilespmem:$0x1840] =	vst v10  }
0x352: {  	v10 =	vld [tilespmem:s1+$0xFFFFFFD0];
	_ =	sdelay $0x4  }
0x353: {  	v10 =	vsub.s32 v10, v1  }
0x354: {  	vm5 =	vlt.u32 v10, $0x1E00  }
0x355: {  	v10 =	vsel vm5, v10, v7  }
0x356: {  	[tilespmem:$0x1850] =	vst v10  }
0x357: {  	v10 =	vld [tilespmem:s1+$0xFFFFFFE0];
	_ =	sdelay $0x4  }
0x358: {  	v10 =	vsub.s32 v10, v1  }
0x359: {  	vm6 =	vlt.u32 v10, $0x1E00  }
0x35a: {  	v10 =	vsel vm6, v10, v8  }
0x35b: {  	[tilespmem:$0x1860] =	vst v10  }
0x35c: {  	v10 =	vld [tilespmem:s1+$0xFFFFFFF0];
	_ =	sdelay $0x4  }
0x35d: {  	v10 =	vsub.s32 v10, v1  }
0x35e: {  	vm7 =	vlt.u32 v10, $0x1E00  }
0x35f: {  	v10 =	vsel vm7, v10, v9  }
0x360: {  	[tilespmem:$0x1870] =	vst v10  }
0x361: {  	v10 =	vld [tilespmem:s1+$0x0];
	_ =	sdelay $0x4  }
0x362: {  	v10 =	vsub.s32 v10, v1  }
0x363: {  	vm8 =	vlt.u32 v10, $0x1E00  }
0x364: {  	v10 =	vsel vm8, v10, v2  }
0x365: {  	[tilespmem:$0x1880] =	vst v10  }
0x366: {  	v10 =	vld [tilespmem:s1+$0x10];
	_ =	sdelay $0x4  }
0x367: {  	v10 =	vsub.s32 v10, v1  }
0x368: {  	vm9 =	vlt.u32 v10, $0x1E00  }
0x369: {  	v10 =	vsel vm9, v10, v3  }
0x36a: {  	[tilespmem:$0x1890] =	vst v10  }
0x36b: {  	v10 =	vld [tilespmem:s1+$0x20];
	_ =	sdelay $0x4  }
0x36c: {  	v10 =	vsub.s32 v10, v1  }
0x36d: {  	vm10 =	vlt.u32 v10, $0x1E00  }
0x36e: {  	v10 =	vsel vm10, v10, v4  }
0x36f: {  	[tilespmem:$0x18A0] =	vst v10  }
0x370: {  	v10 =	vld [tilespmem:s1+$0x30];
	_ =	sdelay $0x4  }
0x371: {  	v10 =	vsub.s32 v10, v1  }
0x372: {  	vm11 =	vlt.u32 v10, $0x1E00  }
0x373: {  	v10 =	vsel vm11, v10, v5  }
0x374: {  	[tilespmem:$0x18B0] =	vst v10  }
0x375: {  	v10 =	vld [tilespmem:s1+$0x40];
	_ =	sdelay $0x4  }
0x376: {  	v10 =	vsub.s32 v10, v1  }
0x377: {  	vm12 =	vlt.u32 v10, $0x1E00  }
0x378: {  	v10 =	vsel vm12, v10, v6  }
0x379: {  	[tilespmem:$0x18C0] =	vst v10  }
0x37a: {  	v10 =	vld [tilespmem:s1+$0x50];
	_ =	sdelay $0x4  }
0x37b: {  	v10 =	vsub.s32 v10, v1  }
0x37c: {  	vm13 =	vlt.u32 v10, $0x1E00  }
0x37d: {  	v10 =	vsel vm13, v10, v7  }
0x37e: {  	[tilespmem:$0x18D0] =	vst v10  }
0x37f: {  	v10 =	vld [tilespmem:s1+$0x60];
	_ =	sdelay $0x4  }
0x380: {  	v10 =	vsub.s32 v10, v1  }
0x381: {  	vm14 =	vlt.u32 v10, $0x1E00  }
0x382: {  	v10 =	vsel vm14, v10, v8  }
0x383: {  	[tilespmem:$0x18E0] =	vst v10  }
0x384: {  	v10 =	vld [tilespmem:s1+$0x70];
	_ =	sdelay $0x4  }
0x385: {  	v10 =	vsub.s32 v10, v1  }
0x386: {  	vm15 =	vlt.u32 v10, $0x1E00  }
0x387: {  	v10 =	vsel vm15, v10, v9  }
0x388: {  	[tilespmem:$0x18F0] =	vst v10  }
0x389: {  	_ =	swait.ge [sflag:s24], $0x4000  }
0x38a: {  	[sflag:s24] =	ssyncset.done $0x0  }
0x38b: {  	[sflag:s24] =	ssyncadd.s32 $0xFFFFC000  }
0x38c: {  	[spmem:s3] =	stream.indirect.scatter.add.f32 [tilespmem:s22], [sflag:$0x3], $0x80, s26, s25, $0xb8;
	[tilespmem:$0x18D00] =	vst v63  }
0x38d: {  	_ =	swait.ge [sflag:s28], $0x4000  }
0x38e: {  	[sflag:s28] =	ssyncset.done $0x0  }
0x38f: {  	[sflag:s28] =	ssyncadd.s32 $0xFFFFC000  }
0x390: {  	[spmem:s3] =	stream.indirect.scatter.add.f32 [tilespmem:s23], [sflag:$0x4], $0x80, s29, s25, $0xb8;
	[tilespmem:$0x18D00] =	vst v63  }
0x391: {  	_ =	swait.ge [sflag:s30], $0x4000  }
0x392: {  	[sflag:s30] =	ssyncset.done $0x0  }
0x393: {  	[sflag:s30] =	ssyncadd.s32 $0xFFFFC000  }
0x394: {  	s11 =	simm.s32 $0x2000;
	_ =	swait.ge [sflag:s31], $0x4000  }
0x395: {  	s2 =	simm.s32 $0x1000;
	s1 =	simm.s32 $0x180;
	[sflag:s31] =	ssyncset.done $0x0  }
.LBB2_10:
0x396: {  	s12 =	sadd.s32 s2, s20  }
0x397: {  	[sflag:s31] =	ssyncadd.s32 $0xFFFFC000;
	s2 =	smov.u32 s11;
	s5 =	sadd.s32 $0x1000, s11  }
0x398: {  	[tilespmem:s22], [sflag:$0x1] =	stream.linear.gather [hbm4b:s12+s4], $0x4000, $0x38;
	[tilespmem:$0x18D00] =	vst v63  }
0x399: {  	p1 =	seq.s32 s11, $0x15000;
	s11 =	sadd.s32 $0x800, s12  }
0x39a: {  	[tilespmem:s23], [sflag:$0x2] =	stream.linear.gather [hbm4b:s11+s4], $0x4000, $0x38;
	[tilespmem:$0x18D00] =	vst v63  }
0x39b: {  	v10 =	vld [tilespmem:s1+$0xFFFFFF80];
	_ =	sdelay $0x4  }
0x39c: {  	v10 =	vsub.s32 v10, v1  }
0x39d: {  	vm0 =	vlt.u32 v10, $0x1E00  }
0x39e: {  	v10 =	vsel vm0, v10, v2  }
0x39f: {  	[tilespmem:$0x1800] =	vst v10  }
0x3a0: {  	v10 =	vld [tilespmem:s1+$0xFFFFFF90];
	_ =	sdelay $0x4  }
0x3a1: {  	v10 =	vsub.s32 v10, v1  }
0x3a2: {  	vm0 =	vlt.u32 v10, $0x1E00  }
0x3a3: {  	v10 =	vsel vm0, v10, v3  }
0x3a4: {  	[tilespmem:$0x1810] =	vst v10  }
0x3a5: {  	v10 =	vld [tilespmem:s1+$0xFFFFFFA0];
	_ =	sdelay $0x4  }
0x3a6: {  	v10 =	vsub.s32 v10, v1  }
0x3a7: {  	vm0 =	vlt.u32 v10, $0x1E00  }
0x3a8: {  	v10 =	vsel vm0, v10, v4  }
0x3a9: {  	[tilespmem:$0x1820] =	vst v10  }
0x3aa: {  	v10 =	vld [tilespmem:s1+$0xFFFFFFB0];
	_ =	sdelay $0x4  }
0x3ab: {  	v10 =	vsub.s32 v10, v1  }
0x3ac: {  	vm0 =	vlt.u32 v10, $0x1E00  }
0x3ad: {  	v10 =	vsel vm0, v10, v5  }
0x3ae: {  	[tilespmem:$0x1830] =	vst v10  }
0x3af: {  	v10 =	vld [tilespmem:s1+$0xFFFFFFC0];
	_ =	sdelay $0x4  }
0x3b0: {  	v10 =	vsub.s32 v10, v1  }
0x3b1: {  	vm0 =	vlt.u32 v10, $0x1E00  }
0x3b2: {  	v10 =	vsel vm0, v10, v6  }
0x3b3: {  	[tilespmem:$0x1840] =	vst v10  }
0x3b4: {  	v10 =	vld [tilespmem:s1+$0xFFFFFFD0];
	_ =	sdelay $0x4  }
0x3b5: {  	v10 =	vsub.s32 v10, v1  }
0x3b6: {  	vm0 =	vlt.u32 v10, $0x1E00  }
0x3b7: {  	v10 =	vsel vm0, v10, v7  }
0x3b8: {  	[tilespmem:$0x1850] =	vst v10  }
0x3b9: {  	v10 =	vld [tilespmem:s1+$0xFFFFFFE0];
	_ =	sdelay $0x4  }
0x3ba: {  	v10 =	vsub.s32 v10, v1  }
0x3bb: {  	vm0 =	vlt.u32 v10, $0x1E00  }
0x3bc: {  	v10 =	vsel vm0, v10, v8  }
0x3bd: {  	[tilespmem:$0x1860] =	vst v10  }
0x3be: {  	v10 =	vld [tilespmem:s1+$0xFFFFFFF0];
	_ =	sdelay $0x4  }
0x3bf: {  	v10 =	vsub.s32 v10, v1  }
0x3c0: {  	vm0 =	vlt.u32 v10, $0x1E00  }
0x3c1: {  	v10 =	vsel vm0, v10, v9  }
0x3c2: {  	[tilespmem:$0x1870] =	vst v10  }
0x3c3: {  	v10 =	vld [tilespmem:s1+$0x0];
	_ =	sdelay $0x4  }
0x3c4: {  	v10 =	vsub.s32 v10, v1  }
0x3c5: {  	vm0 =	vlt.u32 v10, $0x1E00  }
0x3c6: {  	v10 =	vsel vm0, v10, v2  }
0x3c7: {  	[tilespmem:$0x1880] =	vst v10  }
0x3c8: {  	v10 =	vld [tilespmem:s1+$0x10];
	_ =	sdelay $0x4  }
0x3c9: {  	v10 =	vsub.s32 v10, v1  }
0x3ca: {  	vm0 =	vlt.u32 v10, $0x1E00  }
0x3cb: {  	v10 =	vsel vm0, v10, v3  }
0x3cc: {  	[tilespmem:$0x1890] =	vst v10  }
0x3cd: {  	v10 =	vld [tilespmem:s1+$0x20];
	_ =	sdelay $0x4  }
0x3ce: {  	v10 =	vsub.s32 v10, v1  }
0x3cf: {  	vm0 =	vlt.u32 v10, $0x1E00  }
0x3d0: {  	v10 =	vsel vm0, v10, v4  }
0x3d1: {  	[tilespmem:$0x18A0] =	vst v10  }
0x3d2: {  	v10 =	vld [tilespmem:s1+$0x30];
	_ =	sdelay $0x4  }
0x3d3: {  	v10 =	vsub.s32 v10, v1  }
0x3d4: {  	vm0 =	vlt.u32 v10, $0x1E00  }
0x3d5: {  	v10 =	vsel vm0, v10, v5  }
0x3d6: {  	[tilespmem:$0x18B0] =	vst v10  }
0x3d7: {  	v10 =	vld [tilespmem:s1+$0x40];
	_ =	sdelay $0x4  }
0x3d8: {  	v10 =	vsub.s32 v10, v1  }
0x3d9: {  	vm0 =	vlt.u32 v10, $0x1E00  }
0x3da: {  	v10 =	vsel vm0, v10, v6  }
0x3db: {  	[tilespmem:$0x18C0] =	vst v10  }
0x3dc: {  	v10 =	vld [tilespmem:s1+$0x50];
	_ =	sdelay $0x4  }
0x3dd: {  	v10 =	vsub.s32 v10, v1  }
0x3de: {  	vm0 =	vlt.u32 v10, $0x1E00  }
0x3df: {  	v10 =	vsel vm0, v10, v7  }
0x3e0: {  	[tilespmem:$0x18D0] =	vst v10  }
0x3e1: {  	v10 =	vld [tilespmem:s1+$0x60];
	_ =	sdelay $0x4  }
0x3e2: {  	v10 =	vsub.s32 v10, v1  }
0x3e3: {  	vm0 =	vlt.u32 v10, $0x1E00  }
0x3e4: {  	v10 =	vsel vm0, v10, v8  }
0x3e5: {  	[tilespmem:$0x18E0] =	vst v10  }
0x3e6: {  	v10 =	vld [tilespmem:s1+$0x70];
	_ =	sdelay $0x4  }
0x3e7: {  	v10 =	vsub.s32 v10, v1  }
0x3e8: {  	vm0 =	vlt.u32 v10, $0x1E00  }
0x3e9: {  	v10 =	vsel vm0, v10, v9  }
0x3ea: {  	[tilespmem:$0x18F0] =	vst v10  }
0x3eb: {  	_ =	swait.ge [sflag:s24], $0x4000  }
0x3ec: {  	[sflag:s24] =	ssyncset.done $0x0  }
0x3ed: {  	[sflag:s24] =	ssyncadd.s32 $0xFFFFC000  }
0x3ee: {  	[spmem:s3] =	stream.indirect.scatter.add.f32 [tilespmem:s22], [sflag:$0x3], $0x80, s26, s25, $0xb8;
	[tilespmem:$0x18D00] =	vst v63  }
0x3ef: {  	_ =	swait.ge [sflag:s28], $0x4000  }
0x3f0: {  	[sflag:s28] =	ssyncset.done $0x0  }
0x3f1: {  	[sflag:s28] =	ssyncadd.s32 $0xFFFFC000  }
0x3f2: {  	[spmem:s3] =	stream.indirect.scatter.add.f32 [tilespmem:s23], [sflag:$0x4], $0x80, s29, s25, $0xb8;
	[tilespmem:$0x18D00] =	vst v63  }
.Ltmp7:
0x3f3: {  	_ =	swait.ge [sflag:s30], $0x4000;
	(pc) =	sbr.rel @!p1 .LBB2_10-.Ltmp7, $4  }
0x3f4: {  	[sflag:s30] =	ssyncset.done $0x0  }
0x3f5: {  	[sflag:s30] =	ssyncadd.s32 $0xFFFFC000  }
0x3f6: {  	_ =	swait.ge [sflag:s31], $0x4000  }
0x3f7: {  	s11 =	smov.u32 s5;
	s1 =	sadd.s32 $0x100, s1;
	[sflag:s31] =	ssyncset.done $0x0  }
0x3f8: {  	s2 =	sadd.s32 s2, s20;
	[sflag:s31] =	ssyncadd.s32 $0xFFFFC000  }
0x3f9: {  	[tilespmem:s22], [sflag:$0x1] =	stream.linear.gather [hbm4b:s2+s4], $0x4000, $0x38;
	[tilespmem:$0x18D00] =	vst v63  }
0x3fa: {  	s2 =	sadd.s32 $0x800, s2  }
0x3fb: {  	[tilespmem:s23], [sflag:$0x2] =	stream.linear.gather [hbm4b:s2+s4], $0x4000, $0x38;
	[tilespmem:$0x18D00] =	vst v63  }
0x3fc: {  	v10 =	vld [tilespmem:s1+$0xFFFFFF80];
	_ =	sdelay $0x4  }
0x3fd: {  	v10 =	vsub.s32 v10, v1  }
0x3fe: {  	vm0 =	vlt.u32 v10, $0x1E00  }
0x3ff: {  	v10 =	vsel vm0, v10, v2  }
0x400: {  	[tilespmem:$0x1800] =	vst v10  }
0x401: {  	v10 =	vld [tilespmem:s1+$0xFFFFFF90];
	_ =	sdelay $0x4  }
0x402: {  	v10 =	vsub.s32 v10, v1  }
0x403: {  	vm13 =	vlt.u32 v10, $0x1E00  }
0x404: {  	v10 =	vsel vm13, v10, v3  }
0x405: {  	[tilespmem:$0x1810] =	vst v10  }
0x406: {  	v10 =	vld [tilespmem:s1+$0xFFFFFFA0];
	_ =	sdelay $0x4  }
0x407: {  	v10 =	vsub.s32 v10, v1  }
0x408: {  	vm14 =	vlt.u32 v10, $0x1E00  }
0x409: {  	v10 =	vsel vm14, v10, v4  }
0x40a: {  	[tilespmem:$0x1820] =	vst v10  }
0x40b: {  	v10 =	vld [tilespmem:s1+$0xFFFFFFB0];
	_ =	sdelay $0x4  }
0x40c: {  	v10 =	vsub.s32 v10, v1  }
0x40d: {  	vm15 =	vlt.u32 v10, $0x1E00  }
0x40e: {  	v10 =	vsel vm15, v10, v5  }
0x40f: {  	[tilespmem:$0x1830] =	vst v10  }
0x410: {  	v10 =	vld [tilespmem:s1+$0xFFFFFFC0];
	_ =	sdelay $0x4  }
0x411: {  	v10 =	vsub.s32 v10, v1  }
0x412: {  	vm4 =	vlt.u32 v10, $0x1E00  }
0x413: {  	v10 =	vsel vm4, v10, v6  }
0x414: {  	[tilespmem:$0x1840] =	vst v10  }
0x415: {  	v10 =	vld [tilespmem:s1+$0xFFFFFFD0];
	_ =	sdelay $0x4  }
0x416: {  	v10 =	vsub.s32 v10, v1  }
0x417: {  	vm5 =	vlt.u32 v10, $0x1E00  }
0x418: {  	v10 =	vsel vm5, v10, v7  }
0x419: {  	[tilespmem:$0x1850] =	vst v10  }
0x41a: {  	v10 =	vld [tilespmem:s1+$0xFFFFFFE0];
	_ =	sdelay $0x4  }
0x41b: {  	v10 =	vsub.s32 v10, v1  }
0x41c: {  	vm6 =	vlt.u32 v10, $0x1E00  }
0x41d: {  	v10 =	vsel vm6, v10, v8  }
0x41e: {  	[tilespmem:$0x1860] =	vst v10  }
0x41f: {  	v10 =	vld [tilespmem:s1+$0xFFFFFFF0];
	_ =	sdelay $0x4  }
0x420: {  	v10 =	vsub.s32 v10, v1  }
0x421: {  	vm7 =	vlt.u32 v10, $0x1E00  }
0x422: {  	v10 =	vsel vm7, v10, v9  }
0x423: {  	[tilespmem:$0x1870] =	vst v10  }
0x424: {  	v10 =	vld [tilespmem:s1+$0x0];
	_ =	sdelay $0x4  }
0x425: {  	v10 =	vsub.s32 v10, v1  }
0x426: {  	vm8 =	vlt.u32 v10, $0x1E00  }
0x427: {  	v10 =	vsel vm8, v10, v2  }
0x428: {  	[tilespmem:$0x1880] =	vst v10  }
0x429: {  	v10 =	vld [tilespmem:s1+$0x10];
	_ =	sdelay $0x4  }
0x42a: {  	v10 =	vsub.s32 v10, v1  }
0x42b: {  	vm9 =	vlt.u32 v10, $0x1E00  }
0x42c: {  	v10 =	vsel vm9, v10, v3  }
0x42d: {  	[tilespmem:$0x1890] =	vst v10  }
0x42e: {  	v10 =	vld [tilespmem:s1+$0x20];
	_ =	sdelay $0x4  }
0x42f: {  	v10 =	vsub.s32 v10, v1  }
0x430: {  	vm10 =	vlt.u32 v10, $0x1E00  }
0x431: {  	v10 =	vsel vm10, v10, v4  }
0x432: {  	[tilespmem:$0x18A0] =	vst v10  }
0x433: {  	v10 =	vld [tilespmem:s1+$0x30];
	_ =	sdelay $0x4  }
0x434: {  	v10 =	vsub.s32 v10, v1  }
0x435: {  	vm11 =	vlt.u32 v10, $0x1E00  }
0x436: {  	v10 =	vsel vm11, v10, v5  }
0x437: {  	[tilespmem:$0x18B0] =	vst v10  }
0x438: {  	v10 =	vld [tilespmem:s1+$0x40];
	_ =	sdelay $0x4  }
0x439: {  	v10 =	vsub.s32 v10, v1  }
0x43a: {  	vm12 =	vlt.u32 v10, $0x1E00  }
0x43b: {  	v10 =	vsel vm12, v10, v6  }
0x43c: {  	[tilespmem:$0x18C0] =	vst v10  }
0x43d: {  	v10 =	vld [tilespmem:s1+$0x50];
	_ =	sdelay $0x4  }
0x43e: {  	v10 =	vsub.s32 v10, v1  }
0x43f: {  	vm13 =	vlt.u32 v10, $0x1E00  }
0x440: {  	v10 =	vsel vm13, v10, v7  }
0x441: {  	[tilespmem:$0x18D0] =	vst v10  }
0x442: {  	v10 =	vld [tilespmem:s1+$0x60];
	_ =	sdelay $0x4  }
0x443: {  	v10 =	vsub.s32 v10, v1  }
0x444: {  	vm14 =	vlt.u32 v10, $0x1E00  }
0x445: {  	v10 =	vsel vm14, v10, v8  }
0x446: {  	[tilespmem:$0x18E0] =	vst v10  }
0x447: {  	v10 =	vld [tilespmem:s1+$0x70];
	_ =	sdelay $0x4  }
0x448: {  	v10 =	vsub.s32 v10, v1  }
0x449: {  	vm15 =	vlt.u32 v10, $0x1E00  }
0x44a: {  	v10 =	vsel vm15, v10, v9  }
0x44b: {  	[tilespmem:$0x18F0] =	vst v10  }
0x44c: {  	_ =	swait.ge [sflag:s24], $0x4000  }
0x44d: {  	[sflag:s24] =	ssyncset.done $0x0  }
0x44e: {  	[sflag:s24] =	ssyncadd.s32 $0xFFFFC000  }
0x44f: {  	[spmem:s3] =	stream.indirect.scatter.add.f32 [tilespmem:s22], [sflag:$0x3], $0x80, s26, s25, $0xb8;
	[tilespmem:$0x18D00] =	vst v63  }
0x450: {  	_ =	swait.ge [sflag:s28], $0x4000  }
0x451: {  	[sflag:s28] =	ssyncset.done $0x0  }
0x452: {  	[sflag:s28] =	ssyncadd.s32 $0xFFFFC000  }
0x453: {  	[spmem:s3] =	stream.indirect.scatter.add.f32 [tilespmem:s23], [sflag:$0x4], $0x80, s29, s25, $0xb8;
	[tilespmem:$0x18D00] =	vst v63  }
0x454: {  	_ =	swait.ge [sflag:s30], $0x4000  }
.Ltmp8:
0x455: {  	[sflag:s30] =	ssyncset.done $0x0;
	(pc) =	sbr.rel .LBB2_15-.Ltmp8, $4  }
0x456: {  	[sflag:s30] =	ssyncadd.s32 $0xFFFFC000  }
0x457: {  	_ =	swait.ge [sflag:s31], $0x4000  }
0x458: {  	[sflag:s31] =	ssyncset.done $0x0  }
0x459: {  	[sflag:s31] =	ssyncadd.s32 $0xFFFFC000  }
.LBB2_12:
0x45a: {  	s2 =	sadd.s32 $0x0, s19  }
0x45b: {  	[tilespmem:s22], [sflag:$0x1] =	stream.linear.gather [hbm4b:s2+s4], $0x4000, $0x38;
	[tilespmem:$0x18D00] =	vst v63  }
0x45c: {  	s2 =	sadd.s32 $0x800, s2  }
0x45d: {  	[tilespmem:s23], [sflag:$0x2] =	stream.linear.gather [hbm4b:s2+s4], $0x4000, $0x38;
	[tilespmem:$0x18D00] =	vst v63  }
0x45e: {  	v10 =	vld [tilespmem:s1+$0xFFFFFF80];
	_ =	sdelay $0x4  }
0x45f: {  	v10 =	vsub.s32 v10, v1  }
0x460: {  	vm0 =	vlt.u32 v10, $0x1E00  }
0x461: {  	v10 =	vsel vm0, v10, v2  }
0x462: {  	[tilespmem:$0x1800] =	vst v10  }
0x463: {  	v10 =	vld [tilespmem:s1+$0xFFFFFF90];
	_ =	sdelay $0x4  }
0x464: {  	v10 =	vsub.s32 v10, v1  }
0x465: {  	vm13 =	vlt.u32 v10, $0x1E00  }
0x466: {  	v10 =	vsel vm13, v10, v3  }
0x467: {  	[tilespmem:$0x1810] =	vst v10  }
0x468: {  	v10 =	vld [tilespmem:s1+$0xFFFFFFA0];
	_ =	sdelay $0x4  }
0x469: {  	v10 =	vsub.s32 v10, v1  }
0x46a: {  	vm14 =	vlt.u32 v10, $0x1E00  }
0x46b: {  	v10 =	vsel vm14, v10, v4  }
0x46c: {  	[tilespmem:$0x1820] =	vst v10  }
0x46d: {  	v10 =	vld [tilespmem:s1+$0xFFFFFFB0];
	_ =	sdelay $0x4  }
0x46e: {  	v10 =	vsub.s32 v10, v1  }
0x46f: {  	vm15 =	vlt.u32 v10, $0x1E00  }
0x470: {  	v10 =	vsel vm15, v10, v5  }
0x471: {  	[tilespmem:$0x1830] =	vst v10  }
0x472: {  	v10 =	vld [tilespmem:s1+$0xFFFFFFC0];
	_ =	sdelay $0x4  }
0x473: {  	v10 =	vsub.s32 v10, v1  }
0x474: {  	vm4 =	vlt.u32 v10, $0x1E00  }
0x475: {  	v10 =	vsel vm4, v10, v6  }
0x476: {  	[tilespmem:$0x1840] =	vst v10  }
0x477: {  	v10 =	vld [tilespmem:s1+$0xFFFFFFD0];
	_ =	sdelay $0x4  }
0x478: {  	v10 =	vsub.s32 v10, v1  }
0x479: {  	vm5 =	vlt.u32 v10, $0x1E00  }
0x47a: {  	v10 =	vsel vm5, v10, v7  }
0x47b: {  	[tilespmem:$0x1850] =	vst v10  }
0x47c: {  	v10 =	vld [tilespmem:s1+$0xFFFFFFE0];
	_ =	sdelay $0x4  }
0x47d: {  	v10 =	vsub.s32 v10, v1  }
0x47e: {  	vm6 =	vlt.u32 v10, $0x1E00  }
0x47f: {  	v10 =	vsel vm6, v10, v8  }
0x480: {  	[tilespmem:$0x1860] =	vst v10  }
0x481: {  	v10 =	vld [tilespmem:s1+$0xFFFFFFF0];
	_ =	sdelay $0x4  }
0x482: {  	v10 =	vsub.s32 v10, v1  }
0x483: {  	vm7 =	vlt.u32 v10, $0x1E00  }
0x484: {  	v10 =	vsel vm7, v10, v9  }
0x485: {  	[tilespmem:$0x1870] =	vst v10  }
0x486: {  	v10 =	vld [tilespmem:s1+$0x0];
	_ =	sdelay $0x4  }
0x487: {  	v10 =	vsub.s32 v10, v1  }
0x488: {  	vm8 =	vlt.u32 v10, $0x1E00  }
0x489: {  	v10 =	vsel vm8, v10, v2  }
0x48a: {  	[tilespmem:$0x1880] =	vst v10  }
0x48b: {  	v10 =	vld [tilespmem:s1+$0x10];
	_ =	sdelay $0x4  }
0x48c: {  	v10 =	vsub.s32 v10, v1  }
0x48d: {  	vm9 =	vlt.u32 v10, $0x1E00  }
0x48e: {  	v10 =	vsel vm9, v10, v3  }
0x48f: {  	[tilespmem:$0x1890] =	vst v10  }
0x490: {  	v10 =	vld [tilespmem:s1+$0x20];
	_ =	sdelay $0x4  }
0x491: {  	v10 =	vsub.s32 v10, v1  }
0x492: {  	vm10 =	vlt.u32 v10, $0x1E00  }
0x493: {  	v10 =	vsel vm10, v10, v4  }
0x494: {  	[tilespmem:$0x18A0] =	vst v10  }
0x495: {  	v10 =	vld [tilespmem:s1+$0x30];
	_ =	sdelay $0x4  }
0x496: {  	v10 =	vsub.s32 v10, v1  }
0x497: {  	vm11 =	vlt.u32 v10, $0x1E00  }
0x498: {  	v10 =	vsel vm11, v10, v5  }
0x499: {  	[tilespmem:$0x18B0] =	vst v10  }
0x49a: {  	v10 =	vld [tilespmem:s1+$0x40];
	_ =	sdelay $0x4  }
0x49b: {  	v10 =	vsub.s32 v10, v1  }
0x49c: {  	vm12 =	vlt.u32 v10, $0x1E00  }
0x49d: {  	v10 =	vsel vm12, v10, v6  }
0x49e: {  	[tilespmem:$0x18C0] =	vst v10  }
0x49f: {  	v10 =	vld [tilespmem:s1+$0x50];
	_ =	sdelay $0x4  }
0x4a0: {  	v10 =	vsub.s32 v10, v1  }
0x4a1: {  	vm13 =	vlt.u32 v10, $0x1E00  }
0x4a2: {  	v10 =	vsel vm13, v10, v7  }
0x4a3: {  	[tilespmem:$0x18D0] =	vst v10  }
0x4a4: {  	v10 =	vld [tilespmem:s1+$0x60];
	_ =	sdelay $0x4  }
0x4a5: {  	v10 =	vsub.s32 v10, v1  }
0x4a6: {  	vm14 =	vlt.u32 v10, $0x1E00  }
0x4a7: {  	v10 =	vsel vm14, v10, v8  }
0x4a8: {  	[tilespmem:$0x18E0] =	vst v10  }
0x4a9: {  	v10 =	vld [tilespmem:s1+$0x70];
	_ =	sdelay $0x4  }
0x4aa: {  	v10 =	vsub.s32 v10, v1  }
0x4ab: {  	vm15 =	vlt.u32 v10, $0x1E00  }
0x4ac: {  	v10 =	vsel vm15, v10, v9  }
0x4ad: {  	[tilespmem:$0x18F0] =	vst v10  }
0x4ae: {  	_ =	swait.ge [sflag:s24], $0x4000  }
0x4af: {  	[sflag:s24] =	ssyncset.done $0x0  }
0x4b0: {  	[sflag:s24] =	ssyncadd.s32 $0xFFFFC000  }
0x4b1: {  	[spmem:s3] =	stream.indirect.scatter.add.f32 [tilespmem:s22], [sflag:$0x3], $0x80, s26, s25, $0xb8;
	[tilespmem:$0x18D00] =	vst v63  }
0x4b2: {  	_ =	swait.ge [sflag:s28], $0x4000  }
0x4b3: {  	[sflag:s28] =	ssyncset.done $0x0  }
0x4b4: {  	[sflag:s28] =	ssyncadd.s32 $0xFFFFC000  }
0x4b5: {  	[spmem:s3] =	stream.indirect.scatter.add.f32 [tilespmem:s23], [sflag:$0x4], $0x80, s29, s25, $0xb8;
	[tilespmem:$0x18D00] =	vst v63  }
0x4b6: {  	_ =	swait.ge [sflag:s30], $0x4000  }
0x4b7: {  	[sflag:s30] =	ssyncset.done $0x0  }
0x4b8: {  	[sflag:s30] =	ssyncadd.s32 $0xFFFFC000  }
0x4b9: {  	s11 =	simm.s32 $0x2000;
	_ =	swait.ge [sflag:s31], $0x4000  }
0x4ba: {  	s2 =	simm.s32 $0x1000;
	s1 =	simm.s32 $0x180;
	[sflag:s31] =	ssyncset.done $0x0  }
.LBB2_13:
0x4bb: {  	s12 =	sadd.s32 s2, s19  }
0x4bc: {  	[sflag:s31] =	ssyncadd.s32 $0xFFFFC000;
	s2 =	smov.u32 s11;
	s5 =	sadd.s32 $0x1000, s11  }
0x4bd: {  	[tilespmem:s22], [sflag:$0x1] =	stream.linear.gather [hbm4b:s12+s4], $0x4000, $0x38;
	[tilespmem:$0x18D00] =	vst v63  }
0x4be: {  	p1 =	sne.s32 s11, $0x15000;
	s11 =	sadd.s32 $0x800, s12  }
0x4bf: {  	[tilespmem:s23], [sflag:$0x2] =	stream.linear.gather [hbm4b:s11+s4], $0x4000, $0x38;
	[tilespmem:$0x18D00] =	vst v63  }
0x4c0: {  	v10 =	vld [tilespmem:s1+$0xFFFFFF80];
	_ =	sdelay $0x4  }
0x4c1: {  	v10 =	vsub.s32 v10, v1  }
0x4c2: {  	vm0 =	vlt.u32 v10, $0x1E00  }
0x4c3: {  	v10 =	vsel vm0, v10, v2  }
0x4c4: {  	[tilespmem:$0x1800] =	vst v10  }
0x4c5: {  	v10 =	vld [tilespmem:s1+$0xFFFFFF90];
	_ =	sdelay $0x4  }
0x4c6: {  	v10 =	vsub.s32 v10, v1  }
0x4c7: {  	vm0 =	vlt.u32 v10, $0x1E00  }
0x4c8: {  	v10 =	vsel vm0, v10, v3  }
0x4c9: {  	[tilespmem:$0x1810] =	vst v10  }
0x4ca: {  	v10 =	vld [tilespmem:s1+$0xFFFFFFA0];
	_ =	sdelay $0x4  }
0x4cb: {  	v10 =	vsub.s32 v10, v1  }
0x4cc: {  	vm0 =	vlt.u32 v10, $0x1E00  }
0x4cd: {  	v10 =	vsel vm0, v10, v4  }
0x4ce: {  	[tilespmem:$0x1820] =	vst v10  }
0x4cf: {  	v10 =	vld [tilespmem:s1+$0xFFFFFFB0];
	_ =	sdelay $0x4  }
0x4d0: {  	v10 =	vsub.s32 v10, v1  }
0x4d1: {  	vm0 =	vlt.u32 v10, $0x1E00  }
0x4d2: {  	v10 =	vsel vm0, v10, v5  }
0x4d3: {  	[tilespmem:$0x1830] =	vst v10  }
0x4d4: {  	v10 =	vld [tilespmem:s1+$0xFFFFFFC0];
	_ =	sdelay $0x4  }
0x4d5: {  	v10 =	vsub.s32 v10, v1  }
0x4d6: {  	vm0 =	vlt.u32 v10, $0x1E00  }
0x4d7: {  	v10 =	vsel vm0, v10, v6  }
0x4d8: {  	[tilespmem:$0x1840] =	vst v10  }
0x4d9: {  	v10 =	vld [tilespmem:s1+$0xFFFFFFD0];
	_ =	sdelay $0x4  }
0x4da: {  	v10 =	vsub.s32 v10, v1  }
0x4db: {  	vm0 =	vlt.u32 v10, $0x1E00  }
0x4dc: {  	v10 =	vsel vm0, v10, v7  }
0x4dd: {  	[tilespmem:$0x1850] =	vst v10  }
0x4de: {  	v10 =	vld [tilespmem:s1+$0xFFFFFFE0];
	_ =	sdelay $0x4  }
0x4df: {  	v10 =	vsub.s32 v10, v1  }
0x4e0: {  	vm0 =	vlt.u32 v10, $0x1E00  }
0x4e1: {  	v10 =	vsel vm0, v10, v8  }
0x4e2: {  	[tilespmem:$0x1860] =	vst v10  }
0x4e3: {  	v10 =	vld [tilespmem:s1+$0xFFFFFFF0];
	_ =	sdelay $0x4  }
0x4e4: {  	v10 =	vsub.s32 v10, v1  }
0x4e5: {  	vm0 =	vlt.u32 v10, $0x1E00  }
0x4e6: {  	v10 =	vsel vm0, v10, v9  }
0x4e7: {  	[tilespmem:$0x1870] =	vst v10  }
0x4e8: {  	v10 =	vld [tilespmem:s1+$0x0];
	_ =	sdelay $0x4  }
0x4e9: {  	v10 =	vsub.s32 v10, v1  }
0x4ea: {  	vm0 =	vlt.u32 v10, $0x1E00  }
0x4eb: {  	v10 =	vsel vm0, v10, v2  }
0x4ec: {  	[tilespmem:$0x1880] =	vst v10  }
0x4ed: {  	v10 =	vld [tilespmem:s1+$0x10];
	_ =	sdelay $0x4  }
0x4ee: {  	v10 =	vsub.s32 v10, v1  }
0x4ef: {  	vm0 =	vlt.u32 v10, $0x1E00  }
0x4f0: {  	v10 =	vsel vm0, v10, v3  }
0x4f1: {  	[tilespmem:$0x1890] =	vst v10  }
0x4f2: {  	v10 =	vld [tilespmem:s1+$0x20];
	_ =	sdelay $0x4  }
0x4f3: {  	v10 =	vsub.s32 v10, v1  }
0x4f4: {  	vm0 =	vlt.u32 v10, $0x1E00  }
0x4f5: {  	v10 =	vsel vm0, v10, v4  }
0x4f6: {  	[tilespmem:$0x18A0] =	vst v10  }
0x4f7: {  	v10 =	vld [tilespmem:s1+$0x30];
	_ =	sdelay $0x4  }
0x4f8: {  	v10 =	vsub.s32 v10, v1  }
0x4f9: {  	vm0 =	vlt.u32 v10, $0x1E00  }
0x4fa: {  	v10 =	vsel vm0, v10, v5  }
0x4fb: {  	[tilespmem:$0x18B0] =	vst v10  }
0x4fc: {  	v10 =	vld [tilespmem:s1+$0x40];
	_ =	sdelay $0x4  }
0x4fd: {  	v10 =	vsub.s32 v10, v1  }
0x4fe: {  	vm0 =	vlt.u32 v10, $0x1E00  }
0x4ff: {  	v10 =	vsel vm0, v10, v6  }
0x500: {  	[tilespmem:$0x18C0] =	vst v10  }
0x501: {  	v10 =	vld [tilespmem:s1+$0x50];
	_ =	sdelay $0x4  }
0x502: {  	v10 =	vsub.s32 v10, v1  }
0x503: {  	vm0 =	vlt.u32 v10, $0x1E00  }
0x504: {  	v10 =	vsel vm0, v10, v7  }
0x505: {  	[tilespmem:$0x18D0] =	vst v10  }
0x506: {  	v10 =	vld [tilespmem:s1+$0x60];
	_ =	sdelay $0x4  }
0x507: {  	v10 =	vsub.s32 v10, v1  }
0x508: {  	vm0 =	vlt.u32 v10, $0x1E00  }
0x509: {  	v10 =	vsel vm0, v10, v8  }
0x50a: {  	[tilespmem:$0x18E0] =	vst v10  }
0x50b: {  	v10 =	vld [tilespmem:s1+$0x70];
	_ =	sdelay $0x4  }
0x50c: {  	v10 =	vsub.s32 v10, v1  }
0x50d: {  	vm0 =	vlt.u32 v10, $0x1E00  }
0x50e: {  	v10 =	vsel vm0, v10, v9  }
0x50f: {  	[tilespmem:$0x18F0] =	vst v10  }
0x510: {  	_ =	swait.ge [sflag:s24], $0x4000  }
0x511: {  	[sflag:s24] =	ssyncset.done $0x0  }
0x512: {  	[sflag:s24] =	ssyncadd.s32 $0xFFFFC000  }
0x513: {  	[spmem:s3] =	stream.indirect.scatter.add.f32 [tilespmem:s22], [sflag:$0x3], $0x80, s26, s25, $0xb8;
	[tilespmem:$0x18D00] =	vst v63  }
0x514: {  	_ =	swait.ge [sflag:s28], $0x4000  }
0x515: {  	[sflag:s28] =	ssyncset.done $0x0  }
0x516: {  	[sflag:s28] =	ssyncadd.s32 $0xFFFFC000  }
0x517: {  	[spmem:s3] =	stream.indirect.scatter.add.f32 [tilespmem:s23], [sflag:$0x4], $0x80, s29, s25, $0xb8;
	[tilespmem:$0x18D00] =	vst v63  }
.Ltmp9:
0x518: {  	_ =	swait.ge [sflag:s30], $0x4000;
	(pc) =	sbr.rel @p1 .LBB2_13-.Ltmp9, $4  }
0x519: {  	[sflag:s30] =	ssyncset.done $0x0  }
0x51a: {  	[sflag:s30] =	ssyncadd.s32 $0xFFFFC000  }
0x51b: {  	_ =	swait.ge [sflag:s31], $0x4000  }
0x51c: {  	s11 =	smov.u32 s5;
	s1 =	sadd.s32 $0x100, s1;
	[sflag:s31] =	ssyncset.done $0x0  }
.Ltmp10:
0x51d: {  	_ = 	snop;
	(pc) =	sbr.rel .LBB2_14-.Ltmp10, $1  }
0x51e: {  	_ =	sdelay $0x3  }
.LBB2_16:
0x51f: {  	_ =	sfence.sel $0x180000  }
0x520: {  	[bflag:$0x0] =	sbarrier.arrive $0xFFFF  }
0x521: {  	_ =	strace $0x9000004D  }
0x522: {  	s0 =	stileid.u32;
	[bflag:$0x2] =	sbarrier.arrive $0xFFFF  }
0x523: {  	p0 =	sne.s32 s0, $0x0;
	s0 =	rddreg [dreg:$0x3]  }
0x524: {  	s0 =	sadd.s32 @!p0 $0x100000, s0  }
0x525: {  	[sflag:s0] =	ssyncadd.tile.s32 @!p0 $0x1;
	_ =	shalt  }
.Lfunc_end2:
_tile_overlayer_lowered:
.L_overlay_start_2:
0x526: {  	(tag) =	ssettag $0x2  }
0x527: {  	s0 =	rddreg [dreg:$0x0];
	s2 =	stileid.u32  }
0x528: {  	s1 =	rddreg [dreg:$0x1];
	p0 =	sne.s32 s2, $0x0  }
0x529: {  	s3 =	rddreg [dreg:$0x2];
	[bflag:$0x3] =	sbarrier.arrive $0xFFFF;
	s2 =	simm.s32 @!p0 $0x1C05  }
0x52a: {  	[timem:s3], [sflag:s2] =	dma.local @!p0 [hbm:s0], s1  }
0x52b: {  	s0 =	simm.s32 @!p0 $0x5  }
0x52c: {  	_ =	swait.ge @!p0 [sflag:s0], s1  }
0x52d: {  	s1 =	ssub.s32 @!p0 $0x0, s1;
	[sflag:s0] =	ssyncset.done @!p0 $0x0  }
0x52e: {  	[sflag:s0] =	ssyncadd.s32 @!p0 s1  }
0x52f: {  	[bflag:$0x3] =	sbarrier.arrive $0xFFFF  }
0x530: {  	_ =	shalt  }

// kernel: kernel.9.cloned.1.call-start
scs
__scs_entry_jumppad:
0x0: {  	(pc) =	sbr.rel $0x88, $3  }
0x1: {  	(tag) =	ssettag $0x0;
	lr =	simm.s32 $0x1  }
0x2: {  	[smem:$0x3F87] =	sst lr;
	_ =	strace $0xD0000000  }
0x3: {  	_ = 	snop  }
0x4: {  	_ = 	snop  }
0x5: {  	_ = 	snop  }
0x6: {  	_ = 	snop  }
0x7: {  	_ = 	snop  }
__scs_overlays_trampoline_lowered:
0x8: {  	[smem:$0x3F96] =	sst s0  }
0x9: {  	[smem:$0x3F97] =	sst s1  }
0xa: {  	[smem:$0x3F98] =	sst s2  }
0xb: {  	[smem:$0x3F99] =	sst s3  }
0xc: {  	[smem:$0x3F9A] =	sst s4  }
0xd: {  	[smem:$0x3F9B] =	sst s5  }
0xe: {  	[smem:$0x3F9C] =	sst s6  }
0xf: {  	[smem:$0x3F9D] =	sst s7  }
0x10: {  	[smem:$0x3F9E] =	sst s8  }
0x11: {  	[smem:$0x3F9F] =	sst s9;
	s0 =	simm.s32 @!p0 $0x0  }
0x12: {  	s1 =	sld [smem:$0x3F85];
	s0 =	simm.s32 @p0 $0x1  }
0x13: {  	[smem:$0x3FA0] =	sst s0;
	s0 =	simm.s32 @!p1 $0x0  }
0x14: {  	s2 =	sld [smem:$0x3F84];
	s0 =	simm.s32 @p1 $0x1  }
0x15: {  	[smem:$0x3FA1] =	sst s0;
	s0 =	simm.s32 @!p2 $0x0  }
0x16: {  	s3 =	sld [smem:$0x3FDB];
	s0 =	simm.s32 @p2 $0x1  }
0x17: {  	s4 =	simm.s32 $0x1BF5;
	[smem:$0x3FA3] =	sst s0  }
0x18: {  	s0 =	sld [smem:$0x3F86];
	_ =	swait.ge [sflag:s4], $0x0  }
0x19: {  	s7 =	sld [smem:$0x3F87]  }
0x1a: {  	s8 =	sadd.s32 $0xFFFFE003, lr  }
0x1b: {  	s9 =	sadd.s32 $0xFFFFFEF7, lr;
	s5 =	simm.s32 $0xFFFFFFFF;
	p2 =	slt.u32 s8, $0xFFFFF086  }
0x1c: {  	p1 =	slt.u32 s9, $0xF7A;
	s5 =	simm.s32 @!p2 $0x0  }
0x1d: {  	s5 =	simm.s32 @p1 $0x1;
	p0 =	seq.s32 s7, s2  }
0x1e: {  	s7 =	smul.u32 @!p0 $0xF7A, s2;
	p2 =	seq.s32 @!p0 s5, $0x0  }
0x1f: {  	s9 =	smul.u32 $0xF7A, s1;
	s8 =	simm.s32 @!p0 $0x1BF5;
	p2 =	por !p2, p0  }
0x20: {  	[sflag:s8] =	ssyncset.s32 @!p0 $0xFFFFF086;
	s6 =	sadd.s32 @!p0 s3, s7;
	s7 =	simm.s32 @!p0 $0x108  }
0x21: {  	s3 =	sadd.s32 s3, s9;
	s6 =	sadd.s32 @!p0 $0x88, s6;
	s7 =	simm.s32 @p2 $0x1082  }
0x22: {  	[simem:s7], [sflag:s8] =	dma.local @!p0 [hbm:s6], $0xF7A  }
0x23: {  	s9 =	sor.u32 $0xD0000000, s2;
	s6 =	simm.s32 $0x108;
	_ =	swait.ge @!p0 [sflag:s8], $0x0  }
0x24: {  	s3 =	sadd.s32 $0x88, s3;
	s6 =	simm.s32 @!p1 $0x1082;
	[sflag:s4] =	ssyncset.s32 $0xFFFFF086  }
0x25: {  	[simem:s6], [sflag:s4] =	dma.local [hbm:s3], $0xF7A  }
0x26: {  	[smem:$0x3F87] =	sst s1;
	(tag) =	ssettag s2;
	_ =	strace s9  }
0x27: {  	s1 =	sld [smem:$0x3F97]  }
0x28: {  	s2 =	sld [smem:$0x3F98]  }
0x29: {  	s4 =	sld [smem:$0x3F9A]  }
0x2a: {  	p0 =	seq.s32 s5, $0x0;
	s5 =	sld [smem:$0x3F9B]  }
0x2b: {  	s6 =	sld [smem:$0x3F9C]  }
0x2c: {  	s7 =	sld [smem:$0x3F9D]  }
0x2d: {  	s3 =	simm.s32 $0x108;
	s8 =	sld [smem:$0x3F9E]  }
0x2e: {  	s3 =	simm.s32 @!p0 $0x1082;
	s9 =	sld [smem:$0x3F9F]  }
0x2f: {  	lr =	sadd.s32 s0, s3;
	s0 =	sld [smem:$0x3F96]  }
0x30: {  	s3 =	sld [smem:$0x3F99]  }
0x31: {  	[smem:$0x3FA2] =	sst s10  }
0x32: {  	s10 =	sld [smem:$0x3FA0];
	_ =	sdelay $0x3  }
0x33: {  	p0 =	seq.s32 s10, $0x1;
	s10 =	sld [smem:$0x3FA2];
	_ =	sdelay $0x3  }
0x34: {  	[smem:$0x3FA2] =	sst s10  }
0x35: {  	s10 =	sld [smem:$0x3FA1];
	_ =	sdelay $0x3  }
0x36: {  	p1 =	seq.s32 s10, $0x1;
	s10 =	sld [smem:$0x3FA2];
	_ =	sdelay $0x3  }
0x37: {  	[smem:$0x3FA2] =	sst s10  }
0x38: {  	s10 =	sld [smem:$0x3FA3]  }
0x39: {  	_ = 	snop;
	(pc) =	sbr.ind lr, $3  }
0x3a: {  	_ = 	snop  }
0x3b: {  	_ = 	snop  }
0x3c: {  	p2 =	seq.s32 s10, $0x1;
	s10 =	sld [smem:$0x3FA2]  }
0x3d: {  	_ =	shalt  }
0x3e: {  	_ =	shalt  }
0x3f: {  	_ =	shalt  }
0x40: {  	_ =	shalt  }
0x41: {  	_ =	shalt  }
0x42: {  	_ =	shalt  }
0x43: {  	_ =	shalt  }
0x44: {  	_ =	shalt  }
0x45: {  	_ =	shalt  }
0x46: {  	_ =	shalt  }
0x47: {  	_ =	shalt  }
0x48: {  	_ =	shalt  }
0x49: {  	_ =	shalt  }
0x4a: {  	_ =	shalt  }
0x4b: {  	_ =	shalt  }
0x4c: {  	_ =	shalt  }
0x4d: {  	_ =	shalt  }
0x4e: {  	_ =	shalt  }
0x4f: {  	_ =	shalt  }
0x50: {  	_ =	shalt  }
0x51: {  	_ =	shalt  }
0x52: {  	_ =	shalt  }
0x53: {  	_ =	shalt  }
0x54: {  	_ =	shalt  }
0x55: {  	_ =	shalt  }
0x56: {  	_ =	shalt  }
0x57: {  	_ =	shalt  }
0x58: {  	_ =	shalt  }
0x59: {  	_ =	shalt  }
0x5a: {  	_ =	shalt  }
0x5b: {  	_ =	shalt  }
0x5c: {  	_ =	shalt  }
0x5d: {  	_ =	shalt  }
0x5e: {  	_ =	shalt  }
0x5f: {  	_ =	shalt  }
0x60: {  	_ =	shalt  }
0x61: {  	_ =	shalt  }
0x62: {  	_ =	shalt  }
0x63: {  	_ =	shalt  }
0x64: {  	_ =	shalt  }
0x65: {  	_ =	shalt  }
0x66: {  	_ =	shalt  }
0x67: {  	_ =	shalt  }
0x68: {  	_ =	shalt  }
0x69: {  	_ =	shalt  }
0x6a: {  	_ =	shalt  }
0x6b: {  	_ =	shalt  }
0x6c: {  	_ =	shalt  }
0x6d: {  	_ =	shalt  }
0x6e: {  	_ =	shalt  }
0x6f: {  	_ =	shalt  }
0x70: {  	_ =	shalt  }
0x71: {  	_ =	shalt  }
0x72: {  	_ =	shalt  }
0x73: {  	_ =	shalt  }
0x74: {  	_ =	shalt  }
0x75: {  	_ =	shalt  }
0x76: {  	_ =	shalt  }
0x77: {  	_ =	shalt  }
0x78: {  	_ =	shalt  }
0x79: {  	_ =	shalt  }
0x7a: {  	_ =	shalt  }
0x7b: {  	_ =	shalt  }
0x7c: {  	_ =	shalt  }
0x7d: {  	_ =	shalt  }
0x7e: {  	_ =	shalt  }
0x7f: {  	_ =	shalt  }
0x80: {  	_ =	shalt  }
0x81: {  	_ =	shalt  }
0x82: {  	_ =	shalt  }
0x83: {  	_ =	shalt  }
0x84: {  	_ =	shalt  }
0x85: {  	_ =	shalt  }
0x86: {  	_ =	shalt  }
0x87: {  	_ =	shalt  }
.Lfunc_end0:
.L_simem_size_0:
called_computation_lowered:
.L_overlay_start_0:
0x88: {  	s2 =	sld [smem:$0x3FD9]  }
0x89: {  	s3 =	sld [smem:$0x3FFE];
	_ =	sdelay $0x1  }
0x8a: {  	s1 =	srdreg.scid  }
0x8b: {  	s0 =	sand.u32 $0x1, s1  }
0x8c: {  	s17 =	sshll.u32 s0, $0xA;
	s2 =	sadd.s32 s3, s2  }
0x8d: {  	s2 =	sadd.s32 s2, s17  }
0x8e: {  	[smem:$0x3FAE] =	sst s2  }
0x8f: {  	_ = 	snop  }
0x90: {  	s2 =	sld [smem:$0x3FD0];
	(tm) =	ssettm $0x1  }
0x91: {  	s18 =	sld [smem:$0x3FFB];
	_ =	sdelay $0x3  }
0x92: {  	_ =	strace s18  }
0x93: {  	s3 =	sld [smem:$0x3FFC];
	_ =	sdelay $0x3  }
0x94: {  	_ =	strace s3  }
0x95: {  	s3 =	sld [smem:$0x3FFD];
	_ =	sdelay $0x3  }
0x96: {  	_ =	strace s3  }
0x97: {  	_ =	strace $0x8FFFFFFF  }
0x98: {  	s19 =	sld [smem:$0x3FDB];
	_ =	sdelay $0x1  }
0x99: {  	s4 =	simm.s32 $_scs_section_size  }
0x9a: {  	s5 =	simm.s32 $_size__tile_overlayer_lowered;
	s6 =	simm.s32 $_tile_overlayer_lowered  }
0x9b: {  	s22 =	simm.s32 $0x1BFF;
	s21 =	sshll.u32 s6, $0x1;
	s3 =	sadd.s32 s4, s19  }
0x9c: {  	s7 =	simm.s32 $0x0;
	s20 =	sshll.u32 s5, $0x1;
	s5 =	sadd.s32 s21, s3  }
0x9d: {  	[timem:s7], [sflag:s22] =	dma.local [hbm:s5], s20  }
0x9e: {  	_ =	swait.ge [sflag:s22], s20  }
0x9f: {  	s4 =	ssub.s32 $0x0, s20;
	[sflag:s22] =	ssyncset.done $0x0  }
0xa0: {  	[sflag:s22] =	ssyncadd.s32 s4;
	_ =	sdelay $0x1  }
0xa1: {  	s23 =	simm.s32 $0x1B8B  }
0xa2: {  	_ =	swait.ge [sflag:s23], $0x1  }
0xa3: {  	[sflag:s23] =	ssyncset.done $0x0  }
0xa4: {  	s25 =	simm.s32 $0x1B8E;
	s24 =	sld [smem:$0x3FFE];
	[sflag:s23] =	ssyncadd.s32 $0xFFFFFFFF  }
0xa5: {  	s26 =	simm.s32 $execute0_lowered;
	[smem:$0x3FD2] =	sst s25  }
0xa6: {  	s5 =	sshll.u32 s26, $0x1;
	_ =	strace $0x80000046;
	[dreg:$0x1] =	wrdreg $0xFFFFFFFF  }
0xa7: {  	s28 =	simm.s32 $_size_execute0_lowered;
	s3 =	sadd.s32 s3, s5;
	[dreg:$0x0] =	wrdreg $0x0  }
0xa8: {  	s5 =	sshll.u32 s28, $0x1;
	[dreg:$0x2] =	wrdreg s3  }
0xa9: {  	[dreg:$0x3] =	wrdreg s5  }
0xaa: {  	[dreg:$0x4] =	wrdreg $0xC0  }
0xab: {  	_ =	task [dreg:s7], $0x5FFFF  }
0xac: {  	[dreg:$0x1] =	wrdreg $0xFFFFFFFF  }
0xad: {  	[dreg:$0x0] =	wrdreg $0x60  }
0xae: {  	[dreg:$0x2] =	wrdreg s2  }
0xaf: {  	[dreg:$0x3] =	wrdreg s24  }
0xb0: {  	[dreg:$0x4] =	wrdreg $0x9  }
0xb1: {  	_ =	task.clear_ibuf [dreg:s7], $0x5FFFF;
	_ =	strace $0x90000046  }
0xb2: {  	s29 =	simm.s32 $0x9;
	_ =	strace $0x80000048  }
0xb3: {  	_ =	swait.ge [sflag:s29], $0x1  }
0xb4: {  	[sflag:s29] =	ssyncadd.s32 $0xFFFFFFFF  }
0xb5: {  	_ =	strace $0x90000048  }
0xb6: {  	_ =	sfence  }
0xb7: {  	s30 =	sld [smem:$0x0];
	_ =	sdelay $0x2  }
0xb8: {  	s31 =	sshll.u32 s1, $0xD;
	s1 =	sshrl.u32 s1, $0x2  }
0xb9: {  	s3 =	sand.u32 $0x4000, s31;
	s1 =	sadd.s32 s1, s30  }
0xba: {  	s0 =	sor.u32 s3, s0;
	s1 =	sshll.u32 s1, $0x11  }
0xbb: {  	s0 =	sor.u32 s1, s0  }
0xbc: {  	s0 =	sadd.s32 $0x8F2B, s0  }
0xbd: {  	[sflag:s0] =	ssyncadd.remote.s32 $0x1  }
0xbe: {  	_ =	sfence.sel $0xFFFF  }
0xbf: {  	[dreg:$0x0] =	wrdreg $0xFFFFFFFF;
	(pc) =	sbr.abs _section_cstart, $3  }
0xc0: {  	[dreg:$0x1] =	wrdreg $0xFFFFFFFF  }
0xc1: {  	_ =	task.clear_ibuf [dreg:s7], $0x2FFFF;
	_ =	strace $0x9FFFFFFF  }
0xc2: {  	(tm) =	ssettm $0x7FFFFFFF  }
0xc3: {  	_ =	shalt  }
tec
execute0_lowered:
.L_overlay_start_1:
0x0: {  	(tag) =	ssettag $0x1  }
0x1: {  	s2 =	rddreg [dreg:$0x0]  }
0x2: {  	s4 =	rddreg [dreg:$0x1]  }
0x3: {  	s0 =	rddreg [dreg:$0x2];
	s1 =	stileid.u32  }
0x4: {  	s3 =	simm.s32 $0x0;
	s6 =	srdreg.scid;
	s12 =	simm.s32 $0x2100  }
0x5: {  	s13 =	simm.s32 $0x1;
	s14 =	simm.s32 $0x2;
	s15 =	simm.s32 $0x3  }
0x6: {  	s16 =	simm.s32 $0x4;
	s17 =	simm.s32 $0x0;
	s5 =	smul.u32 $0xB000, s1  }
0x7: {  	[smem:$0x7FF] =	sst s3;
	s6 =	sand.u32 $0x1, s6;
	s7 =	smul.u32 $0xB00, s1  }
0x8: {  	s10 =	sadd.s32 $0x6000, s4;
	s8 =	ssub.s32 $0x2, s6;
	s9 =	smul.u32 $0x580, s6  }
0x9: {  	_ =	strace $0x80000047;
	s6 =	smul.u32 $0x5800, s6;
	s11 =	sshrl.u32 s8, $0x1  }
0xa: {  	s5 =	sadd.s32 s5, s4;
	s30 =	ssub.s32 s8, s11;
	s7 =	sadd.s32 s9, s7  }
0xb: {  	s5 =	sadd.s32 s6, s5;
	s8 =	simm.s32 $0x5;
	s9 =	simm.s32 $0x40  }
0xc: {  	s11 =	simm.s32 $0x80;
	s4 =	smax.u32 s30, $0x1;
	s31 =	sor.u32 $0x40, s7  }
0xd: {  	s5 =	sadd.s32 $0x8C00, s5;
	s7 =	sshrl.u32 s7, $0x3;
	s6 =	sshrl.u32 s31, $0x3  }
0xe: {  	s7 =	sadd.s32 s7, s10;
	s6 =	sadd.s32 s6, s10;
	s10 =	simm.s32 $0x100  }
.LBB2_1:
0xf: {  	s18 =	sadd.s32 $0x0, s7  }
0x10: {  	[tilespmem:s3], [sflag:$0x5] =	stream.linear.gather [hbm4b:s18+s3], $0x40, $0x38;
	[tilespmem:$0x4100] =	vst v63  }
0x11: {  	_ =	swait.ge [sflag:s8], $0x40  }
0x12: {  	[sflag:s8] =	ssyncset.done $0x0  }
0x13: {  	[sflag:s8] =	ssyncadd.s32 $0xFFFFFFC0  }
0x14: {  	[tilespmem:s10], [sflag:$0x1] =	stream.indirect.gather [hbm4b:s2+s9], $0x80, s3, s9, $0xb8;
	[tilespmem:$0x4100] =	vst v63  }
0x15: {  	s30 =	sadd.s32 $0x0, s6  }
0x16: {  	[tilespmem:s11], [sflag:$0x5] =	stream.linear.gather [hbm4b:s30+s3], $0x40, $0x38;
	[tilespmem:$0x4100] =	vst v63  }
0x17: {  	_ =	swait.ge [sflag:s8], $0x40  }
0x18: {  	[sflag:s8] =	ssyncset.done $0x0  }
0x19: {  	[sflag:s8] =	ssyncadd.s32 $0xFFFFFFC0  }
0x1a: {  	[tilespmem:s12], [sflag:$0x2] =	stream.indirect.gather [hbm4b:s2+s9], $0x80, s11, s9, $0xb8;
	[tilespmem:$0x4100] =	vst v63  }
0x1b: {  	_ =	swait.ge [sflag:s13], $0x2000  }
0x1c: {  	[sflag:s13] =	ssyncset.done $0x0  }
0x1d: {  	[sflag:s13] =	ssyncadd.s32 $0xFFFFE000  }
0x1e: {  	[hbm4b:s5+s3] =	stream.linear.scatter [tilespmem:s10], [sflag:$0x3], $0x2000, $0x38;
	[tilespmem:$0x4100] =	vst v63  }
0x1f: {  	_ =	swait.ge [sflag:s14], $0x2000  }
0x20: {  	[sflag:s14] =	ssyncset.done $0x0  }
0x21: {  	s31 =	sadd.s32 $0x400, s5;
	[sflag:s14] =	ssyncadd.s32 $0xFFFFE000  }
0x22: {  	[hbm4b:s31+s3] =	stream.linear.scatter [tilespmem:s12], [sflag:$0x4], $0x2000, $0x38;
	[tilespmem:$0x4100] =	vst v63  }
0x23: {  	_ =	swait.ge [sflag:s15], $0x2000  }
0x24: {  	[sflag:s15] =	ssyncset.done $0x0  }
0x25: {  	[sflag:s15] =	ssyncadd.s32 $0xFFFFE000  }
0x26: {  	s19 =	simm.s32 $0x10;
	_ =	swait.ge [sflag:s16], $0x2000  }
0x27: {  	s20 =	simm.s32 $0x20;
	s18 =	sadd.s32 $0x800, s5;
	[sflag:s16] =	ssyncset.done $0x0  }
.LBB2_2:
0x28: {  	s21 =	sadd.s32 s19, s7  }
0x29: {  	[sflag:s16] =	ssyncadd.s32 $0xFFFFE000;
	s22 =	smov.u32 s20;
	s23 =	sadd.s32 $0x10, s20  }
0x2a: {  	[tilespmem:s3], [sflag:$0x5] =	stream.linear.gather [hbm4b:s21+s3], $0x40, $0x38;
	[tilespmem:$0x4100] =	vst v63  }
0x2b: {  	p0 =	sne.s32 s20, $0xA0;
	_ =	swait.ge [sflag:s8], $0x40  }
0x2c: {  	[sflag:s8] =	ssyncset.done $0x0  }
0x2d: {  	[sflag:s8] =	ssyncadd.s32 $0xFFFFFFC0  }
0x2e: {  	[tilespmem:s10], [sflag:$0x1] =	stream.indirect.gather [hbm4b:s2+s9], $0x80, s3, s9, $0xb8;
	[tilespmem:$0x4100] =	vst v63  }
0x2f: {  	s20 =	sadd.s32 s19, s6;
	s19 =	smov.u32 s22  }
0x30: {  	[tilespmem:s11], [sflag:$0x5] =	stream.linear.gather [hbm4b:s20+s3], $0x40, $0x38;
	[tilespmem:$0x4100] =	vst v63  }
0x31: {  	_ =	swait.ge [sflag:s8], $0x40  }
0x32: {  	[sflag:s8] =	ssyncset.done $0x0  }
0x33: {  	[sflag:s8] =	ssyncadd.s32 $0xFFFFFFC0  }
0x34: {  	[tilespmem:s12], [sflag:$0x2] =	stream.indirect.gather [hbm4b:s2+s9], $0x80, s11, s9, $0xb8;
	[tilespmem:$0x4100] =	vst v63  }
0x35: {  	_ =	swait.ge [sflag:s13], $0x2000  }
0x36: {  	[sflag:s13] =	ssyncset.done $0x0  }
0x37: {  	[sflag:s13] =	ssyncadd.s32 $0xFFFFE000  }
0x38: {  	[hbm4b:s18+s3] =	stream.linear.scatter [tilespmem:s10], [sflag:$0x3], $0x2000, $0x38;
	[tilespmem:$0x4100] =	vst v63  }
0x39: {  	_ =	swait.ge [sflag:s14], $0x2000  }
0x3a: {  	[sflag:s14] =	ssyncset.done $0x0  }
0x3b: {  	s20 =	sadd.s32 $0x400, s18;
	[sflag:s14] =	ssyncadd.s32 $0xFFFFE000  }
0x3c: {  	[hbm4b:s20+s3] =	stream.linear.scatter [tilespmem:s12], [sflag:$0x4], $0x2000, $0x38;
	[tilespmem:$0x4100] =	vst v63  }
.Ltmp0:
0x3d: {  	_ =	swait.ge [sflag:s15], $0x2000;
	(pc) =	sbr.rel @p0 .LBB2_2-.Ltmp0, $4  }
0x3e: {  	[sflag:s15] =	ssyncset.done $0x0  }
0x3f: {  	[sflag:s15] =	ssyncadd.s32 $0xFFFFE000  }
0x40: {  	_ =	swait.ge [sflag:s16], $0x2000  }
0x41: {  	s18 =	sadd.s32 $0x800, s18;
	s20 =	smov.u32 s23;
	[sflag:s16] =	ssyncset.done $0x0  }
0x42: {  	s20 =	sadd.s32 s19, s7;
	[sflag:s16] =	ssyncadd.s32 $0xFFFFE000  }
0x43: {  	[tilespmem:s3], [sflag:$0x5] =	stream.linear.gather [hbm4b:s20+s3], $0x40, $0x38;
	[tilespmem:$0x4100] =	vst v63  }
0x44: {  	_ =	swait.ge [sflag:s8], $0x40  }
0x45: {  	[sflag:s8] =	ssyncset.done $0x0  }
0x46: {  	[sflag:s8] =	ssyncadd.s32 $0xFFFFFFC0  }
0x47: {  	[tilespmem:s10], [sflag:$0x1] =	stream.indirect.gather [hbm4b:s2+s9], $0x80, s3, s9, $0xb8;
	[tilespmem:$0x4100] =	vst v63  }
0x48: {  	s30 =	sadd.s32 s19, s6  }
0x49: {  	[tilespmem:s11], [sflag:$0x5] =	stream.linear.gather [hbm4b:s30+s3], $0x40, $0x38;
	[tilespmem:$0x4100] =	vst v63  }
0x4a: {  	_ =	swait.ge [sflag:s8], $0x40  }
0x4b: {  	[sflag:s8] =	ssyncset.done $0x0  }
0x4c: {  	[sflag:s8] =	ssyncadd.s32 $0xFFFFFFC0  }
0x4d: {  	[tilespmem:s12], [sflag:$0x2] =	stream.indirect.gather [hbm4b:s2+s9], $0x80, s11, s9, $0xb8;
	[tilespmem:$0x4100] =	vst v63  }
0x4e: {  	_ =	swait.ge [sflag:s13], $0x2000  }
0x4f: {  	[sflag:s13] =	ssyncset.done $0x0  }
0x50: {  	[sflag:s13] =	ssyncadd.s32 $0xFFFFE000  }
0x51: {  	[hbm4b:s18+s3] =	stream.linear.scatter [tilespmem:s10], [sflag:$0x3], $0x2000, $0x38;
	[tilespmem:$0x4100] =	vst v63  }
0x52: {  	_ =	swait.ge [sflag:s14], $0x2000  }
0x53: {  	[sflag:s14] =	ssyncset.done $0x0  }
0x54: {  	s31 =	sadd.s32 $0x400, s18;
	s17 =	sadd.s32 $0x1, s17;
	[sflag:s14] =	ssyncadd.s32 $0xFFFFE000  }
0x55: {  	[hbm4b:s31+s3] =	stream.linear.scatter [tilespmem:s12], [sflag:$0x4], $0x2000, $0x38;
	[tilespmem:$0x4100] =	vst v63  }
0x56: {  	p0 =	sne.s32 s17, s4;
	_ =	swait.ge [sflag:s15], $0x2000  }
.Ltmp1:
0x57: {  	[sflag:s15] =	ssyncset.done $0x0;
	(pc) =	sbr.rel @p0 .LBB2_1-.Ltmp1, $4  }
0x58: {  	[sflag:s15] =	ssyncadd.s32 $0xFFFFE000  }
0x59: {  	_ =	swait.ge [sflag:s16], $0x2000  }
0x5a: {  	[sflag:s16] =	ssyncset.done $0x0  }
0x5b: {  	[sflag:s16] =	ssyncadd.s32 $0xFFFFE000  }
0x5c: {  	_ =	sfence.sel $0x180000  }
0x5d: {  	[bflag:$0x0] =	sbarrier.arrive $0xFFFF  }
0x5e: {  	p0 =	sne.s32 s1, $0x0;
	_ =	strace $0x90000047  }
0x5f: {  	s0 =	sadd.s32 @!p0 $0x100000, s0;
	[bflag:$0x2] =	sbarrier.arrive $0xFFFF  }
0x60: {  	[sflag:s0] =	ssyncadd.tile.s32 @!p0 $0x1;
	_ =	shalt  }
.Lfunc_end2:
_tile_overlayer_lowered:
.L_overlay_start_2:
0x61: {  	(tag) =	ssettag $0x2  }
0x62: {  	s0 =	rddreg [dreg:$0x0];
	s2 =	stileid.u32  }
0x63: {  	s1 =	rddreg [dreg:$0x1];
	p0 =	sne.s32 s2, $0x0  }
0x64: {  	s3 =	rddreg [dreg:$0x2];
	[bflag:$0x3] =	sbarrier.arrive $0xFFFF;
	s2 =	simm.s32 @!p0 $0x1C05  }
0x65: {  	[timem:s3], [sflag:s2] =	dma.local @!p0 [hbm:s0], s1  }
0x66: {  	s0 =	simm.s32 @!p0 $0x5  }
0x67: {  	_ =	swait.ge @!p0 [sflag:s0], s1  }
0x68: {  	s1 =	ssub.s32 @!p0 $0x0, s1;
	[sflag:s0] =	ssyncset.done @!p0 $0x0  }
0x69: {  	[sflag:s0] =	ssyncadd.s32 @!p0 s1  }
0x6a: {  	[bflag:$0x3] =	sbarrier.arrive $0xFFFF  }
0x6b: {  	_ =	shalt  }

</sc_bundles>
